<compile_context>
chip_gen: v7x
topology: tpu7x:2x2x1
jax: 0.10.2.dev20260603
libtpu: 0.0.44.dev20260713+nightly
codegen_flags: <defaults>
</compile_context>

<pallas_src>
import functools

import jax
import jax.numpy as jnp
import numpy as np
from jax import lax
from jax.experimental import pallas as pl
from jax.experimental.pallas import tpu as pltpu
from jax.experimental.pallas import tpu_sc as plsc

N = 10000
E = 160000
D = 128
D_EDGE = 4
D_HID = 128

NC = 2
NS = 16
NW = NC * NS
EPW = E // NW
CHUNK = 40
NCHUNK = EPW // CHUNK
ROWS_PER_SUB = 624


RING = 5
NROUND = NCHUNK // RING


def _gather_body(x_hbm, col_hbm, out_hbm, idx_v, bufs, gsem, wsem):
    c = lax.axis_index("c")
    s = lax.axis_index("s")
    wid = s * NC + c
    base = wid * EPW
    pltpu.sync_copy(col_hbm.at[wid], idx_v)

    def g_copy(i, slot):
        return pltpu.make_async_copy(x_hbm.at[idx_v.at[i]], bufs.at[slot], gsem.at[slot])

    def w_copy(i, slot):
        return pltpu.make_async_copy(
            bufs.at[slot], out_hbm.at[pl.ds(base + i * CHUNK, CHUNK), :], wsem.at[slot]
        )

    for r in range(RING):
        g_copy(r, r).start()

    def dround(o2, _):
        for half in range(2):
            o = o2 * 2 + half
            sb = half * RING
            sb2 = (1 - half) * RING
            for r in range(RING):
                i = o * RING + r
                g_copy(i, sb + r).wait()
                w_copy(i, sb + r).start()

                @pl.when(o >= 1)
                def _(i=i, nxt=sb2 + r):
                    w_copy(i - RING, nxt).wait()

                g_copy(i + RING, sb2 + r).start()
        return 0

    lax.fori_loop(0, (NROUND - 1) // 2, dround, 0)
    for r in range(RING):
        i = (NROUND - 1) * RING + r
        g_copy(i, r).wait()
        w_copy(i, r).start()
        w_copy(i, r).wait()
        w_copy(i - RING, RING + r).wait()


@functools.lru_cache(maxsize=None)
def _gather_call():
    return functools.partial(
        pl.kernel,
        out_type=jax.ShapeDtypeStruct((E, D), jnp.float32),
        mesh=plsc.VectorSubcoreMesh(
            core_axis_name="c", subcore_axis_name="s", num_cores=NC, num_subcores=NS
        ),
        scratch_types=[
            pltpu.VMEM((NCHUNK, CHUNK), jnp.int32),
            pltpu.VMEM((2 * RING, CHUNK, D), jnp.float32),
            pltpu.SemaphoreType.DMA((2 * RING,)),
            pltpu.SemaphoreType.DMA((2 * RING,)),
        ],
    )(_gather_body)


def _scatter_body(msg_hbm, row_hbm, zero_hbm, out_hbm, acc_sh, idx_v, bufs, lsem, ssem):
    c = lax.axis_index("c")
    s = lax.axis_index("s")
    wid = s * NC + c
    base = wid * EPW
    pltpu.sync_copy(zero_hbm, acc_sh.at[pl.ds(s * ROWS_PER_SUB, ROWS_PER_SUB), :])

    @pl.when(s == NS - 1)
    def _():
        pltpu.sync_copy(
            zero_hbm.at[pl.ds(0, 16), :], acc_sh.at[pl.ds(NS * ROWS_PER_SUB, 16), :]
        )

    pltpu.sync_copy(row_hbm.at[wid], idx_v)
    plsc.subcore_barrier()

    def l_copy(i, slot):
        return pltpu.make_async_copy(
            msg_hbm.at[pl.ds(base + i * CHUNK, CHUNK), :], bufs.at[slot], lsem.at[slot]
        )

    def s_copy(i, slot):
        return pltpu.make_async_copy(
            bufs.at[slot], acc_sh.at[idx_v.at[i]], ssem.at[slot]
        )

    for r in range(RING):
        l_copy(r, r).start()

    def rnd(o, _):
        for r in range(RING):
            i = o * RING + r
            l_copy(i, r).wait()
            pltpu.async_copy(bufs.at[r], acc_sh.at[idx_v.at[i]], ssem.at[r], add=True)
            s_copy(i, r).wait()
            l_copy(i + RING, r).start()
        return 0

    lax.fori_loop(0, NROUND - 1, rnd, 0)
    for r in range(RING):
        i = (NROUND - 1) * RING + r
        l_copy(i, r).wait()
        pltpu.async_copy(bufs.at[r], acc_sh.at[idx_v.at[i]], ssem.at[r], add=True)
        s_copy(i, r).wait()
    plsc.subcore_barrier()
    pltpu.sync_copy(
        acc_sh.at[pl.ds(s * ROWS_PER_SUB, ROWS_PER_SUB), :],
        out_hbm.at[c, pl.ds(s * ROWS_PER_SUB, ROWS_PER_SUB), :],
    )

    @pl.when(s == NS - 1)
    def _():
        pltpu.sync_copy(
            acc_sh.at[pl.ds(NS * ROWS_PER_SUB, 16), :],
            out_hbm.at[c, pl.ds(NS * ROWS_PER_SUB, 16), :],
        )


@functools.lru_cache(maxsize=None)
def _scatter_call():
    return functools.partial(
        pl.kernel,
        out_type=jax.ShapeDtypeStruct((NC, N, D), jnp.float32),
        mesh=plsc.VectorSubcoreMesh(
            core_axis_name="c", subcore_axis_name="s", num_cores=NC, num_subcores=NS
        ),
        scratch_types=[
            pltpu.VMEM_SHARED((N, D), jnp.float32),
            pltpu.VMEM((NCHUNK, CHUNK), jnp.int32),
            pltpu.VMEM((RING, CHUNK, D), jnp.float32),
            pltpu.SemaphoreType.DMA((RING,)),
            pltpu.SemaphoreType.DMA((RING,)),
        ],
    )(_scatter_body)


BE = 2000


def _msg_body(xg_ref, ea_ref, w_ref, o_ref):
    x = xg_ref[...].astype(jnp.bfloat16)
    ea16 = ea_ref[...].astype(jnp.bfloat16)
    eab = jnp.concatenate(
        [jnp.broadcast_to(ea16[:, j : j + 1], (BE, D)) for j in range(D_EDGE)],
        axis=1,
    )
    ym = eab * jnp.tile(x, (1, D_EDGE))
    y = jnp.dot(ym, w_ref[...], preferred_element_type=jnp.float32) * (
        1.0 / np.sqrt(D * D_EDGE)
    )
    o_ref[...] = y * jax.nn.sigmoid(y)


def _msg_call(x_g, ea, w_t):
    return pl.pallas_call(
        _msg_body,
        grid=(E // BE,),
        in_specs=[
            pl.BlockSpec((BE, D), lambda i: (i, 0)),
            pl.BlockSpec((BE, D_EDGE), lambda i: (i, 0)),
            pl.BlockSpec((D_EDGE * D, D_HID), lambda i: (0, 0)),
        ],
        out_specs=pl.BlockSpec((BE, D_HID), lambda i: (i, 0)),
        out_shape=jax.ShapeDtypeStruct((E, D_HID), jnp.float32),
    )(x_g, ea, w_t)


BN = 400
IC = 16
NIC = D // IC


def _upd_body(sp_ref, x_ref, wlm_ref, w2f_ref, wlu_ref, o_ref):
    s = sp_ref[0] + sp_ref[1]
    agg = jnp.dot(s, wlm_ref[...], preferred_element_type=jnp.float32) * (
        1.0 / np.sqrt(D_HID)
    )
    x = x_ref[...]
    acc = jnp.zeros((BN, D_HID), jnp.float32)
    x16 = x.astype(jnp.bfloat16)
    agg_t = jnp.tile(agg.astype(jnp.bfloat16), (1, IC))
    for ic in range(NIC):
        xb = jnp.concatenate(
            [
                jnp.broadcast_to(x16[:, ic * IC + i : ic * IC + i + 1], (BN, D_HID))
                for i in range(IC)
            ],
            axis=1,
        )
        acc += jnp.dot(xb * agg_t, w2f_ref[ic], preferred_element_type=jnp.float32)
    y = acc * (1.0 / np.sqrt(D * D_HID))
    y = y * jax.nn.sigmoid(y)
    o_ref[...] = x + jnp.dot(y, wlu_ref[...], preferred_element_type=jnp.float32) * (
        1.0 / np.sqrt(D_HID)
    )


def _upd_call(s_parts, x, w_lm, w2f, w_lu):
    return pl.pallas_call(
        _upd_body,
        grid=(N // BN,),
        in_specs=[
            pl.BlockSpec((NC, BN, D), lambda i: (0, i, 0)),
            pl.BlockSpec((BN, D), lambda i: (i, 0)),
            pl.BlockSpec((D_HID, D_HID), lambda i: (0, 0)),
            pl.BlockSpec((NIC, IC * D_HID, D_HID), lambda i: (0, 0, 0)),
            pl.BlockSpec((D_HID, D), lambda i: (0, 0)),
        ],
        out_specs=pl.BlockSpec((BN, D), lambda i: (i, 0)),
        out_shape=jax.ShapeDtypeStruct((N, D), jnp.float32),
    )(s_parts, x, w_lm, w2f, w_lu)


@jax.jit
def kernel(node_features, edge_index, edge_attr_tensor, node_attr_scalar_raw,
           W_tp_msg, W_lin_msg, W_tp_upd, W_lin_upd):
    del node_attr_scalar_raw
    row = edge_index[0].reshape(NW, NCHUNK, CHUNK)
    col = edge_index[1].reshape(NW, NCHUNK, CHUNK)
    w_msg_t = (
        jnp.transpose(W_tp_msg, (1, 0, 2))
        .reshape(D_EDGE * D, D_HID)
        .astype(jnp.bfloat16)
    )
    w2f = W_tp_upd.reshape(NIC, IC * D_HID, D_HID).astype(jnp.bfloat16)
    zeros = jnp.zeros((ROWS_PER_SUB, D), jnp.float32)

    x_g = _gather_call()(node_features, col)
    msg = _msg_call(x_g, edge_attr_tensor, w_msg_t)
    s_parts = _scatter_call()(msg, row, zeros)
    return _upd_call(s_parts, node_features, W_lin_msg, w2f, W_lin_upd)

# --- scband reference (transcript-rebuilt; emitter-appended) ---
"""Pipeline reference for scband-egnnlayer-64759516889097 (READ-ONLY COPY).

The authoritative reference and input builder live on the scoring server;
editing this copy changes nothing except your own understanding.
"""

import jax, jax.numpy as jnp
import numpy as np

N = 10000
E = 160000
D_NODE = 128
D_EDGE = 4
D_HID = 128


def setup_inputs(seed: int = 0) -> dict:
    key = jax.random.key(seed)
    ks = jax.random.split(key, 8)
    node_features = jax.random.normal(ks[0], (N, D_NODE), dtype=jnp.float32)
    edge_index = jax.random.randint(ks[1], (2, E), 0, N, dtype=jnp.int32)
    edge_attr_tensor = jax.random.normal(ks[2], (E, D_EDGE), dtype=jnp.float32)
    node_attr_scalar_raw = jax.random.normal(ks[3], (N, 1), dtype=jnp.float32)
    # Learned parameters (all irreps are scalar 0e, so e3nn ops reduce to bilinear/linear maps)
    W_tp_msg = jax.random.normal(ks[4], (D_NODE, D_EDGE, D_HID), dtype=jnp.float32)
    W_lin_msg = jax.random.normal(ks[5], (D_HID, D_HID), dtype=jnp.float32)
    W_tp_upd = jax.random.normal(ks[6], (D_NODE, D_HID, D_HID), dtype=jnp.float32)
    W_lin_upd = jax.random.normal(ks[7], (D_HID, D_NODE), dtype=jnp.float32)
    return {
        'node_features': node_features,
        'edge_index': edge_index,
        'edge_attr_tensor': edge_attr_tensor,
        'node_attr_scalar_raw': node_attr_scalar_raw,
        'W_tp_msg': W_tp_msg,
        'W_lin_msg': W_lin_msg,
        'W_tp_upd': W_tp_upd,
        'W_lin_upd': W_lin_upd,
    }


def reference(node_features, edge_index, edge_attr_tensor, node_attr_scalar_raw,
              W_tp_msg, W_lin_msg, W_tp_upd, W_lin_upd):
    # With all-scalar irreps (128x0e, 4x0e, 128x0e):
    #  - FullyConnectedTensorProduct == fully-connected bilinear map with 1/sqrt(fan_in) norm
    #  - Gate with no gated irreps == silu on scalars
    #  - e3nn Linear == dense matmul with 1/sqrt(fan_in) norm
    row = edge_index[0]
    col = edge_index[1]
    # message tensor product on source nodes (gather)
    x_j = jnp.take(node_features, col, axis=0)
    msg = jnp.einsum('ei,ej,ijk->ek', x_j, edge_attr_tensor, W_tp_msg) / np.sqrt(D_NODE * D_EDGE)
    # gate_messages: silu on scalars
    msg = jax.nn.silu(msg)
    # linear_messages_out
    msg = (msg @ W_lin_msg) / np.sqrt(D_HID)
    # scatter-add aggregation to destination nodes
    agg = jax.ops.segment_sum(msg, row, num_segments=N)
    # update tensor product
    upd = jnp.einsum('ni,nj,ijk->nk', node_features, agg, W_tp_upd) / np.sqrt(D_NODE * D_HID)
    # gate_update: silu on scalars
    upd = jax.nn.silu(upd)
    # linear_update_out back to node irreps
    upd = (upd @ W_lin_upd) / np.sqrt(D_HID)
    # residual
    return node_features + upd

if __name__ == "__main__":
    import jax
    _d = setup_inputs()
    print(jax.jit(kernel)(*tuple(_d.values())))

</pallas_src>

<mosaic_0001>
#map = affine_map<(d0, d1) -> (0, 0)>
#map1 = affine_map<(d0, d1) -> (0, 0, 0)>
module attributes {stable_mosaic.version = 14 : i64} {
  func.func @_gather_body(%arg0: i32, %arg1: i32, %arg2: memref<10000x128xf32, #tpu.memory_space<hbm>>, %arg3: memref<32x125x40xi32, #tpu.memory_space<hbm>>, %arg4: memref<160000x128xf32, #tpu.memory_space<hbm>>, %arg5: memref<125x40xi32, #tpu.memory_space<vmem>>, %arg6: memref<10x40x128xf32, #tpu.memory_space<vmem>>, %arg7: memref<10x!tpu.dma_semaphore, #tpu.memory_space<semaphore_mem>>, %arg8: memref<10x!tpu.dma_semaphore, #tpu.memory_space<semaphore_mem>>) attributes {dimension_semantics = [#tpu.dimension_semantics<core_parallel>, #tpu.dimension_semantics<subcore_parallel>], iteration_bounds = array<i64: 2, 16>, scalar_prefetch = 0 : i64, scratch_operands = 4 : i64, tpu.core_type = #tpu.core_type<sc_vector_subcore>, window_params = [{transform_indices = #map}, {transform_indices = #map1}, {transform_indices = #map}]} {
    %mul3A = arith.constant 2 : i32
    %mul3A_0 = arith.muli %arg1, %mul3A : i32
    %add3A = arith.addi %mul3A_0, %arg0 : i32
    %mul3A_1 = arith.constant 5000 : i32
    %mul3A_2 = arith.muli %add3A, %mul3A_1 : i32
    "tpu.region"() ({
      %run_scoped3A = tpu.sem_alloc : memref<!tpu.dma_semaphore, #tpu.memory_space<semaphore_mem>>
      %dma_start3A_427 = arith.constant 0 : i32
      %dma_start3A_428 = arith.constant 0 : i32
      %dma_start3A_429 = tpu.memref_slice %arg3[%add3A, %dma_start3A_427, %dma_start3A_428] : memref<32x125x40xi32, #tpu.memory_space<hbm>> -> memref<1x125x40xi32, #tpu.memory_space<hbm>>
      %dma_start3A_430 = tpu.memref_squeeze %dma_start3A_429 : memref<1x125x40xi32, #tpu.memory_space<hbm>> -> memref<125x40xi32, #tpu.memory_space<hbm>>
      %dma_start3A_431 = arith.constant 0 : i32
      %dma_start3A_432 = arith.constant 0 : i32
      %dma_start3A_433 = tpu.memref_slice %arg3[%add3A, %dma_start3A_431, %dma_start3A_432] : memref<32x125x40xi32, #tpu.memory_space<hbm>> -> memref<1x125x40xi32, #tpu.memory_space<hbm>>
      %dma_start3A_434 = tpu.memref_squeeze %dma_start3A_433 : memref<1x125x40xi32, #tpu.memory_space<hbm>> -> memref<125x40xi32, #tpu.memory_space<hbm>>
      tpu.enqueue_dma source(%dma_start3A_434 : memref<125x40xi32, #tpu.memory_space<hbm>>) target(%arg5 : memref<125x40xi32, #tpu.memory_space<vmem>>) target_semaphore(%run_scoped3A : memref<!tpu.dma_semaphore, #tpu.memory_space<semaphore_mem>>)
      %dma_wait3A_435 = arith.constant 0 : i32
      %dma_wait3A_436 = arith.constant 0 : i32
      %dma_wait3A_437 = tpu.memref_slice %arg3[%add3A, %dma_wait3A_435, %dma_wait3A_436] : memref<32x125x40xi32, #tpu.memory_space<hbm>> -> memref<1x125x40xi32, #tpu.memory_space<hbm>>
      %dma_wait3A_438 = tpu.memref_squeeze %dma_wait3A_437 : memref<1x125x40xi32, #tpu.memory_space<hbm>> -> memref<125x40xi32, #tpu.memory_space<hbm>>
      %dma_wait3A_439 = arith.constant 0 : i32
      %dma_wait3A_440 = arith.constant 0 : i32
      %dma_wait3A_441 = tpu.memref_slice %arg3[%add3A, %dma_wait3A_439, %dma_wait3A_440] : memref<32x125x40xi32, #tpu.memory_space<hbm>> -> memref<1x125x40xi32, #tpu.memory_space<hbm>>
      %dma_wait3A_442 = tpu.memref_squeeze %dma_wait3A_441 : memref<1x125x40xi32, #tpu.memory_space<hbm>> -> memref<125x40xi32, #tpu.memory_space<hbm>>
      tpu.wait_dma2 semaphore(%run_scoped3A : memref<!tpu.dma_semaphore, #tpu.memory_space<semaphore_mem>>) src(%dma_wait3A_442 : memref<125x40xi32, #tpu.memory_space<hbm>>) dst(%arg5 : memref<125x40xi32, #tpu.memory_space<vmem>>)
      tpu.yield
    }) : () -> ()
    %dma_start3A = arith.constant 0 : i32
    %dma_start3A_3 = arith.constant 0 : i32
    %dma_start3A_4 = arith.constant 0 : i32
    %dma_start3A_5 = arith.constant 0 : i32
    %dma_start3A_6 = arith.constant 0 : i32
    %dma_start3A_7 = tpu.memref_slice %arg6[%dma_start3A_3, %dma_start3A_5, %dma_start3A_6] : memref<10x40x128xf32, #tpu.memory_space<vmem>> -> memref<1x40x128xf32, #tpu.memory_space<vmem>>
    %dma_start3A_8 = tpu.memref_squeeze %dma_start3A_7 : memref<1x40x128xf32, #tpu.memory_space<vmem>> -> memref<40x128xf32, #tpu.memory_space<vmem>>
    %dma_start3A_9 = arith.constant 0 : i32
    %dma_start3A_10 = tpu.memref_slice %arg5[%dma_start3A, %dma_start3A_9] : memref<125x40xi32, #tpu.memory_space<vmem>> -> memref<1x40xi32, #tpu.memory_space<vmem>>
    %dma_start3A_11 = tpu.memref_squeeze %dma_start3A_10 : memref<1x40xi32, #tpu.memory_space<vmem>> -> memref<40xi32, #tpu.memory_space<vmem>>
    %dma_start3A_12 = arith.constant 0 : i32
    %dma_start3A_13 = arith.constant 0 : i32
    %dma_start3A_14 = tpu.memref_slice %arg2[%dma_start3A_12, %dma_start3A_13] : memref<10000x128xf32, #tpu.memory_space<hbm>> -> memref<10000x128xf32, #tpu.memory_space<hbm>>
    %dma_start3A_15 = tpu.memref_slice %arg7[%dma_start3A_4] : memref<10x!tpu.dma_semaphore, #tpu.memory_space<semaphore_mem>> -> memref<1x!tpu.dma_semaphore, #tpu.memory_space<semaphore_mem>>
    %dma_start3A_16 = tpu.memref_squeeze %dma_start3A_15 : memref<1x!tpu.dma_semaphore, #tpu.memory_space<semaphore_mem>> -> memref<!tpu.dma_semaphore, #tpu.memory_space<semaphore_mem>>
    tpu.enqueue_indirect_dma source(%dma_start3A_14 : memref<10000x128xf32, #tpu.memory_space<hbm>>) target(%dma_start3A_8 : memref<40x128xf32, #tpu.memory_space<vmem>>) offsets(%dma_start3A_11 : memref<40xi32, #tpu.memory_space<vmem>>) semaphore(%dma_start3A_16 : memref<!tpu.dma_semaphore, #tpu.memory_space<semaphore_mem>>)
    %dma_start3A_17 = arith.constant 1 : i32
    %dma_start3A_18 = arith.constant 1 : i32
    %dma_start3A_19 = arith.constant 1 : i32
    %dma_start3A_20 = arith.constant 0 : i32
    %dma_start3A_21 = arith.constant 0 : i32
    %dma_start3A_22 = tpu.memref_slice %arg6[%dma_start3A_18, %dma_start3A_20, %dma_start3A_21] : memref<10x40x128xf32, #tpu.memory_space<vmem>> -> memref<1x40x128xf32, #tpu.memory_space<vmem>>
    %dma_start3A_23 = tpu.memref_squeeze %dma_start3A_22 : memref<1x40x128xf32, #tpu.memory_space<vmem>> -> memref<40x128xf32, #tpu.memory_space<vmem>>
    %dma_start3A_24 = arith.constant 0 : i32
    %dma_start3A_25 = tpu.memref_slice %arg5[%dma_start3A_17, %dma_start3A_24] : memref<125x40xi32, #tpu.memory_space<vmem>> -> memref<1x40xi32, #tpu.memory_space<vmem>>
    %dma_start3A_26 = tpu.memref_squeeze %dma_start3A_25 : memref<1x40xi32, #tpu.memory_space<vmem>> -> memref<40xi32, #tpu.memory_space<vmem>>
    %dma_start3A_27 = arith.constant 0 : i32
    %dma_start3A_28 = arith.constant 0 : i32
    %dma_start3A_29 = tpu.memref_slice %arg2[%dma_start3A_27, %dma_start3A_28] : memref<10000x128xf32, #tpu.memory_space<hbm>> -> memref<10000x128xf32, #tpu.memory_space<hbm>>
    %dma_start3A_30 = tpu.memref_slice %arg7[%dma_start3A_19] : memref<10x!tpu.dma_semaphore, #tpu.memory_space<semaphore_mem>> -> memref<1x!tpu.dma_semaphore, #tpu.memory_space<semaphore_mem>>
    %dma_start3A_31 = tpu.memref_squeeze %dma_start3A_30 : memref<1x!tpu.dma_semaphore, #tpu.memory_space<semaphore_mem>> -> memref<!tpu.dma_semaphore, #tpu.memory_space<semaphore_mem>>
    tpu.enqueue_indirect_dma source(%dma_start3A_29 : memref<10000x128xf32, #tpu.memory_space<hbm>>) target(%dma_start3A_23 : memref<40x128xf32, #tpu.memory_space<vmem>>) offsets(%dma_start3A_26 : memref<40xi32, #tpu.memory_space<vmem>>) semaphore(%dma_start3A_31 : memref<!tpu.dma_semaphore, #tpu.memory_space<semaphore_mem>>)
    %dma_start3A_32 = arith.constant 2 : i32
    %dma_start3A_33 = arith.constant 2 : i32
    %dma_start3A_34 = arith.constant 2 : i32
    %dma_start3A_35 = arith.constant 0 : i32
    %dma_start3A_36 = arith.constant 0 : i32
    %dma_start3A_37 = tpu.memref_slice %arg6[%dma_start3A_33, %dma_start3A_35, %dma_start3A_36] : memref<10x40x128xf32, #tpu.memory_space<vmem>> -> memref<1x40x128xf32, #tpu.memory_space<vmem>>
    %dma_start3A_38 = tpu.memref_squeeze %dma_start3A_37 : memref<1x40x128xf32, #tpu.memory_space<vmem>> -> memref<40x128xf32, #tpu.memory_space<vmem>>
    %dma_start3A_39 = arith.constant 0 : i32
    %dma_start3A_40 = tpu.memref_slice %arg5[%dma_start3A_32, %dma_start3A_39] : memref<125x40xi32, #tpu.memory_space<vmem>> -> memref<1x40xi32, #tpu.memory_space<vmem>>
    %dma_start3A_41 = tpu.memref_squeeze %dma_start3A_40 : memref<1x40xi32, #tpu.memory_space<vmem>> -> memref<40xi32, #tpu.memory_space<vmem>>
    %dma_start3A_42 = arith.constant 0 : i32
    %dma_start3A_43 = arith.constant 0 : i32
    %dma_start3A_44 = tpu.memref_slice %arg2[%dma_start3A_42, %dma_start3A_43] : memref<10000x128xf32, #tpu.memory_space<hbm>> -> memref<10000x128xf32, #tpu.memory_space<hbm>>
    %dma_start3A_45 = tpu.memref_slice %arg7[%dma_start3A_34] : memref<10x!tpu.dma_semaphore, #tpu.memory_space<semaphore_mem>> -> memref<1x!tpu.dma_semaphore, #tpu.memory_space<semaphore_mem>>
    %dma_start3A_46 = tpu.memref_squeeze %dma_start3A_45 : memref<1x!tpu.dma_semaphore, #tpu.memory_space<semaphore_mem>> -> memref<!tpu.dma_semaphore, #tpu.memory_space<semaphore_mem>>
    tpu.enqueue_indirect_dma source(%dma_start3A_44 : memref<10000x128xf32, #tpu.memory_space<hbm>>) target(%dma_start3A_38 : memref<40x128xf32, #tpu.memory_space<vmem>>) offsets(%dma_start3A_41 : memref<40xi32, #tpu.memory_space<vmem>>) semaphore(%dma_start3A_46 : memref<!tpu.dma_semaphore, #tpu.memory_space<semaphore_mem>>)
    %dma_start3A_47 = arith.constant 3 : i32
    %dma_start3A_48 = arith.constant 3 : i32
    %dma_start3A_49 = arith.constant 3 : i32
    %dma_start3A_50 = arith.constant 0 : i32
    %dma_start3A_51 = arith.constant 0 : i32
    %dma_start3A_52 = tpu.memref_slice %arg6[%dma_start3A_48, %dma_start3A_50, %dma_start3A_51] : memref<10x40x128xf32, #tpu.memory_space<vmem>> -> memref<1x40x128xf32, #tpu.memory_space<vmem>>
    %dma_start3A_53 = tpu.memref_squeeze %dma_start3A_52 : memref<1x40x128xf32, #tpu.memory_space<vmem>> -> memref<40x128xf32, #tpu.memory_space<vmem>>
    %dma_start3A_54 = arith.constant 0 : i32
    %dma_start3A_55 = tpu.memref_slice %arg5[%dma_start3A_47, %dma_start3A_54] : memref<125x40xi32, #tpu.memory_space<vmem>> -> memref<1x40xi32, #tpu.memory_space<vmem>>
    %dma_start3A_56 = tpu.memref_squeeze %dma_start3A_55 : memref<1x40xi32, #tpu.memory_space<vmem>> -> memref<40xi32, #tpu.memory_space<vmem>>
    %dma_start3A_57 = arith.constant 0 : i32
    %dma_start3A_58 = arith.constant 0 : i32
    %dma_start3A_59 = tpu.memref_slice %arg2[%dma_start3A_57, %dma_start3A_58] : memref<10000x128xf32, #tpu.memory_space<hbm>> -> memref<10000x128xf32, #tpu.memory_space<hbm>>
    %dma_start3A_60 = tpu.memref_slice %arg7[%dma_start3A_49] : memref<10x!tpu.dma_semaphore, #tpu.memory_space<semaphore_mem>> -> memref<1x!tpu.dma_semaphore, #tpu.memory_space<semaphore_mem>>
    %dma_start3A_61 = tpu.memref_squeeze %dma_start3A_60 : memref<1x!tpu.dma_semaphore, #tpu.memory_space<semaphore_mem>> -> memref<!tpu.dma_semaphore, #tpu.memory_space<semaphore_mem>>
    tpu.enqueue_indirect_dma source(%dma_start3A_59 : memref<10000x128xf32, #tpu.memory_space<hbm>>) target(%dma_start3A_53 : memref<40x128xf32, #tpu.memory_space<vmem>>) offsets(%dma_start3A_56 : memref<40xi32, #tpu.memory_space<vmem>>) semaphore(%dma_start3A_61 : memref<!tpu.dma_semaphore, #tpu.memory_space<semaphore_mem>>)
    %dma_start3A_62 = arith.constant 4 : i32
    %dma_start3A_63 = arith.constant 4 : i32
    %dma_start3A_64 = arith.constant 4 : i32
    %dma_start3A_65 = arith.constant 0 : i32
    %dma_start3A_66 = arith.constant 0 : i32
    %dma_start3A_67 = tpu.memref_slice %arg6[%dma_start3A_63, %dma_start3A_65, %dma_start3A_66] : memref<10x40x128xf32, #tpu.memory_space<vmem>> -> memref<1x40x128xf32, #tpu.memory_space<vmem>>
    %dma_start3A_68 = tpu.memref_squeeze %dma_start3A_67 : memref<1x40x128xf32, #tpu.memory_space<vmem>> -> memref<40x128xf32, #tpu.memory_space<vmem>>
    %dma_start3A_69 = arith.constant 0 : i32
    %dma_start3A_70 = tpu.memref_slice %arg5[%dma_start3A_62, %dma_start3A_69] : memref<125x40xi32, #tpu.memory_space<vmem>> -> memref<1x40xi32, #tpu.memory_space<vmem>>
    %dma_start3A_71 = tpu.memref_squeeze %dma_start3A_70 : memref<1x40xi32, #tpu.memory_space<vmem>> -> memref<40xi32, #tpu.memory_space<vmem>>
    %dma_start3A_72 = arith.constant 0 : i32
    %dma_start3A_73 = arith.constant 0 : i32
    %dma_start3A_74 = tpu.memref_slice %arg2[%dma_start3A_72, %dma_start3A_73] : memref<10000x128xf32, #tpu.memory_space<hbm>> -> memref<10000x128xf32, #tpu.memory_space<hbm>>
    %dma_start3A_75 = tpu.memref_slice %arg7[%dma_start3A_64] : memref<10x!tpu.dma_semaphore, #tpu.memory_space<semaphore_mem>> -> memref<1x!tpu.dma_semaphore, #tpu.memory_space<semaphore_mem>>
    %dma_start3A_76 = tpu.memref_squeeze %dma_start3A_75 : memref<1x!tpu.dma_semaphore, #tpu.memory_space<semaphore_mem>> -> memref<!tpu.dma_semaphore, #tpu.memory_space<semaphore_mem>>
    tpu.enqueue_indirect_dma source(%dma_start3A_74 : memref<10000x128xf32, #tpu.memory_space<hbm>>) target(%dma_start3A_68 : memref<40x128xf32, #tpu.memory_space<vmem>>) offsets(%dma_start3A_71 : memref<40xi32, #tpu.memory_space<vmem>>) semaphore(%dma_start3A_76 : memref<!tpu.dma_semaphore, #tpu.memory_space<semaphore_mem>>)
    %scan3A = arith.constant 0 : i32
    %scan3A_77 = arith.constant 0 : i32
    %scan3A_78 = arith.constant 12 : i32
    %scan3A_79 = arith.addi %scan3A_77, %scan3A_78 : i32
    %scan3A_80 = arith.constant 1 : i32
    %scan3A_81 = scf.for %scan3A_427 = %scan3A_77 to %scan3A_79 step %scan3A_80 iter_args(%scan3A_428 = %scan3A) -> (i32)  : i32 {
      %mul3A_429 = arith.constant 2 : i32
      %mul3A_430 = arith.muli %scan3A_427, %mul3A_429 : i32
      %add3A_431 = arith.constant 0 : i32
      %add3A_432 = arith.addi %mul3A_430, %add3A_431 : i32
      %mul3A_433 = arith.constant 5 : i32
      %mul3A_434 = arith.muli %add3A_432, %mul3A_433 : i32
      %add3A_435 = arith.constant 0 : i32
      %add3A_436 = arith.addi %mul3A_434, %add3A_435 : i32
      %dma_wait3A_437 = arith.constant 0 : i32
      %dma_wait3A_438 = arith.constant 0 : i32
      %dma_wait3A_439 = arith.constant 0 : i32
      %dma_wait3A_440 = arith.constant 0 : i32
      %dma_wait3A_441 = tpu.memref_slice %arg6[%dma_wait3A_437, %dma_wait3A_439, %dma_wait3A_440] : memref<10x40x128xf32, #tpu.memory_space<vmem>> -> memref<1x40x128xf32, #tpu.memory_space<vmem>>
      %dma_wait3A_442 = tpu.memref_squeeze %dma_wait3A_441 : memref<1x40x128xf32, #tpu.memory_space<vmem>> -> memref<40x128xf32, #tpu.memory_space<vmem>>
      %dma_wait3A_443 = arith.constant 0 : i32
      %dma_wait3A_444 = tpu.memref_slice %arg5[%add3A_436, %dma_wait3A_443] : memref<125x40xi32, #tpu.memory_space<vmem>> -> memref<1x40xi32, #tpu.memory_space<vmem>>
      %dma_wait3A_445 = tpu.memref_squeeze %dma_wait3A_444 : memref<1x40xi32, #tpu.memory_space<vmem>> -> memref<40xi32, #tpu.memory_space<vmem>>
      %dma_wait3A_446 = arith.constant 0 : i32
      %dma_wait3A_447 = arith.constant 0 : i32
      %dma_wait3A_448 = tpu.memref_slice %arg2[%dma_wait3A_446, %dma_wait3A_447] : memref<10000x128xf32, #tpu.memory_space<hbm>> -> memref<10000x128xf32, #tpu.memory_space<hbm>>
      %dma_wait3A_449 = tpu.memref_slice %arg7[%dma_wait3A_438] : memref<10x!tpu.dma_semaphore, #tpu.memory_space<semaphore_mem>> -> memref<1x!tpu.dma_semaphore, #tpu.memory_space<semaphore_mem>>
      %dma_wait3A_450 = tpu.memref_squeeze %dma_wait3A_449 : memref<1x!tpu.dma_semaphore, #tpu.memory_space<semaphore_mem>> -> memref<!tpu.dma_semaphore, #tpu.memory_space<semaphore_mem>>
      tpu.wait_indirect_dma semaphore(%dma_wait3A_450 : memref<!tpu.dma_semaphore, #tpu.memory_space<semaphore_mem>>) src(%dma_wait3A_448 : memref<10000x128xf32, #tpu.memory_space<hbm>>) dst(%dma_wait3A_442 : memref<40x128xf32, #tpu.memory_space<vmem>>)
      %mul3A_451 = arith.constant 40 : i32
      %mul3A_452 = arith.muli %add3A_436, %mul3A_451 : i32
      %add3A_453 = arith.addi %mul3A_2, %mul3A_452 : i32
      %dma_start3A_454 = arith.constant 0 : i32
      %dma_start3A_455 = arith.constant 0 : i32
      %dma_start3A_456 = arith.constant 0 : i32
      %dma_start3A_457 = arith.constant 0 : i32
      %dma_start3A_458 = tpu.memref_slice %arg6[%dma_start3A_454, %dma_start3A_456, %dma_start3A_457] : memref<10x40x128xf32, #tpu.memory_space<vmem>> -> memref<1x40x128xf32, #tpu.memory_space<vmem>>
      %dma_start3A_459 = tpu.memref_squeeze %dma_start3A_458 : memref<1x40x128xf32, #tpu.memory_space<vmem>> -> memref<40x128xf32, #tpu.memory_space<vmem>>
      %dma_start3A_460 = arith.constant 0 : i32
      %dma_start3A_461 = tpu.memref_slice %arg4[%add3A_453, %dma_start3A_460] : memref<160000x128xf32, #tpu.memory_space<hbm>> -> memref<40x128xf32, #tpu.memory_space<hbm>>
      %dma_start3A_462 = tpu.memref_slice %arg8[%dma_start3A_455] : memref<10x!tpu.dma_semaphore, #tpu.memory_space<semaphore_mem>> -> memref<1x!tpu.dma_semaphore, #tpu.memory_space<semaphore_mem>>
      %dma_start3A_463 = tpu.memref_squeeze %dma_start3A_462 : memref<1x!tpu.dma_semaphore, #tpu.memory_space<semaphore_mem>> -> memref<!tpu.dma_semaphore, #tpu.memory_space<semaphore_mem>>
      %dma_start3A_464 = arith.constant 0 : i32
      %dma_start3A_465 = tpu.memref_slice %arg4[%add3A_453, %dma_start3A_464] : memref<160000x128xf32, #tpu.memory_space<hbm>> -> memref<40x128xf32, #tpu.memory_space<hbm>>
      %dma_start3A_466 = arith.constant 0 : i32
      %dma_start3A_467 = arith.constant 0 : i32
      %dma_start3A_468 = tpu.memref_slice %arg6[%dma_start3A_454, %dma_start3A_466, %dma_start3A_467] : memref<10x40x128xf32, #tpu.memory_space<vmem>> -> memref<1x40x128xf32, #tpu.memory_space<vmem>>
      %dma_start3A_469 = tpu.memref_squeeze %dma_start3A_468 : memref<1x40x128xf32, #tpu.memory_space<vmem>> -> memref<40x128xf32, #tpu.memory_space<vmem>>
      tpu.enqueue_dma source(%dma_start3A_469 : memref<40x128xf32, #tpu.memory_space<vmem>>) target(%dma_start3A_465 : memref<40x128xf32, #tpu.memory_space<hbm>>) target_semaphore(%dma_start3A_463 : memref<!tpu.dma_semaphore, #tpu.memory_space<semaphore_mem>>)
      %ge3A = arith.constant 1 : i32
      %ge3A_470 = arith.cmpi sge, %add3A_432, %ge3A : i32
      %convert_element_type3A = arith.extui %ge3A_470 : i1 to i32
      %cond3A = arith.constant 0 : i32
      %cond3A_471 = arith.cmpi ne, %convert_element_type3A, %cond3A : i32
      scf.if %cond3A_471 {
        %sub3A = arith.constant 5 : i32
        %sub3A_1015 = arith.subi %add3A_436, %sub3A : i32
        %mul3A_1016 = arith.constant 40 : i32
        %mul3A_1017 = arith.muli %sub3A_1015, %mul3A_1016 : i32
        %add3A_1018 = arith.addi %mul3A_2, %mul3A_1017 : i32
        %dma_wait3A_1019 = arith.constant 5 : i32
        %dma_wait3A_1020 = arith.constant 5 : i32
        %dma_wait3A_1021 = arith.constant 0 : i32
        %dma_wait3A_1022 = arith.constant 0 : i32
        %dma_wait3A_1023 = tpu.memref_slice %arg6[%dma_wait3A_1019, %dma_wait3A_1021, %dma_wait3A_1022] : memref<10x40x128xf32, #tpu.memory_space<vmem>> -> memref<1x40x128xf32, #tpu.memory_space<vmem>>
        %dma_wait3A_1024 = tpu.memref_squeeze %dma_wait3A_1023 : memref<1x40x128xf32, #tpu.memory_space<vmem>> -> memref<40x128xf32, #tpu.memory_space<vmem>>
        %dma_wait3A_1025 = arith.constant 0 : i32
        %dma_wait3A_1026 = tpu.memref_slice %arg4[%add3A_1018, %dma_wait3A_1025] : memref<160000x128xf32, #tpu.memory_space<hbm>> -> memref<40x128xf32, #tpu.memory_space<hbm>>
        %dma_wait3A_1027 = tpu.memref_slice %arg8[%dma_wait3A_1020] : memref<10x!tpu.dma_semaphore, #tpu.memory_space<semaphore_mem>> -> memref<1x!tpu.dma_semaphore, #tpu.memory_space<semaphore_mem>>
        %dma_wait3A_1028 = tpu.memref_squeeze %dma_wait3A_1027 : memref<1x!tpu.dma_semaphore, #tpu.memory_space<semaphore_mem>> -> memref<!tpu.dma_semaphore, #tpu.memory_space<semaphore_mem>>
        %dma_wait3A_1029 = arith.constant 0 : i32
        %dma_wait3A_1030 = tpu.memref_slice %arg4[%add3A_1018, %dma_wait3A_1029] : memref<160000x128xf32, #tpu.memory_space<hbm>> -> memref<40x128xf32, #tpu.memory_space<hbm>>
        %dma_wait3A_1031 = arith.constant 0 : i32
        %dma_wait3A_1032 = arith.constant 0 : i32
        %dma_wait3A_1033 = tpu.memref_slice %arg6[%dma_wait3A_1019, %dma_wait3A_1031, %dma_wait3A_1032] : memref<10x40x128xf32, #tpu.memory_space<vmem>> -> memref<1x40x128xf32, #tpu.memory_space<vmem>>
        %dma_wait3A_1034 = tpu.memref_squeeze %dma_wait3A_1033 : memref<1x40x128xf32, #tpu.memory_space<vmem>> -> memref<40x128xf32, #tpu.memory_space<vmem>>
        tpu.wait_dma2 semaphore(%dma_wait3A_1028 : memref<!tpu.dma_semaphore, #tpu.memory_space<semaphore_mem>>) src(%dma_wait3A_1034 : memref<40x128xf32, #tpu.memory_space<vmem>>) dst(%dma_wait3A_1030 : memref<40x128xf32, #tpu.memory_space<hbm>>)
      } else {
      }
      %add3A_472 = arith.constant 5 : i32
      %add3A_473 = arith.addi %add3A_436, %add3A_472 : i32
      %dma_start3A_474 = arith.constant 5 : i32
      %dma_start3A_475 = arith.constant 5 : i32
      %dma_start3A_476 = arith.constant 0 : i32
      %dma_start3A_477 = arith.constant 0 : i32
      %dma_start3A_478 = tpu.memref_slice %arg6[%dma_start3A_474, %dma_start3A_476, %dma_start3A_477] : memref<10x40x128xf32, #tpu.memory_space<vmem>> -> memref<1x40x128xf32, #tpu.memory_space<vmem>>
      %dma_start3A_479 = tpu.memref_squeeze %dma_start3A_478 : memref<1x40x128xf32, #tpu.memory_space<vmem>> -> memref<40x128xf32, #tpu.memory_space<vmem>>
      %dma_start3A_480 = arith.constant 0 : i32
      %dma_start3A_481 = tpu.memref_slice %arg5[%add3A_473, %dma_start3A_480] : memref<125x40xi32, #tpu.memory_space<vmem>> -> memref<1x40xi32, #tpu.memory_space<vmem>>
      %dma_start3A_482 = tpu.memref_squeeze %dma_start3A_481 : memref<1x40xi32, #tpu.memory_space<vmem>> -> memref<40xi32, #tpu.memory_space<vmem>>
      %dma_start3A_483 = arith.constant 0 : i32
      %dma_start3A_484 = arith.constant 0 : i32
      %dma_start3A_485 = tpu.memref_slice %arg2[%dma_start3A_483, %dma_start3A_484] : memref<10000x128xf32, #tpu.memory_space<hbm>> -> memref<10000x128xf32, #tpu.memory_space<hbm>>
      %dma_start3A_486 = tpu.memref_slice %arg7[%dma_start3A_475] : memref<10x!tpu.dma_semaphore, #tpu.memory_space<semaphore_mem>> -> memref<1x!tpu.dma_semaphore, #tpu.memory_space<semaphore_mem>>
      %dma_start3A_487 = tpu.memref_squeeze %dma_start3A_486 : memref<1x!tpu.dma_semaphore, #tpu.memory_space<semaphore_mem>> -> memref<!tpu.dma_semaphore, #tpu.memory_space<semaphore_mem>>
      tpu.enqueue_indirect_dma source(%dma_start3A_485 : memref<10000x128xf32, #tpu.memory_space<hbm>>) target(%dma_start3A_479 : memref<40x128xf32, #tpu.memory_space<vmem>>) offsets(%dma_start3A_482 : memref<40xi32, #tpu.memory_space<vmem>>) semaphore(%dma_start3A_487 : memref<!tpu.dma_semaphore, #tpu.memory_space<semaphore_mem>>)
      %mul3A_488 = arith.constant 5 : i32
      %mul3A_489 = arith.muli %add3A_432, %mul3A_488 : i32
      %add3A_490 = arith.constant 1 : i32
      %add3A_491 = arith.addi %mul3A_489, %add3A_490 : i32
      %dma_wait3A_492 = arith.constant 1 : i32
      %dma_wait3A_493 = arith.constant 1 : i32
      %dma_wait3A_494 = arith.constant 0 : i32
      %dma_wait3A_495 = arith.constant 0 : i32
      %dma_wait3A_496 = tpu.memref_slice %arg6[%dma_wait3A_492, %dma_wait3A_494, %dma_wait3A_495] : memref<10x40x128xf32, #tpu.memory_space<vmem>> -> memref<1x40x128xf32, #tpu.memory_space<vmem>>
      %dma_wait3A_497 = tpu.memref_squeeze %dma_wait3A_496 : memref<1x40x128xf32, #tpu.memory_space<vmem>> -> memref<40x128xf32, #tpu.memory_space<vmem>>
      %dma_wait3A_498 = arith.constant 0 : i32
      %dma_wait3A_499 = tpu.memref_slice %arg5[%add3A_491, %dma_wait3A_498] : memref<125x40xi32, #tpu.memory_space<vmem>> -> memref<1x40xi32, #tpu.memory_space<vmem>>
      %dma_wait3A_500 = tpu.memref_squeeze %dma_wait3A_499 : memref<1x40xi32, #tpu.memory_space<vmem>> -> memref<40xi32, #tpu.memory_space<vmem>>
      %dma_wait3A_501 = arith.constant 0 : i32
      %dma_wait3A_502 = arith.constant 0 : i32
      %dma_wait3A_503 = tpu.memref_slice %arg2[%dma_wait3A_501, %dma_wait3A_502] : memref<10000x128xf32, #tpu.memory_space<hbm>> -> memref<10000x128xf32, #tpu.memory_space<hbm>>
      %dma_wait3A_504 = tpu.memref_slice %arg7[%dma_wait3A_493] : memref<10x!tpu.dma_semaphore, #tpu.memory_space<semaphore_mem>> -> memref<1x!tpu.dma_semaphore, #tpu.memory_space<semaphore_mem>>
      %dma_wait3A_505 = tpu.memref_squeeze %dma_wait3A_504 : memref<1x!tpu.dma_semaphore, #tpu.memory_space<semaphore_mem>> -> memref<!tpu.dma_semaphore, #tpu.memory_space<semaphore_mem>>
      tpu.wait_indirect_dma semaphore(%dma_wait3A_505 : memref<!tpu.dma_semaphore, #tpu.memory_space<semaphore_mem>>) src(%dma_wait3A_503 : memref<10000x128xf32, #tpu.memory_space<hbm>>) dst(%dma_wait3A_497 : memref<40x128xf32, #tpu.memory_space<vmem>>)
      %mul3A_506 = arith.constant 40 : i32
      %mul3A_507 = arith.muli %add3A_491, %mul3A_506 : i32
      %add3A_508 = arith.addi %mul3A_2, %mul3A_507 : i32
      %dma_start3A_509 = arith.constant 1 : i32
      %dma_start3A_510 = arith.constant 1 : i32
      %dma_start3A_511 = arith.constant 0 : i32
      %dma_start3A_512 = arith.constant 0 : i32
      %dma_start3A_513 = tpu.memref_slice %arg6[%dma_start3A_509, %dma_start3A_511, %dma_start3A_512] : memref<10x40x128xf32, #tpu.memory_space<vmem>> -> memref<1x40x128xf32, #tpu.memory_space<vmem>>
      %dma_start3A_514 = tpu.memref_squeeze %dma_start3A_513 : memref<1x40x128xf32, #tpu.memory_space<vmem>> -> memref<40x128xf32, #tpu.memory_space<vmem>>
      %dma_start3A_515 = arith.constant 0 : i32
      %dma_start3A_516 = tpu.memref_slice %arg4[%add3A_508, %dma_start3A_515] : memref<160000x128xf32, #tpu.memory_space<hbm>> -> memref<40x128xf32, #tpu.memory_space<hbm>>
      %dma_start3A_517 = tpu.memref_slice %arg8[%dma_start3A_510] : memref<10x!tpu.dma_semaphore, #tpu.memory_space<semaphore_mem>> -> memref<1x!tpu.dma_semaphore, #tpu.memory_space<semaphore_mem>>
      %dma_start3A_518 = tpu.memref_squeeze %dma_start3A_517 : memref<1x!tpu.dma_semaphore, #tpu.memory_space<semaphore_mem>> -> memref<!tpu.dma_semaphore, #tpu.memory_space<semaphore_mem>>
      %dma_start3A_519 = arith.constant 0 : i32
      %dma_start3A_520 = tpu.memref_slice %arg4[%add3A_508, %dma_start3A_519] : memref<160000x128xf32, #tpu.memory_space<hbm>> -> memref<40x128xf32, #tpu.memory_space<hbm>>
      %dma_start3A_521 = arith.constant 0 : i32
      %dma_start3A_522 = arith.constant 0 : i32
      %dma_start3A_523 = tpu.memref_slice %arg6[%dma_start3A_509, %dma_start3A_521, %dma_start3A_522] : memref<10x40x128xf32, #tpu.memory_space<vmem>> -> memref<1x40x128xf32, #tpu.memory_space<vmem>>
      %dma_start3A_524 = tpu.memref_squeeze %dma_start3A_523 : memref<1x40x128xf32, #tpu.memory_space<vmem>> -> memref<40x128xf32, #tpu.memory_space<vmem>>
      tpu.enqueue_dma source(%dma_start3A_524 : memref<40x128xf32, #tpu.memory_space<vmem>>) target(%dma_start3A_520 : memref<40x128xf32, #tpu.memory_space<hbm>>) target_semaphore(%dma_start3A_518 : memref<!tpu.dma_semaphore, #tpu.memory_space<semaphore_mem>>)
      %ge3A_525 = arith.constant 1 : i32
      %ge3A_526 = arith.cmpi sge, %add3A_432, %ge3A_525 : i32
      %convert_element_type3A_527 = arith.extui %ge3A_526 : i1 to i32
      %cond3A_528 = arith.constant 0 : i32
      %cond3A_529 = arith.cmpi ne, %convert_element_type3A_527, %cond3A_528 : i32
      scf.if %cond3A_529 {
        %sub3A = arith.constant 5 : i32
        %sub3A_1015 = arith.subi %add3A_491, %sub3A : i32
        %mul3A_1016 = arith.constant 40 : i32
        %mul3A_1017 = arith.muli %sub3A_1015, %mul3A_1016 : i32
        %add3A_1018 = arith.addi %mul3A_2, %mul3A_1017 : i32
        %dma_wait3A_1019 = arith.constant 6 : i32
        %dma_wait3A_1020 = arith.constant 6 : i32
        %dma_wait3A_1021 = arith.constant 0 : i32
        %dma_wait3A_1022 = arith.constant 0 : i32
        %dma_wait3A_1023 = tpu.memref_slice %arg6[%dma_wait3A_1019, %dma_wait3A_1021, %dma_wait3A_1022] : memref<10x40x128xf32, #tpu.memory_space<vmem>> -> memref<1x40x128xf32, #tpu.memory_space<vmem>>
        %dma_wait3A_1024 = tpu.memref_squeeze %dma_wait3A_1023 : memref<1x40x128xf32, #tpu.memory_space<vmem>> -> memref<40x128xf32, #tpu.memory_space<vmem>>
        %dma_wait3A_1025 = arith.constant 0 : i32
        %dma_wait3A_1026 = tpu.memref_slice %arg4[%add3A_1018, %dma_wait3A_1025] : memref<160000x128xf32, #tpu.memory_space<hbm>> -> memref<40x128xf32, #tpu.memory_space<hbm>>
        %dma_wait3A_1027 = tpu.memref_slice %arg8[%dma_wait3A_1020] : memref<10x!tpu.dma_semaphore, #tpu.memory_space<semaphore_mem>> -> memref<1x!tpu.dma_semaphore, #tpu.memory_space<semaphore_mem>>
        %dma_wait3A_1028 = tpu.memref_squeeze %dma_wait3A_1027 : memref<1x!tpu.dma_semaphore, #tpu.memory_space<semaphore_mem>> -> memref<!tpu.dma_semaphore, #tpu.memory_space<semaphore_mem>>
        %dma_wait3A_1029 = arith.constant 0 : i32
        %dma_wait3A_1030 = tpu.memref_slice %arg4[%add3A_1018, %dma_wait3A_1029] : memref<160000x128xf32, #tpu.memory_space<hbm>> -> memref<40x128xf32, #tpu.memory_space<hbm>>
        %dma_wait3A_1031 = arith.constant 0 : i32
        %dma_wait3A_1032 = arith.constant 0 : i32
        %dma_wait3A_1033 = tpu.memref_slice %arg6[%dma_wait3A_1019, %dma_wait3A_1031, %dma_wait3A_1032] : memref<10x40x128xf32, #tpu.memory_space<vmem>> -> memref<1x40x128xf32, #tpu.memory_space<vmem>>
        %dma_wait3A_1034 = tpu.memref_squeeze %dma_wait3A_1033 : memref<1x40x128xf32, #tpu.memory_space<vmem>> -> memref<40x128xf32, #tpu.memory_space<vmem>>
        tpu.wait_dma2 semaphore(%dma_wait3A_1028 : memref<!tpu.dma_semaphore, #tpu.memory_space<semaphore_mem>>) src(%dma_wait3A_1034 : memref<40x128xf32, #tpu.memory_space<vmem>>) dst(%dma_wait3A_1030 : memref<40x128xf32, #tpu.memory_space<hbm>>)
      } else {
      }
      %add3A_530 = arith.constant 5 : i32
      %add3A_531 = arith.addi %add3A_491, %add3A_530 : i32
      %dma_start3A_532 = arith.constant 6 : i32
      %dma_start3A_533 = arith.constant 6 : i32
      %dma_start3A_534 = arith.constant 0 : i32
      %dma_start3A_535 = arith.constant 0 : i32
      %dma_start3A_536 = tpu.memref_slice %arg6[%dma_start3A_532, %dma_start3A_534, %dma_start3A_535] : memref<10x40x128xf32, #tpu.memory_space<vmem>> -> memref<1x40x128xf32, #tpu.memory_space<vmem>>
      %dma_start3A_537 = tpu.memref_squeeze %dma_start3A_536 : memref<1x40x128xf32, #tpu.memory_space<vmem>> -> memref<40x128xf32, #tpu.memory_space<vmem>>
      %dma_start3A_538 = arith.constant 0 : i32
      %dma_start3A_539 = tpu.memref_slice %arg5[%add3A_531, %dma_start3A_538] : memref<125x40xi32, #tpu.memory_space<vmem>> -> memref<1x40xi32, #tpu.memory_space<vmem>>
      %dma_start3A_540 = tpu.memref_squeeze %dma_start3A_539 : memref<1x40xi32, #tpu.memory_space<vmem>> -> memref<40xi32, #tpu.memory_space<vmem>>
      %dma_start3A_541 = arith.constant 0 : i32
      %dma_start3A_542 = arith.constant 0 : i32
      %dma_start3A_543 = tpu.memref_slice %arg2[%dma_start3A_541, %dma_start3A_542] : memref<10000x128xf32, #tpu.memory_space<hbm>> -> memref<10000x128xf32, #tpu.memory_space<hbm>>
      %dma_start3A_544 = tpu.memref_slice %arg7[%dma_start3A_533] : memref<10x!tpu.dma_semaphore, #tpu.memory_space<semaphore_mem>> -> memref<1x!tpu.dma_semaphore, #tpu.memory_space<semaphore_mem>>
      %dma_start3A_545 = tpu.memref_squeeze %dma_start3A_544 : memref<1x!tpu.dma_semaphore, #tpu.memory_space<semaphore_mem>> -> memref<!tpu.dma_semaphore, #tpu.memory_space<semaphore_mem>>
      tpu.enqueue_indirect_dma source(%dma_start3A_543 : memref<10000x128xf32, #tpu.memory_space<hbm>>) target(%dma_start3A_537 : memref<40x128xf32, #tpu.memory_space<vmem>>) offsets(%dma_start3A_540 : memref<40xi32, #tpu.memory_space<vmem>>) semaphore(%dma_start3A_545 : memref<!tpu.dma_semaphore, #tpu.memory_space<semaphore_mem>>)
      %mul3A_546 = arith.constant 5 : i32
      %mul3A_547 = arith.muli %add3A_432, %mul3A_546 : i32
      %add3A_548 = arith.constant 2 : i32
      %add3A_549 = arith.addi %mul3A_547, %add3A_548 : i32
      %dma_wait3A_550 = arith.constant 2 : i32
      %dma_wait3A_551 = arith.constant 2 : i32
      %dma_wait3A_552 = arith.constant 0 : i32
      %dma_wait3A_553 = arith.constant 0 : i32
      %dma_wait3A_554 = tpu.memref_slice %arg6[%dma_wait3A_550, %dma_wait3A_552, %dma_wait3A_553] : memref<10x40x128xf32, #tpu.memory_space<vmem>> -> memref<1x40x128xf32, #tpu.memory_space<vmem>>
      %dma_wait3A_555 = tpu.memref_squeeze %dma_wait3A_554 : memref<1x40x128xf32, #tpu.memory_space<vmem>> -> memref<40x128xf32, #tpu.memory_space<vmem>>
      %dma_wait3A_556 = arith.constant 0 : i32
      %dma_wait3A_557 = tpu.memref_slice %arg5[%add3A_549, %dma_wait3A_556] : memref<125x40xi32, #tpu.memory_space<vmem>> -> memref<1x40xi32, #tpu.memory_space<vmem>>
      %dma_wait3A_558 = tpu.memref_squeeze %dma_wait3A_557 : memref<1x40xi32, #tpu.memory_space<vmem>> -> memref<40xi32, #tpu.memory_space<vmem>>
      %dma_wait3A_559 = arith.constant 0 : i32
      %dma_wait3A_560 = arith.constant 0 : i32
      %dma_wait3A_561 = tpu.memref_slice %arg2[%dma_wait3A_559, %dma_wait3A_560] : memref<10000x128xf32, #tpu.memory_space<hbm>> -> memref<10000x128xf32, #tpu.memory_space<hbm>>
      %dma_wait3A_562 = tpu.memref_slice %arg7[%dma_wait3A_551] : memref<10x!tpu.dma_semaphore, #tpu.memory_space<semaphore_mem>> -> memref<1x!tpu.dma_semaphore, #tpu.memory_space<semaphore_mem>>
      %dma_wait3A_563 = tpu.memref_squeeze %dma_wait3A_562 : memref<1x!tpu.dma_semaphore, #tpu.memory_space<semaphore_mem>> -> memref<!tpu.dma_semaphore, #tpu.memory_space<semaphore_mem>>
      tpu.wait_indirect_dma semaphore(%dma_wait3A_563 : memref<!tpu.dma_semaphore, #tpu.memory_space<semaphore_mem>>) src(%dma_wait3A_561 : memref<10000x128xf32, #tpu.memory_space<hbm>>) dst(%dma_wait3A_555 : memref<40x128xf32, #tpu.memory_space<vmem>>)
      %mul3A_564 = arith.constant 40 : i32
      %mul3A_565 = arith.muli %add3A_549, %mul3A_564 : i32
      %add3A_566 = arith.addi %mul3A_2, %mul3A_565 : i32
      %dma_start3A_567 = arith.constant 2 : i32
      %dma_start3A_568 = arith.constant 2 : i32
      %dma_start3A_569 = arith.constant 0 : i32
      %dma_start3A_570 = arith.constant 0 : i32
      %dma_start3A_571 = tpu.memref_slice %arg6[%dma_start3A_567, %dma_start3A_569, %dma_start3A_570] : memref<10x40x128xf32, #tpu.memory_space<vmem>> -> memref<1x40x128xf32, #tpu.memory_space<vmem>>
      %dma_start3A_572 = tpu.memref_squeeze %dma_start3A_571 : memref<1x40x128xf32, #tpu.memory_space<vmem>> -> memref<40x128xf32, #tpu.memory_space<vmem>>
      %dma_start3A_573 = arith.constant 0 : i32
      %dma_start3A_574 = tpu.memref_slice %arg4[%add3A_566, %dma_start3A_573] : memref<160000x128xf32, #tpu.memory_space<hbm>> -> memref<40x128xf32, #tpu.memory_space<hbm>>
      %dma_start3A_575 = tpu.memref_slice %arg8[%dma_start3A_568] : memref<10x!tpu.dma_semaphore, #tpu.memory_space<semaphore_mem>> -> memref<1x!tpu.dma_semaphore, #tpu.memory_space<semaphore_mem>>
      %dma_start3A_576 = tpu.memref_squeeze %dma_start3A_575 : memref<1x!tpu.dma_semaphore, #tpu.memory_space<semaphore_mem>> -> memref<!tpu.dma_semaphore, #tpu.memory_space<semaphore_mem>>
      %dma_start3A_577 = arith.constant 0 : i32
      %dma_start3A_578 = tpu.memref_slice %arg4[%add3A_566, %dma_start3A_577] : memref<160000x128xf32, #tpu.memory_space<hbm>> -> memref<40x128xf32, #tpu.memory_space<hbm>>
      %dma_start3A_579 = arith.constant 0 : i32
      %dma_start3A_580 = arith.constant 0 : i32
      %dma_start3A_581 = tpu.memref_slice %arg6[%dma_start3A_567, %dma_start3A_579, %dma_start3A_580] : memref<10x40x128xf32, #tpu.memory_space<vmem>> -> memref<1x40x128xf32, #tpu.memory_space<vmem>>
      %dma_start3A_582 = tpu.memref_squeeze %dma_start3A_581 : memref<1x40x128xf32, #tpu.memory_space<vmem>> -> memref<40x128xf32, #tpu.memory_space<vmem>>
      tpu.enqueue_dma source(%dma_start3A_582 : memref<40x128xf32, #tpu.memory_space<vmem>>) target(%dma_start3A_578 : memref<40x128xf32, #tpu.memory_space<hbm>>) target_semaphore(%dma_start3A_576 : memref<!tpu.dma_semaphore, #tpu.memory_space<semaphore_mem>>)
      %ge3A_583 = arith.constant 1 : i32
      %ge3A_584 = arith.cmpi sge, %add3A_432, %ge3A_583 : i32
      %convert_element_type3A_585 = arith.extui %ge3A_584 : i1 to i32
      %cond3A_586 = arith.constant 0 : i32
      %cond3A_587 = arith.cmpi ne, %convert_element_type3A_585, %cond3A_586 : i32
      scf.if %cond3A_587 {
        %sub3A = arith.constant 5 : i32
        %sub3A_1015 = arith.subi %add3A_549, %sub3A : i32
        %mul3A_1016 = arith.constant 40 : i32
        %mul3A_1017 = arith.muli %sub3A_1015, %mul3A_1016 : i32
        %add3A_1018 = arith.addi %mul3A_2, %mul3A_1017 : i32
        %dma_wait3A_1019 = arith.constant 7 : i32
        %dma_wait3A_1020 = arith.constant 7 : i32
        %dma_wait3A_1021 = arith.constant 0 : i32
        %dma_wait3A_1022 = arith.constant 0 : i32
        %dma_wait3A_1023 = tpu.memref_slice %arg6[%dma_wait3A_1019, %dma_wait3A_1021, %dma_wait3A_1022] : memref<10x40x128xf32, #tpu.memory_space<vmem>> -> memref<1x40x128xf32, #tpu.memory_space<vmem>>
        %dma_wait3A_1024 = tpu.memref_squeeze %dma_wait3A_1023 : memref<1x40x128xf32, #tpu.memory_space<vmem>> -> memref<40x128xf32, #tpu.memory_space<vmem>>
        %dma_wait3A_1025 = arith.constant 0 : i32
        %dma_wait3A_1026 = tpu.memref_slice %arg4[%add3A_1018, %dma_wait3A_1025] : memref<160000x128xf32, #tpu.memory_space<hbm>> -> memref<40x128xf32, #tpu.memory_space<hbm>>
        %dma_wait3A_1027 = tpu.memref_slice %arg8[%dma_wait3A_1020] : memref<10x!tpu.dma_semaphore, #tpu.memory_space<semaphore_mem>> -> memref<1x!tpu.dma_semaphore, #tpu.memory_space<semaphore_mem>>
        %dma_wait3A_1028 = tpu.memref_squeeze %dma_wait3A_1027 : memref<1x!tpu.dma_semaphore, #tpu.memory_space<semaphore_mem>> -> memref<!tpu.dma_semaphore, #tpu.memory_space<semaphore_mem>>
        %dma_wait3A_1029 = arith.constant 0 : i32
        %dma_wait3A_1030 = tpu.memref_slice %arg4[%add3A_1018, %dma_wait3A_1029] : memref<160000x128xf32, #tpu.memory_space<hbm>> -> memref<40x128xf32, #tpu.memory_space<hbm>>
        %dma_wait3A_1031 = arith.constant 0 : i32
        %dma_wait3A_1032 = arith.constant 0 : i32
        %dma_wait3A_1033 = tpu.memref_slice %arg6[%dma_wait3A_1019, %dma_wait3A_1031, %dma_wait3A_1032] : memref<10x40x128xf32, #tpu.memory_space<vmem>> -> memref<1x40x128xf32, #tpu.memory_space<vmem>>
        %dma_wait3A_1034 = tpu.memref_squeeze %dma_wait3A_1033 : memref<1x40x128xf32, #tpu.memory_space<vmem>> -> memref<40x128xf32, #tpu.memory_space<vmem>>
        tpu.wait_dma2 semaphore(%dma_wait3A_1028 : memref<!tpu.dma_semaphore, #tpu.memory_space<semaphore_mem>>) src(%dma_wait3A_1034 : memref<40x128xf32, #tpu.memory_space<vmem>>) dst(%dma_wait3A_1030 : memref<40x128xf32, #tpu.memory_space<hbm>>)
      } else {
      }
      %add3A_588 = arith.constant 5 : i32
      %add3A_589 = arith.addi %add3A_549, %add3A_588 : i32
      %dma_start3A_590 = arith.constant 7 : i32
      %dma_start3A_591 = arith.constant 7 : i32
      %dma_start3A_592 = arith.constant 0 : i32
      %dma_start3A_593 = arith.constant 0 : i32
      %dma_start3A_594 = tpu.memref_slice %arg6[%dma_start3A_590, %dma_start3A_592, %dma_start3A_593] : memref<10x40x128xf32, #tpu.memory_space<vmem>> -> memref<1x40x128xf32, #tpu.memory_space<vmem>>
      %dma_start3A_595 = tpu.memref_squeeze %dma_start3A_594 : memref<1x40x128xf32, #tpu.memory_space<vmem>> -> memref<40x128xf32, #tpu.memory_space<vmem>>
      %dma_start3A_596 = arith.constant 0 : i32
      %dma_start3A_597 = tpu.memref_slice %arg5[%add3A_589, %dma_start3A_596] : memref<125x40xi32, #tpu.memory_space<vmem>> -> memref<1x40xi32, #tpu.memory_space<vmem>>
      %dma_start3A_598 = tpu.memref_squeeze %dma_start3A_597 : memref<1x40xi32, #tpu.memory_space<vmem>> -> memref<40xi32, #tpu.memory_space<vmem>>
      %dma_start3A_599 = arith.constant 0 : i32
      %dma_start3A_600 = arith.constant 0 : i32
      %dma_start3A_601 = tpu.memref_slice %arg2[%dma_start3A_599, %dma_start3A_600] : memref<10000x128xf32, #tpu.memory_space<hbm>> -> memref<10000x128xf32, #tpu.memory_space<hbm>>
      %dma_start3A_602 = tpu.memref_slice %arg7[%dma_start3A_591] : memref<10x!tpu.dma_semaphore, #tpu.memory_space<semaphore_mem>> -> memref<1x!tpu.dma_semaphore, #tpu.memory_space<semaphore_mem>>
      %dma_start3A_603 = tpu.memref_squeeze %dma_start3A_602 : memref<1x!tpu.dma_semaphore, #tpu.memory_space<semaphore_mem>> -> memref<!tpu.dma_semaphore, #tpu.memory_space<semaphore_mem>>
      tpu.enqueue_indirect_dma source(%dma_start3A_601 : memref<10000x128xf32, #tpu.memory_space<hbm>>) target(%dma_start3A_595 : memref<40x128xf32, #tpu.memory_space<vmem>>) offsets(%dma_start3A_598 : memref<40xi32, #tpu.memory_space<vmem>>) semaphore(%dma_start3A_603 : memref<!tpu.dma_semaphore, #tpu.memory_space<semaphore_mem>>)
      %mul3A_604 = arith.constant 5 : i32
      %mul3A_605 = arith.muli %add3A_432, %mul3A_604 : i32
      %add3A_606 = arith.constant 3 : i32
      %add3A_607 = arith.addi %mul3A_605, %add3A_606 : i32
      %dma_wait3A_608 = arith.constant 3 : i32
      %dma_wait3A_609 = arith.constant 3 : i32
      %dma_wait3A_610 = arith.constant 0 : i32
      %dma_wait3A_611 = arith.constant 0 : i32
      %dma_wait3A_612 = tpu.memref_slice %arg6[%dma_wait3A_608, %dma_wait3A_610, %dma_wait3A_611] : memref<10x40x128xf32, #tpu.memory_space<vmem>> -> memref<1x40x128xf32, #tpu.memory_space<vmem>>
      %dma_wait3A_613 = tpu.memref_squeeze %dma_wait3A_612 : memref<1x40x128xf32, #tpu.memory_space<vmem>> -> memref<40x128xf32, #tpu.memory_space<vmem>>
      %dma_wait3A_614 = arith.constant 0 : i32
      %dma_wait3A_615 = tpu.memref_slice %arg5[%add3A_607, %dma_wait3A_614] : memref<125x40xi32, #tpu.memory_space<vmem>> -> memref<1x40xi32, #tpu.memory_space<vmem>>
      %dma_wait3A_616 = tpu.memref_squeeze %dma_wait3A_615 : memref<1x40xi32, #tpu.memory_space<vmem>> -> memref<40xi32, #tpu.memory_space<vmem>>
      %dma_wait3A_617 = arith.constant 0 : i32
      %dma_wait3A_618 = arith.constant 0 : i32
      %dma_wait3A_619 = tpu.memref_slice %arg2[%dma_wait3A_617, %dma_wait3A_618] : memref<10000x128xf32, #tpu.memory_space<hbm>> -> memref<10000x128xf32, #tpu.memory_space<hbm>>
      %dma_wait3A_620 = tpu.memref_slice %arg7[%dma_wait3A_609] : memref<10x!tpu.dma_semaphore, #tpu.memory_space<semaphore_mem>> -> memref<1x!tpu.dma_semaphore, #tpu.memory_space<semaphore_mem>>
      %dma_wait3A_621 = tpu.memref_squeeze %dma_wait3A_620 : memref<1x!tpu.dma_semaphore, #tpu.memory_space<semaphore_mem>> -> memref<!tpu.dma_semaphore, #tpu.memory_space<semaphore_mem>>
      tpu.wait_indirect_dma semaphore(%dma_wait3A_621 : memref<!tpu.dma_semaphore, #tpu.memory_space<semaphore_mem>>) src(%dma_wait3A_619 : memref<10000x128xf32, #tpu.memory_space<hbm>>) dst(%dma_wait3A_613 : memref<40x128xf32, #tpu.memory_space<vmem>>)
      %mul3A_622 = arith.constant 40 : i32
      %mul3A_623 = arith.muli %add3A_607, %mul3A_622 : i32
      %add3A_624 = arith.addi %mul3A_2, %mul3A_623 : i32
      %dma_start3A_625 = arith.constant 3 : i32
      %dma_start3A_626 = arith.constant 3 : i32
      %dma_start3A_627 = arith.constant 0 : i32
      %dma_start3A_628 = arith.constant 0 : i32
      %dma_start3A_629 = tpu.memref_slice %arg6[%dma_start3A_625, %dma_start3A_627, %dma_start3A_628] : memref<10x40x128xf32, #tpu.memory_space<vmem>> -> memref<1x40x128xf32, #tpu.memory_space<vmem>>
      %dma_start3A_630 = tpu.memref_squeeze %dma_start3A_629 : memref<1x40x128xf32, #tpu.memory_space<vmem>> -> memref<40x128xf32, #tpu.memory_space<vmem>>
      %dma_start3A_631 = arith.constant 0 : i32
      %dma_start3A_632 = tpu.memref_slice %arg4[%add3A_624, %dma_start3A_631] : memref<160000x128xf32, #tpu.memory_space<hbm>> -> memref<40x128xf32, #tpu.memory_space<hbm>>
      %dma_start3A_633 = tpu.memref_slice %arg8[%dma_start3A_626] : memref<10x!tpu.dma_semaphore, #tpu.memory_space<semaphore_mem>> -> memref<1x!tpu.dma_semaphore, #tpu.memory_space<semaphore_mem>>
      %dma_start3A_634 = tpu.memref_squeeze %dma_start3A_633 : memref<1x!tpu.dma_semaphore, #tpu.memory_space<semaphore_mem>> -> memref<!tpu.dma_semaphore, #tpu.memory_space<semaphore_mem>>
      %dma_start3A_635 = arith.constant 0 : i32
      %dma_start3A_636 = tpu.memref_slice %arg4[%add3A_624, %dma_start3A_635] : memref<160000x128xf32, #tpu.memory_space<hbm>> -> memref<40x128xf32, #tpu.memory_space<hbm>>
      %dma_start3A_637 = arith.constant 0 : i32
      %dma_start3A_638 = arith.constant 0 : i32
      %dma_start3A_639 = tpu.memref_slice %arg6[%dma_start3A_625, %dma_start3A_637, %dma_start3A_638] : memref<10x40x128xf32, #tpu.memory_space<vmem>> -> memref<1x40x128xf32, #tpu.memory_space<vmem>>
      %dma_start3A_640 = tpu.memref_squeeze %dma_start3A_639 : memref<1x40x128xf32, #tpu.memory_space<vmem>> -> memref<40x128xf32, #tpu.memory_space<vmem>>
      tpu.enqueue_dma source(%dma_start3A_640 : memref<40x128xf32, #tpu.memory_space<vmem>>) target(%dma_start3A_636 : memref<40x128xf32, #tpu.memory_space<hbm>>) target_semaphore(%dma_start3A_634 : memref<!tpu.dma_semaphore, #tpu.memory_space<semaphore_mem>>)
      %ge3A_641 = arith.constant 1 : i32
      %ge3A_642 = arith.cmpi sge, %add3A_432, %ge3A_641 : i32
      %convert_element_type3A_643 = arith.extui %ge3A_642 : i1 to i32
      %cond3A_644 = arith.constant 0 : i32
      %cond3A_645 = arith.cmpi ne, %convert_element_type3A_643, %cond3A_644 : i32
      scf.if %cond3A_645 {
        %sub3A = arith.constant 5 : i32
        %sub3A_1015 = arith.subi %add3A_607, %sub3A : i32
        %mul3A_1016 = arith.constant 40 : i32
        %mul3A_1017 = arith.muli %sub3A_1015, %mul3A_1016 : i32
        %add3A_1018 = arith.addi %mul3A_2, %mul3A_1017 : i32
        %dma_wait3A_1019 = arith.constant 8 : i32
        %dma_wait3A_1020 = arith.constant 8 : i32
        %dma_wait3A_1021 = arith.constant 0 : i32
        %dma_wait3A_1022 = arith.constant 0 : i32
        %dma_wait3A_1023 = tpu.memref_slice %arg6[%dma_wait3A_1019, %dma_wait3A_1021, %dma_wait3A_1022] : memref<10x40x128xf32, #tpu.memory_space<vmem>> -> memref<1x40x128xf32, #tpu.memory_space<vmem>>
        %dma_wait3A_1024 = tpu.memref_squeeze %dma_wait3A_1023 : memref<1x40x128xf32, #tpu.memory_space<vmem>> -> memref<40x128xf32, #tpu.memory_space<vmem>>
        %dma_wait3A_1025 = arith.constant 0 : i32
        %dma_wait3A_1026 = tpu.memref_slice %arg4[%add3A_1018, %dma_wait3A_1025] : memref<160000x128xf32, #tpu.memory_space<hbm>> -> memref<40x128xf32, #tpu.memory_space<hbm>>
        %dma_wait3A_1027 = tpu.memref_slice %arg8[%dma_wait3A_1020] : memref<10x!tpu.dma_semaphore, #tpu.memory_space<semaphore_mem>> -> memref<1x!tpu.dma_semaphore, #tpu.memory_space<semaphore_mem>>
        %dma_wait3A_1028 = tpu.memref_squeeze %dma_wait3A_1027 : memref<1x!tpu.dma_semaphore, #tpu.memory_space<semaphore_mem>> -> memref<!tpu.dma_semaphore, #tpu.memory_space<semaphore_mem>>
        %dma_wait3A_1029 = arith.constant 0 : i32
        %dma_wait3A_1030 = tpu.memref_slice %arg4[%add3A_1018, %dma_wait3A_1029] : memref<160000x128xf32, #tpu.memory_space<hbm>> -> memref<40x128xf32, #tpu.memory_space<hbm>>
        %dma_wait3A_1031 = arith.constant 0 : i32
        %dma_wait3A_1032 = arith.constant 0 : i32
        %dma_wait3A_1033 = tpu.memref_slice %arg6[%dma_wait3A_1019, %dma_wait3A_1031, %dma_wait3A_1032] : memref<10x40x128xf32, #tpu.memory_space<vmem>> -> memref<1x40x128xf32, #tpu.memory_space<vmem>>
        %dma_wait3A_1034 = tpu.memref_squeeze %dma_wait3A_1033 : memref<1x40x128xf32, #tpu.memory_space<vmem>> -> memref<40x128xf32, #tpu.memory_space<vmem>>
        tpu.wait_dma2 semaphore(%dma_wait3A_1028 : memref<!tpu.dma_semaphore, #tpu.memory_space<semaphore_mem>>) src(%dma_wait3A_1034 : memref<40x128xf32, #tpu.memory_space<vmem>>) dst(%dma_wait3A_1030 : memref<40x128xf32, #tpu.memory_space<hbm>>)
      } else {
      }
      %add3A_646 = arith.constant 5 : i32
      %add3A_647 = arith.addi %add3A_607, %add3A_646 : i32
      %dma_start3A_648 = arith.constant 8 : i32
      %dma_start3A_649 = arith.constant 8 : i32
      %dma_start3A_650 = arith.constant 0 : i32
      %dma_start3A_651 = arith.constant 0 : i32
      %dma_start3A_652 = tpu.memref_slice %arg6[%dma_start3A_648, %dma_start3A_650, %dma_start3A_651] : memref<10x40x128xf32, #tpu.memory_space<vmem>> -> memref<1x40x128xf32, #tpu.memory_space<vmem>>
      %dma_start3A_653 = tpu.memref_squeeze %dma_start3A_652 : memref<1x40x128xf32, #tpu.memory_space<vmem>> -> memref<40x128xf32, #tpu.memory_space<vmem>>
      %dma_start3A_654 = arith.constant 0 : i32
      %dma_start3A_655 = tpu.memref_slice %arg5[%add3A_647, %dma_start3A_654] : memref<125x40xi32, #tpu.memory_space<vmem>> -> memref<1x40xi32, #tpu.memory_space<vmem>>
      %dma_start3A_656 = tpu.memref_squeeze %dma_start3A_655 : memref<1x40xi32, #tpu.memory_space<vmem>> -> memref<40xi32, #tpu.memory_space<vmem>>
      %dma_start3A_657 = arith.constant 0 : i32
      %dma_start3A_658 = arith.constant 0 : i32
      %dma_start3A_659 = tpu.memref_slice %arg2[%dma_start3A_657, %dma_start3A_658] : memref<10000x128xf32, #tpu.memory_space<hbm>> -> memref<10000x128xf32, #tpu.memory_space<hbm>>
      %dma_start3A_660 = tpu.memref_slice %arg7[%dma_start3A_649] : memref<10x!tpu.dma_semaphore, #tpu.memory_space<semaphore_mem>> -> memref<1x!tpu.dma_semaphore, #tpu.memory_space<semaphore_mem>>
      %dma_start3A_661 = tpu.memref_squeeze %dma_start3A_660 : memref<1x!tpu.dma_semaphore, #tpu.memory_space<semaphore_mem>> -> memref<!tpu.dma_semaphore, #tpu.memory_space<semaphore_mem>>
      tpu.enqueue_indirect_dma source(%dma_start3A_659 : memref<10000x128xf32, #tpu.memory_space<hbm>>) target(%dma_start3A_653 : memref<40x128xf32, #tpu.memory_space<vmem>>) offsets(%dma_start3A_656 : memref<40xi32, #tpu.memory_space<vmem>>) semaphore(%dma_start3A_661 : memref<!tpu.dma_semaphore, #tpu.memory_space<semaphore_mem>>)
      %mul3A_662 = arith.constant 5 : i32
      %mul3A_663 = arith.muli %add3A_432, %mul3A_662 : i32
      %add3A_664 = arith.constant 4 : i32
      %add3A_665 = arith.addi %mul3A_663, %add3A_664 : i32
      %dma_wait3A_666 = arith.constant 4 : i32
      %dma_wait3A_667 = arith.constant 4 : i32
      %dma_wait3A_668 = arith.constant 0 : i32
      %dma_wait3A_669 = arith.constant 0 : i32
      %dma_wait3A_670 = tpu.memref_slice %arg6[%dma_wait3A_666, %dma_wait3A_668, %dma_wait3A_669] : memref<10x40x128xf32, #tpu.memory_space<vmem>> -> memref<1x40x128xf32, #tpu.memory_space<vmem>>
      %dma_wait3A_671 = tpu.memref_squeeze %dma_wait3A_670 : memref<1x40x128xf32, #tpu.memory_space<vmem>> -> memref<40x128xf32, #tpu.memory_space<vmem>>
      %dma_wait3A_672 = arith.constant 0 : i32
      %dma_wait3A_673 = tpu.memref_slice %arg5[%add3A_665, %dma_wait3A_672] : memref<125x40xi32, #tpu.memory_space<vmem>> -> memref<1x40xi32, #tpu.memory_space<vmem>>
      %dma_wait3A_674 = tpu.memref_squeeze %dma_wait3A_673 : memref<1x40xi32, #tpu.memory_space<vmem>> -> memref<40xi32, #tpu.memory_space<vmem>>
      %dma_wait3A_675 = arith.constant 0 : i32
      %dma_wait3A_676 = arith.constant 0 : i32
      %dma_wait3A_677 = tpu.memref_slice %arg2[%dma_wait3A_675, %dma_wait3A_676] : memref<10000x128xf32, #tpu.memory_space<hbm>> -> memref<10000x128xf32, #tpu.memory_space<hbm>>
      %dma_wait3A_678 = tpu.memref_slice %arg7[%dma_wait3A_667] : memref<10x!tpu.dma_semaphore, #tpu.memory_space<semaphore_mem>> -> memref<1x!tpu.dma_semaphore, #tpu.memory_space<semaphore_mem>>
      %dma_wait3A_679 = tpu.memref_squeeze %dma_wait3A_678 : memref<1x!tpu.dma_semaphore, #tpu.memory_space<semaphore_mem>> -> memref<!tpu.dma_semaphore, #tpu.memory_space<semaphore_mem>>
      tpu.wait_indirect_dma semaphore(%dma_wait3A_679 : memref<!tpu.dma_semaphore, #tpu.memory_space<semaphore_mem>>) src(%dma_wait3A_677 : memref<10000x128xf32, #tpu.memory_space<hbm>>) dst(%dma_wait3A_671 : memref<40x128xf32, #tpu.memory_space<vmem>>)
      %mul3A_680 = arith.constant 40 : i32
      %mul3A_681 = arith.muli %add3A_665, %mul3A_680 : i32
      %add3A_682 = arith.addi %mul3A_2, %mul3A_681 : i32
      %dma_start3A_683 = arith.constant 4 : i32
      %dma_start3A_684 = arith.constant 4 : i32
      %dma_start3A_685 = arith.constant 0 : i32
      %dma_start3A_686 = arith.constant 0 : i32
      %dma_start3A_687 = tpu.memref_slice %arg6[%dma_start3A_683, %dma_start3A_685, %dma_start3A_686] : memref<10x40x128xf32, #tpu.memory_space<vmem>> -> memref<1x40x128xf32, #tpu.memory_space<vmem>>
      %dma_start3A_688 = tpu.memref_squeeze %dma_start3A_687 : memref<1x40x128xf32, #tpu.memory_space<vmem>> -> memref<40x128xf32, #tpu.memory_space<vmem>>
      %dma_start3A_689 = arith.constant 0 : i32
      %dma_start3A_690 = tpu.memref_slice %arg4[%add3A_682, %dma_start3A_689] : memref<160000x128xf32, #tpu.memory_space<hbm>> -> memref<40x128xf32, #tpu.memory_space<hbm>>
      %dma_start3A_691 = tpu.memref_slice %arg8[%dma_start3A_684] : memref<10x!tpu.dma_semaphore, #tpu.memory_space<semaphore_mem>> -> memref<1x!tpu.dma_semaphore, #tpu.memory_space<semaphore_mem>>
      %dma_start3A_692 = tpu.memref_squeeze %dma_start3A_691 : memref<1x!tpu.dma_semaphore, #tpu.memory_space<semaphore_mem>> -> memref<!tpu.dma_semaphore, #tpu.memory_space<semaphore_mem>>
      %dma_start3A_693 = arith.constant 0 : i32
      %dma_start3A_694 = tpu.memref_slice %arg4[%add3A_682, %dma_start3A_693] : memref<160000x128xf32, #tpu.memory_space<hbm>> -> memref<40x128xf32, #tpu.memory_space<hbm>>
      %dma_start3A_695 = arith.constant 0 : i32
      %dma_start3A_696 = arith.constant 0 : i32
      %dma_start3A_697 = tpu.memref_slice %arg6[%dma_start3A_683, %dma_start3A_695, %dma_start3A_696] : memref<10x40x128xf32, #tpu.memory_space<vmem>> -> memref<1x40x128xf32, #tpu.memory_space<vmem>>
      %dma_start3A_698 = tpu.memref_squeeze %dma_start3A_697 : memref<1x40x128xf32, #tpu.memory_space<vmem>> -> memref<40x128xf32, #tpu.memory_space<vmem>>
      tpu.enqueue_dma source(%dma_start3A_698 : memref<40x128xf32, #tpu.memory_space<vmem>>) target(%dma_start3A_694 : memref<40x128xf32, #tpu.memory_space<hbm>>) target_semaphore(%dma_start3A_692 : memref<!tpu.dma_semaphore, #tpu.memory_space<semaphore_mem>>)
      %ge3A_699 = arith.constant 1 : i32
      %ge3A_700 = arith.cmpi sge, %add3A_432, %ge3A_699 : i32
      %convert_element_type3A_701 = arith.extui %ge3A_700 : i1 to i32
      %cond3A_702 = arith.constant 0 : i32
      %cond3A_703 = arith.cmpi ne, %convert_element_type3A_701, %cond3A_702 : i32
      scf.if %cond3A_703 {
        %sub3A = arith.constant 5 : i32
        %sub3A_1015 = arith.subi %add3A_665, %sub3A : i32
        %mul3A_1016 = arith.constant 40 : i32
        %mul3A_1017 = arith.muli %sub3A_1015, %mul3A_1016 : i32
        %add3A_1018 = arith.addi %mul3A_2, %mul3A_1017 : i32
        %dma_wait3A_1019 = arith.constant 9 : i32
        %dma_wait3A_1020 = arith.constant 9 : i32
        %dma_wait3A_1021 = arith.constant 0 : i32
        %dma_wait3A_1022 = arith.constant 0 : i32
        %dma_wait3A_1023 = tpu.memref_slice %arg6[%dma_wait3A_1019, %dma_wait3A_1021, %dma_wait3A_1022] : memref<10x40x128xf32, #tpu.memory_space<vmem>> -> memref<1x40x128xf32, #tpu.memory_space<vmem>>
        %dma_wait3A_1024 = tpu.memref_squeeze %dma_wait3A_1023 : memref<1x40x128xf32, #tpu.memory_space<vmem>> -> memref<40x128xf32, #tpu.memory_space<vmem>>
        %dma_wait3A_1025 = arith.constant 0 : i32
        %dma_wait3A_1026 = tpu.memref_slice %arg4[%add3A_1018, %dma_wait3A_1025] : memref<160000x128xf32, #tpu.memory_space<hbm>> -> memref<40x128xf32, #tpu.memory_space<hbm>>
        %dma_wait3A_1027 = tpu.memref_slice %arg8[%dma_wait3A_1020] : memref<10x!tpu.dma_semaphore, #tpu.memory_space<semaphore_mem>> -> memref<1x!tpu.dma_semaphore, #tpu.memory_space<semaphore_mem>>
        %dma_wait3A_1028 = tpu.memref_squeeze %dma_wait3A_1027 : memref<1x!tpu.dma_semaphore, #tpu.memory_space<semaphore_mem>> -> memref<!tpu.dma_semaphore, #tpu.memory_space<semaphore_mem>>
        %dma_wait3A_1029 = arith.constant 0 : i32
        %dma_wait3A_1030 = tpu.memref_slice %arg4[%add3A_1018, %dma_wait3A_1029] : memref<160000x128xf32, #tpu.memory_space<hbm>> -> memref<40x128xf32, #tpu.memory_space<hbm>>
        %dma_wait3A_1031 = arith.constant 0 : i32
        %dma_wait3A_1032 = arith.constant 0 : i32
        %dma_wait3A_1033 = tpu.memref_slice %arg6[%dma_wait3A_1019, %dma_wait3A_1031, %dma_wait3A_1032] : memref<10x40x128xf32, #tpu.memory_space<vmem>> -> memref<1x40x128xf32, #tpu.memory_space<vmem>>
        %dma_wait3A_1034 = tpu.memref_squeeze %dma_wait3A_1033 : memref<1x40x128xf32, #tpu.memory_space<vmem>> -> memref<40x128xf32, #tpu.memory_space<vmem>>
        tpu.wait_dma2 semaphore(%dma_wait3A_1028 : memref<!tpu.dma_semaphore, #tpu.memory_space<semaphore_mem>>) src(%dma_wait3A_1034 : memref<40x128xf32, #tpu.memory_space<vmem>>) dst(%dma_wait3A_1030 : memref<40x128xf32, #tpu.memory_space<hbm>>)
      } else {
      }
      %add3A_704 = arith.constant 5 : i32
      %add3A_705 = arith.addi %add3A_665, %add3A_704 : i32
      %dma_start3A_706 = arith.constant 9 : i32
      %dma_start3A_707 = arith.constant 9 : i32
      %dma_start3A_708 = arith.constant 0 : i32
      %dma_start3A_709 = arith.constant 0 : i32
      %dma_start3A_710 = tpu.memref_slice %arg6[%dma_start3A_706, %dma_start3A_708, %dma_start3A_709] : memref<10x40x128xf32, #tpu.memory_space<vmem>> -> memref<1x40x128xf32, #tpu.memory_space<vmem>>
      %dma_start3A_711 = tpu.memref_squeeze %dma_start3A_710 : memref<1x40x128xf32, #tpu.memory_space<vmem>> -> memref<40x128xf32, #tpu.memory_space<vmem>>
      %dma_start3A_712 = arith.constant 0 : i32
      %dma_start3A_713 = tpu.memref_slice %arg5[%add3A_705, %dma_start3A_712] : memref<125x40xi32, #tpu.memory_space<vmem>> -> memref<1x40xi32, #tpu.memory_space<vmem>>
      %dma_start3A_714 = tpu.memref_squeeze %dma_start3A_713 : memref<1x40xi32, #tpu.memory_space<vmem>> -> memref<40xi32, #tpu.memory_space<vmem>>
      %dma_start3A_715 = arith.constant 0 : i32
      %dma_start3A_716 = arith.constant 0 : i32
      %dma_start3A_717 = tpu.memref_slice %arg2[%dma_start3A_715, %dma_start3A_716] : memref<10000x128xf32, #tpu.memory_space<hbm>> -> memref<10000x128xf32, #tpu.memory_space<hbm>>
      %dma_start3A_718 = tpu.memref_slice %arg7[%dma_start3A_707] : memref<10x!tpu.dma_semaphore, #tpu.memory_space<semaphore_mem>> -> memref<1x!tpu.dma_semaphore, #tpu.memory_space<semaphore_mem>>
      %dma_start3A_719 = tpu.memref_squeeze %dma_start3A_718 : memref<1x!tpu.dma_semaphore, #tpu.memory_space<semaphore_mem>> -> memref<!tpu.dma_semaphore, #tpu.memory_space<semaphore_mem>>
      tpu.enqueue_indirect_dma source(%dma_start3A_717 : memref<10000x128xf32, #tpu.memory_space<hbm>>) target(%dma_start3A_711 : memref<40x128xf32, #tpu.memory_space<vmem>>) offsets(%dma_start3A_714 : memref<40xi32, #tpu.memory_space<vmem>>) semaphore(%dma_start3A_719 : memref<!tpu.dma_semaphore, #tpu.memory_space<semaphore_mem>>)
      %mul3A_720 = arith.constant 2 : i32
      %mul3A_721 = arith.muli %scan3A_427, %mul3A_720 : i32
      %add3A_722 = arith.constant 1 : i32
      %add3A_723 = arith.addi %mul3A_721, %add3A_722 : i32
      %mul3A_724 = arith.constant 5 : i32
      %mul3A_725 = arith.muli %add3A_723, %mul3A_724 : i32
      %add3A_726 = arith.constant 0 : i32
      %add3A_727 = arith.addi %mul3A_725, %add3A_726 : i32
      %dma_wait3A_728 = arith.constant 5 : i32
      %dma_wait3A_729 = arith.constant 5 : i32
      %dma_wait3A_730 = arith.constant 0 : i32
      %dma_wait3A_731 = arith.constant 0 : i32
      %dma_wait3A_732 = tpu.memref_slice %arg6[%dma_wait3A_728, %dma_wait3A_730, %dma_wait3A_731] : memref<10x40x128xf32, #tpu.memory_space<vmem>> -> memref<1x40x128xf32, #tpu.memory_space<vmem>>
      %dma_wait3A_733 = tpu.memref_squeeze %dma_wait3A_732 : memref<1x40x128xf32, #tpu.memory_space<vmem>> -> memref<40x128xf32, #tpu.memory_space<vmem>>
      %dma_wait3A_734 = arith.constant 0 : i32
      %dma_wait3A_735 = tpu.memref_slice %arg5[%add3A_727, %dma_wait3A_734] : memref<125x40xi32, #tpu.memory_space<vmem>> -> memref<1x40xi32, #tpu.memory_space<vmem>>
      %dma_wait3A_736 = tpu.memref_squeeze %dma_wait3A_735 : memref<1x40xi32, #tpu.memory_space<vmem>> -> memref<40xi32, #tpu.memory_space<vmem>>
      %dma_wait3A_737 = arith.constant 0 : i32
      %dma_wait3A_738 = arith.constant 0 : i32
      %dma_wait3A_739 = tpu.memref_slice %arg2[%dma_wait3A_737, %dma_wait3A_738] : memref<10000x128xf32, #tpu.memory_space<hbm>> -> memref<10000x128xf32, #tpu.memory_space<hbm>>
      %dma_wait3A_740 = tpu.memref_slice %arg7[%dma_wait3A_729] : memref<10x!tpu.dma_semaphore, #tpu.memory_space<semaphore_mem>> -> memref<1x!tpu.dma_semaphore, #tpu.memory_space<semaphore_mem>>
      %dma_wait3A_741 = tpu.memref_squeeze %dma_wait3A_740 : memref<1x!tpu.dma_semaphore, #tpu.memory_space<semaphore_mem>> -> memref<!tpu.dma_semaphore, #tpu.memory_space<semaphore_mem>>
      tpu.wait_indirect_dma semaphore(%dma_wait3A_741 : memref<!tpu.dma_semaphore, #tpu.memory_space<semaphore_mem>>) src(%dma_wait3A_739 : memref<10000x128xf32, #tpu.memory_space<hbm>>) dst(%dma_wait3A_733 : memref<40x128xf32, #tpu.memory_space<vmem>>)
      %mul3A_742 = arith.constant 40 : i32
      %mul3A_743 = arith.muli %add3A_727, %mul3A_742 : i32
      %add3A_744 = arith.addi %mul3A_2, %mul3A_743 : i32
      %dma_start3A_745 = arith.constant 5 : i32
      %dma_start3A_746 = arith.constant 5 : i32
      %dma_start3A_747 = arith.constant 0 : i32
      %dma_start3A_748 = arith.constant 0 : i32
      %dma_start3A_749 = tpu.memref_slice %arg6[%dma_start3A_745, %dma_start3A_747, %dma_start3A_748] : memref<10x40x128xf32, #tpu.memory_space<vmem>> -> memref<1x40x128xf32, #tpu.memory_space<vmem>>
      %dma_start3A_750 = tpu.memref_squeeze %dma_start3A_749 : memref<1x40x128xf32, #tpu.memory_space<vmem>> -> memref<40x128xf32, #tpu.memory_space<vmem>>
      %dma_start3A_751 = arith.constant 0 : i32
      %dma_start3A_752 = tpu.memref_slice %arg4[%add3A_744, %dma_start3A_751] : memref<160000x128xf32, #tpu.memory_space<hbm>> -> memref<40x128xf32, #tpu.memory_space<hbm>>
      %dma_start3A_753 = tpu.memref_slice %arg8[%dma_start3A_746] : memref<10x!tpu.dma_semaphore, #tpu.memory_space<semaphore_mem>> -> memref<1x!tpu.dma_semaphore, #tpu.memory_space<semaphore_mem>>
      %dma_start3A_754 = tpu.memref_squeeze %dma_start3A_753 : memref<1x!tpu.dma_semaphore, #tpu.memory_space<semaphore_mem>> -> memref<!tpu.dma_semaphore, #tpu.memory_space<semaphore_mem>>
      %dma_start3A_755 = arith.constant 0 : i32
      %dma_start3A_756 = tpu.memref_slice %arg4[%add3A_744, %dma_start3A_755] : memref<160000x128xf32, #tpu.memory_space<hbm>> -> memref<40x128xf32, #tpu.memory_space<hbm>>
      %dma_start3A_757 = arith.constant 0 : i32
      %dma_start3A_758 = arith.constant 0 : i32
      %dma_start3A_759 = tpu.memref_slice %arg6[%dma_start3A_745, %dma_start3A_757, %dma_start3A_758] : memref<10x40x128xf32, #tpu.memory_space<vmem>> -> memref<1x40x128xf32, #tpu.memory_space<vmem>>
      %dma_start3A_760 = tpu.memref_squeeze %dma_start3A_759 : memref<1x40x128xf32, #tpu.memory_space<vmem>> -> memref<40x128xf32, #tpu.memory_space<vmem>>
      tpu.enqueue_dma source(%dma_start3A_760 : memref<40x128xf32, #tpu.memory_space<vmem>>) target(%dma_start3A_756 : memref<40x128xf32, #tpu.memory_space<hbm>>) target_semaphore(%dma_start3A_754 : memref<!tpu.dma_semaphore, #tpu.memory_space<semaphore_mem>>)
      %ge3A_761 = arith.constant 1 : i32
      %ge3A_762 = arith.cmpi sge, %add3A_723, %ge3A_761 : i32
      %convert_element_type3A_763 = arith.extui %ge3A_762 : i1 to i32
      %cond3A_764 = arith.constant 0 : i32
      %cond3A_765 = arith.cmpi ne, %convert_element_type3A_763, %cond3A_764 : i32
      scf.if %cond3A_765 {
        %sub3A = arith.constant 5 : i32
        %sub3A_1015 = arith.subi %add3A_727, %sub3A : i32
        %mul3A_1016 = arith.constant 40 : i32
        %mul3A_1017 = arith.muli %sub3A_1015, %mul3A_1016 : i32
        %add3A_1018 = arith.addi %mul3A_2, %mul3A_1017 : i32
        %dma_wait3A_1019 = arith.constant 0 : i32
        %dma_wait3A_1020 = arith.constant 0 : i32
        %dma_wait3A_1021 = arith.constant 0 : i32
        %dma_wait3A_1022 = arith.constant 0 : i32
        %dma_wait3A_1023 = tpu.memref_slice %arg6[%dma_wait3A_1019, %dma_wait3A_1021, %dma_wait3A_1022] : memref<10x40x128xf32, #tpu.memory_space<vmem>> -> memref<1x40x128xf32, #tpu.memory_space<vmem>>
        %dma_wait3A_1024 = tpu.memref_squeeze %dma_wait3A_1023 : memref<1x40x128xf32, #tpu.memory_space<vmem>> -> memref<40x128xf32, #tpu.memory_space<vmem>>
        %dma_wait3A_1025 = arith.constant 0 : i32
        %dma_wait3A_1026 = tpu.memref_slice %arg4[%add3A_1018, %dma_wait3A_1025] : memref<160000x128xf32, #tpu.memory_space<hbm>> -> memref<40x128xf32, #tpu.memory_space<hbm>>
        %dma_wait3A_1027 = tpu.memref_slice %arg8[%dma_wait3A_1020] : memref<10x!tpu.dma_semaphore, #tpu.memory_space<semaphore_mem>> -> memref<1x!tpu.dma_semaphore, #tpu.memory_space<semaphore_mem>>
        %dma_wait3A_1028 = tpu.memref_squeeze %dma_wait3A_1027 : memref<1x!tpu.dma_semaphore, #tpu.memory_space<semaphore_mem>> -> memref<!tpu.dma_semaphore, #tpu.memory_space<semaphore_mem>>
        %dma_wait3A_1029 = arith.constant 0 : i32
        %dma_wait3A_1030 = tpu.memref_slice %arg4[%add3A_1018, %dma_wait3A_1029] : memref<160000x128xf32, #tpu.memory_space<hbm>> -> memref<40x128xf32, #tpu.memory_space<hbm>>
        %dma_wait3A_1031 = arith.constant 0 : i32
        %dma_wait3A_1032 = arith.constant 0 : i32
        %dma_wait3A_1033 = tpu.memref_slice %arg6[%dma_wait3A_1019, %dma_wait3A_1031, %dma_wait3A_1032] : memref<10x40x128xf32, #tpu.memory_space<vmem>> -> memref<1x40x128xf32, #tpu.memory_space<vmem>>
        %dma_wait3A_1034 = tpu.memref_squeeze %dma_wait3A_1033 : memref<1x40x128xf32, #tpu.memory_space<vmem>> -> memref<40x128xf32, #tpu.memory_space<vmem>>
        tpu.wait_dma2 semaphore(%dma_wait3A_1028 : memref<!tpu.dma_semaphore, #tpu.memory_space<semaphore_mem>>) src(%dma_wait3A_1034 : memref<40x128xf32, #tpu.memory_space<vmem>>) dst(%dma_wait3A_1030 : memref<40x128xf32, #tpu.memory_space<hbm>>)
      } else {
      }
      %add3A_766 = arith.constant 5 : i32
      %add3A_767 = arith.addi %add3A_727, %add3A_766 : i32
      %dma_start3A_768 = arith.constant 0 : i32
      %dma_start3A_769 = arith.constant 0 : i32
      %dma_start3A_770 = arith.constant 0 : i32
      %dma_start3A_771 = arith.constant 0 : i32
      %dma_start3A_772 = tpu.memref_slice %arg6[%dma_start3A_768, %dma_start3A_770, %dma_start3A_771] : memref<10x40x128xf32, #tpu.memory_space<vmem>> -> memref<1x40x128xf32, #tpu.memory_space<vmem>>
      %dma_start3A_773 = tpu.memref_squeeze %dma_start3A_772 : memref<1x40x128xf32, #tpu.memory_space<vmem>> -> memref<40x128xf32, #tpu.memory_space<vmem>>
      %dma_start3A_774 = arith.constant 0 : i32
      %dma_start3A_775 = tpu.memref_slice %arg5[%add3A_767, %dma_start3A_774] : memref<125x40xi32, #tpu.memory_space<vmem>> -> memref<1x40xi32, #tpu.memory_space<vmem>>
      %dma_start3A_776 = tpu.memref_squeeze %dma_start3A_775 : memref<1x40xi32, #tpu.memory_space<vmem>> -> memref<40xi32, #tpu.memory_space<vmem>>
      %dma_start3A_777 = arith.constant 0 : i32
      %dma_start3A_778 = arith.constant 0 : i32
      %dma_start3A_779 = tpu.memref_slice %arg2[%dma_start3A_777, %dma_start3A_778] : memref<10000x128xf32, #tpu.memory_space<hbm>> -> memref<10000x128xf32, #tpu.memory_space<hbm>>
      %dma_start3A_780 = tpu.memref_slice %arg7[%dma_start3A_769] : memref<10x!tpu.dma_semaphore, #tpu.memory_space<semaphore_mem>> -> memref<1x!tpu.dma_semaphore, #tpu.memory_space<semaphore_mem>>
      %dma_start3A_781 = tpu.memref_squeeze %dma_start3A_780 : memref<1x!tpu.dma_semaphore, #tpu.memory_space<semaphore_mem>> -> memref<!tpu.dma_semaphore, #tpu.memory_space<semaphore_mem>>
      tpu.enqueue_indirect_dma source(%dma_start3A_779 : memref<10000x128xf32, #tpu.memory_space<hbm>>) target(%dma_start3A_773 : memref<40x128xf32, #tpu.memory_space<vmem>>) offsets(%dma_start3A_776 : memref<40xi32, #tpu.memory_space<vmem>>) semaphore(%dma_start3A_781 : memref<!tpu.dma_semaphore, #tpu.memory_space<semaphore_mem>>)
      %mul3A_782 = arith.constant 5 : i32
      %mul3A_783 = arith.muli %add3A_723, %mul3A_782 : i32
      %add3A_784 = arith.constant 1 : i32
      %add3A_785 = arith.addi %mul3A_783, %add3A_784 : i32
      %dma_wait3A_786 = arith.constant 6 : i32
      %dma_wait3A_787 = arith.constant 6 : i32
      %dma_wait3A_788 = arith.constant 0 : i32
      %dma_wait3A_789 = arith.constant 0 : i32
      %dma_wait3A_790 = tpu.memref_slice %arg6[%dma_wait3A_786, %dma_wait3A_788, %dma_wait3A_789] : memref<10x40x128xf32, #tpu.memory_space<vmem>> -> memref<1x40x128xf32, #tpu.memory_space<vmem>>
      %dma_wait3A_791 = tpu.memref_squeeze %dma_wait3A_790 : memref<1x40x128xf32, #tpu.memory_space<vmem>> -> memref<40x128xf32, #tpu.memory_space<vmem>>
      %dma_wait3A_792 = arith.constant 0 : i32
      %dma_wait3A_793 = tpu.memref_slice %arg5[%add3A_785, %dma_wait3A_792] : memref<125x40xi32, #tpu.memory_space<vmem>> -> memref<1x40xi32, #tpu.memory_space<vmem>>
      %dma_wait3A_794 = tpu.memref_squeeze %dma_wait3A_793 : memref<1x40xi32, #tpu.memory_space<vmem>> -> memref<40xi32, #tpu.memory_space<vmem>>
      %dma_wait3A_795 = arith.constant 0 : i32
      %dma_wait3A_796 = arith.constant 0 : i32
      %dma_wait3A_797 = tpu.memref_slice %arg2[%dma_wait3A_795, %dma_wait3A_796] : memref<10000x128xf32, #tpu.memory_space<hbm>> -> memref<10000x128xf32, #tpu.memory_space<hbm>>
      %dma_wait3A_798 = tpu.memref_slice %arg7[%dma_wait3A_787] : memref<10x!tpu.dma_semaphore, #tpu.memory_space<semaphore_mem>> -> memref<1x!tpu.dma_semaphore, #tpu.memory_space<semaphore_mem>>
      %dma_wait3A_799 = tpu.memref_squeeze %dma_wait3A_798 : memref<1x!tpu.dma_semaphore, #tpu.memory_space<semaphore_mem>> -> memref<!tpu.dma_semaphore, #tpu.memory_space<semaphore_mem>>
      tpu.wait_indirect_dma semaphore(%dma_wait3A_799 : memref<!tpu.dma_semaphore, #tpu.memory_space<semaphore_mem>>) src(%dma_wait3A_797 : memref<10000x128xf32, #tpu.memory_space<hbm>>) dst(%dma_wait3A_791 : memref<40x128xf32, #tpu.memory_space<vmem>>)
      %mul3A_800 = arith.constant 40 : i32
      %mul3A_801 = arith.muli %add3A_785, %mul3A_800 : i32
      %add3A_802 = arith.addi %mul3A_2, %mul3A_801 : i32
      %dma_start3A_803 = arith.constant 6 : i32
      %dma_start3A_804 = arith.constant 6 : i32
      %dma_start3A_805 = arith.constant 0 : i32
      %dma_start3A_806 = arith.constant 0 : i32
      %dma_start3A_807 = tpu.memref_slice %arg6[%dma_start3A_803, %dma_start3A_805, %dma_start3A_806] : memref<10x40x128xf32, #tpu.memory_space<vmem>> -> memref<1x40x128xf32, #tpu.memory_space<vmem>>
      %dma_start3A_808 = tpu.memref_squeeze %dma_start3A_807 : memref<1x40x128xf32, #tpu.memory_space<vmem>> -> memref<40x128xf32, #tpu.memory_space<vmem>>
      %dma_start3A_809 = arith.constant 0 : i32
      %dma_start3A_810 = tpu.memref_slice %arg4[%add3A_802, %dma_start3A_809] : memref<160000x128xf32, #tpu.memory_space<hbm>> -> memref<40x128xf32, #tpu.memory_space<hbm>>
      %dma_start3A_811 = tpu.memref_slice %arg8[%dma_start3A_804] : memref<10x!tpu.dma_semaphore, #tpu.memory_space<semaphore_mem>> -> memref<1x!tpu.dma_semaphore, #tpu.memory_space<semaphore_mem>>
      %dma_start3A_812 = tpu.memref_squeeze %dma_start3A_811 : memref<1x!tpu.dma_semaphore, #tpu.memory_space<semaphore_mem>> -> memref<!tpu.dma_semaphore, #tpu.memory_space<semaphore_mem>>
      %dma_start3A_813 = arith.constant 0 : i32
      %dma_start3A_814 = tpu.memref_slice %arg4[%add3A_802, %dma_start3A_813] : memref<160000x128xf32, #tpu.memory_space<hbm>> -> memref<40x128xf32, #tpu.memory_space<hbm>>
      %dma_start3A_815 = arith.constant 0 : i32
      %dma_start3A_816 = arith.constant 0 : i32
      %dma_start3A_817 = tpu.memref_slice %arg6[%dma_start3A_803, %dma_start3A_815, %dma_start3A_816] : memref<10x40x128xf32, #tpu.memory_space<vmem>> -> memref<1x40x128xf32, #tpu.memory_space<vmem>>
      %dma_start3A_818 = tpu.memref_squeeze %dma_start3A_817 : memref<1x40x128xf32, #tpu.memory_space<vmem>> -> memref<40x128xf32, #tpu.memory_space<vmem>>
      tpu.enqueue_dma source(%dma_start3A_818 : memref<40x128xf32, #tpu.memory_space<vmem>>) target(%dma_start3A_814 : memref<40x128xf32, #tpu.memory_space<hbm>>) target_semaphore(%dma_start3A_812 : memref<!tpu.dma_semaphore, #tpu.memory_space<semaphore_mem>>)
      %ge3A_819 = arith.constant 1 : i32
      %ge3A_820 = arith.cmpi sge, %add3A_723, %ge3A_819 : i32
      %convert_element_type3A_821 = arith.extui %ge3A_820 : i1 to i32
      %cond3A_822 = arith.constant 0 : i32
      %cond3A_823 = arith.cmpi ne, %convert_element_type3A_821, %cond3A_822 : i32
      scf.if %cond3A_823 {
        %sub3A = arith.constant 5 : i32
        %sub3A_1015 = arith.subi %add3A_785, %sub3A : i32
        %mul3A_1016 = arith.constant 40 : i32
        %mul3A_1017 = arith.muli %sub3A_1015, %mul3A_1016 : i32
        %add3A_1018 = arith.addi %mul3A_2, %mul3A_1017 : i32
        %dma_wait3A_1019 = arith.constant 1 : i32
        %dma_wait3A_1020 = arith.constant 1 : i32
        %dma_wait3A_1021 = arith.constant 0 : i32
        %dma_wait3A_1022 = arith.constant 0 : i32
        %dma_wait3A_1023 = tpu.memref_slice %arg6[%dma_wait3A_1019, %dma_wait3A_1021, %dma_wait3A_1022] : memref<10x40x128xf32, #tpu.memory_space<vmem>> -> memref<1x40x128xf32, #tpu.memory_space<vmem>>
        %dma_wait3A_1024 = tpu.memref_squeeze %dma_wait3A_1023 : memref<1x40x128xf32, #tpu.memory_space<vmem>> -> memref<40x128xf32, #tpu.memory_space<vmem>>
        %dma_wait3A_1025 = arith.constant 0 : i32
        %dma_wait3A_1026 = tpu.memref_slice %arg4[%add3A_1018, %dma_wait3A_1025] : memref<160000x128xf32, #tpu.memory_space<hbm>> -> memref<40x128xf32, #tpu.memory_space<hbm>>
        %dma_wait3A_1027 = tpu.memref_slice %arg8[%dma_wait3A_1020] : memref<10x!tpu.dma_semaphore, #tpu.memory_space<semaphore_mem>> -> memref<1x!tpu.dma_semaphore, #tpu.memory_space<semaphore_mem>>
        %dma_wait3A_1028 = tpu.memref_squeeze %dma_wait3A_1027 : memref<1x!tpu.dma_semaphore, #tpu.memory_space<semaphore_mem>> -> memref<!tpu.dma_semaphore, #tpu.memory_space<semaphore_mem>>
        %dma_wait3A_1029 = arith.constant 0 : i32
        %dma_wait3A_1030 = tpu.memref_slice %arg4[%add3A_1018, %dma_wait3A_1029] : memref<160000x128xf32, #tpu.memory_space<hbm>> -> memref<40x128xf32, #tpu.memory_space<hbm>>
        %dma_wait3A_1031 = arith.constant 0 : i32
        %dma_wait3A_1032 = arith.constant 0 : i32
        %dma_wait3A_1033 = tpu.memref_slice %arg6[%dma_wait3A_1019, %dma_wait3A_1031, %dma_wait3A_1032] : memref<10x40x128xf32, #tpu.memory_space<vmem>> -> memref<1x40x128xf32, #tpu.memory_space<vmem>>
        %dma_wait3A_1034 = tpu.memref_squeeze %dma_wait3A_1033 : memref<1x40x128xf32, #tpu.memory_space<vmem>> -> memref<40x128xf32, #tpu.memory_space<vmem>>
        tpu.wait_dma2 semaphore(%dma_wait3A_1028 : memref<!tpu.dma_semaphore, #tpu.memory_space<semaphore_mem>>) src(%dma_wait3A_1034 : memref<40x128xf32, #tpu.memory_space<vmem>>) dst(%dma_wait3A_1030 : memref<40x128xf32, #tpu.memory_space<hbm>>)
      } else {
      }
      %add3A_824 = arith.constant 5 : i32
      %add3A_825 = arith.addi %add3A_785, %add3A_824 : i32
      %dma_start3A_826 = arith.constant 1 : i32
      %dma_start3A_827 = arith.constant 1 : i32
      %dma_start3A_828 = arith.constant 0 : i32
      %dma_start3A_829 = arith.constant 0 : i32
      %dma_start3A_830 = tpu.memref_slice %arg6[%dma_start3A_826, %dma_start3A_828, %dma_start3A_829] : memref<10x40x128xf32, #tpu.memory_space<vmem>> -> memref<1x40x128xf32, #tpu.memory_space<vmem>>
      %dma_start3A_831 = tpu.memref_squeeze %dma_start3A_830 : memref<1x40x128xf32, #tpu.memory_space<vmem>> -> memref<40x128xf32, #tpu.memory_space<vmem>>
      %dma_start3A_832 = arith.constant 0 : i32
      %dma_start3A_833 = tpu.memref_slice %arg5[%add3A_825, %dma_start3A_832] : memref<125x40xi32, #tpu.memory_space<vmem>> -> memref<1x40xi32, #tpu.memory_space<vmem>>
      %dma_start3A_834 = tpu.memref_squeeze %dma_start3A_833 : memref<1x40xi32, #tpu.memory_space<vmem>> -> memref<40xi32, #tpu.memory_space<vmem>>
      %dma_start3A_835 = arith.constant 0 : i32
      %dma_start3A_836 = arith.constant 0 : i32
      %dma_start3A_837 = tpu.memref_slice %arg2[%dma_start3A_835, %dma_start3A_836] : memref<10000x128xf32, #tpu.memory_space<hbm>> -> memref<10000x128xf32, #tpu.memory_space<hbm>>
      %dma_start3A_838 = tpu.memref_slice %arg7[%dma_start3A_827] : memref<10x!tpu.dma_semaphore, #tpu.memory_space<semaphore_mem>> -> memref<1x!tpu.dma_semaphore, #tpu.memory_space<semaphore_mem>>
      %dma_start3A_839 = tpu.memref_squeeze %dma_start3A_838 : memref<1x!tpu.dma_semaphore, #tpu.memory_space<semaphore_mem>> -> memref<!tpu.dma_semaphore, #tpu.memory_space<semaphore_mem>>
      tpu.enqueue_indirect_dma source(%dma_start3A_837 : memref<10000x128xf32, #tpu.memory_space<hbm>>) target(%dma_start3A_831 : memref<40x128xf32, #tpu.memory_space<vmem>>) offsets(%dma_start3A_834 : memref<40xi32, #tpu.memory_space<vmem>>) semaphore(%dma_start3A_839 : memref<!tpu.dma_semaphore, #tpu.memory_space<semaphore_mem>>)
      %mul3A_840 = arith.constant 5 : i32
      %mul3A_841 = arith.muli %add3A_723, %mul3A_840 : i32
      %add3A_842 = arith.constant 2 : i32
      %add3A_843 = arith.addi %mul3A_841, %add3A_842 : i32
      %dma_wait3A_844 = arith.constant 7 : i32
      %dma_wait3A_845 = arith.constant 7 : i32
      %dma_wait3A_846 = arith.constant 0 : i32
      %dma_wait3A_847 = arith.constant 0 : i32
      %dma_wait3A_848 = tpu.memref_slice %arg6[%dma_wait3A_844, %dma_wait3A_846, %dma_wait3A_847] : memref<10x40x128xf32, #tpu.memory_space<vmem>> -> memref<1x40x128xf32, #tpu.memory_space<vmem>>
      %dma_wait3A_849 = tpu.memref_squeeze %dma_wait3A_848 : memref<1x40x128xf32, #tpu.memory_space<vmem>> -> memref<40x128xf32, #tpu.memory_space<vmem>>
      %dma_wait3A_850 = arith.constant 0 : i32
      %dma_wait3A_851 = tpu.memref_slice %arg5[%add3A_843, %dma_wait3A_850] : memref<125x40xi32, #tpu.memory_space<vmem>> -> memref<1x40xi32, #tpu.memory_space<vmem>>
      %dma_wait3A_852 = tpu.memref_squeeze %dma_wait3A_851 : memref<1x40xi32, #tpu.memory_space<vmem>> -> memref<40xi32, #tpu.memory_space<vmem>>
      %dma_wait3A_853 = arith.constant 0 : i32
      %dma_wait3A_854 = arith.constant 0 : i32
      %dma_wait3A_855 = tpu.memref_slice %arg2[%dma_wait3A_853, %dma_wait3A_854] : memref<10000x128xf32, #tpu.memory_space<hbm>> -> memref<10000x128xf32, #tpu.memory_space<hbm>>
      %dma_wait3A_856 = tpu.memref_slice %arg7[%dma_wait3A_845] : memref<10x!tpu.dma_semaphore, #tpu.memory_space<semaphore_mem>> -> memref<1x!tpu.dma_semaphore, #tpu.memory_space<semaphore_mem>>
      %dma_wait3A_857 = tpu.memref_squeeze %dma_wait3A_856 : memref<1x!tpu.dma_semaphore, #tpu.memory_space<semaphore_mem>> -> memref<!tpu.dma_semaphore, #tpu.memory_space<semaphore_mem>>
      tpu.wait_indirect_dma semaphore(%dma_wait3A_857 : memref<!tpu.dma_semaphore, #tpu.memory_space<semaphore_mem>>) src(%dma_wait3A_855 : memref<10000x128xf32, #tpu.memory_space<hbm>>) dst(%dma_wait3A_849 : memref<40x128xf32, #tpu.memory_space<vmem>>)
      %mul3A_858 = arith.constant 40 : i32
      %mul3A_859 = arith.muli %add3A_843, %mul3A_858 : i32
      %add3A_860 = arith.addi %mul3A_2, %mul3A_859 : i32
      %dma_start3A_861 = arith.constant 7 : i32
      %dma_start3A_862 = arith.constant 7 : i32
      %dma_start3A_863 = arith.constant 0 : i32
      %dma_start3A_864 = arith.constant 0 : i32
      %dma_start3A_865 = tpu.memref_slice %arg6[%dma_start3A_861, %dma_start3A_863, %dma_start3A_864] : memref<10x40x128xf32, #tpu.memory_space<vmem>> -> memref<1x40x128xf32, #tpu.memory_space<vmem>>
      %dma_start3A_866 = tpu.memref_squeeze %dma_start3A_865 : memref<1x40x128xf32, #tpu.memory_space<vmem>> -> memref<40x128xf32, #tpu.memory_space<vmem>>
      %dma_start3A_867 = arith.constant 0 : i32
      %dma_start3A_868 = tpu.memref_slice %arg4[%add3A_860, %dma_start3A_867] : memref<160000x128xf32, #tpu.memory_space<hbm>> -> memref<40x128xf32, #tpu.memory_space<hbm>>
      %dma_start3A_869 = tpu.memref_slice %arg8[%dma_start3A_862] : memref<10x!tpu.dma_semaphore, #tpu.memory_space<semaphore_mem>> -> memref<1x!tpu.dma_semaphore, #tpu.memory_space<semaphore_mem>>
      %dma_start3A_870 = tpu.memref_squeeze %dma_start3A_869 : memref<1x!tpu.dma_semaphore, #tpu.memory_space<semaphore_mem>> -> memref<!tpu.dma_semaphore, #tpu.memory_space<semaphore_mem>>
      %dma_start3A_871 = arith.constant 0 : i32
      %dma_start3A_872 = tpu.memref_slice %arg4[%add3A_860, %dma_start3A_871] : memref<160000x128xf32, #tpu.memory_space<hbm>> -> memref<40x128xf32, #tpu.memory_space<hbm>>
      %dma_start3A_873 = arith.constant 0 : i32
      %dma_start3A_874 = arith.constant 0 : i32
      %dma_start3A_875 = tpu.memref_slice %arg6[%dma_start3A_861, %dma_start3A_873, %dma_start3A_874] : memref<10x40x128xf32, #tpu.memory_space<vmem>> -> memref<1x40x128xf32, #tpu.memory_space<vmem>>
      %dma_start3A_876 = tpu.memref_squeeze %dma_start3A_875 : memref<1x40x128xf32, #tpu.memory_space<vmem>> -> memref<40x128xf32, #tpu.memory_space<vmem>>
      tpu.enqueue_dma source(%dma_start3A_876 : memref<40x128xf32, #tpu.memory_space<vmem>>) target(%dma_start3A_872 : memref<40x128xf32, #tpu.memory_space<hbm>>) target_semaphore(%dma_start3A_870 : memref<!tpu.dma_semaphore, #tpu.memory_space<semaphore_mem>>)
      %ge3A_877 = arith.constant 1 : i32
      %ge3A_878 = arith.cmpi sge, %add3A_723, %ge3A_877 : i32
      %convert_element_type3A_879 = arith.extui %ge3A_878 : i1 to i32
      %cond3A_880 = arith.constant 0 : i32
      %cond3A_881 = arith.cmpi ne, %convert_element_type3A_879, %cond3A_880 : i32
      scf.if %cond3A_881 {
        %sub3A = arith.constant 5 : i32
        %sub3A_1015 = arith.subi %add3A_843, %sub3A : i32
        %mul3A_1016 = arith.constant 40 : i32
        %mul3A_1017 = arith.muli %sub3A_1015, %mul3A_1016 : i32
        %add3A_1018 = arith.addi %mul3A_2, %mul3A_1017 : i32
        %dma_wait3A_1019 = arith.constant 2 : i32
        %dma_wait3A_1020 = arith.constant 2 : i32
        %dma_wait3A_1021 = arith.constant 0 : i32
        %dma_wait3A_1022 = arith.constant 0 : i32
        %dma_wait3A_1023 = tpu.memref_slice %arg6[%dma_wait3A_1019, %dma_wait3A_1021, %dma_wait3A_1022] : memref<10x40x128xf32, #tpu.memory_space<vmem>> -> memref<1x40x128xf32, #tpu.memory_space<vmem>>
        %dma_wait3A_1024 = tpu.memref_squeeze %dma_wait3A_1023 : memref<1x40x128xf32, #tpu.memory_space<vmem>> -> memref<40x128xf32, #tpu.memory_space<vmem>>
        %dma_wait3A_1025 = arith.constant 0 : i32
        %dma_wait3A_1026 = tpu.memref_slice %arg4[%add3A_1018, %dma_wait3A_1025] : memref<160000x128xf32, #tpu.memory_space<hbm>> -> memref<40x128xf32, #tpu.memory_space<hbm>>
        %dma_wait3A_1027 = tpu.memref_slice %arg8[%dma_wait3A_1020] : memref<10x!tpu.dma_semaphore, #tpu.memory_space<semaphore_mem>> -> memref<1x!tpu.dma_semaphore, #tpu.memory_space<semaphore_mem>>
        %dma_wait3A_1028 = tpu.memref_squeeze %dma_wait3A_1027 : memref<1x!tpu.dma_semaphore, #tpu.memory_space<semaphore_mem>> -> memref<!tpu.dma_semaphore, #tpu.memory_space<semaphore_mem>>
        %dma_wait3A_1029 = arith.constant 0 : i32
        %dma_wait3A_1030 = tpu.memref_slice %arg4[%add3A_1018, %dma_wait3A_1029] : memref<160000x128xf32, #tpu.memory_space<hbm>> -> memref<40x128xf32, #tpu.memory_space<hbm>>
        %dma_wait3A_1031 = arith.constant 0 : i32
        %dma_wait3A_1032 = arith.constant 0 : i32
        %dma_wait3A_1033 = tpu.memref_slice %arg6[%dma_wait3A_1019, %dma_wait3A_1031, %dma_wait3A_1032] : memref<10x40x128xf32, #tpu.memory_space<vmem>> -> memref<1x40x128xf32, #tpu.memory_space<vmem>>
        %dma_wait3A_1034 = tpu.memref_squeeze %dma_wait3A_1033 : memref<1x40x128xf32, #tpu.memory_space<vmem>> -> memref<40x128xf32, #tpu.memory_space<vmem>>
        tpu.wait_dma2 semaphore(%dma_wait3A_1028 : memref<!tpu.dma_semaphore, #tpu.memory_space<semaphore_mem>>) src(%dma_wait3A_1034 : memref<40x128xf32, #tpu.memory_space<vmem>>) dst(%dma_wait3A_1030 : memref<40x128xf32, #tpu.memory_space<hbm>>)
      } else {
      }
      %add3A_882 = arith.constant 5 : i32
      %add3A_883 = arith.addi %add3A_843, %add3A_882 : i32
      %dma_start3A_884 = arith.constant 2 : i32
      %dma_start3A_885 = arith.constant 2 : i32
      %dma_start3A_886 = arith.constant 0 : i32
      %dma_start3A_887 = arith.constant 0 : i32
      %dma_start3A_888 = tpu.memref_slice %arg6[%dma_start3A_884, %dma_start3A_886, %dma_start3A_887] : memref<10x40x128xf32, #tpu.memory_space<vmem>> -> memref<1x40x128xf32, #tpu.memory_space<vmem>>
      %dma_start3A_889 = tpu.memref_squeeze %dma_start3A_888 : memref<1x40x128xf32, #tpu.memory_space<vmem>> -> memref<40x128xf32, #tpu.memory_space<vmem>>
      %dma_start3A_890 = arith.constant 0 : i32
      %dma_start3A_891 = tpu.memref_slice %arg5[%add3A_883, %dma_start3A_890] : memref<125x40xi32, #tpu.memory_space<vmem>> -> memref<1x40xi32, #tpu.memory_space<vmem>>
      %dma_start3A_892 = tpu.memref_squeeze %dma_start3A_891 : memref<1x40xi32, #tpu.memory_space<vmem>> -> memref<40xi32, #tpu.memory_space<vmem>>
      %dma_start3A_893 = arith.constant 0 : i32
      %dma_start3A_894 = arith.constant 0 : i32
      %dma_start3A_895 = tpu.memref_slice %arg2[%dma_start3A_893, %dma_start3A_894] : memref<10000x128xf32, #tpu.memory_space<hbm>> -> memref<10000x128xf32, #tpu.memory_space<hbm>>
      %dma_start3A_896 = tpu.memref_slice %arg7[%dma_start3A_885] : memref<10x!tpu.dma_semaphore, #tpu.memory_space<semaphore_mem>> -> memref<1x!tpu.dma_semaphore, #tpu.memory_space<semaphore_mem>>
      %dma_start3A_897 = tpu.memref_squeeze %dma_start3A_896 : memref<1x!tpu.dma_semaphore, #tpu.memory_space<semaphore_mem>> -> memref<!tpu.dma_semaphore, #tpu.memory_space<semaphore_mem>>
      tpu.enqueue_indirect_dma source(%dma_start3A_895 : memref<10000x128xf32, #tpu.memory_space<hbm>>) target(%dma_start3A_889 : memref<40x128xf32, #tpu.memory_space<vmem>>) offsets(%dma_start3A_892 : memref<40xi32, #tpu.memory_space<vmem>>) semaphore(%dma_start3A_897 : memref<!tpu.dma_semaphore, #tpu.memory_space<semaphore_mem>>)
      %mul3A_898 = arith.constant 5 : i32
      %mul3A_899 = arith.muli %add3A_723, %mul3A_898 : i32
      %add3A_900 = arith.constant 3 : i32
      %add3A_901 = arith.addi %mul3A_899, %add3A_900 : i32
      %dma_wait3A_902 = arith.constant 8 : i32
      %dma_wait3A_903 = arith.constant 8 : i32
      %dma_wait3A_904 = arith.constant 0 : i32
      %dma_wait3A_905 = arith.constant 0 : i32
      %dma_wait3A_906 = tpu.memref_slice %arg6[%dma_wait3A_902, %dma_wait3A_904, %dma_wait3A_905] : memref<10x40x128xf32, #tpu.memory_space<vmem>> -> memref<1x40x128xf32, #tpu.memory_space<vmem>>
      %dma_wait3A_907 = tpu.memref_squeeze %dma_wait3A_906 : memref<1x40x128xf32, #tpu.memory_space<vmem>> -> memref<40x128xf32, #tpu.memory_space<vmem>>
      %dma_wait3A_908 = arith.constant 0 : i32
      %dma_wait3A_909 = tpu.memref_slice %arg5[%add3A_901, %dma_wait3A_908] : memref<125x40xi32, #tpu.memory_space<vmem>> -> memref<1x40xi32, #tpu.memory_space<vmem>>
      %dma_wait3A_910 = tpu.memref_squeeze %dma_wait3A_909 : memref<1x40xi32, #tpu.memory_space<vmem>> -> memref<40xi32, #tpu.memory_space<vmem>>
      %dma_wait3A_911 = arith.constant 0 : i32
      %dma_wait3A_912 = arith.constant 0 : i32
      %dma_wait3A_913 = tpu.memref_slice %arg2[%dma_wait3A_911, %dma_wait3A_912] : memref<10000x128xf32, #tpu.memory_space<hbm>> -> memref<10000x128xf32, #tpu.memory_space<hbm>>
      %dma_wait3A_914 = tpu.memref_slice %arg7[%dma_wait3A_903] : memref<10x!tpu.dma_semaphore, #tpu.memory_space<semaphore_mem>> -> memref<1x!tpu.dma_semaphore, #tpu.memory_space<semaphore_mem>>
      %dma_wait3A_915 = tpu.memref_squeeze %dma_wait3A_914 : memref<1x!tpu.dma_semaphore, #tpu.memory_space<semaphore_mem>> -> memref<!tpu.dma_semaphore, #tpu.memory_space<semaphore_mem>>
      tpu.wait_indirect_dma semaphore(%dma_wait3A_915 : memref<!tpu.dma_semaphore, #tpu.memory_space<semaphore_mem>>) src(%dma_wait3A_913 : memref<10000x128xf32, #tpu.memory_space<hbm>>) dst(%dma_wait3A_907 : memref<40x128xf32, #tpu.memory_space<vmem>>)
      %mul3A_916 = arith.constant 40 : i32
      %mul3A_917 = arith.muli %add3A_901, %mul3A_916 : i32
      %add3A_918 = arith.addi %mul3A_2, %mul3A_917 : i32
      %dma_start3A_919 = arith.constant 8 : i32
      %dma_start3A_920 = arith.constant 8 : i32
      %dma_start3A_921 = arith.constant 0 : i32
      %dma_start3A_922 = arith.constant 0 : i32
      %dma_start3A_923 = tpu.memref_slice %arg6[%dma_start3A_919, %dma_start3A_921, %dma_start3A_922] : memref<10x40x128xf32, #tpu.memory_space<vmem>> -> memref<1x40x128xf32, #tpu.memory_space<vmem>>
      %dma_start3A_924 = tpu.memref_squeeze %dma_start3A_923 : memref<1x40x128xf32, #tpu.memory_space<vmem>> -> memref<40x128xf32, #tpu.memory_space<vmem>>
      %dma_start3A_925 = arith.constant 0 : i32
      %dma_start3A_926 = tpu.memref_slice %arg4[%add3A_918, %dma_start3A_925] : memref<160000x128xf32, #tpu.memory_space<hbm>> -> memref<40x128xf32, #tpu.memory_space<hbm>>
      %dma_start3A_927 = tpu.memref_slice %arg8[%dma_start3A_920] : memref<10x!tpu.dma_semaphore, #tpu.memory_space<semaphore_mem>> -> memref<1x!tpu.dma_semaphore, #tpu.memory_space<semaphore_mem>>
      %dma_start3A_928 = tpu.memref_squeeze %dma_start3A_927 : memref<1x!tpu.dma_semaphore, #tpu.memory_space<semaphore_mem>> -> memref<!tpu.dma_semaphore, #tpu.memory_space<semaphore_mem>>
      %dma_start3A_929 = arith.constant 0 : i32
      %dma_start3A_930 = tpu.memref_slice %arg4[%add3A_918, %dma_start3A_929] : memref<160000x128xf32, #tpu.memory_space<hbm>> -> memref<40x128xf32, #tpu.memory_space<hbm>>
      %dma_start3A_931 = arith.constant 0 : i32
      %dma_start3A_932 = arith.constant 0 : i32
      %dma_start3A_933 = tpu.memref_slice %arg6[%dma_start3A_919, %dma_start3A_931, %dma_start3A_932] : memref<10x40x128xf32, #tpu.memory_space<vmem>> -> memref<1x40x128xf32, #tpu.memory_space<vmem>>
      %dma_start3A_934 = tpu.memref_squeeze %dma_start3A_933 : memref<1x40x128xf32, #tpu.memory_space<vmem>> -> memref<40x128xf32, #tpu.memory_space<vmem>>
      tpu.enqueue_dma source(%dma_start3A_934 : memref<40x128xf32, #tpu.memory_space<vmem>>) target(%dma_start3A_930 : memref<40x128xf32, #tpu.memory_space<hbm>>) target_semaphore(%dma_start3A_928 : memref<!tpu.dma_semaphore, #tpu.memory_space<semaphore_mem>>)
      %ge3A_935 = arith.constant 1 : i32
      %ge3A_936 = arith.cmpi sge, %add3A_723, %ge3A_935 : i32
      %convert_element_type3A_937 = arith.extui %ge3A_936 : i1 to i32
      %cond3A_938 = arith.constant 0 : i32
      %cond3A_939 = arith.cmpi ne, %convert_element_type3A_937, %cond3A_938 : i32
      scf.if %cond3A_939 {
        %sub3A = arith.constant 5 : i32
        %sub3A_1015 = arith.subi %add3A_901, %sub3A : i32
        %mul3A_1016 = arith.constant 40 : i32
        %mul3A_1017 = arith.muli %sub3A_1015, %mul3A_1016 : i32
        %add3A_1018 = arith.addi %mul3A_2, %mul3A_1017 : i32
        %dma_wait3A_1019 = arith.constant 3 : i32
        %dma_wait3A_1020 = arith.constant 3 : i32
        %dma_wait3A_1021 = arith.constant 0 : i32
        %dma_wait3A_1022 = arith.constant 0 : i32
        %dma_wait3A_1023 = tpu.memref_slice %arg6[%dma_wait3A_1019, %dma_wait3A_1021, %dma_wait3A_1022] : memref<10x40x128xf32, #tpu.memory_space<vmem>> -> memref<1x40x128xf32, #tpu.memory_space<vmem>>
        %dma_wait3A_1024 = tpu.memref_squeeze %dma_wait3A_1023 : memref<1x40x128xf32, #tpu.memory_space<vmem>> -> memref<40x128xf32, #tpu.memory_space<vmem>>
        %dma_wait3A_1025 = arith.constant 0 : i32
        %dma_wait3A_1026 = tpu.memref_slice %arg4[%add3A_1018, %dma_wait3A_1025] : memref<160000x128xf32, #tpu.memory_space<hbm>> -> memref<40x128xf32, #tpu.memory_space<hbm>>
        %dma_wait3A_1027 = tpu.memref_slice %arg8[%dma_wait3A_1020] : memref<10x!tpu.dma_semaphore, #tpu.memory_space<semaphore_mem>> -> memref<1x!tpu.dma_semaphore, #tpu.memory_space<semaphore_mem>>
        %dma_wait3A_1028 = tpu.memref_squeeze %dma_wait3A_1027 : memref<1x!tpu.dma_semaphore, #tpu.memory_space<semaphore_mem>> -> memref<!tpu.dma_semaphore, #tpu.memory_space<semaphore_mem>>
        %dma_wait3A_1029 = arith.constant 0 : i32
        %dma_wait3A_1030 = tpu.memref_slice %arg4[%add3A_1018, %dma_wait3A_1029] : memref<160000x128xf32, #tpu.memory_space<hbm>> -> memref<40x128xf32, #tpu.memory_space<hbm>>
        %dma_wait3A_1031 = arith.constant 0 : i32
        %dma_wait3A_1032 = arith.constant 0 : i32
        %dma_wait3A_1033 = tpu.memref_slice %arg6[%dma_wait3A_1019, %dma_wait3A_1031, %dma_wait3A_1032] : memref<10x40x128xf32, #tpu.memory_space<vmem>> -> memref<1x40x128xf32, #tpu.memory_space<vmem>>
        %dma_wait3A_1034 = tpu.memref_squeeze %dma_wait3A_1033 : memref<1x40x128xf32, #tpu.memory_space<vmem>> -> memref<40x128xf32, #tpu.memory_space<vmem>>
        tpu.wait_dma2 semaphore(%dma_wait3A_1028 : memref<!tpu.dma_semaphore, #tpu.memory_space<semaphore_mem>>) src(%dma_wait3A_1034 : memref<40x128xf32, #tpu.memory_space<vmem>>) dst(%dma_wait3A_1030 : memref<40x128xf32, #tpu.memory_space<hbm>>)
      } else {
      }
      %add3A_940 = arith.constant 5 : i32
      %add3A_941 = arith.addi %add3A_901, %add3A_940 : i32
      %dma_start3A_942 = arith.constant 3 : i32
      %dma_start3A_943 = arith.constant 3 : i32
      %dma_start3A_944 = arith.constant 0 : i32
      %dma_start3A_945 = arith.constant 0 : i32
      %dma_start3A_946 = tpu.memref_slice %arg6[%dma_start3A_942, %dma_start3A_944, %dma_start3A_945] : memref<10x40x128xf32, #tpu.memory_space<vmem>> -> memref<1x40x128xf32, #tpu.memory_space<vmem>>
      %dma_start3A_947 = tpu.memref_squeeze %dma_start3A_946 : memref<1x40x128xf32, #tpu.memory_space<vmem>> -> memref<40x128xf32, #tpu.memory_space<vmem>>
      %dma_start3A_948 = arith.constant 0 : i32
      %dma_start3A_949 = tpu.memref_slice %arg5[%add3A_941, %dma_start3A_948] : memref<125x40xi32, #tpu.memory_space<vmem>> -> memref<1x40xi32, #tpu.memory_space<vmem>>
      %dma_start3A_950 = tpu.memref_squeeze %dma_start3A_949 : memref<1x40xi32, #tpu.memory_space<vmem>> -> memref<40xi32, #tpu.memory_space<vmem>>
      %dma_start3A_951 = arith.constant 0 : i32
      %dma_start3A_952 = arith.constant 0 : i32
      %dma_start3A_953 = tpu.memref_slice %arg2[%dma_start3A_951, %dma_start3A_952] : memref<10000x128xf32, #tpu.memory_space<hbm>> -> memref<10000x128xf32, #tpu.memory_space<hbm>>
      %dma_start3A_954 = tpu.memref_slice %arg7[%dma_start3A_943] : memref<10x!tpu.dma_semaphore, #tpu.memory_space<semaphore_mem>> -> memref<1x!tpu.dma_semaphore, #tpu.memory_space<semaphore_mem>>
      %dma_start3A_955 = tpu.memref_squeeze %dma_start3A_954 : memref<1x!tpu.dma_semaphore, #tpu.memory_space<semaphore_mem>> -> memref<!tpu.dma_semaphore, #tpu.memory_space<semaphore_mem>>
      tpu.enqueue_indirect_dma source(%dma_start3A_953 : memref<10000x128xf32, #tpu.memory_space<hbm>>) target(%dma_start3A_947 : memref<40x128xf32, #tpu.memory_space<vmem>>) offsets(%dma_start3A_950 : memref<40xi32, #tpu.memory_space<vmem>>) semaphore(%dma_start3A_955 : memref<!tpu.dma_semaphore, #tpu.memory_space<semaphore_mem>>)
      %mul3A_956 = arith.constant 5 : i32
      %mul3A_957 = arith.muli %add3A_723, %mul3A_956 : i32
      %add3A_958 = arith.constant 4 : i32
      %add3A_959 = arith.addi %mul3A_957, %add3A_958 : i32
      %dma_wait3A_960 = arith.constant 9 : i32
      %dma_wait3A_961 = arith.constant 9 : i32
      %dma_wait3A_962 = arith.constant 0 : i32
      %dma_wait3A_963 = arith.constant 0 : i32
      %dma_wait3A_964 = tpu.memref_slice %arg6[%dma_wait3A_960, %dma_wait3A_962, %dma_wait3A_963] : memref<10x40x128xf32, #tpu.memory_space<vmem>> -> memref<1x40x128xf32, #tpu.memory_space<vmem>>
      %dma_wait3A_965 = tpu.memref_squeeze %dma_wait3A_964 : memref<1x40x128xf32, #tpu.memory_space<vmem>> -> memref<40x128xf32, #tpu.memory_space<vmem>>
      %dma_wait3A_966 = arith.constant 0 : i32
      %dma_wait3A_967 = tpu.memref_slice %arg5[%add3A_959, %dma_wait3A_966] : memref<125x40xi32, #tpu.memory_space<vmem>> -> memref<1x40xi32, #tpu.memory_space<vmem>>
      %dma_wait3A_968 = tpu.memref_squeeze %dma_wait3A_967 : memref<1x40xi32, #tpu.memory_space<vmem>> -> memref<40xi32, #tpu.memory_space<vmem>>
      %dma_wait3A_969 = arith.constant 0 : i32
      %dma_wait3A_970 = arith.constant 0 : i32
      %dma_wait3A_971 = tpu.memref_slice %arg2[%dma_wait3A_969, %dma_wait3A_970] : memref<10000x128xf32, #tpu.memory_space<hbm>> -> memref<10000x128xf32, #tpu.memory_space<hbm>>
      %dma_wait3A_972 = tpu.memref_slice %arg7[%dma_wait3A_961] : memref<10x!tpu.dma_semaphore, #tpu.memory_space<semaphore_mem>> -> memref<1x!tpu.dma_semaphore, #tpu.memory_space<semaphore_mem>>
      %dma_wait3A_973 = tpu.memref_squeeze %dma_wait3A_972 : memref<1x!tpu.dma_semaphore, #tpu.memory_space<semaphore_mem>> -> memref<!tpu.dma_semaphore, #tpu.memory_space<semaphore_mem>>
      tpu.wait_indirect_dma semaphore(%dma_wait3A_973 : memref<!tpu.dma_semaphore, #tpu.memory_space<semaphore_mem>>) src(%dma_wait3A_971 : memref<10000x128xf32, #tpu.memory_space<hbm>>) dst(%dma_wait3A_965 : memref<40x128xf32, #tpu.memory_space<vmem>>)
      %mul3A_974 = arith.constant 40 : i32
      %mul3A_975 = arith.muli %add3A_959, %mul3A_974 : i32
      %add3A_976 = arith.addi %mul3A_2, %mul3A_975 : i32
      %dma_start3A_977 = arith.constant 9 : i32
      %dma_start3A_978 = arith.constant 9 : i32
      %dma_start3A_979 = arith.constant 0 : i32
      %dma_start3A_980 = arith.constant 0 : i32
      %dma_start3A_981 = tpu.memref_slice %arg6[%dma_start3A_977, %dma_start3A_979, %dma_start3A_980] : memref<10x40x128xf32, #tpu.memory_space<vmem>> -> memref<1x40x128xf32, #tpu.memory_space<vmem>>
      %dma_start3A_982 = tpu.memref_squeeze %dma_start3A_981 : memref<1x40x128xf32, #tpu.memory_space<vmem>> -> memref<40x128xf32, #tpu.memory_space<vmem>>
      %dma_start3A_983 = arith.constant 0 : i32
      %dma_start3A_984 = tpu.memref_slice %arg4[%add3A_976, %dma_start3A_983] : memref<160000x128xf32, #tpu.memory_space<hbm>> -> memref<40x128xf32, #tpu.memory_space<hbm>>
      %dma_start3A_985 = tpu.memref_slice %arg8[%dma_start3A_978] : memref<10x!tpu.dma_semaphore, #tpu.memory_space<semaphore_mem>> -> memref<1x!tpu.dma_semaphore, #tpu.memory_space<semaphore_mem>>
      %dma_start3A_986 = tpu.memref_squeeze %dma_start3A_985 : memref<1x!tpu.dma_semaphore, #tpu.memory_space<semaphore_mem>> -> memref<!tpu.dma_semaphore, #tpu.memory_space<semaphore_mem>>
      %dma_start3A_987 = arith.constant 0 : i32
      %dma_start3A_988 = tpu.memref_slice %arg4[%add3A_976, %dma_start3A_987] : memref<160000x128xf32, #tpu.memory_space<hbm>> -> memref<40x128xf32, #tpu.memory_space<hbm>>
      %dma_start3A_989 = arith.constant 0 : i32
      %dma_start3A_990 = arith.constant 0 : i32
      %dma_start3A_991 = tpu.memref_slice %arg6[%dma_start3A_977, %dma_start3A_989, %dma_start3A_990] : memref<10x40x128xf32, #tpu.memory_space<vmem>> -> memref<1x40x128xf32, #tpu.memory_space<vmem>>
      %dma_start3A_992 = tpu.memref_squeeze %dma_start3A_991 : memref<1x40x128xf32, #tpu.memory_space<vmem>> -> memref<40x128xf32, #tpu.memory_space<vmem>>
      tpu.enqueue_dma source(%dma_start3A_992 : memref<40x128xf32, #tpu.memory_space<vmem>>) target(%dma_start3A_988 : memref<40x128xf32, #tpu.memory_space<hbm>>) target_semaphore(%dma_start3A_986 : memref<!tpu.dma_semaphore, #tpu.memory_space<semaphore_mem>>)
      %ge3A_993 = arith.constant 1 : i32
      %ge3A_994 = arith.cmpi sge, %add3A_723, %ge3A_993 : i32
      %convert_element_type3A_995 = arith.extui %ge3A_994 : i1 to i32
      %cond3A_996 = arith.constant 0 : i32
      %cond3A_997 = arith.cmpi ne, %convert_element_type3A_995, %cond3A_996 : i32
      scf.if %cond3A_997 {
        %sub3A = arith.constant 5 : i32
        %sub3A_1015 = arith.subi %add3A_959, %sub3A : i32
        %mul3A_1016 = arith.constant 40 : i32
        %mul3A_1017 = arith.muli %sub3A_1015, %mul3A_1016 : i32
        %add3A_1018 = arith.addi %mul3A_2, %mul3A_1017 : i32
        %dma_wait3A_1019 = arith.constant 4 : i32
        %dma_wait3A_1020 = arith.constant 4 : i32
        %dma_wait3A_1021 = arith.constant 0 : i32
        %dma_wait3A_1022 = arith.constant 0 : i32
        %dma_wait3A_1023 = tpu.memref_slice %arg6[%dma_wait3A_1019, %dma_wait3A_1021, %dma_wait3A_1022] : memref<10x40x128xf32, #tpu.memory_space<vmem>> -> memref<1x40x128xf32, #tpu.memory_space<vmem>>
        %dma_wait3A_1024 = tpu.memref_squeeze %dma_wait3A_1023 : memref<1x40x128xf32, #tpu.memory_space<vmem>> -> memref<40x128xf32, #tpu.memory_space<vmem>>
        %dma_wait3A_1025 = arith.constant 0 : i32
        %dma_wait3A_1026 = tpu.memref_slice %arg4[%add3A_1018, %dma_wait3A_1025] : memref<160000x128xf32, #tpu.memory_space<hbm>> -> memref<40x128xf32, #tpu.memory_space<hbm>>
        %dma_wait3A_1027 = tpu.memref_slice %arg8[%dma_wait3A_1020] : memref<10x!tpu.dma_semaphore, #tpu.memory_space<semaphore_mem>> -> memref<1x!tpu.dma_semaphore, #tpu.memory_space<semaphore_mem>>
        %dma_wait3A_1028 = tpu.memref_squeeze %dma_wait3A_1027 : memref<1x!tpu.dma_semaphore, #tpu.memory_space<semaphore_mem>> -> memref<!tpu.dma_semaphore, #tpu.memory_space<semaphore_mem>>
        %dma_wait3A_1029 = arith.constant 0 : i32
        %dma_wait3A_1030 = tpu.memref_slice %arg4[%add3A_1018, %dma_wait3A_1029] : memref<160000x128xf32, #tpu.memory_space<hbm>> -> memref<40x128xf32, #tpu.memory_space<hbm>>
        %dma_wait3A_1031 = arith.constant 0 : i32
        %dma_wait3A_1032 = arith.constant 0 : i32
        %dma_wait3A_1033 = tpu.memref_slice %arg6[%dma_wait3A_1019, %dma_wait3A_1031, %dma_wait3A_1032] : memref<10x40x128xf32, #tpu.memory_space<vmem>> -> memref<1x40x128xf32, #tpu.memory_space<vmem>>
        %dma_wait3A_1034 = tpu.memref_squeeze %dma_wait3A_1033 : memref<1x40x128xf32, #tpu.memory_space<vmem>> -> memref<40x128xf32, #tpu.memory_space<vmem>>
        tpu.wait_dma2 semaphore(%dma_wait3A_1028 : memref<!tpu.dma_semaphore, #tpu.memory_space<semaphore_mem>>) src(%dma_wait3A_1034 : memref<40x128xf32, #tpu.memory_space<vmem>>) dst(%dma_wait3A_1030 : memref<40x128xf32, #tpu.memory_space<hbm>>)
      } else {
      }
      %add3A_998 = arith.constant 5 : i32
      %add3A_999 = arith.addi %add3A_959, %add3A_998 : i32
      %dma_start3A_1000 = arith.constant 4 : i32
      %dma_start3A_1001 = arith.constant 4 : i32
      %dma_start3A_1002 = arith.constant 0 : i32
      %dma_start3A_1003 = arith.constant 0 : i32
      %dma_start3A_1004 = tpu.memref_slice %arg6[%dma_start3A_1000, %dma_start3A_1002, %dma_start3A_1003] : memref<10x40x128xf32, #tpu.memory_space<vmem>> -> memref<1x40x128xf32, #tpu.memory_space<vmem>>
      %dma_start3A_1005 = tpu.memref_squeeze %dma_start3A_1004 : memref<1x40x128xf32, #tpu.memory_space<vmem>> -> memref<40x128xf32, #tpu.memory_space<vmem>>
      %dma_start3A_1006 = arith.constant 0 : i32
      %dma_start3A_1007 = tpu.memref_slice %arg5[%add3A_999, %dma_start3A_1006] : memref<125x40xi32, #tpu.memory_space<vmem>> -> memref<1x40xi32, #tpu.memory_space<vmem>>
      %dma_start3A_1008 = tpu.memref_squeeze %dma_start3A_1007 : memref<1x40xi32, #tpu.memory_space<vmem>> -> memref<40xi32, #tpu.memory_space<vmem>>
      %dma_start3A_1009 = arith.constant 0 : i32
      %dma_start3A_1010 = arith.constant 0 : i32
      %dma_start3A_1011 = tpu.memref_slice %arg2[%dma_start3A_1009, %dma_start3A_1010] : memref<10000x128xf32, #tpu.memory_space<hbm>> -> memref<10000x128xf32, #tpu.memory_space<hbm>>
      %dma_start3A_1012 = tpu.memref_slice %arg7[%dma_start3A_1001] : memref<10x!tpu.dma_semaphore, #tpu.memory_space<semaphore_mem>> -> memref<1x!tpu.dma_semaphore, #tpu.memory_space<semaphore_mem>>
      %dma_start3A_1013 = tpu.memref_squeeze %dma_start3A_1012 : memref<1x!tpu.dma_semaphore, #tpu.memory_space<semaphore_mem>> -> memref<!tpu.dma_semaphore, #tpu.memory_space<semaphore_mem>>
      tpu.enqueue_indirect_dma source(%dma_start3A_1011 : memref<10000x128xf32, #tpu.memory_space<hbm>>) target(%dma_start3A_1005 : memref<40x128xf32, #tpu.memory_space<vmem>>) offsets(%dma_start3A_1008 : memref<40xi32, #tpu.memory_space<vmem>>) semaphore(%dma_start3A_1013 : memref<!tpu.dma_semaphore, #tpu.memory_space<semaphore_mem>>)
      %scan3A_1014 = arith.constant 0 : i32
      scf.yield %scan3A_1014 : i32
    }
    %scan3A_82 = arith.constant 12 : i32
    %dma_wait3A = arith.constant 120 : i32
    %dma_wait3A_83 = arith.constant 0 : i32
    %dma_wait3A_84 = arith.constant 0 : i32
    %dma_wait3A_85 = arith.constant 0 : i32
    %dma_wait3A_86 = arith.constant 0 : i32
    %dma_wait3A_87 = tpu.memref_slice %arg6[%dma_wait3A_83, %dma_wait3A_85, %dma_wait3A_86] : memref<10x40x128xf32, #tpu.memory_space<vmem>> -> memref<1x40x128xf32, #tpu.memory_space<vmem>>
    %dma_wait3A_88 = tpu.memref_squeeze %dma_wait3A_87 : memref<1x40x128xf32, #tpu.memory_space<vmem>> -> memref<40x128xf32, #tpu.memory_space<vmem>>
    %dma_wait3A_89 = arith.constant 0 : i32
    %dma_wait3A_90 = tpu.memref_slice %arg5[%dma_wait3A, %dma_wait3A_89] : memref<125x40xi32, #tpu.memory_space<vmem>> -> memref<1x40xi32, #tpu.memory_space<vmem>>
    %dma_wait3A_91 = tpu.memref_squeeze %dma_wait3A_90 : memref<1x40xi32, #tpu.memory_space<vmem>> -> memref<40xi32, #tpu.memory_space<vmem>>
    %dma_wait3A_92 = arith.constant 0 : i32
    %dma_wait3A_93 = arith.constant 0 : i32
    %dma_wait3A_94 = tpu.memref_slice %arg2[%dma_wait3A_92, %dma_wait3A_93] : memref<10000x128xf32, #tpu.memory_space<hbm>> -> memref<10000x128xf32, #tpu.memory_space<hbm>>
    %dma_wait3A_95 = tpu.memref_slice %arg7[%dma_wait3A_84] : memref<10x!tpu.dma_semaphore, #tpu.memory_space<semaphore_mem>> -> memref<1x!tpu.dma_semaphore, #tpu.memory_space<semaphore_mem>>
    %dma_wait3A_96 = tpu.memref_squeeze %dma_wait3A_95 : memref<1x!tpu.dma_semaphore, #tpu.memory_space<semaphore_mem>> -> memref<!tpu.dma_semaphore, #tpu.memory_space<semaphore_mem>>
    tpu.wait_indirect_dma semaphore(%dma_wait3A_96 : memref<!tpu.dma_semaphore, #tpu.memory_space<semaphore_mem>>) src(%dma_wait3A_94 : memref<10000x128xf32, #tpu.memory_space<hbm>>) dst(%dma_wait3A_88 : memref<40x128xf32, #tpu.memory_space<vmem>>)
    %add3A_97 = arith.constant 4800 : i32
    %add3A_98 = arith.addi %mul3A_2, %add3A_97 : i32
    %dma_start3A_99 = arith.constant 0 : i32
    %dma_start3A_100 = arith.constant 0 : i32
    %dma_start3A_101 = arith.constant 0 : i32
    %dma_start3A_102 = arith.constant 0 : i32
    %dma_start3A_103 = tpu.memref_slice %arg6[%dma_start3A_99, %dma_start3A_101, %dma_start3A_102] : memref<10x40x128xf32, #tpu.memory_space<vmem>> -> memref<1x40x128xf32, #tpu.memory_space<vmem>>
    %dma_start3A_104 = tpu.memref_squeeze %dma_start3A_103 : memref<1x40x128xf32, #tpu.memory_space<vmem>> -> memref<40x128xf32, #tpu.memory_space<vmem>>
    %dma_start3A_105 = arith.constant 0 : i32
    %dma_start3A_106 = tpu.memref_slice %arg4[%add3A_98, %dma_start3A_105] : memref<160000x128xf32, #tpu.memory_space<hbm>> -> memref<40x128xf32, #tpu.memory_space<hbm>>
    %dma_start3A_107 = tpu.memref_slice %arg8[%dma_start3A_100] : memref<10x!tpu.dma_semaphore, #tpu.memory_space<semaphore_mem>> -> memref<1x!tpu.dma_semaphore, #tpu.memory_space<semaphore_mem>>
    %dma_start3A_108 = tpu.memref_squeeze %dma_start3A_107 : memref<1x!tpu.dma_semaphore, #tpu.memory_space<semaphore_mem>> -> memref<!tpu.dma_semaphore, #tpu.memory_space<semaphore_mem>>
    %dma_start3A_109 = arith.constant 0 : i32
    %dma_start3A_110 = tpu.memref_slice %arg4[%add3A_98, %dma_start3A_109] : memref<160000x128xf32, #tpu.memory_space<hbm>> -> memref<40x128xf32, #tpu.memory_space<hbm>>
    %dma_start3A_111 = arith.constant 0 : i32
    %dma_start3A_112 = arith.constant 0 : i32
    %dma_start3A_113 = tpu.memref_slice %arg6[%dma_start3A_99, %dma_start3A_111, %dma_start3A_112] : memref<10x40x128xf32, #tpu.memory_space<vmem>> -> memref<1x40x128xf32, #tpu.memory_space<vmem>>
    %dma_start3A_114 = tpu.memref_squeeze %dma_start3A_113 : memref<1x40x128xf32, #tpu.memory_space<vmem>> -> memref<40x128xf32, #tpu.memory_space<vmem>>
    tpu.enqueue_dma source(%dma_start3A_114 : memref<40x128xf32, #tpu.memory_space<vmem>>) target(%dma_start3A_110 : memref<40x128xf32, #tpu.memory_space<hbm>>) target_semaphore(%dma_start3A_108 : memref<!tpu.dma_semaphore, #tpu.memory_space<semaphore_mem>>)
    %add3A_115 = arith.constant 4800 : i32
    %add3A_116 = arith.addi %mul3A_2, %add3A_115 : i32
    %dma_wait3A_117 = arith.constant 0 : i32
    %dma_wait3A_118 = arith.constant 0 : i32
    %dma_wait3A_119 = arith.constant 0 : i32
    %dma_wait3A_120 = arith.constant 0 : i32
    %dma_wait3A_121 = tpu.memref_slice %arg6[%dma_wait3A_117, %dma_wait3A_119, %dma_wait3A_120] : memref<10x40x128xf32, #tpu.memory_space<vmem>> -> memref<1x40x128xf32, #tpu.memory_space<vmem>>
    %dma_wait3A_122 = tpu.memref_squeeze %dma_wait3A_121 : memref<1x40x128xf32, #tpu.memory_space<vmem>> -> memref<40x128xf32, #tpu.memory_space<vmem>>
    %dma_wait3A_123 = arith.constant 0 : i32
    %dma_wait3A_124 = tpu.memref_slice %arg4[%add3A_116, %dma_wait3A_123] : memref<160000x128xf32, #tpu.memory_space<hbm>> -> memref<40x128xf32, #tpu.memory_space<hbm>>
    %dma_wait3A_125 = tpu.memref_slice %arg8[%dma_wait3A_118] : memref<10x!tpu.dma_semaphore, #tpu.memory_space<semaphore_mem>> -> memref<1x!tpu.dma_semaphore, #tpu.memory_space<semaphore_mem>>
    %dma_wait3A_126 = tpu.memref_squeeze %dma_wait3A_125 : memref<1x!tpu.dma_semaphore, #tpu.memory_space<semaphore_mem>> -> memref<!tpu.dma_semaphore, #tpu.memory_space<semaphore_mem>>
    %dma_wait3A_127 = arith.constant 0 : i32
    %dma_wait3A_128 = tpu.memref_slice %arg4[%add3A_116, %dma_wait3A_127] : memref<160000x128xf32, #tpu.memory_space<hbm>> -> memref<40x128xf32, #tpu.memory_space<hbm>>
    %dma_wait3A_129 = arith.constant 0 : i32
    %dma_wait3A_130 = arith.constant 0 : i32
    %dma_wait3A_131 = tpu.memref_slice %arg6[%dma_wait3A_117, %dma_wait3A_129, %dma_wait3A_130] : memref<10x40x128xf32, #tpu.memory_space<vmem>> -> memref<1x40x128xf32, #tpu.memory_space<vmem>>
    %dma_wait3A_132 = tpu.memref_squeeze %dma_wait3A_131 : memref<1x40x128xf32, #tpu.memory_space<vmem>> -> memref<40x128xf32, #tpu.memory_space<vmem>>
    tpu.wait_dma2 semaphore(%dma_wait3A_126 : memref<!tpu.dma_semaphore, #tpu.memory_space<semaphore_mem>>) src(%dma_wait3A_132 : memref<40x128xf32, #tpu.memory_space<vmem>>) dst(%dma_wait3A_128 : memref<40x128xf32, #tpu.memory_space<hbm>>)
    %add3A_133 = arith.constant 4600 : i32
    %add3A_134 = arith.addi %mul3A_2, %add3A_133 : i32
    %dma_wait3A_135 = arith.constant 5 : i32
    %dma_wait3A_136 = arith.constant 5 : i32
    %dma_wait3A_137 = arith.constant 0 : i32
    %dma_wait3A_138 = arith.constant 0 : i32
    %dma_wait3A_139 = tpu.memref_slice %arg6[%dma_wait3A_135, %dma_wait3A_137, %dma_wait3A_138] : memref<10x40x128xf32, #tpu.memory_space<vmem>> -> memref<1x40x128xf32, #tpu.memory_space<vmem>>
    %dma_wait3A_140 = tpu.memref_squeeze %dma_wait3A_139 : memref<1x40x128xf32, #tpu.memory_space<vmem>> -> memref<40x128xf32, #tpu.memory_space<vmem>>
    %dma_wait3A_141 = arith.constant 0 : i32
    %dma_wait3A_142 = tpu.memref_slice %arg4[%add3A_134, %dma_wait3A_141] : memref<160000x128xf32, #tpu.memory_space<hbm>> -> memref<40x128xf32, #tpu.memory_space<hbm>>
    %dma_wait3A_143 = tpu.memref_slice %arg8[%dma_wait3A_136] : memref<10x!tpu.dma_semaphore, #tpu.memory_space<semaphore_mem>> -> memref<1x!tpu.dma_semaphore, #tpu.memory_space<semaphore_mem>>
    %dma_wait3A_144 = tpu.memref_squeeze %dma_wait3A_143 : memref<1x!tpu.dma_semaphore, #tpu.memory_space<semaphore_mem>> -> memref<!tpu.dma_semaphore, #tpu.memory_space<semaphore_mem>>
    %dma_wait3A_145 = arith.constant 0 : i32
    %dma_wait3A_146 = tpu.memref_slice %arg4[%add3A_134, %dma_wait3A_145] : memref<160000x128xf32, #tpu.memory_space<hbm>> -> memref<40x128xf32, #tpu.memory_space<hbm>>
    %dma_wait3A_147 = arith.constant 0 : i32
    %dma_wait3A_148 = arith.constant 0 : i32
    %dma_wait3A_149 = tpu.memref_slice %arg6[%dma_wait3A_135, %dma_wait3A_147, %dma_wait3A_148] : memref<10x40x128xf32, #tpu.memory_space<vmem>> -> memref<1x40x128xf32, #tpu.memory_space<vmem>>
    %dma_wait3A_150 = tpu.memref_squeeze %dma_wait3A_149 : memref<1x40x128xf32, #tpu.memory_space<vmem>> -> memref<40x128xf32, #tpu.memory_space<vmem>>
    tpu.wait_dma2 semaphore(%dma_wait3A_144 : memref<!tpu.dma_semaphore, #tpu.memory_space<semaphore_mem>>) src(%dma_wait3A_150 : memref<40x128xf32, #tpu.memory_space<vmem>>) dst(%dma_wait3A_146 : memref<40x128xf32, #tpu.memory_space<hbm>>)
    %dma_wait3A_151 = arith.constant 121 : i32
    %dma_wait3A_152 = arith.constant 1 : i32
    %dma_wait3A_153 = arith.constant 1 : i32
    %dma_wait3A_154 = arith.constant 0 : i32
    %dma_wait3A_155 = arith.constant 0 : i32
    %dma_wait3A_156 = tpu.memref_slice %arg6[%dma_wait3A_152, %dma_wait3A_154, %dma_wait3A_155] : memref<10x40x128xf32, #tpu.memory_space<vmem>> -> memref<1x40x128xf32, #tpu.memory_space<vmem>>
    %dma_wait3A_157 = tpu.memref_squeeze %dma_wait3A_156 : memref<1x40x128xf32, #tpu.memory_space<vmem>> -> memref<40x128xf32, #tpu.memory_space<vmem>>
    %dma_wait3A_158 = arith.constant 0 : i32
    %dma_wait3A_159 = tpu.memref_slice %arg5[%dma_wait3A_151, %dma_wait3A_158] : memref<125x40xi32, #tpu.memory_space<vmem>> -> memref<1x40xi32, #tpu.memory_space<vmem>>
    %dma_wait3A_160 = tpu.memref_squeeze %dma_wait3A_159 : memref<1x40xi32, #tpu.memory_space<vmem>> -> memref<40xi32, #tpu.memory_space<vmem>>
    %dma_wait3A_161 = arith.constant 0 : i32
    %dma_wait3A_162 = arith.constant 0 : i32
    %dma_wait3A_163 = tpu.memref_slice %arg2[%dma_wait3A_161, %dma_wait3A_162] : memref<10000x128xf32, #tpu.memory_space<hbm>> -> memref<10000x128xf32, #tpu.memory_space<hbm>>
    %dma_wait3A_164 = tpu.memref_slice %arg7[%dma_wait3A_153] : memref<10x!tpu.dma_semaphore, #tpu.memory_space<semaphore_mem>> -> memref<1x!tpu.dma_semaphore, #tpu.memory_space<semaphore_mem>>
    %dma_wait3A_165 = tpu.memref_squeeze %dma_wait3A_164 : memref<1x!tpu.dma_semaphore, #tpu.memory_space<semaphore_mem>> -> memref<!tpu.dma_semaphore, #tpu.memory_space<semaphore_mem>>
    tpu.wait_indirect_dma semaphore(%dma_wait3A_165 : memref<!tpu.dma_semaphore, #tpu.memory_space<semaphore_mem>>) src(%dma_wait3A_163 : memref<10000x128xf32, #tpu.memory_space<hbm>>) dst(%dma_wait3A_157 : memref<40x128xf32, #tpu.memory_space<vmem>>)
    %add3A_166 = arith.constant 4840 : i32
    %add3A_167 = arith.addi %mul3A_2, %add3A_166 : i32
    %dma_start3A_168 = arith.constant 1 : i32
    %dma_start3A_169 = arith.constant 1 : i32
    %dma_start3A_170 = arith.constant 0 : i32
    %dma_start3A_171 = arith.constant 0 : i32
    %dma_start3A_172 = tpu.memref_slice %arg6[%dma_start3A_168, %dma_start3A_170, %dma_start3A_171] : memref<10x40x128xf32, #tpu.memory_space<vmem>> -> memref<1x40x128xf32, #tpu.memory_space<vmem>>
    %dma_start3A_173 = tpu.memref_squeeze %dma_start3A_172 : memref<1x40x128xf32, #tpu.memory_space<vmem>> -> memref<40x128xf32, #tpu.memory_space<vmem>>
    %dma_start3A_174 = arith.constant 0 : i32
    %dma_start3A_175 = tpu.memref_slice %arg4[%add3A_167, %dma_start3A_174] : memref<160000x128xf32, #tpu.memory_space<hbm>> -> memref<40x128xf32, #tpu.memory_space<hbm>>
    %dma_start3A_176 = tpu.memref_slice %arg8[%dma_start3A_169] : memref<10x!tpu.dma_semaphore, #tpu.memory_space<semaphore_mem>> -> memref<1x!tpu.dma_semaphore, #tpu.memory_space<semaphore_mem>>
    %dma_start3A_177 = tpu.memref_squeeze %dma_start3A_176 : memref<1x!tpu.dma_semaphore, #tpu.memory_space<semaphore_mem>> -> memref<!tpu.dma_semaphore, #tpu.memory_space<semaphore_mem>>
    %dma_start3A_178 = arith.constant 0 : i32
    %dma_start3A_179 = tpu.memref_slice %arg4[%add3A_167, %dma_start3A_178] : memref<160000x128xf32, #tpu.memory_space<hbm>> -> memref<40x128xf32, #tpu.memory_space<hbm>>
    %dma_start3A_180 = arith.constant 0 : i32
    %dma_start3A_181 = arith.constant 0 : i32
    %dma_start3A_182 = tpu.memref_slice %arg6[%dma_start3A_168, %dma_start3A_180, %dma_start3A_181] : memref<10x40x128xf32, #tpu.memory_space<vmem>> -> memref<1x40x128xf32, #tpu.memory_space<vmem>>
    %dma_start3A_183 = tpu.memref_squeeze %dma_start3A_182 : memref<1x40x128xf32, #tpu.memory_space<vmem>> -> memref<40x128xf32, #tpu.memory_space<vmem>>
    tpu.enqueue_dma source(%dma_start3A_183 : memref<40x128xf32, #tpu.memory_space<vmem>>) target(%dma_start3A_179 : memref<40x128xf32, #tpu.memory_space<hbm>>) target_semaphore(%dma_start3A_177 : memref<!tpu.dma_semaphore, #tpu.memory_space<semaphore_mem>>)
    %add3A_184 = arith.constant 4840 : i32
    %add3A_185 = arith.addi %mul3A_2, %add3A_184 : i32
    %dma_wait3A_186 = arith.constant 1 : i32
    %dma_wait3A_187 = arith.constant 1 : i32
    %dma_wait3A_188 = arith.constant 0 : i32
    %dma_wait3A_189 = arith.constant 0 : i32
    %dma_wait3A_190 = tpu.memref_slice %arg6[%dma_wait3A_186, %dma_wait3A_188, %dma_wait3A_189] : memref<10x40x128xf32, #tpu.memory_space<vmem>> -> memref<1x40x128xf32, #tpu.memory_space<vmem>>
    %dma_wait3A_191 = tpu.memref_squeeze %dma_wait3A_190 : memref<1x40x128xf32, #tpu.memory_space<vmem>> -> memref<40x128xf32, #tpu.memory_space<vmem>>
    %dma_wait3A_192 = arith.constant 0 : i32
    %dma_wait3A_193 = tpu.memref_slice %arg4[%add3A_185, %dma_wait3A_192] : memref<160000x128xf32, #tpu.memory_space<hbm>> -> memref<40x128xf32, #tpu.memory_space<hbm>>
    %dma_wait3A_194 = tpu.memref_slice %arg8[%dma_wait3A_187] : memref<10x!tpu.dma_semaphore, #tpu.memory_space<semaphore_mem>> -> memref<1x!tpu.dma_semaphore, #tpu.memory_space<semaphore_mem>>
    %dma_wait3A_195 = tpu.memref_squeeze %dma_wait3A_194 : memref<1x!tpu.dma_semaphore, #tpu.memory_space<semaphore_mem>> -> memref<!tpu.dma_semaphore, #tpu.memory_space<semaphore_mem>>
    %dma_wait3A_196 = arith.constant 0 : i32
    %dma_wait3A_197 = tpu.memref_slice %arg4[%add3A_185, %dma_wait3A_196] : memref<160000x128xf32, #tpu.memory_space<hbm>> -> memref<40x128xf32, #tpu.memory_space<hbm>>
    %dma_wait3A_198 = arith.constant 0 : i32
    %dma_wait3A_199 = arith.constant 0 : i32
    %dma_wait3A_200 = tpu.memref_slice %arg6[%dma_wait3A_186, %dma_wait3A_198, %dma_wait3A_199] : memref<10x40x128xf32, #tpu.memory_space<vmem>> -> memref<1x40x128xf32, #tpu.memory_space<vmem>>
    %dma_wait3A_201 = tpu.memref_squeeze %dma_wait3A_200 : memref<1x40x128xf32, #tpu.memory_space<vmem>> -> memref<40x128xf32, #tpu.memory_space<vmem>>
    tpu.wait_dma2 semaphore(%dma_wait3A_195 : memref<!tpu.dma_semaphore, #tpu.memory_space<semaphore_mem>>) src(%dma_wait3A_201 : memref<40x128xf32, #tpu.memory_space<vmem>>) dst(%dma_wait3A_197 : memref<40x128xf32, #tpu.memory_space<hbm>>)
    %add3A_202 = arith.constant 4640 : i32
    %add3A_203 = arith.addi %mul3A_2, %add3A_202 : i32
    %dma_wait3A_204 = arith.constant 6 : i32
    %dma_wait3A_205 = arith.constant 6 : i32
    %dma_wait3A_206 = arith.constant 0 : i32
    %dma_wait3A_207 = arith.constant 0 : i32
    %dma_wait3A_208 = tpu.memref_slice %arg6[%dma_wait3A_204, %dma_wait3A_206, %dma_wait3A_207] : memref<10x40x128xf32, #tpu.memory_space<vmem>> -> memref<1x40x128xf32, #tpu.memory_space<vmem>>
    %dma_wait3A_209 = tpu.memref_squeeze %dma_wait3A_208 : memref<1x40x128xf32, #tpu.memory_space<vmem>> -> memref<40x128xf32, #tpu.memory_space<vmem>>
    %dma_wait3A_210 = arith.constant 0 : i32
    %dma_wait3A_211 = tpu.memref_slice %arg4[%add3A_203, %dma_wait3A_210] : memref<160000x128xf32, #tpu.memory_space<hbm>> -> memref<40x128xf32, #tpu.memory_space<hbm>>
    %dma_wait3A_212 = tpu.memref_slice %arg8[%dma_wait3A_205] : memref<10x!tpu.dma_semaphore, #tpu.memory_space<semaphore_mem>> -> memref<1x!tpu.dma_semaphore, #tpu.memory_space<semaphore_mem>>
    %dma_wait3A_213 = tpu.memref_squeeze %dma_wait3A_212 : memref<1x!tpu.dma_semaphore, #tpu.memory_space<semaphore_mem>> -> memref<!tpu.dma_semaphore, #tpu.memory_space<semaphore_mem>>
    %dma_wait3A_214 = arith.constant 0 : i32
    %dma_wait3A_215 = tpu.memref_slice %arg4[%add3A_203, %dma_wait3A_214] : memref<160000x128xf32, #tpu.memory_space<hbm>> -> memref<40x128xf32, #tpu.memory_space<hbm>>
    %dma_wait3A_216 = arith.constant 0 : i32
    %dma_wait3A_217 = arith.constant 0 : i32
    %dma_wait3A_218 = tpu.memref_slice %arg6[%dma_wait3A_204, %dma_wait3A_216, %dma_wait3A_217] : memref<10x40x128xf32, #tpu.memory_space<vmem>> -> memref<1x40x128xf32, #tpu.memory_space<vmem>>
    %dma_wait3A_219 = tpu.memref_squeeze %dma_wait3A_218 : memref<1x40x128xf32, #tpu.memory_space<vmem>> -> memref<40x128xf32, #tpu.memory_space<vmem>>
    tpu.wait_dma2 semaphore(%dma_wait3A_213 : memref<!tpu.dma_semaphore, #tpu.memory_space<semaphore_mem>>) src(%dma_wait3A_219 : memref<40x128xf32, #tpu.memory_space<vmem>>) dst(%dma_wait3A_215 : memref<40x128xf32, #tpu.memory_space<hbm>>)
    %dma_wait3A_220 = arith.constant 122 : i32
    %dma_wait3A_221 = arith.constant 2 : i32
    %dma_wait3A_222 = arith.constant 2 : i32
    %dma_wait3A_223 = arith.constant 0 : i32
    %dma_wait3A_224 = arith.constant 0 : i32
    %dma_wait3A_225 = tpu.memref_slice %arg6[%dma_wait3A_221, %dma_wait3A_223, %dma_wait3A_224] : memref<10x40x128xf32, #tpu.memory_space<vmem>> -> memref<1x40x128xf32, #tpu.memory_space<vmem>>
    %dma_wait3A_226 = tpu.memref_squeeze %dma_wait3A_225 : memref<1x40x128xf32, #tpu.memory_space<vmem>> -> memref<40x128xf32, #tpu.memory_space<vmem>>
    %dma_wait3A_227 = arith.constant 0 : i32
    %dma_wait3A_228 = tpu.memref_slice %arg5[%dma_wait3A_220, %dma_wait3A_227] : memref<125x40xi32, #tpu.memory_space<vmem>> -> memref<1x40xi32, #tpu.memory_space<vmem>>
    %dma_wait3A_229 = tpu.memref_squeeze %dma_wait3A_228 : memref<1x40xi32, #tpu.memory_space<vmem>> -> memref<40xi32, #tpu.memory_space<vmem>>
    %dma_wait3A_230 = arith.constant 0 : i32
    %dma_wait3A_231 = arith.constant 0 : i32
    %dma_wait3A_232 = tpu.memref_slice %arg2[%dma_wait3A_230, %dma_wait3A_231] : memref<10000x128xf32, #tpu.memory_space<hbm>> -> memref<10000x128xf32, #tpu.memory_space<hbm>>
    %dma_wait3A_233 = tpu.memref_slice %arg7[%dma_wait3A_222] : memref<10x!tpu.dma_semaphore, #tpu.memory_space<semaphore_mem>> -> memref<1x!tpu.dma_semaphore, #tpu.memory_space<semaphore_mem>>
    %dma_wait3A_234 = tpu.memref_squeeze %dma_wait3A_233 : memref<1x!tpu.dma_semaphore, #tpu.memory_space<semaphore_mem>> -> memref<!tpu.dma_semaphore, #tpu.memory_space<semaphore_mem>>
    tpu.wait_indirect_dma semaphore(%dma_wait3A_234 : memref<!tpu.dma_semaphore, #tpu.memory_space<semaphore_mem>>) src(%dma_wait3A_232 : memref<10000x128xf32, #tpu.memory_space<hbm>>) dst(%dma_wait3A_226 : memref<40x128xf32, #tpu.memory_space<vmem>>)
    %add3A_235 = arith.constant 4880 : i32
    %add3A_236 = arith.addi %mul3A_2, %add3A_235 : i32
    %dma_start3A_237 = arith.constant 2 : i32
    %dma_start3A_238 = arith.constant 2 : i32
    %dma_start3A_239 = arith.constant 0 : i32
    %dma_start3A_240 = arith.constant 0 : i32
    %dma_start3A_241 = tpu.memref_slice %arg6[%dma_start3A_237, %dma_start3A_239, %dma_start3A_240] : memref<10x40x128xf32, #tpu.memory_space<vmem>> -> memref<1x40x128xf32, #tpu.memory_space<vmem>>
    %dma_start3A_242 = tpu.memref_squeeze %dma_start3A_241 : memref<1x40x128xf32, #tpu.memory_space<vmem>> -> memref<40x128xf32, #tpu.memory_space<vmem>>
    %dma_start3A_243 = arith.constant 0 : i32
    %dma_start3A_244 = tpu.memref_slice %arg4[%add3A_236, %dma_start3A_243] : memref<160000x128xf32, #tpu.memory_space<hbm>> -> memref<40x128xf32, #tpu.memory_space<hbm>>
    %dma_start3A_245 = tpu.memref_slice %arg8[%dma_start3A_238] : memref<10x!tpu.dma_semaphore, #tpu.memory_space<semaphore_mem>> -> memref<1x!tpu.dma_semaphore, #tpu.memory_space<semaphore_mem>>
    %dma_start3A_246 = tpu.memref_squeeze %dma_start3A_245 : memref<1x!tpu.dma_semaphore, #tpu.memory_space<semaphore_mem>> -> memref<!tpu.dma_semaphore, #tpu.memory_space<semaphore_mem>>
    %dma_start3A_247 = arith.constant 0 : i32
    %dma_start3A_248 = tpu.memref_slice %arg4[%add3A_236, %dma_start3A_247] : memref<160000x128xf32, #tpu.memory_space<hbm>> -> memref<40x128xf32, #tpu.memory_space<hbm>>
    %dma_start3A_249 = arith.constant 0 : i32
    %dma_start3A_250 = arith.constant 0 : i32
    %dma_start3A_251 = tpu.memref_slice %arg6[%dma_start3A_237, %dma_start3A_249, %dma_start3A_250] : memref<10x40x128xf32, #tpu.memory_space<vmem>> -> memref<1x40x128xf32, #tpu.memory_space<vmem>>
    %dma_start3A_252 = tpu.memref_squeeze %dma_start3A_251 : memref<1x40x128xf32, #tpu.memory_space<vmem>> -> memref<40x128xf32, #tpu.memory_space<vmem>>
    tpu.enqueue_dma source(%dma_start3A_252 : memref<40x128xf32, #tpu.memory_space<vmem>>) target(%dma_start3A_248 : memref<40x128xf32, #tpu.memory_space<hbm>>) target_semaphore(%dma_start3A_246 : memref<!tpu.dma_semaphore, #tpu.memory_space<semaphore_mem>>)
    %add3A_253 = arith.constant 4880 : i32
    %add3A_254 = arith.addi %mul3A_2, %add3A_253 : i32
    %dma_wait3A_255 = arith.constant 2 : i32
    %dma_wait3A_256 = arith.constant 2 : i32
    %dma_wait3A_257 = arith.constant 0 : i32
    %dma_wait3A_258 = arith.constant 0 : i32
    %dma_wait3A_259 = tpu.memref_slice %arg6[%dma_wait3A_255, %dma_wait3A_257, %dma_wait3A_258] : memref<10x40x128xf32, #tpu.memory_space<vmem>> -> memref<1x40x128xf32, #tpu.memory_space<vmem>>
    %dma_wait3A_260 = tpu.memref_squeeze %dma_wait3A_259 : memref<1x40x128xf32, #tpu.memory_space<vmem>> -> memref<40x128xf32, #tpu.memory_space<vmem>>
    %dma_wait3A_261 = arith.constant 0 : i32
    %dma_wait3A_262 = tpu.memref_slice %arg4[%add3A_254, %dma_wait3A_261] : memref<160000x128xf32, #tpu.memory_space<hbm>> -> memref<40x128xf32, #tpu.memory_space<hbm>>
    %dma_wait3A_263 = tpu.memref_slice %arg8[%dma_wait3A_256] : memref<10x!tpu.dma_semaphore, #tpu.memory_space<semaphore_mem>> -> memref<1x!tpu.dma_semaphore, #tpu.memory_space<semaphore_mem>>
    %dma_wait3A_264 = tpu.memref_squeeze %dma_wait3A_263 : memref<1x!tpu.dma_semaphore, #tpu.memory_space<semaphore_mem>> -> memref<!tpu.dma_semaphore, #tpu.memory_space<semaphore_mem>>
    %dma_wait3A_265 = arith.constant 0 : i32
    %dma_wait3A_266 = tpu.memref_slice %arg4[%add3A_254, %dma_wait3A_265] : memref<160000x128xf32, #tpu.memory_space<hbm>> -> memref<40x128xf32, #tpu.memory_space<hbm>>
    %dma_wait3A_267 = arith.constant 0 : i32
    %dma_wait3A_268 = arith.constant 0 : i32
    %dma_wait3A_269 = tpu.memref_slice %arg6[%dma_wait3A_255, %dma_wait3A_267, %dma_wait3A_268] : memref<10x40x128xf32, #tpu.memory_space<vmem>> -> memref<1x40x128xf32, #tpu.memory_space<vmem>>
    %dma_wait3A_270 = tpu.memref_squeeze %dma_wait3A_269 : memref<1x40x128xf32, #tpu.memory_space<vmem>> -> memref<40x128xf32, #tpu.memory_space<vmem>>
    tpu.wait_dma2 semaphore(%dma_wait3A_264 : memref<!tpu.dma_semaphore, #tpu.memory_space<semaphore_mem>>) src(%dma_wait3A_270 : memref<40x128xf32, #tpu.memory_space<vmem>>) dst(%dma_wait3A_266 : memref<40x128xf32, #tpu.memory_space<hbm>>)
    %add3A_271 = arith.constant 4680 : i32
    %add3A_272 = arith.addi %mul3A_2, %add3A_271 : i32
    %dma_wait3A_273 = arith.constant 7 : i32
    %dma_wait3A_274 = arith.constant 7 : i32
    %dma_wait3A_275 = arith.constant 0 : i32
    %dma_wait3A_276 = arith.constant 0 : i32
    %dma_wait3A_277 = tpu.memref_slice %arg6[%dma_wait3A_273, %dma_wait3A_275, %dma_wait3A_276] : memref<10x40x128xf32, #tpu.memory_space<vmem>> -> memref<1x40x128xf32, #tpu.memory_space<vmem>>
    %dma_wait3A_278 = tpu.memref_squeeze %dma_wait3A_277 : memref<1x40x128xf32, #tpu.memory_space<vmem>> -> memref<40x128xf32, #tpu.memory_space<vmem>>
    %dma_wait3A_279 = arith.constant 0 : i32
    %dma_wait3A_280 = tpu.memref_slice %arg4[%add3A_272, %dma_wait3A_279] : memref<160000x128xf32, #tpu.memory_space<hbm>> -> memref<40x128xf32, #tpu.memory_space<hbm>>
    %dma_wait3A_281 = tpu.memref_slice %arg8[%dma_wait3A_274] : memref<10x!tpu.dma_semaphore, #tpu.memory_space<semaphore_mem>> -> memref<1x!tpu.dma_semaphore, #tpu.memory_space<semaphore_mem>>
    %dma_wait3A_282 = tpu.memref_squeeze %dma_wait3A_281 : memref<1x!tpu.dma_semaphore, #tpu.memory_space<semaphore_mem>> -> memref<!tpu.dma_semaphore, #tpu.memory_space<semaphore_mem>>
    %dma_wait3A_283 = arith.constant 0 : i32
    %dma_wait3A_284 = tpu.memref_slice %arg4[%add3A_272, %dma_wait3A_283] : memref<160000x128xf32, #tpu.memory_space<hbm>> -> memref<40x128xf32, #tpu.memory_space<hbm>>
    %dma_wait3A_285 = arith.constant 0 : i32
    %dma_wait3A_286 = arith.constant 0 : i32
    %dma_wait3A_287 = tpu.memref_slice %arg6[%dma_wait3A_273, %dma_wait3A_285, %dma_wait3A_286] : memref<10x40x128xf32, #tpu.memory_space<vmem>> -> memref<1x40x128xf32, #tpu.memory_space<vmem>>
    %dma_wait3A_288 = tpu.memref_squeeze %dma_wait3A_287 : memref<1x40x128xf32, #tpu.memory_space<vmem>> -> memref<40x128xf32, #tpu.memory_space<vmem>>
    tpu.wait_dma2 semaphore(%dma_wait3A_282 : memref<!tpu.dma_semaphore, #tpu.memory_space<semaphore_mem>>) src(%dma_wait3A_288 : memref<40x128xf32, #tpu.memory_space<vmem>>) dst(%dma_wait3A_284 : memref<40x128xf32, #tpu.memory_space<hbm>>)
    %dma_wait3A_289 = arith.constant 123 : i32
    %dma_wait3A_290 = arith.constant 3 : i32
    %dma_wait3A_291 = arith.constant 3 : i32
    %dma_wait3A_292 = arith.constant 0 : i32
    %dma_wait3A_293 = arith.constant 0 : i32
    %dma_wait3A_294 = tpu.memref_slice %arg6[%dma_wait3A_290, %dma_wait3A_292, %dma_wait3A_293] : memref<10x40x128xf32, #tpu.memory_space<vmem>> -> memref<1x40x128xf32, #tpu.memory_space<vmem>>
    %dma_wait3A_295 = tpu.memref_squeeze %dma_wait3A_294 : memref<1x40x128xf32, #tpu.memory_space<vmem>> -> memref<40x128xf32, #tpu.memory_space<vmem>>
    %dma_wait3A_296 = arith.constant 0 : i32
    %dma_wait3A_297 = tpu.memref_slice %arg5[%dma_wait3A_289, %dma_wait3A_296] : memref<125x40xi32, #tpu.memory_space<vmem>> -> memref<1x40xi32, #tpu.memory_space<vmem>>
    %dma_wait3A_298 = tpu.memref_squeeze %dma_wait3A_297 : memref<1x40xi32, #tpu.memory_space<vmem>> -> memref<40xi32, #tpu.memory_space<vmem>>
    %dma_wait3A_299 = arith.constant 0 : i32
    %dma_wait3A_300 = arith.constant 0 : i32
    %dma_wait3A_301 = tpu.memref_slice %arg2[%dma_wait3A_299, %dma_wait3A_300] : memref<10000x128xf32, #tpu.memory_space<hbm>> -> memref<10000x128xf32, #tpu.memory_space<hbm>>
    %dma_wait3A_302 = tpu.memref_slice %arg7[%dma_wait3A_291] : memref<10x!tpu.dma_semaphore, #tpu.memory_space<semaphore_mem>> -> memref<1x!tpu.dma_semaphore, #tpu.memory_space<semaphore_mem>>
    %dma_wait3A_303 = tpu.memref_squeeze %dma_wait3A_302 : memref<1x!tpu.dma_semaphore, #tpu.memory_space<semaphore_mem>> -> memref<!tpu.dma_semaphore, #tpu.memory_space<semaphore_mem>>
    tpu.wait_indirect_dma semaphore(%dma_wait3A_303 : memref<!tpu.dma_semaphore, #tpu.memory_space<semaphore_mem>>) src(%dma_wait3A_301 : memref<10000x128xf32, #tpu.memory_space<hbm>>) dst(%dma_wait3A_295 : memref<40x128xf32, #tpu.memory_space<vmem>>)
    %add3A_304 = arith.constant 4920 : i32
    %add3A_305 = arith.addi %mul3A_2, %add3A_304 : i32
    %dma_start3A_306 = arith.constant 3 : i32
    %dma_start3A_307 = arith.constant 3 : i32
    %dma_start3A_308 = arith.constant 0 : i32
    %dma_start3A_309 = arith.constant 0 : i32
    %dma_start3A_310 = tpu.memref_slice %arg6[%dma_start3A_306, %dma_start3A_308, %dma_start3A_309] : memref<10x40x128xf32, #tpu.memory_space<vmem>> -> memref<1x40x128xf32, #tpu.memory_space<vmem>>
    %dma_start3A_311 = tpu.memref_squeeze %dma_start3A_310 : memref<1x40x128xf32, #tpu.memory_space<vmem>> -> memref<40x128xf32, #tpu.memory_space<vmem>>
    %dma_start3A_312 = arith.constant 0 : i32
    %dma_start3A_313 = tpu.memref_slice %arg4[%add3A_305, %dma_start3A_312] : memref<160000x128xf32, #tpu.memory_space<hbm>> -> memref<40x128xf32, #tpu.memory_space<hbm>>
    %dma_start3A_314 = tpu.memref_slice %arg8[%dma_start3A_307] : memref<10x!tpu.dma_semaphore, #tpu.memory_space<semaphore_mem>> -> memref<1x!tpu.dma_semaphore, #tpu.memory_space<semaphore_mem>>
    %dma_start3A_315 = tpu.memref_squeeze %dma_start3A_314 : memref<1x!tpu.dma_semaphore, #tpu.memory_space<semaphore_mem>> -> memref<!tpu.dma_semaphore, #tpu.memory_space<semaphore_mem>>
    %dma_start3A_316 = arith.constant 0 : i32
    %dma_start3A_317 = tpu.memref_slice %arg4[%add3A_305, %dma_start3A_316] : memref<160000x128xf32, #tpu.memory_space<hbm>> -> memref<40x128xf32, #tpu.memory_space<hbm>>
    %dma_start3A_318 = arith.constant 0 : i32
    %dma_start3A_319 = arith.constant 0 : i32
    %dma_start3A_320 = tpu.memref_slice %arg6[%dma_start3A_306, %dma_start3A_318, %dma_start3A_319] : memref<10x40x128xf32, #tpu.memory_space<vmem>> -> memref<1x40x128xf32, #tpu.memory_space<vmem>>
    %dma_start3A_321 = tpu.memref_squeeze %dma_start3A_320 : memref<1x40x128xf32, #tpu.memory_space<vmem>> -> memref<40x128xf32, #tpu.memory_space<vmem>>
    tpu.enqueue_dma source(%dma_start3A_321 : memref<40x128xf32, #tpu.memory_space<vmem>>) target(%dma_start3A_317 : memref<40x128xf32, #tpu.memory_space<hbm>>) target_semaphore(%dma_start3A_315 : memref<!tpu.dma_semaphore, #tpu.memory_space<semaphore_mem>>)
    %add3A_322 = arith.constant 4920 : i32
    %add3A_323 = arith.addi %mul3A_2, %add3A_322 : i32
    %dma_wait3A_324 = arith.constant 3 : i32
    %dma_wait3A_325 = arith.constant 3 : i32
    %dma_wait3A_326 = arith.constant 0 : i32
    %dma_wait3A_327 = arith.constant 0 : i32
    %dma_wait3A_328 = tpu.memref_slice %arg6[%dma_wait3A_324, %dma_wait3A_326, %dma_wait3A_327] : memref<10x40x128xf32, #tpu.memory_space<vmem>> -> memref<1x40x128xf32, #tpu.memory_space<vmem>>
    %dma_wait3A_329 = tpu.memref_squeeze %dma_wait3A_328 : memref<1x40x128xf32, #tpu.memory_space<vmem>> -> memref<40x128xf32, #tpu.memory_space<vmem>>
    %dma_wait3A_330 = arith.constant 0 : i32
    %dma_wait3A_331 = tpu.memref_slice %arg4[%add3A_323, %dma_wait3A_330] : memref<160000x128xf32, #tpu.memory_space<hbm>> -> memref<40x128xf32, #tpu.memory_space<hbm>>
    %dma_wait3A_332 = tpu.memref_slice %arg8[%dma_wait3A_325] : memref<10x!tpu.dma_semaphore, #tpu.memory_space<semaphore_mem>> -> memref<1x!tpu.dma_semaphore, #tpu.memory_space<semaphore_mem>>
    %dma_wait3A_333 = tpu.memref_squeeze %dma_wait3A_332 : memref<1x!tpu.dma_semaphore, #tpu.memory_space<semaphore_mem>> -> memref<!tpu.dma_semaphore, #tpu.memory_space<semaphore_mem>>
    %dma_wait3A_334 = arith.constant 0 : i32
    %dma_wait3A_335 = tpu.memref_slice %arg4[%add3A_323, %dma_wait3A_334] : memref<160000x128xf32, #tpu.memory_space<hbm>> -> memref<40x128xf32, #tpu.memory_space<hbm>>
    %dma_wait3A_336 = arith.constant 0 : i32
    %dma_wait3A_337 = arith.constant 0 : i32
    %dma_wait3A_338 = tpu.memref_slice %arg6[%dma_wait3A_324, %dma_wait3A_336, %dma_wait3A_337] : memref<10x40x128xf32, #tpu.memory_space<vmem>> -> memref<1x40x128xf32, #tpu.memory_space<vmem>>
    %dma_wait3A_339 = tpu.memref_squeeze %dma_wait3A_338 : memref<1x40x128xf32, #tpu.memory_space<vmem>> -> memref<40x128xf32, #tpu.memory_space<vmem>>
    tpu.wait_dma2 semaphore(%dma_wait3A_333 : memref<!tpu.dma_semaphore, #tpu.memory_space<semaphore_mem>>) src(%dma_wait3A_339 : memref<40x128xf32, #tpu.memory_space<vmem>>) dst(%dma_wait3A_335 : memref<40x128xf32, #tpu.memory_space<hbm>>)
    %add3A_340 = arith.constant 4720 : i32
    %add3A_341 = arith.addi %mul3A_2, %add3A_340 : i32
    %dma_wait3A_342 = arith.constant 8 : i32
    %dma_wait3A_343 = arith.constant 8 : i32
    %dma_wait3A_344 = arith.constant 0 : i32
    %dma_wait3A_345 = arith.constant 0 : i32
    %dma_wait3A_346 = tpu.memref_slice %arg6[%dma_wait3A_342, %dma_wait3A_344, %dma_wait3A_345] : memref<10x40x128xf32, #tpu.memory_space<vmem>> -> memref<1x40x128xf32, #tpu.memory_space<vmem>>
    %dma_wait3A_347 = tpu.memref_squeeze %dma_wait3A_346 : memref<1x40x128xf32, #tpu.memory_space<vmem>> -> memref<40x128xf32, #tpu.memory_space<vmem>>
    %dma_wait3A_348 = arith.constant 0 : i32
    %dma_wait3A_349 = tpu.memref_slice %arg4[%add3A_341, %dma_wait3A_348] : memref<160000x128xf32, #tpu.memory_space<hbm>> -> memref<40x128xf32, #tpu.memory_space<hbm>>
    %dma_wait3A_350 = tpu.memref_slice %arg8[%dma_wait3A_343] : memref<10x!tpu.dma_semaphore, #tpu.memory_space<semaphore_mem>> -> memref<1x!tpu.dma_semaphore, #tpu.memory_space<semaphore_mem>>
    %dma_wait3A_351 = tpu.memref_squeeze %dma_wait3A_350 : memref<1x!tpu.dma_semaphore, #tpu.memory_space<semaphore_mem>> -> memref<!tpu.dma_semaphore, #tpu.memory_space<semaphore_mem>>
    %dma_wait3A_352 = arith.constant 0 : i32
    %dma_wait3A_353 = tpu.memref_slice %arg4[%add3A_341, %dma_wait3A_352] : memref<160000x128xf32, #tpu.memory_space<hbm>> -> memref<40x128xf32, #tpu.memory_space<hbm>>
    %dma_wait3A_354 = arith.constant 0 : i32
    %dma_wait3A_355 = arith.constant 0 : i32
    %dma_wait3A_356 = tpu.memref_slice %arg6[%dma_wait3A_342, %dma_wait3A_354, %dma_wait3A_355] : memref<10x40x128xf32, #tpu.memory_space<vmem>> -> memref<1x40x128xf32, #tpu.memory_space<vmem>>
    %dma_wait3A_357 = tpu.memref_squeeze %dma_wait3A_356 : memref<1x40x128xf32, #tpu.memory_space<vmem>> -> memref<40x128xf32, #tpu.memory_space<vmem>>
    tpu.wait_dma2 semaphore(%dma_wait3A_351 : memref<!tpu.dma_semaphore, #tpu.memory_space<semaphore_mem>>) src(%dma_wait3A_357 : memref<40x128xf32, #tpu.memory_space<vmem>>) dst(%dma_wait3A_353 : memref<40x128xf32, #tpu.memory_space<hbm>>)
    %dma_wait3A_358 = arith.constant 124 : i32
    %dma_wait3A_359 = arith.constant 4 : i32
    %dma_wait3A_360 = arith.constant 4 : i32
    %dma_wait3A_361 = arith.constant 0 : i32
    %dma_wait3A_362 = arith.constant 0 : i32
    %dma_wait3A_363 = tpu.memref_slice %arg6[%dma_wait3A_359, %dma_wait3A_361, %dma_wait3A_362] : memref<10x40x128xf32, #tpu.memory_space<vmem>> -> memref<1x40x128xf32, #tpu.memory_space<vmem>>
    %dma_wait3A_364 = tpu.memref_squeeze %dma_wait3A_363 : memref<1x40x128xf32, #tpu.memory_space<vmem>> -> memref<40x128xf32, #tpu.memory_space<vmem>>
    %dma_wait3A_365 = arith.constant 0 : i32
    %dma_wait3A_366 = tpu.memref_slice %arg5[%dma_wait3A_358, %dma_wait3A_365] : memref<125x40xi32, #tpu.memory_space<vmem>> -> memref<1x40xi32, #tpu.memory_space<vmem>>
    %dma_wait3A_367 = tpu.memref_squeeze %dma_wait3A_366 : memref<1x40xi32, #tpu.memory_space<vmem>> -> memref<40xi32, #tpu.memory_space<vmem>>
    %dma_wait3A_368 = arith.constant 0 : i32
    %dma_wait3A_369 = arith.constant 0 : i32
    %dma_wait3A_370 = tpu.memref_slice %arg2[%dma_wait3A_368, %dma_wait3A_369] : memref<10000x128xf32, #tpu.memory_space<hbm>> -> memref<10000x128xf32, #tpu.memory_space<hbm>>
    %dma_wait3A_371 = tpu.memref_slice %arg7[%dma_wait3A_360] : memref<10x!tpu.dma_semaphore, #tpu.memory_space<semaphore_mem>> -> memref<1x!tpu.dma_semaphore, #tpu.memory_space<semaphore_mem>>
    %dma_wait3A_372 = tpu.memref_squeeze %dma_wait3A_371 : memref<1x!tpu.dma_semaphore, #tpu.memory_space<semaphore_mem>> -> memref<!tpu.dma_semaphore, #tpu.memory_space<semaphore_mem>>
    tpu.wait_indirect_dma semaphore(%dma_wait3A_372 : memref<!tpu.dma_semaphore, #tpu.memory_space<semaphore_mem>>) src(%dma_wait3A_370 : memref<10000x128xf32, #tpu.memory_space<hbm>>) dst(%dma_wait3A_364 : memref<40x128xf32, #tpu.memory_space<vmem>>)
    %add3A_373 = arith.constant 4960 : i32
    %add3A_374 = arith.addi %mul3A_2, %add3A_373 : i32
    %dma_start3A_375 = arith.constant 4 : i32
    %dma_start3A_376 = arith.constant 4 : i32
    %dma_start3A_377 = arith.constant 0 : i32
    %dma_start3A_378 = arith.constant 0 : i32
    %dma_start3A_379 = tpu.memref_slice %arg6[%dma_start3A_375, %dma_start3A_377, %dma_start3A_378] : memref<10x40x128xf32, #tpu.memory_space<vmem>> -> memref<1x40x128xf32, #tpu.memory_space<vmem>>
    %dma_start3A_380 = tpu.memref_squeeze %dma_start3A_379 : memref<1x40x128xf32, #tpu.memory_space<vmem>> -> memref<40x128xf32, #tpu.memory_space<vmem>>
    %dma_start3A_381 = arith.constant 0 : i32
    %dma_start3A_382 = tpu.memref_slice %arg4[%add3A_374, %dma_start3A_381] : memref<160000x128xf32, #tpu.memory_space<hbm>> -> memref<40x128xf32, #tpu.memory_space<hbm>>
    %dma_start3A_383 = tpu.memref_slice %arg8[%dma_start3A_376] : memref<10x!tpu.dma_semaphore, #tpu.memory_space<semaphore_mem>> -> memref<1x!tpu.dma_semaphore, #tpu.memory_space<semaphore_mem>>
    %dma_start3A_384 = tpu.memref_squeeze %dma_start3A_383 : memref<1x!tpu.dma_semaphore, #tpu.memory_space<semaphore_mem>> -> memref<!tpu.dma_semaphore, #tpu.memory_space<semaphore_mem>>
    %dma_start3A_385 = arith.constant 0 : i32
    %dma_start3A_386 = tpu.memref_slice %arg4[%add3A_374, %dma_start3A_385] : memref<160000x128xf32, #tpu.memory_space<hbm>> -> memref<40x128xf32, #tpu.memory_space<hbm>>
    %dma_start3A_387 = arith.constant 0 : i32
    %dma_start3A_388 = arith.constant 0 : i32
    %dma_start3A_389 = tpu.memref_slice %arg6[%dma_start3A_375, %dma_start3A_387, %dma_start3A_388] : memref<10x40x128xf32, #tpu.memory_space<vmem>> -> memref<1x40x128xf32, #tpu.memory_space<vmem>>
    %dma_start3A_390 = tpu.memref_squeeze %dma_start3A_389 : memref<1x40x128xf32, #tpu.memory_space<vmem>> -> memref<40x128xf32, #tpu.memory_space<vmem>>
    tpu.enqueue_dma source(%dma_start3A_390 : memref<40x128xf32, #tpu.memory_space<vmem>>) target(%dma_start3A_386 : memref<40x128xf32, #tpu.memory_space<hbm>>) target_semaphore(%dma_start3A_384 : memref<!tpu.dma_semaphore, #tpu.memory_space<semaphore_mem>>)
    %add3A_391 = arith.constant 4960 : i32
    %add3A_392 = arith.addi %mul3A_2, %add3A_391 : i32
    %dma_wait3A_393 = arith.constant 4 : i32
    %dma_wait3A_394 = arith.constant 4 : i32
    %dma_wait3A_395 = arith.constant 0 : i32
    %dma_wait3A_396 = arith.constant 0 : i32
    %dma_wait3A_397 = tpu.memref_slice %arg6[%dma_wait3A_393, %dma_wait3A_395, %dma_wait3A_396] : memref<10x40x128xf32, #tpu.memory_space<vmem>> -> memref<1x40x128xf32, #tpu.memory_space<vmem>>
    %dma_wait3A_398 = tpu.memref_squeeze %dma_wait3A_397 : memref<1x40x128xf32, #tpu.memory_space<vmem>> -> memref<40x128xf32, #tpu.memory_space<vmem>>
    %dma_wait3A_399 = arith.constant 0 : i32
    %dma_wait3A_400 = tpu.memref_slice %arg4[%add3A_392, %dma_wait3A_399] : memref<160000x128xf32, #tpu.memory_space<hbm>> -> memref<40x128xf32, #tpu.memory_space<hbm>>
    %dma_wait3A_401 = tpu.memref_slice %arg8[%dma_wait3A_394] : memref<10x!tpu.dma_semaphore, #tpu.memory_space<semaphore_mem>> -> memref<1x!tpu.dma_semaphore, #tpu.memory_space<semaphore_mem>>
    %dma_wait3A_402 = tpu.memref_squeeze %dma_wait3A_401 : memref<1x!tpu.dma_semaphore, #tpu.memory_space<semaphore_mem>> -> memref<!tpu.dma_semaphore, #tpu.memory_space<semaphore_mem>>
    %dma_wait3A_403 = arith.constant 0 : i32
    %dma_wait3A_404 = tpu.memref_slice %arg4[%add3A_392, %dma_wait3A_403] : memref<160000x128xf32, #tpu.memory_space<hbm>> -> memref<40x128xf32, #tpu.memory_space<hbm>>
    %dma_wait3A_405 = arith.constant 0 : i32
    %dma_wait3A_406 = arith.constant 0 : i32
    %dma_wait3A_407 = tpu.memref_slice %arg6[%dma_wait3A_393, %dma_wait3A_405, %dma_wait3A_406] : memref<10x40x128xf32, #tpu.memory_space<vmem>> -> memref<1x40x128xf32, #tpu.memory_space<vmem>>
    %dma_wait3A_408 = tpu.memref_squeeze %dma_wait3A_407 : memref<1x40x128xf32, #tpu.memory_space<vmem>> -> memref<40x128xf32, #tpu.memory_space<vmem>>
    tpu.wait_dma2 semaphore(%dma_wait3A_402 : memref<!tpu.dma_semaphore, #tpu.memory_space<semaphore_mem>>) src(%dma_wait3A_408 : memref<40x128xf32, #tpu.memory_space<vmem>>) dst(%dma_wait3A_404 : memref<40x128xf32, #tpu.memory_space<hbm>>)
    %add3A_409 = arith.constant 4760 : i32
    %add3A_410 = arith.addi %mul3A_2, %add3A_409 : i32
    %dma_wait3A_411 = arith.constant 9 : i32
    %dma_wait3A_412 = arith.constant 9 : i32
    %dma_wait3A_413 = arith.constant 0 : i32
    %dma_wait3A_414 = arith.constant 0 : i32
    %dma_wait3A_415 = tpu.memref_slice %arg6[%dma_wait3A_411, %dma_wait3A_413, %dma_wait3A_414] : memref<10x40x128xf32, #tpu.memory_space<vmem>> -> memref<1x40x128xf32, #tpu.memory_space<vmem>>
    %dma_wait3A_416 = tpu.memref_squeeze %dma_wait3A_415 : memref<1x40x128xf32, #tpu.memory_space<vmem>> -> memref<40x128xf32, #tpu.memory_space<vmem>>
    %dma_wait3A_417 = arith.constant 0 : i32
    %dma_wait3A_418 = tpu.memref_slice %arg4[%add3A_410, %dma_wait3A_417] : memref<160000x128xf32, #tpu.memory_space<hbm>> -> memref<40x128xf32, #tpu.memory_space<hbm>>
    %dma_wait3A_419 = tpu.memref_slice %arg8[%dma_wait3A_412] : memref<10x!tpu.dma_semaphore, #tpu.memory_space<semaphore_mem>> -> memref<1x!tpu.dma_semaphore, #tpu.memory_space<semaphore_mem>>
    %dma_wait3A_420 = tpu.memref_squeeze %dma_wait3A_419 : memref<1x!tpu.dma_semaphore, #tpu.memory_space<semaphore_mem>> -> memref<!tpu.dma_semaphore, #tpu.memory_space<semaphore_mem>>
    %dma_wait3A_421 = arith.constant 0 : i32
    %dma_wait3A_422 = tpu.memref_slice %arg4[%add3A_410, %dma_wait3A_421] : memref<160000x128xf32, #tpu.memory_space<hbm>> -> memref<40x128xf32, #tpu.memory_space<hbm>>
    %dma_wait3A_423 = arith.constant 0 : i32
    %dma_wait3A_424 = arith.constant 0 : i32
    %dma_wait3A_425 = tpu.memref_slice %arg6[%dma_wait3A_411, %dma_wait3A_423, %dma_wait3A_424] : memref<10x40x128xf32, #tpu.memory_space<vmem>> -> memref<1x40x128xf32, #tpu.memory_space<vmem>>
    %dma_wait3A_426 = tpu.memref_squeeze %dma_wait3A_425 : memref<1x40x128xf32, #tpu.memory_space<vmem>> -> memref<40x128xf32, #tpu.memory_space<vmem>>
    tpu.wait_dma2 semaphore(%dma_wait3A_420 : memref<!tpu.dma_semaphore, #tpu.memory_space<semaphore_mem>>) src(%dma_wait3A_426 : memref<40x128xf32, #tpu.memory_space<vmem>>) dst(%dma_wait3A_422 : memref<40x128xf32, #tpu.memory_space<hbm>>)
    return
  }
}

#map = affine_map<(d0, d1) -> (0, 0)>
#map1 = affine_map<(d0, d1) -> (0, 0, 0)>
module attributes {stable_mosaic.version = 14 : i64} {
  func.func @_scatter_body(%arg0: i32, %arg1: i32, %arg2: memref<160000x128xf32, #tpu.memory_space<hbm>>, %arg3: memref<32x125x40xi32, #tpu.memory_space<hbm>>, %arg4: memref<624x128xf32, #tpu.memory_space<hbm>>, %arg5: memref<2x10000x128xf32, #tpu.memory_space<hbm>>, %arg6: memref<10000x128xf32, #tpu.memory_space<vmem_shared>>, %arg7: memref<125x40xi32, #tpu.memory_space<vmem>>, %arg8: memref<5x40x128xf32, #tpu.memory_space<vmem>>, %arg9: memref<5x!tpu.dma_semaphore, #tpu.memory_space<semaphore_mem>>, %arg10: memref<5x!tpu.dma_semaphore, #tpu.memory_space<semaphore_mem>>) attributes {dimension_semantics = [#tpu.dimension_semantics<core_parallel>, #tpu.dimension_semantics<subcore_parallel>], iteration_bounds = array<i64: 2, 16>, scalar_prefetch = 0 : i64, scratch_operands = 5 : i64, tpu.core_type = #tpu.core_type<sc_vector_subcore>, window_params = [{transform_indices = #map}, {transform_indices = #map1}, {transform_indices = #map}, {transform_indices = #map1}]} {
    %mul3A = arith.constant 2 : i32
    %mul3A_0 = arith.muli %arg1, %mul3A : i32
    %add3A = arith.addi %mul3A_0, %arg0 : i32
    %mul3A_1 = arith.constant 5000 : i32
    %mul3A_2 = arith.muli %add3A, %mul3A_1 : i32
    %mul3A_3 = arith.constant 624 : i32
    %mul3A_4 = arith.muli %arg1, %mul3A_3 : i32
    "tpu.region"() ({
      %run_scoped3A = tpu.sem_alloc : memref<!tpu.dma_semaphore, #tpu.memory_space<semaphore_mem>>
      %dma_start3A_351 = arith.constant 0 : i32
      %dma_start3A_352 = tpu.memref_slice %arg6[%mul3A_4, %dma_start3A_351] : memref<10000x128xf32, #tpu.memory_space<vmem_shared>> -> memref<624x128xf32, #tpu.memory_space<vmem_shared>>
      tpu.enqueue_dma source(%arg4 : memref<624x128xf32, #tpu.memory_space<hbm>>) target(%dma_start3A_352 : memref<624x128xf32, #tpu.memory_space<vmem_shared>>) target_semaphore(%run_scoped3A : memref<!tpu.dma_semaphore, #tpu.memory_space<semaphore_mem>>)
      %dma_wait3A_353 = arith.constant 0 : i32
      %dma_wait3A_354 = tpu.memref_slice %arg6[%mul3A_4, %dma_wait3A_353] : memref<10000x128xf32, #tpu.memory_space<vmem_shared>> -> memref<624x128xf32, #tpu.memory_space<vmem_shared>>
      tpu.wait_dma2 semaphore(%run_scoped3A : memref<!tpu.dma_semaphore, #tpu.memory_space<semaphore_mem>>) src(%arg4 : memref<624x128xf32, #tpu.memory_space<hbm>>) dst(%dma_wait3A_354 : memref<624x128xf32, #tpu.memory_space<vmem_shared>>)
      tpu.yield
    }) : () -> ()
    %eq3A = arith.constant 15 : i32
    %eq3A_5 = arith.cmpi eq, %arg1, %eq3A : i32
    %convert_element_type3A = arith.extui %eq3A_5 : i1 to i32
    %cond3A = arith.constant 0 : i32
    %cond3A_6 = arith.cmpi ne, %convert_element_type3A, %cond3A : i32
    scf.if %cond3A_6 {
      "tpu.region"() ({
        %run_scoped3A = tpu.sem_alloc : memref<!tpu.dma_semaphore, #tpu.memory_space<semaphore_mem>>
        %dma_start3A_351 = arith.constant 9984 : i32
        %dma_start3A_352 = arith.constant 0 : i32
        %dma_start3A_353 = tpu.memref_slice %arg6[%dma_start3A_351, %dma_start3A_352] : memref<10000x128xf32, #tpu.memory_space<vmem_shared>> -> memref<16x128xf32, #tpu.memory_space<vmem_shared>>
        %dma_start3A_354 = arith.constant 0 : i32
        %dma_start3A_355 = arith.constant 0 : i32
        %dma_start3A_356 = tpu.memref_slice %arg4[%dma_start3A_354, %dma_start3A_355] : memref<624x128xf32, #tpu.memory_space<hbm>> -> memref<16x128xf32, #tpu.memory_space<hbm>>
        tpu.enqueue_dma source(%dma_start3A_356 : memref<16x128xf32, #tpu.memory_space<hbm>>) target(%dma_start3A_353 : memref<16x128xf32, #tpu.memory_space<vmem_shared>>) target_semaphore(%run_scoped3A : memref<!tpu.dma_semaphore, #tpu.memory_space<semaphore_mem>>)
        %dma_wait3A_357 = arith.constant 9984 : i32
        %dma_wait3A_358 = arith.constant 0 : i32
        %dma_wait3A_359 = tpu.memref_slice %arg6[%dma_wait3A_357, %dma_wait3A_358] : memref<10000x128xf32, #tpu.memory_space<vmem_shared>> -> memref<16x128xf32, #tpu.memory_space<vmem_shared>>
        %dma_wait3A_360 = arith.constant 0 : i32
        %dma_wait3A_361 = arith.constant 0 : i32
        %dma_wait3A_362 = tpu.memref_slice %arg4[%dma_wait3A_360, %dma_wait3A_361] : memref<624x128xf32, #tpu.memory_space<hbm>> -> memref<16x128xf32, #tpu.memory_space<hbm>>
        tpu.wait_dma2 semaphore(%run_scoped3A : memref<!tpu.dma_semaphore, #tpu.memory_space<semaphore_mem>>) src(%dma_wait3A_362 : memref<16x128xf32, #tpu.memory_space<hbm>>) dst(%dma_wait3A_359 : memref<16x128xf32, #tpu.memory_space<vmem_shared>>)
        tpu.yield
      }) : () -> ()
    } else {
    }
    "tpu.region"() ({
      %run_scoped3A = tpu.sem_alloc : memref<!tpu.dma_semaphore, #tpu.memory_space<semaphore_mem>>
      %dma_start3A_351 = arith.constant 0 : i32
      %dma_start3A_352 = arith.constant 0 : i32
      %dma_start3A_353 = tpu.memref_slice %arg3[%add3A, %dma_start3A_351, %dma_start3A_352] : memref<32x125x40xi32, #tpu.memory_space<hbm>> -> memref<1x125x40xi32, #tpu.memory_space<hbm>>
      %dma_start3A_354 = tpu.memref_squeeze %dma_start3A_353 : memref<1x125x40xi32, #tpu.memory_space<hbm>> -> memref<125x40xi32, #tpu.memory_space<hbm>>
      %dma_start3A_355 = arith.constant 0 : i32
      %dma_start3A_356 = arith.constant 0 : i32
      %dma_start3A_357 = tpu.memref_slice %arg3[%add3A, %dma_start3A_355, %dma_start3A_356] : memref<32x125x40xi32, #tpu.memory_space<hbm>> -> memref<1x125x40xi32, #tpu.memory_space<hbm>>
      %dma_start3A_358 = tpu.memref_squeeze %dma_start3A_357 : memref<1x125x40xi32, #tpu.memory_space<hbm>> -> memref<125x40xi32, #tpu.memory_space<hbm>>
      tpu.enqueue_dma source(%dma_start3A_358 : memref<125x40xi32, #tpu.memory_space<hbm>>) target(%arg7 : memref<125x40xi32, #tpu.memory_space<vmem>>) target_semaphore(%run_scoped3A : memref<!tpu.dma_semaphore, #tpu.memory_space<semaphore_mem>>)
      %dma_wait3A_359 = arith.constant 0 : i32
      %dma_wait3A_360 = arith.constant 0 : i32
      %dma_wait3A_361 = tpu.memref_slice %arg3[%add3A, %dma_wait3A_359, %dma_wait3A_360] : memref<32x125x40xi32, #tpu.memory_space<hbm>> -> memref<1x125x40xi32, #tpu.memory_space<hbm>>
      %dma_wait3A_362 = tpu.memref_squeeze %dma_wait3A_361 : memref<1x125x40xi32, #tpu.memory_space<hbm>> -> memref<125x40xi32, #tpu.memory_space<hbm>>
      %dma_wait3A_363 = arith.constant 0 : i32
      %dma_wait3A_364 = arith.constant 0 : i32
      %dma_wait3A_365 = tpu.memref_slice %arg3[%add3A, %dma_wait3A_363, %dma_wait3A_364] : memref<32x125x40xi32, #tpu.memory_space<hbm>> -> memref<1x125x40xi32, #tpu.memory_space<hbm>>
      %dma_wait3A_366 = tpu.memref_squeeze %dma_wait3A_365 : memref<1x125x40xi32, #tpu.memory_space<hbm>> -> memref<125x40xi32, #tpu.memory_space<hbm>>
      tpu.wait_dma2 semaphore(%run_scoped3A : memref<!tpu.dma_semaphore, #tpu.memory_space<semaphore_mem>>) src(%dma_wait3A_366 : memref<125x40xi32, #tpu.memory_space<hbm>>) dst(%arg7 : memref<125x40xi32, #tpu.memory_space<vmem>>)
      tpu.yield
    }) : () -> ()
    %barrier3A = arith.constant 0 : index
    tpu.barrier barrier_id(%barrier3A)
    %add3A_7 = arith.constant 0 : i32
    %add3A_8 = arith.addi %mul3A_2, %add3A_7 : i32
    %dma_start3A = arith.constant 0 : i32
    %dma_start3A_9 = arith.constant 0 : i32
    %dma_start3A_10 = arith.constant 0 : i32
    %dma_start3A_11 = arith.constant 0 : i32
    %dma_start3A_12 = tpu.memref_slice %arg8[%dma_start3A, %dma_start3A_10, %dma_start3A_11] : memref<5x40x128xf32, #tpu.memory_space<vmem>> -> memref<1x40x128xf32, #tpu.memory_space<vmem>>
    %dma_start3A_13 = tpu.memref_squeeze %dma_start3A_12 : memref<1x40x128xf32, #tpu.memory_space<vmem>> -> memref<40x128xf32, #tpu.memory_space<vmem>>
    %dma_start3A_14 = arith.constant 0 : i32
    %dma_start3A_15 = tpu.memref_slice %arg2[%add3A_8, %dma_start3A_14] : memref<160000x128xf32, #tpu.memory_space<hbm>> -> memref<40x128xf32, #tpu.memory_space<hbm>>
    %dma_start3A_16 = tpu.memref_slice %arg9[%dma_start3A_9] : memref<5x!tpu.dma_semaphore, #tpu.memory_space<semaphore_mem>> -> memref<1x!tpu.dma_semaphore, #tpu.memory_space<semaphore_mem>>
    %dma_start3A_17 = tpu.memref_squeeze %dma_start3A_16 : memref<1x!tpu.dma_semaphore, #tpu.memory_space<semaphore_mem>> -> memref<!tpu.dma_semaphore, #tpu.memory_space<semaphore_mem>>
    %dma_start3A_18 = arith.constant 0 : i32
    %dma_start3A_19 = arith.constant 0 : i32
    %dma_start3A_20 = tpu.memref_slice %arg8[%dma_start3A, %dma_start3A_18, %dma_start3A_19] : memref<5x40x128xf32, #tpu.memory_space<vmem>> -> memref<1x40x128xf32, #tpu.memory_space<vmem>>
    %dma_start3A_21 = tpu.memref_squeeze %dma_start3A_20 : memref<1x40x128xf32, #tpu.memory_space<vmem>> -> memref<40x128xf32, #tpu.memory_space<vmem>>
    %dma_start3A_22 = arith.constant 0 : i32
    %dma_start3A_23 = tpu.memref_slice %arg2[%add3A_8, %dma_start3A_22] : memref<160000x128xf32, #tpu.memory_space<hbm>> -> memref<40x128xf32, #tpu.memory_space<hbm>>
    tpu.enqueue_dma source(%dma_start3A_23 : memref<40x128xf32, #tpu.memory_space<hbm>>) target(%dma_start3A_21 : memref<40x128xf32, #tpu.memory_space<vmem>>) target_semaphore(%dma_start3A_17 : memref<!tpu.dma_semaphore, #tpu.memory_space<semaphore_mem>>)
    %add3A_24 = arith.constant 40 : i32
    %add3A_25 = arith.addi %mul3A_2, %add3A_24 : i32
    %dma_start3A_26 = arith.constant 1 : i32
    %dma_start3A_27 = arith.constant 1 : i32
    %dma_start3A_28 = arith.constant 0 : i32
    %dma_start3A_29 = arith.constant 0 : i32
    %dma_start3A_30 = tpu.memref_slice %arg8[%dma_start3A_26, %dma_start3A_28, %dma_start3A_29] : memref<5x40x128xf32, #tpu.memory_space<vmem>> -> memref<1x40x128xf32, #tpu.memory_space<vmem>>
    %dma_start3A_31 = tpu.memref_squeeze %dma_start3A_30 : memref<1x40x128xf32, #tpu.memory_space<vmem>> -> memref<40x128xf32, #tpu.memory_space<vmem>>
    %dma_start3A_32 = arith.constant 0 : i32
    %dma_start3A_33 = tpu.memref_slice %arg2[%add3A_25, %dma_start3A_32] : memref<160000x128xf32, #tpu.memory_space<hbm>> -> memref<40x128xf32, #tpu.memory_space<hbm>>
    %dma_start3A_34 = tpu.memref_slice %arg9[%dma_start3A_27] : memref<5x!tpu.dma_semaphore, #tpu.memory_space<semaphore_mem>> -> memref<1x!tpu.dma_semaphore, #tpu.memory_space<semaphore_mem>>
    %dma_start3A_35 = tpu.memref_squeeze %dma_start3A_34 : memref<1x!tpu.dma_semaphore, #tpu.memory_space<semaphore_mem>> -> memref<!tpu.dma_semaphore, #tpu.memory_space<semaphore_mem>>
    %dma_start3A_36 = arith.constant 0 : i32
    %dma_start3A_37 = arith.constant 0 : i32
    %dma_start3A_38 = tpu.memref_slice %arg8[%dma_start3A_26, %dma_start3A_36, %dma_start3A_37] : memref<5x40x128xf32, #tpu.memory_space<vmem>> -> memref<1x40x128xf32, #tpu.memory_space<vmem>>
    %dma_start3A_39 = tpu.memref_squeeze %dma_start3A_38 : memref<1x40x128xf32, #tpu.memory_space<vmem>> -> memref<40x128xf32, #tpu.memory_space<vmem>>
    %dma_start3A_40 = arith.constant 0 : i32
    %dma_start3A_41 = tpu.memref_slice %arg2[%add3A_25, %dma_start3A_40] : memref<160000x128xf32, #tpu.memory_space<hbm>> -> memref<40x128xf32, #tpu.memory_space<hbm>>
    tpu.enqueue_dma source(%dma_start3A_41 : memref<40x128xf32, #tpu.memory_space<hbm>>) target(%dma_start3A_39 : memref<40x128xf32, #tpu.memory_space<vmem>>) target_semaphore(%dma_start3A_35 : memref<!tpu.dma_semaphore, #tpu.memory_space<semaphore_mem>>)
    %add3A_42 = arith.constant 80 : i32
    %add3A_43 = arith.addi %mul3A_2, %add3A_42 : i32
    %dma_start3A_44 = arith.constant 2 : i32
    %dma_start3A_45 = arith.constant 2 : i32
    %dma_start3A_46 = arith.constant 0 : i32
    %dma_start3A_47 = arith.constant 0 : i32
    %dma_start3A_48 = tpu.memref_slice %arg8[%dma_start3A_44, %dma_start3A_46, %dma_start3A_47] : memref<5x40x128xf32, #tpu.memory_space<vmem>> -> memref<1x40x128xf32, #tpu.memory_space<vmem>>
    %dma_start3A_49 = tpu.memref_squeeze %dma_start3A_48 : memref<1x40x128xf32, #tpu.memory_space<vmem>> -> memref<40x128xf32, #tpu.memory_space<vmem>>
    %dma_start3A_50 = arith.constant 0 : i32
    %dma_start3A_51 = tpu.memref_slice %arg2[%add3A_43, %dma_start3A_50] : memref<160000x128xf32, #tpu.memory_space<hbm>> -> memref<40x128xf32, #tpu.memory_space<hbm>>
    %dma_start3A_52 = tpu.memref_slice %arg9[%dma_start3A_45] : memref<5x!tpu.dma_semaphore, #tpu.memory_space<semaphore_mem>> -> memref<1x!tpu.dma_semaphore, #tpu.memory_space<semaphore_mem>>
    %dma_start3A_53 = tpu.memref_squeeze %dma_start3A_52 : memref<1x!tpu.dma_semaphore, #tpu.memory_space<semaphore_mem>> -> memref<!tpu.dma_semaphore, #tpu.memory_space<semaphore_mem>>
    %dma_start3A_54 = arith.constant 0 : i32
    %dma_start3A_55 = arith.constant 0 : i32
    %dma_start3A_56 = tpu.memref_slice %arg8[%dma_start3A_44, %dma_start3A_54, %dma_start3A_55] : memref<5x40x128xf32, #tpu.memory_space<vmem>> -> memref<1x40x128xf32, #tpu.memory_space<vmem>>
    %dma_start3A_57 = tpu.memref_squeeze %dma_start3A_56 : memref<1x40x128xf32, #tpu.memory_space<vmem>> -> memref<40x128xf32, #tpu.memory_space<vmem>>
    %dma_start3A_58 = arith.constant 0 : i32
    %dma_start3A_59 = tpu.memref_slice %arg2[%add3A_43, %dma_start3A_58] : memref<160000x128xf32, #tpu.memory_space<hbm>> -> memref<40x128xf32, #tpu.memory_space<hbm>>
    tpu.enqueue_dma source(%dma_start3A_59 : memref<40x128xf32, #tpu.memory_space<hbm>>) target(%dma_start3A_57 : memref<40x128xf32, #tpu.memory_space<vmem>>) target_semaphore(%dma_start3A_53 : memref<!tpu.dma_semaphore, #tpu.memory_space<semaphore_mem>>)
    %add3A_60 = arith.constant 120 : i32
    %add3A_61 = arith.addi %mul3A_2, %add3A_60 : i32
    %dma_start3A_62 = arith.constant 3 : i32
    %dma_start3A_63 = arith.constant 3 : i32
    %dma_start3A_64 = arith.constant 0 : i32
    %dma_start3A_65 = arith.constant 0 : i32
    %dma_start3A_66 = tpu.memref_slice %arg8[%dma_start3A_62, %dma_start3A_64, %dma_start3A_65] : memref<5x40x128xf32, #tpu.memory_space<vmem>> -> memref<1x40x128xf32, #tpu.memory_space<vmem>>
    %dma_start3A_67 = tpu.memref_squeeze %dma_start3A_66 : memref<1x40x128xf32, #tpu.memory_space<vmem>> -> memref<40x128xf32, #tpu.memory_space<vmem>>
    %dma_start3A_68 = arith.constant 0 : i32
    %dma_start3A_69 = tpu.memref_slice %arg2[%add3A_61, %dma_start3A_68] : memref<160000x128xf32, #tpu.memory_space<hbm>> -> memref<40x128xf32, #tpu.memory_space<hbm>>
    %dma_start3A_70 = tpu.memref_slice %arg9[%dma_start3A_63] : memref<5x!tpu.dma_semaphore, #tpu.memory_space<semaphore_mem>> -> memref<1x!tpu.dma_semaphore, #tpu.memory_space<semaphore_mem>>
    %dma_start3A_71 = tpu.memref_squeeze %dma_start3A_70 : memref<1x!tpu.dma_semaphore, #tpu.memory_space<semaphore_mem>> -> memref<!tpu.dma_semaphore, #tpu.memory_space<semaphore_mem>>
    %dma_start3A_72 = arith.constant 0 : i32
    %dma_start3A_73 = arith.constant 0 : i32
    %dma_start3A_74 = tpu.memref_slice %arg8[%dma_start3A_62, %dma_start3A_72, %dma_start3A_73] : memref<5x40x128xf32, #tpu.memory_space<vmem>> -> memref<1x40x128xf32, #tpu.memory_space<vmem>>
    %dma_start3A_75 = tpu.memref_squeeze %dma_start3A_74 : memref<1x40x128xf32, #tpu.memory_space<vmem>> -> memref<40x128xf32, #tpu.memory_space<vmem>>
    %dma_start3A_76 = arith.constant 0 : i32
    %dma_start3A_77 = tpu.memref_slice %arg2[%add3A_61, %dma_start3A_76] : memref<160000x128xf32, #tpu.memory_space<hbm>> -> memref<40x128xf32, #tpu.memory_space<hbm>>
    tpu.enqueue_dma source(%dma_start3A_77 : memref<40x128xf32, #tpu.memory_space<hbm>>) target(%dma_start3A_75 : memref<40x128xf32, #tpu.memory_space<vmem>>) target_semaphore(%dma_start3A_71 : memref<!tpu.dma_semaphore, #tpu.memory_space<semaphore_mem>>)
    %add3A_78 = arith.constant 160 : i32
    %add3A_79 = arith.addi %mul3A_2, %add3A_78 : i32
    %dma_start3A_80 = arith.constant 4 : i32
    %dma_start3A_81 = arith.constant 4 : i32
    %dma_start3A_82 = arith.constant 0 : i32
    %dma_start3A_83 = arith.constant 0 : i32
    %dma_start3A_84 = tpu.memref_slice %arg8[%dma_start3A_80, %dma_start3A_82, %dma_start3A_83] : memref<5x40x128xf32, #tpu.memory_space<vmem>> -> memref<1x40x128xf32, #tpu.memory_space<vmem>>
    %dma_start3A_85 = tpu.memref_squeeze %dma_start3A_84 : memref<1x40x128xf32, #tpu.memory_space<vmem>> -> memref<40x128xf32, #tpu.memory_space<vmem>>
    %dma_start3A_86 = arith.constant 0 : i32
    %dma_start3A_87 = tpu.memref_slice %arg2[%add3A_79, %dma_start3A_86] : memref<160000x128xf32, #tpu.memory_space<hbm>> -> memref<40x128xf32, #tpu.memory_space<hbm>>
    %dma_start3A_88 = tpu.memref_slice %arg9[%dma_start3A_81] : memref<5x!tpu.dma_semaphore, #tpu.memory_space<semaphore_mem>> -> memref<1x!tpu.dma_semaphore, #tpu.memory_space<semaphore_mem>>
    %dma_start3A_89 = tpu.memref_squeeze %dma_start3A_88 : memref<1x!tpu.dma_semaphore, #tpu.memory_space<semaphore_mem>> -> memref<!tpu.dma_semaphore, #tpu.memory_space<semaphore_mem>>
    %dma_start3A_90 = arith.constant 0 : i32
    %dma_start3A_91 = arith.constant 0 : i32
    %dma_start3A_92 = tpu.memref_slice %arg8[%dma_start3A_80, %dma_start3A_90, %dma_start3A_91] : memref<5x40x128xf32, #tpu.memory_space<vmem>> -> memref<1x40x128xf32, #tpu.memory_space<vmem>>
    %dma_start3A_93 = tpu.memref_squeeze %dma_start3A_92 : memref<1x40x128xf32, #tpu.memory_space<vmem>> -> memref<40x128xf32, #tpu.memory_space<vmem>>
    %dma_start3A_94 = arith.constant 0 : i32
    %dma_start3A_95 = tpu.memref_slice %arg2[%add3A_79, %dma_start3A_94] : memref<160000x128xf32, #tpu.memory_space<hbm>> -> memref<40x128xf32, #tpu.memory_space<hbm>>
    tpu.enqueue_dma source(%dma_start3A_95 : memref<40x128xf32, #tpu.memory_space<hbm>>) target(%dma_start3A_93 : memref<40x128xf32, #tpu.memory_space<vmem>>) target_semaphore(%dma_start3A_89 : memref<!tpu.dma_semaphore, #tpu.memory_space<semaphore_mem>>)
    %scan3A = arith.constant 0 : i32
    %scan3A_96 = arith.constant 0 : i32
    %scan3A_97 = arith.constant 24 : i32
    %scan3A_98 = arith.addi %scan3A_96, %scan3A_97 : i32
    %scan3A_99 = arith.constant 1 : i32
    %scan3A_100 = scf.for %scan3A_351 = %scan3A_96 to %scan3A_98 step %scan3A_99 iter_args(%scan3A_352 = %scan3A) -> (i32)  : i32 {
      %mul3A_353 = arith.constant 5 : i32
      %mul3A_354 = arith.muli %scan3A_351, %mul3A_353 : i32
      %add3A_355 = arith.constant 0 : i32
      %add3A_356 = arith.addi %mul3A_354, %add3A_355 : i32
      %mul3A_357 = arith.constant 40 : i32
      %mul3A_358 = arith.muli %add3A_356, %mul3A_357 : i32
      %add3A_359 = arith.addi %mul3A_2, %mul3A_358 : i32
      %dma_wait3A_360 = arith.constant 0 : i32
      %dma_wait3A_361 = arith.constant 0 : i32
      %dma_wait3A_362 = arith.constant 0 : i32
      %dma_wait3A_363 = arith.constant 0 : i32
      %dma_wait3A_364 = tpu.memref_slice %arg8[%dma_wait3A_360, %dma_wait3A_362, %dma_wait3A_363] : memref<5x40x128xf32, #tpu.memory_space<vmem>> -> memref<1x40x128xf32, #tpu.memory_space<vmem>>
      %dma_wait3A_365 = tpu.memref_squeeze %dma_wait3A_364 : memref<1x40x128xf32, #tpu.memory_space<vmem>> -> memref<40x128xf32, #tpu.memory_space<vmem>>
      %dma_wait3A_366 = arith.constant 0 : i32
      %dma_wait3A_367 = tpu.memref_slice %arg2[%add3A_359, %dma_wait3A_366] : memref<160000x128xf32, #tpu.memory_space<hbm>> -> memref<40x128xf32, #tpu.memory_space<hbm>>
      %dma_wait3A_368 = tpu.memref_slice %arg9[%dma_wait3A_361] : memref<5x!tpu.dma_semaphore, #tpu.memory_space<semaphore_mem>> -> memref<1x!tpu.dma_semaphore, #tpu.memory_space<semaphore_mem>>
      %dma_wait3A_369 = tpu.memref_squeeze %dma_wait3A_368 : memref<1x!tpu.dma_semaphore, #tpu.memory_space<semaphore_mem>> -> memref<!tpu.dma_semaphore, #tpu.memory_space<semaphore_mem>>
      %dma_wait3A_370 = arith.constant 0 : i32
      %dma_wait3A_371 = arith.constant 0 : i32
      %dma_wait3A_372 = tpu.memref_slice %arg8[%dma_wait3A_360, %dma_wait3A_370, %dma_wait3A_371] : memref<5x40x128xf32, #tpu.memory_space<vmem>> -> memref<1x40x128xf32, #tpu.memory_space<vmem>>
      %dma_wait3A_373 = tpu.memref_squeeze %dma_wait3A_372 : memref<1x40x128xf32, #tpu.memory_space<vmem>> -> memref<40x128xf32, #tpu.memory_space<vmem>>
      %dma_wait3A_374 = arith.constant 0 : i32
      %dma_wait3A_375 = tpu.memref_slice %arg2[%add3A_359, %dma_wait3A_374] : memref<160000x128xf32, #tpu.memory_space<hbm>> -> memref<40x128xf32, #tpu.memory_space<hbm>>
      tpu.wait_dma2 semaphore(%dma_wait3A_369 : memref<!tpu.dma_semaphore, #tpu.memory_space<semaphore_mem>>) src(%dma_wait3A_375 : memref<40x128xf32, #tpu.memory_space<hbm>>) dst(%dma_wait3A_373 : memref<40x128xf32, #tpu.memory_space<vmem>>)
      %dma_start3A_376 = arith.constant 0 : i32
      %dma_start3A_377 = arith.constant 0 : i32
      %dma_start3A_378 = arith.constant 0 : i32
      %dma_start3A_379 = arith.constant 0 : i32
      %dma_start3A_380 = tpu.memref_slice %arg8[%dma_start3A_376, %dma_start3A_378, %dma_start3A_379] : memref<5x40x128xf32, #tpu.memory_space<vmem>> -> memref<1x40x128xf32, #tpu.memory_space<vmem>>
      %dma_start3A_381 = tpu.memref_squeeze %dma_start3A_380 : memref<1x40x128xf32, #tpu.memory_space<vmem>> -> memref<40x128xf32, #tpu.memory_space<vmem>>
      %dma_start3A_382 = arith.constant 0 : i32
      %dma_start3A_383 = tpu.memref_slice %arg7[%add3A_356, %dma_start3A_382] : memref<125x40xi32, #tpu.memory_space<vmem>> -> memref<1x40xi32, #tpu.memory_space<vmem>>
      %dma_start3A_384 = tpu.memref_squeeze %dma_start3A_383 : memref<1x40xi32, #tpu.memory_space<vmem>> -> memref<40xi32, #tpu.memory_space<vmem>>
      %dma_start3A_385 = arith.constant 0 : i32
      %dma_start3A_386 = arith.constant 0 : i32
      %dma_start3A_387 = tpu.memref_slice %arg6[%dma_start3A_385, %dma_start3A_386] : memref<10000x128xf32, #tpu.memory_space<vmem_shared>> -> memref<10000x128xf32, #tpu.memory_space<vmem_shared>>
      %dma_start3A_388 = tpu.memref_slice %arg10[%dma_start3A_377] : memref<5x!tpu.dma_semaphore, #tpu.memory_space<semaphore_mem>> -> memref<1x!tpu.dma_semaphore, #tpu.memory_space<semaphore_mem>>
      %dma_start3A_389 = tpu.memref_squeeze %dma_start3A_388 : memref<1x!tpu.dma_semaphore, #tpu.memory_space<semaphore_mem>> -> memref<!tpu.dma_semaphore, #tpu.memory_space<semaphore_mem>>
      tpu.enqueue_indirect_dma source(%dma_start3A_381 : memref<40x128xf32, #tpu.memory_space<vmem>>) target(%dma_start3A_387 : memref<10000x128xf32, #tpu.memory_space<vmem_shared>>) offsets(%dma_start3A_384 : memref<40xi32, #tpu.memory_space<vmem>>) semaphore(%dma_start3A_389 : memref<!tpu.dma_semaphore, #tpu.memory_space<semaphore_mem>>) {add = true}
      %dma_wait3A_390 = arith.constant 0 : i32
      %dma_wait3A_391 = arith.constant 0 : i32
      %dma_wait3A_392 = arith.constant 0 : i32
      %dma_wait3A_393 = arith.constant 0 : i32
      %dma_wait3A_394 = tpu.memref_slice %arg8[%dma_wait3A_390, %dma_wait3A_392, %dma_wait3A_393] : memref<5x40x128xf32, #tpu.memory_space<vmem>> -> memref<1x40x128xf32, #tpu.memory_space<vmem>>
      %dma_wait3A_395 = tpu.memref_squeeze %dma_wait3A_394 : memref<1x40x128xf32, #tpu.memory_space<vmem>> -> memref<40x128xf32, #tpu.memory_space<vmem>>
      %dma_wait3A_396 = arith.constant 0 : i32
      %dma_wait3A_397 = tpu.memref_slice %arg7[%add3A_356, %dma_wait3A_396] : memref<125x40xi32, #tpu.memory_space<vmem>> -> memref<1x40xi32, #tpu.memory_space<vmem>>
      %dma_wait3A_398 = tpu.memref_squeeze %dma_wait3A_397 : memref<1x40xi32, #tpu.memory_space<vmem>> -> memref<40xi32, #tpu.memory_space<vmem>>
      %dma_wait3A_399 = arith.constant 0 : i32
      %dma_wait3A_400 = arith.constant 0 : i32
      %dma_wait3A_401 = tpu.memref_slice %arg6[%dma_wait3A_399, %dma_wait3A_400] : memref<10000x128xf32, #tpu.memory_space<vmem_shared>> -> memref<10000x128xf32, #tpu.memory_space<vmem_shared>>
      %dma_wait3A_402 = tpu.memref_slice %arg10[%dma_wait3A_391] : memref<5x!tpu.dma_semaphore, #tpu.memory_space<semaphore_mem>> -> memref<1x!tpu.dma_semaphore, #tpu.memory_space<semaphore_mem>>
      %dma_wait3A_403 = tpu.memref_squeeze %dma_wait3A_402 : memref<1x!tpu.dma_semaphore, #tpu.memory_space<semaphore_mem>> -> memref<!tpu.dma_semaphore, #tpu.memory_space<semaphore_mem>>
      tpu.wait_indirect_dma semaphore(%dma_wait3A_403 : memref<!tpu.dma_semaphore, #tpu.memory_space<semaphore_mem>>) src(%dma_wait3A_395 : memref<40x128xf32, #tpu.memory_space<vmem>>) dst(%dma_wait3A_401 : memref<10000x128xf32, #tpu.memory_space<vmem_shared>>)
      %add3A_404 = arith.constant 5 : i32
      %add3A_405 = arith.addi %add3A_356, %add3A_404 : i32
      %mul3A_406 = arith.constant 40 : i32
      %mul3A_407 = arith.muli %add3A_405, %mul3A_406 : i32
      %add3A_408 = arith.addi %mul3A_2, %mul3A_407 : i32
      %dma_start3A_409 = arith.constant 0 : i32
      %dma_start3A_410 = arith.constant 0 : i32
      %dma_start3A_411 = arith.constant 0 : i32
      %dma_start3A_412 = arith.constant 0 : i32
      %dma_start3A_413 = tpu.memref_slice %arg8[%dma_start3A_409, %dma_start3A_411, %dma_start3A_412] : memref<5x40x128xf32, #tpu.memory_space<vmem>> -> memref<1x40x128xf32, #tpu.memory_space<vmem>>
      %dma_start3A_414 = tpu.memref_squeeze %dma_start3A_413 : memref<1x40x128xf32, #tpu.memory_space<vmem>> -> memref<40x128xf32, #tpu.memory_space<vmem>>
      %dma_start3A_415 = arith.constant 0 : i32
      %dma_start3A_416 = tpu.memref_slice %arg2[%add3A_408, %dma_start3A_415] : memref<160000x128xf32, #tpu.memory_space<hbm>> -> memref<40x128xf32, #tpu.memory_space<hbm>>
      %dma_start3A_417 = tpu.memref_slice %arg9[%dma_start3A_410] : memref<5x!tpu.dma_semaphore, #tpu.memory_space<semaphore_mem>> -> memref<1x!tpu.dma_semaphore, #tpu.memory_space<semaphore_mem>>
      %dma_start3A_418 = tpu.memref_squeeze %dma_start3A_417 : memref<1x!tpu.dma_semaphore, #tpu.memory_space<semaphore_mem>> -> memref<!tpu.dma_semaphore, #tpu.memory_space<semaphore_mem>>
      %dma_start3A_419 = arith.constant 0 : i32
      %dma_start3A_420 = arith.constant 0 : i32
      %dma_start3A_421 = tpu.memref_slice %arg8[%dma_start3A_409, %dma_start3A_419, %dma_start3A_420] : memref<5x40x128xf32, #tpu.memory_space<vmem>> -> memref<1x40x128xf32, #tpu.memory_space<vmem>>
      %dma_start3A_422 = tpu.memref_squeeze %dma_start3A_421 : memref<1x40x128xf32, #tpu.memory_space<vmem>> -> memref<40x128xf32, #tpu.memory_space<vmem>>
      %dma_start3A_423 = arith.constant 0 : i32
      %dma_start3A_424 = tpu.memref_slice %arg2[%add3A_408, %dma_start3A_423] : memref<160000x128xf32, #tpu.memory_space<hbm>> -> memref<40x128xf32, #tpu.memory_space<hbm>>
      tpu.enqueue_dma source(%dma_start3A_424 : memref<40x128xf32, #tpu.memory_space<hbm>>) target(%dma_start3A_422 : memref<40x128xf32, #tpu.memory_space<vmem>>) target_semaphore(%dma_start3A_418 : memref<!tpu.dma_semaphore, #tpu.memory_space<semaphore_mem>>)
      %mul3A_425 = arith.constant 5 : i32
      %mul3A_426 = arith.muli %scan3A_351, %mul3A_425 : i32
      %add3A_427 = arith.constant 1 : i32
      %add3A_428 = arith.addi %mul3A_426, %add3A_427 : i32
      %mul3A_429 = arith.constant 40 : i32
      %mul3A_430 = arith.muli %add3A_428, %mul3A_429 : i32
      %add3A_431 = arith.addi %mul3A_2, %mul3A_430 : i32
      %dma_wait3A_432 = arith.constant 1 : i32
      %dma_wait3A_433 = arith.constant 1 : i32
      %dma_wait3A_434 = arith.constant 0 : i32
      %dma_wait3A_435 = arith.constant 0 : i32
      %dma_wait3A_436 = tpu.memref_slice %arg8[%dma_wait3A_432, %dma_wait3A_434, %dma_wait3A_435] : memref<5x40x128xf32, #tpu.memory_space<vmem>> -> memref<1x40x128xf32, #tpu.memory_space<vmem>>
      %dma_wait3A_437 = tpu.memref_squeeze %dma_wait3A_436 : memref<1x40x128xf32, #tpu.memory_space<vmem>> -> memref<40x128xf32, #tpu.memory_space<vmem>>
      %dma_wait3A_438 = arith.constant 0 : i32
      %dma_wait3A_439 = tpu.memref_slice %arg2[%add3A_431, %dma_wait3A_438] : memref<160000x128xf32, #tpu.memory_space<hbm>> -> memref<40x128xf32, #tpu.memory_space<hbm>>
      %dma_wait3A_440 = tpu.memref_slice %arg9[%dma_wait3A_433] : memref<5x!tpu.dma_semaphore, #tpu.memory_space<semaphore_mem>> -> memref<1x!tpu.dma_semaphore, #tpu.memory_space<semaphore_mem>>
      %dma_wait3A_441 = tpu.memref_squeeze %dma_wait3A_440 : memref<1x!tpu.dma_semaphore, #tpu.memory_space<semaphore_mem>> -> memref<!tpu.dma_semaphore, #tpu.memory_space<semaphore_mem>>
      %dma_wait3A_442 = arith.constant 0 : i32
      %dma_wait3A_443 = arith.constant 0 : i32
      %dma_wait3A_444 = tpu.memref_slice %arg8[%dma_wait3A_432, %dma_wait3A_442, %dma_wait3A_443] : memref<5x40x128xf32, #tpu.memory_space<vmem>> -> memref<1x40x128xf32, #tpu.memory_space<vmem>>
      %dma_wait3A_445 = tpu.memref_squeeze %dma_wait3A_444 : memref<1x40x128xf32, #tpu.memory_space<vmem>> -> memref<40x128xf32, #tpu.memory_space<vmem>>
      %dma_wait3A_446 = arith.constant 0 : i32
      %dma_wait3A_447 = tpu.memref_slice %arg2[%add3A_431, %dma_wait3A_446] : memref<160000x128xf32, #tpu.memory_space<hbm>> -> memref<40x128xf32, #tpu.memory_space<hbm>>
      tpu.wait_dma2 semaphore(%dma_wait3A_441 : memref<!tpu.dma_semaphore, #tpu.memory_space<semaphore_mem>>) src(%dma_wait3A_447 : memref<40x128xf32, #tpu.memory_space<hbm>>) dst(%dma_wait3A_445 : memref<40x128xf32, #tpu.memory_space<vmem>>)
      %dma_start3A_448 = arith.constant 1 : i32
      %dma_start3A_449 = arith.constant 1 : i32
      %dma_start3A_450 = arith.constant 0 : i32
      %dma_start3A_451 = arith.constant 0 : i32
      %dma_start3A_452 = tpu.memref_slice %arg8[%dma_start3A_448, %dma_start3A_450, %dma_start3A_451] : memref<5x40x128xf32, #tpu.memory_space<vmem>> -> memref<1x40x128xf32, #tpu.memory_space<vmem>>
      %dma_start3A_453 = tpu.memref_squeeze %dma_start3A_452 : memref<1x40x128xf32, #tpu.memory_space<vmem>> -> memref<40x128xf32, #tpu.memory_space<vmem>>
      %dma_start3A_454 = arith.constant 0 : i32
      %dma_start3A_455 = tpu.memref_slice %arg7[%add3A_428, %dma_start3A_454] : memref<125x40xi32, #tpu.memory_space<vmem>> -> memref<1x40xi32, #tpu.memory_space<vmem>>
      %dma_start3A_456 = tpu.memref_squeeze %dma_start3A_455 : memref<1x40xi32, #tpu.memory_space<vmem>> -> memref<40xi32, #tpu.memory_space<vmem>>
      %dma_start3A_457 = arith.constant 0 : i32
      %dma_start3A_458 = arith.constant 0 : i32
      %dma_start3A_459 = tpu.memref_slice %arg6[%dma_start3A_457, %dma_start3A_458] : memref<10000x128xf32, #tpu.memory_space<vmem_shared>> -> memref<10000x128xf32, #tpu.memory_space<vmem_shared>>
      %dma_start3A_460 = tpu.memref_slice %arg10[%dma_start3A_449] : memref<5x!tpu.dma_semaphore, #tpu.memory_space<semaphore_mem>> -> memref<1x!tpu.dma_semaphore, #tpu.memory_space<semaphore_mem>>
      %dma_start3A_461 = tpu.memref_squeeze %dma_start3A_460 : memref<1x!tpu.dma_semaphore, #tpu.memory_space<semaphore_mem>> -> memref<!tpu.dma_semaphore, #tpu.memory_space<semaphore_mem>>
      tpu.enqueue_indirect_dma source(%dma_start3A_453 : memref<40x128xf32, #tpu.memory_space<vmem>>) target(%dma_start3A_459 : memref<10000x128xf32, #tpu.memory_space<vmem_shared>>) offsets(%dma_start3A_456 : memref<40xi32, #tpu.memory_space<vmem>>) semaphore(%dma_start3A_461 : memref<!tpu.dma_semaphore, #tpu.memory_space<semaphore_mem>>) {add = true}
      %dma_wait3A_462 = arith.constant 1 : i32
      %dma_wait3A_463 = arith.constant 1 : i32
      %dma_wait3A_464 = arith.constant 0 : i32
      %dma_wait3A_465 = arith.constant 0 : i32
      %dma_wait3A_466 = tpu.memref_slice %arg8[%dma_wait3A_462, %dma_wait3A_464, %dma_wait3A_465] : memref<5x40x128xf32, #tpu.memory_space<vmem>> -> memref<1x40x128xf32, #tpu.memory_space<vmem>>
      %dma_wait3A_467 = tpu.memref_squeeze %dma_wait3A_466 : memref<1x40x128xf32, #tpu.memory_space<vmem>> -> memref<40x128xf32, #tpu.memory_space<vmem>>
      %dma_wait3A_468 = arith.constant 0 : i32
      %dma_wait3A_469 = tpu.memref_slice %arg7[%add3A_428, %dma_wait3A_468] : memref<125x40xi32, #tpu.memory_space<vmem>> -> memref<1x40xi32, #tpu.memory_space<vmem>>
      %dma_wait3A_470 = tpu.memref_squeeze %dma_wait3A_469 : memref<1x40xi32, #tpu.memory_space<vmem>> -> memref<40xi32, #tpu.memory_space<vmem>>
      %dma_wait3A_471 = arith.constant 0 : i32
      %dma_wait3A_472 = arith.constant 0 : i32
      %dma_wait3A_473 = tpu.memref_slice %arg6[%dma_wait3A_471, %dma_wait3A_472] : memref<10000x128xf32, #tpu.memory_space<vmem_shared>> -> memref<10000x128xf32, #tpu.memory_space<vmem_shared>>
      %dma_wait3A_474 = tpu.memref_slice %arg10[%dma_wait3A_463] : memref<5x!tpu.dma_semaphore, #tpu.memory_space<semaphore_mem>> -> memref<1x!tpu.dma_semaphore, #tpu.memory_space<semaphore_mem>>
      %dma_wait3A_475 = tpu.memref_squeeze %dma_wait3A_474 : memref<1x!tpu.dma_semaphore, #tpu.memory_space<semaphore_mem>> -> memref<!tpu.dma_semaphore, #tpu.memory_space<semaphore_mem>>
      tpu.wait_indirect_dma semaphore(%dma_wait3A_475 : memref<!tpu.dma_semaphore, #tpu.memory_space<semaphore_mem>>) src(%dma_wait3A_467 : memref<40x128xf32, #tpu.memory_space<vmem>>) dst(%dma_wait3A_473 : memref<10000x128xf32, #tpu.memory_space<vmem_shared>>)
      %add3A_476 = arith.constant 5 : i32
      %add3A_477 = arith.addi %add3A_428, %add3A_476 : i32
      %mul3A_478 = arith.constant 40 : i32
      %mul3A_479 = arith.muli %add3A_477, %mul3A_478 : i32
      %add3A_480 = arith.addi %mul3A_2, %mul3A_479 : i32
      %dma_start3A_481 = arith.constant 1 : i32
      %dma_start3A_482 = arith.constant 1 : i32
      %dma_start3A_483 = arith.constant 0 : i32
      %dma_start3A_484 = arith.constant 0 : i32
      %dma_start3A_485 = tpu.memref_slice %arg8[%dma_start3A_481, %dma_start3A_483, %dma_start3A_484] : memref<5x40x128xf32, #tpu.memory_space<vmem>> -> memref<1x40x128xf32, #tpu.memory_space<vmem>>
      %dma_start3A_486 = tpu.memref_squeeze %dma_start3A_485 : memref<1x40x128xf32, #tpu.memory_space<vmem>> -> memref<40x128xf32, #tpu.memory_space<vmem>>
      %dma_start3A_487 = arith.constant 0 : i32
      %dma_start3A_488 = tpu.memref_slice %arg2[%add3A_480, %dma_start3A_487] : memref<160000x128xf32, #tpu.memory_space<hbm>> -> memref<40x128xf32, #tpu.memory_space<hbm>>
      %dma_start3A_489 = tpu.memref_slice %arg9[%dma_start3A_482] : memref<5x!tpu.dma_semaphore, #tpu.memory_space<semaphore_mem>> -> memref<1x!tpu.dma_semaphore, #tpu.memory_space<semaphore_mem>>
      %dma_start3A_490 = tpu.memref_squeeze %dma_start3A_489 : memref<1x!tpu.dma_semaphore, #tpu.memory_space<semaphore_mem>> -> memref<!tpu.dma_semaphore, #tpu.memory_space<semaphore_mem>>
      %dma_start3A_491 = arith.constant 0 : i32
      %dma_start3A_492 = arith.constant 0 : i32
      %dma_start3A_493 = tpu.memref_slice %arg8[%dma_start3A_481, %dma_start3A_491, %dma_start3A_492] : memref<5x40x128xf32, #tpu.memory_space<vmem>> -> memref<1x40x128xf32, #tpu.memory_space<vmem>>
      %dma_start3A_494 = tpu.memref_squeeze %dma_start3A_493 : memref<1x40x128xf32, #tpu.memory_space<vmem>> -> memref<40x128xf32, #tpu.memory_space<vmem>>
      %dma_start3A_495 = arith.constant 0 : i32
      %dma_start3A_496 = tpu.memref_slice %arg2[%add3A_480, %dma_start3A_495] : memref<160000x128xf32, #tpu.memory_space<hbm>> -> memref<40x128xf32, #tpu.memory_space<hbm>>
      tpu.enqueue_dma source(%dma_start3A_496 : memref<40x128xf32, #tpu.memory_space<hbm>>) target(%dma_start3A_494 : memref<40x128xf32, #tpu.memory_space<vmem>>) target_semaphore(%dma_start3A_490 : memref<!tpu.dma_semaphore, #tpu.memory_space<semaphore_mem>>)
      %mul3A_497 = arith.constant 5 : i32
      %mul3A_498 = arith.muli %scan3A_351, %mul3A_497 : i32
      %add3A_499 = arith.constant 2 : i32
      %add3A_500 = arith.addi %mul3A_498, %add3A_499 : i32
      %mul3A_501 = arith.constant 40 : i32
      %mul3A_502 = arith.muli %add3A_500, %mul3A_501 : i32
      %add3A_503 = arith.addi %mul3A_2, %mul3A_502 : i32
      %dma_wait3A_504 = arith.constant 2 : i32
      %dma_wait3A_505 = arith.constant 2 : i32
      %dma_wait3A_506 = arith.constant 0 : i32
      %dma_wait3A_507 = arith.constant 0 : i32
      %dma_wait3A_508 = tpu.memref_slice %arg8[%dma_wait3A_504, %dma_wait3A_506, %dma_wait3A_507] : memref<5x40x128xf32, #tpu.memory_space<vmem>> -> memref<1x40x128xf32, #tpu.memory_space<vmem>>
      %dma_wait3A_509 = tpu.memref_squeeze %dma_wait3A_508 : memref<1x40x128xf32, #tpu.memory_space<vmem>> -> memref<40x128xf32, #tpu.memory_space<vmem>>
      %dma_wait3A_510 = arith.constant 0 : i32
      %dma_wait3A_511 = tpu.memref_slice %arg2[%add3A_503, %dma_wait3A_510] : memref<160000x128xf32, #tpu.memory_space<hbm>> -> memref<40x128xf32, #tpu.memory_space<hbm>>
      %dma_wait3A_512 = tpu.memref_slice %arg9[%dma_wait3A_505] : memref<5x!tpu.dma_semaphore, #tpu.memory_space<semaphore_mem>> -> memref<1x!tpu.dma_semaphore, #tpu.memory_space<semaphore_mem>>
      %dma_wait3A_513 = tpu.memref_squeeze %dma_wait3A_512 : memref<1x!tpu.dma_semaphore, #tpu.memory_space<semaphore_mem>> -> memref<!tpu.dma_semaphore, #tpu.memory_space<semaphore_mem>>
      %dma_wait3A_514 = arith.constant 0 : i32
      %dma_wait3A_515 = arith.constant 0 : i32
      %dma_wait3A_516 = tpu.memref_slice %arg8[%dma_wait3A_504, %dma_wait3A_514, %dma_wait3A_515] : memref<5x40x128xf32, #tpu.memory_space<vmem>> -> memref<1x40x128xf32, #tpu.memory_space<vmem>>
      %dma_wait3A_517 = tpu.memref_squeeze %dma_wait3A_516 : memref<1x40x128xf32, #tpu.memory_space<vmem>> -> memref<40x128xf32, #tpu.memory_space<vmem>>
      %dma_wait3A_518 = arith.constant 0 : i32
      %dma_wait3A_519 = tpu.memref_slice %arg2[%add3A_503, %dma_wait3A_518] : memref<160000x128xf32, #tpu.memory_space<hbm>> -> memref<40x128xf32, #tpu.memory_space<hbm>>
      tpu.wait_dma2 semaphore(%dma_wait3A_513 : memref<!tpu.dma_semaphore, #tpu.memory_space<semaphore_mem>>) src(%dma_wait3A_519 : memref<40x128xf32, #tpu.memory_space<hbm>>) dst(%dma_wait3A_517 : memref<40x128xf32, #tpu.memory_space<vmem>>)
      %dma_start3A_520 = arith.constant 2 : i32
      %dma_start3A_521 = arith.constant 2 : i32
      %dma_start3A_522 = arith.constant 0 : i32
      %dma_start3A_523 = arith.constant 0 : i32
      %dma_start3A_524 = tpu.memref_slice %arg8[%dma_start3A_520, %dma_start3A_522, %dma_start3A_523] : memref<5x40x128xf32, #tpu.memory_space<vmem>> -> memref<1x40x128xf32, #tpu.memory_space<vmem>>
      %dma_start3A_525 = tpu.memref_squeeze %dma_start3A_524 : memref<1x40x128xf32, #tpu.memory_space<vmem>> -> memref<40x128xf32, #tpu.memory_space<vmem>>
      %dma_start3A_526 = arith.constant 0 : i32
      %dma_start3A_527 = tpu.memref_slice %arg7[%add3A_500, %dma_start3A_526] : memref<125x40xi32, #tpu.memory_space<vmem>> -> memref<1x40xi32, #tpu.memory_space<vmem>>
      %dma_start3A_528 = tpu.memref_squeeze %dma_start3A_527 : memref<1x40xi32, #tpu.memory_space<vmem>> -> memref<40xi32, #tpu.memory_space<vmem>>
      %dma_start3A_529 = arith.constant 0 : i32
      %dma_start3A_530 = arith.constant 0 : i32
      %dma_start3A_531 = tpu.memref_slice %arg6[%dma_start3A_529, %dma_start3A_530] : memref<10000x128xf32, #tpu.memory_space<vmem_shared>> -> memref<10000x128xf32, #tpu.memory_space<vmem_shared>>
      %dma_start3A_532 = tpu.memref_slice %arg10[%dma_start3A_521] : memref<5x!tpu.dma_semaphore, #tpu.memory_space<semaphore_mem>> -> memref<1x!tpu.dma_semaphore, #tpu.memory_space<semaphore_mem>>
      %dma_start3A_533 = tpu.memref_squeeze %dma_start3A_532 : memref<1x!tpu.dma_semaphore, #tpu.memory_space<semaphore_mem>> -> memref<!tpu.dma_semaphore, #tpu.memory_space<semaphore_mem>>
      tpu.enqueue_indirect_dma source(%dma_start3A_525 : memref<40x128xf32, #tpu.memory_space<vmem>>) target(%dma_start3A_531 : memref<10000x128xf32, #tpu.memory_space<vmem_shared>>) offsets(%dma_start3A_528 : memref<40xi32, #tpu.memory_space<vmem>>) semaphore(%dma_start3A_533 : memref<!tpu.dma_semaphore, #tpu.memory_space<semaphore_mem>>) {add = true}
      %dma_wait3A_534 = arith.constant 2 : i32
      %dma_wait3A_535 = arith.constant 2 : i32
      %dma_wait3A_536 = arith.constant 0 : i32
      %dma_wait3A_537 = arith.constant 0 : i32
      %dma_wait3A_538 = tpu.memref_slice %arg8[%dma_wait3A_534, %dma_wait3A_536, %dma_wait3A_537] : memref<5x40x128xf32, #tpu.memory_space<vmem>> -> memref<1x40x128xf32, #tpu.memory_space<vmem>>
      %dma_wait3A_539 = tpu.memref_squeeze %dma_wait3A_538 : memref<1x40x128xf32, #tpu.memory_space<vmem>> -> memref<40x128xf32, #tpu.memory_space<vmem>>
      %dma_wait3A_540 = arith.constant 0 : i32
      %dma_wait3A_541 = tpu.memref_slice %arg7[%add3A_500, %dma_wait3A_540] : memref<125x40xi32, #tpu.memory_space<vmem>> -> memref<1x40xi32, #tpu.memory_space<vmem>>
      %dma_wait3A_542 = tpu.memref_squeeze %dma_wait3A_541 : memref<1x40xi32, #tpu.memory_space<vmem>> -> memref<40xi32, #tpu.memory_space<vmem>>
      %dma_wait3A_543 = arith.constant 0 : i32
      %dma_wait3A_544 = arith.constant 0 : i32
      %dma_wait3A_545 = tpu.memref_slice %arg6[%dma_wait3A_543, %dma_wait3A_544] : memref<10000x128xf32, #tpu.memory_space<vmem_shared>> -> memref<10000x128xf32, #tpu.memory_space<vmem_shared>>
      %dma_wait3A_546 = tpu.memref_slice %arg10[%dma_wait3A_535] : memref<5x!tpu.dma_semaphore, #tpu.memory_space<semaphore_mem>> -> memref<1x!tpu.dma_semaphore, #tpu.memory_space<semaphore_mem>>
      %dma_wait3A_547 = tpu.memref_squeeze %dma_wait3A_546 : memref<1x!tpu.dma_semaphore, #tpu.memory_space<semaphore_mem>> -> memref<!tpu.dma_semaphore, #tpu.memory_space<semaphore_mem>>
      tpu.wait_indirect_dma semaphore(%dma_wait3A_547 : memref<!tpu.dma_semaphore, #tpu.memory_space<semaphore_mem>>) src(%dma_wait3A_539 : memref<40x128xf32, #tpu.memory_space<vmem>>) dst(%dma_wait3A_545 : memref<10000x128xf32, #tpu.memory_space<vmem_shared>>)
      %add3A_548 = arith.constant 5 : i32
      %add3A_549 = arith.addi %add3A_500, %add3A_548 : i32
      %mul3A_550 = arith.constant 40 : i32
      %mul3A_551 = arith.muli %add3A_549, %mul3A_550 : i32
      %add3A_552 = arith.addi %mul3A_2, %mul3A_551 : i32
      %dma_start3A_553 = arith.constant 2 : i32
      %dma_start3A_554 = arith.constant 2 : i32
      %dma_start3A_555 = arith.constant 0 : i32
      %dma_start3A_556 = arith.constant 0 : i32
      %dma_start3A_557 = tpu.memref_slice %arg8[%dma_start3A_553, %dma_start3A_555, %dma_start3A_556] : memref<5x40x128xf32, #tpu.memory_space<vmem>> -> memref<1x40x128xf32, #tpu.memory_space<vmem>>
      %dma_start3A_558 = tpu.memref_squeeze %dma_start3A_557 : memref<1x40x128xf32, #tpu.memory_space<vmem>> -> memref<40x128xf32, #tpu.memory_space<vmem>>
      %dma_start3A_559 = arith.constant 0 : i32
      %dma_start3A_560 = tpu.memref_slice %arg2[%add3A_552, %dma_start3A_559] : memref<160000x128xf32, #tpu.memory_space<hbm>> -> memref<40x128xf32, #tpu.memory_space<hbm>>
      %dma_start3A_561 = tpu.memref_slice %arg9[%dma_start3A_554] : memref<5x!tpu.dma_semaphore, #tpu.memory_space<semaphore_mem>> -> memref<1x!tpu.dma_semaphore, #tpu.memory_space<semaphore_mem>>
      %dma_start3A_562 = tpu.memref_squeeze %dma_start3A_561 : memref<1x!tpu.dma_semaphore, #tpu.memory_space<semaphore_mem>> -> memref<!tpu.dma_semaphore, #tpu.memory_space<semaphore_mem>>
      %dma_start3A_563 = arith.constant 0 : i32
      %dma_start3A_564 = arith.constant 0 : i32
      %dma_start3A_565 = tpu.memref_slice %arg8[%dma_start3A_553, %dma_start3A_563, %dma_start3A_564] : memref<5x40x128xf32, #tpu.memory_space<vmem>> -> memref<1x40x128xf32, #tpu.memory_space<vmem>>
      %dma_start3A_566 = tpu.memref_squeeze %dma_start3A_565 : memref<1x40x128xf32, #tpu.memory_space<vmem>> -> memref<40x128xf32, #tpu.memory_space<vmem>>
      %dma_start3A_567 = arith.constant 0 : i32
      %dma_start3A_568 = tpu.memref_slice %arg2[%add3A_552, %dma_start3A_567] : memref<160000x128xf32, #tpu.memory_space<hbm>> -> memref<40x128xf32, #tpu.memory_space<hbm>>
      tpu.enqueue_dma source(%dma_start3A_568 : memref<40x128xf32, #tpu.memory_space<hbm>>) target(%dma_start3A_566 : memref<40x128xf32, #tpu.memory_space<vmem>>) target_semaphore(%dma_start3A_562 : memref<!tpu.dma_semaphore, #tpu.memory_space<semaphore_mem>>)
      %mul3A_569 = arith.constant 5 : i32
      %mul3A_570 = arith.muli %scan3A_351, %mul3A_569 : i32
      %add3A_571 = arith.constant 3 : i32
      %add3A_572 = arith.addi %mul3A_570, %add3A_571 : i32
      %mul3A_573 = arith.constant 40 : i32
      %mul3A_574 = arith.muli %add3A_572, %mul3A_573 : i32
      %add3A_575 = arith.addi %mul3A_2, %mul3A_574 : i32
      %dma_wait3A_576 = arith.constant 3 : i32
      %dma_wait3A_577 = arith.constant 3 : i32
      %dma_wait3A_578 = arith.constant 0 : i32
      %dma_wait3A_579 = arith.constant 0 : i32
      %dma_wait3A_580 = tpu.memref_slice %arg8[%dma_wait3A_576, %dma_wait3A_578, %dma_wait3A_579] : memref<5x40x128xf32, #tpu.memory_space<vmem>> -> memref<1x40x128xf32, #tpu.memory_space<vmem>>
      %dma_wait3A_581 = tpu.memref_squeeze %dma_wait3A_580 : memref<1x40x128xf32, #tpu.memory_space<vmem>> -> memref<40x128xf32, #tpu.memory_space<vmem>>
      %dma_wait3A_582 = arith.constant 0 : i32
      %dma_wait3A_583 = tpu.memref_slice %arg2[%add3A_575, %dma_wait3A_582] : memref<160000x128xf32, #tpu.memory_space<hbm>> -> memref<40x128xf32, #tpu.memory_space<hbm>>
      %dma_wait3A_584 = tpu.memref_slice %arg9[%dma_wait3A_577] : memref<5x!tpu.dma_semaphore, #tpu.memory_space<semaphore_mem>> -> memref<1x!tpu.dma_semaphore, #tpu.memory_space<semaphore_mem>>
      %dma_wait3A_585 = tpu.memref_squeeze %dma_wait3A_584 : memref<1x!tpu.dma_semaphore, #tpu.memory_space<semaphore_mem>> -> memref<!tpu.dma_semaphore, #tpu.memory_space<semaphore_mem>>
      %dma_wait3A_586 = arith.constant 0 : i32
      %dma_wait3A_587 = arith.constant 0 : i32
      %dma_wait3A_588 = tpu.memref_slice %arg8[%dma_wait3A_576, %dma_wait3A_586, %dma_wait3A_587] : memref<5x40x128xf32, #tpu.memory_space<vmem>> -> memref<1x40x128xf32, #tpu.memory_space<vmem>>
      %dma_wait3A_589 = tpu.memref_squeeze %dma_wait3A_588 : memref<1x40x128xf32, #tpu.memory_space<vmem>> -> memref<40x128xf32, #tpu.memory_space<vmem>>
      %dma_wait3A_590 = arith.constant 0 : i32
      %dma_wait3A_591 = tpu.memref_slice %arg2[%add3A_575, %dma_wait3A_590] : memref<160000x128xf32, #tpu.memory_space<hbm>> -> memref<40x128xf32, #tpu.memory_space<hbm>>
      tpu.wait_dma2 semaphore(%dma_wait3A_585 : memref<!tpu.dma_semaphore, #tpu.memory_space<semaphore_mem>>) src(%dma_wait3A_591 : memref<40x128xf32, #tpu.memory_space<hbm>>) dst(%dma_wait3A_589 : memref<40x128xf32, #tpu.memory_space<vmem>>)
      %dma_start3A_592 = arith.constant 3 : i32
      %dma_start3A_593 = arith.constant 3 : i32
      %dma_start3A_594 = arith.constant 0 : i32
      %dma_start3A_595 = arith.constant 0 : i32
      %dma_start3A_596 = tpu.memref_slice %arg8[%dma_start3A_592, %dma_start3A_594, %dma_start3A_595] : memref<5x40x128xf32, #tpu.memory_space<vmem>> -> memref<1x40x128xf32, #tpu.memory_space<vmem>>
      %dma_start3A_597 = tpu.memref_squeeze %dma_start3A_596 : memref<1x40x128xf32, #tpu.memory_space<vmem>> -> memref<40x128xf32, #tpu.memory_space<vmem>>
      %dma_start3A_598 = arith.constant 0 : i32
      %dma_start3A_599 = tpu.memref_slice %arg7[%add3A_572, %dma_start3A_598] : memref<125x40xi32, #tpu.memory_space<vmem>> -> memref<1x40xi32, #tpu.memory_space<vmem>>
      %dma_start3A_600 = tpu.memref_squeeze %dma_start3A_599 : memref<1x40xi32, #tpu.memory_space<vmem>> -> memref<40xi32, #tpu.memory_space<vmem>>
      %dma_start3A_601 = arith.constant 0 : i32
      %dma_start3A_602 = arith.constant 0 : i32
      %dma_start3A_603 = tpu.memref_slice %arg6[%dma_start3A_601, %dma_start3A_602] : memref<10000x128xf32, #tpu.memory_space<vmem_shared>> -> memref<10000x128xf32, #tpu.memory_space<vmem_shared>>
      %dma_start3A_604 = tpu.memref_slice %arg10[%dma_start3A_593] : memref<5x!tpu.dma_semaphore, #tpu.memory_space<semaphore_mem>> -> memref<1x!tpu.dma_semaphore, #tpu.memory_space<semaphore_mem>>
      %dma_start3A_605 = tpu.memref_squeeze %dma_start3A_604 : memref<1x!tpu.dma_semaphore, #tpu.memory_space<semaphore_mem>> -> memref<!tpu.dma_semaphore, #tpu.memory_space<semaphore_mem>>
      tpu.enqueue_indirect_dma source(%dma_start3A_597 : memref<40x128xf32, #tpu.memory_space<vmem>>) target(%dma_start3A_603 : memref<10000x128xf32, #tpu.memory_space<vmem_shared>>) offsets(%dma_start3A_600 : memref<40xi32, #tpu.memory_space<vmem>>) semaphore(%dma_start3A_605 : memref<!tpu.dma_semaphore, #tpu.memory_space<semaphore_mem>>) {add = true}
      %dma_wait3A_606 = arith.constant 3 : i32
      %dma_wait3A_607 = arith.constant 3 : i32
      %dma_wait3A_608 = arith.constant 0 : i32
      %dma_wait3A_609 = arith.constant 0 : i32
      %dma_wait3A_610 = tpu.memref_slice %arg8[%dma_wait3A_606, %dma_wait3A_608, %dma_wait3A_609] : memref<5x40x128xf32, #tpu.memory_space<vmem>> -> memref<1x40x128xf32, #tpu.memory_space<vmem>>
      %dma_wait3A_611 = tpu.memref_squeeze %dma_wait3A_610 : memref<1x40x128xf32, #tpu.memory_space<vmem>> -> memref<40x128xf32, #tpu.memory_space<vmem>>
      %dma_wait3A_612 = arith.constant 0 : i32
      %dma_wait3A_613 = tpu.memref_slice %arg7[%add3A_572, %dma_wait3A_612] : memref<125x40xi32, #tpu.memory_space<vmem>> -> memref<1x40xi32, #tpu.memory_space<vmem>>
      %dma_wait3A_614 = tpu.memref_squeeze %dma_wait3A_613 : memref<1x40xi32, #tpu.memory_space<vmem>> -> memref<40xi32, #tpu.memory_space<vmem>>
      %dma_wait3A_615 = arith.constant 0 : i32
      %dma_wait3A_616 = arith.constant 0 : i32
      %dma_wait3A_617 = tpu.memref_slice %arg6[%dma_wait3A_615, %dma_wait3A_616] : memref<10000x128xf32, #tpu.memory_space<vmem_shared>> -> memref<10000x128xf32, #tpu.memory_space<vmem_shared>>
      %dma_wait3A_618 = tpu.memref_slice %arg10[%dma_wait3A_607] : memref<5x!tpu.dma_semaphore, #tpu.memory_space<semaphore_mem>> -> memref<1x!tpu.dma_semaphore, #tpu.memory_space<semaphore_mem>>
      %dma_wait3A_619 = tpu.memref_squeeze %dma_wait3A_618 : memref<1x!tpu.dma_semaphore, #tpu.memory_space<semaphore_mem>> -> memref<!tpu.dma_semaphore, #tpu.memory_space<semaphore_mem>>
      tpu.wait_indirect_dma semaphore(%dma_wait3A_619 : memref<!tpu.dma_semaphore, #tpu.memory_space<semaphore_mem>>) src(%dma_wait3A_611 : memref<40x128xf32, #tpu.memory_space<vmem>>) dst(%dma_wait3A_617 : memref<10000x128xf32, #tpu.memory_space<vmem_shared>>)
      %add3A_620 = arith.constant 5 : i32
      %add3A_621 = arith.addi %add3A_572, %add3A_620 : i32
      %mul3A_622 = arith.constant 40 : i32
      %mul3A_623 = arith.muli %add3A_621, %mul3A_622 : i32
      %add3A_624 = arith.addi %mul3A_2, %mul3A_623 : i32
      %dma_start3A_625 = arith.constant 3 : i32
      %dma_start3A_626 = arith.constant 3 : i32
      %dma_start3A_627 = arith.constant 0 : i32
      %dma_start3A_628 = arith.constant 0 : i32
      %dma_start3A_629 = tpu.memref_slice %arg8[%dma_start3A_625, %dma_start3A_627, %dma_start3A_628] : memref<5x40x128xf32, #tpu.memory_space<vmem>> -> memref<1x40x128xf32, #tpu.memory_space<vmem>>
      %dma_start3A_630 = tpu.memref_squeeze %dma_start3A_629 : memref<1x40x128xf32, #tpu.memory_space<vmem>> -> memref<40x128xf32, #tpu.memory_space<vmem>>
      %dma_start3A_631 = arith.constant 0 : i32
      %dma_start3A_632 = tpu.memref_slice %arg2[%add3A_624, %dma_start3A_631] : memref<160000x128xf32, #tpu.memory_space<hbm>> -> memref<40x128xf32, #tpu.memory_space<hbm>>
      %dma_start3A_633 = tpu.memref_slice %arg9[%dma_start3A_626] : memref<5x!tpu.dma_semaphore, #tpu.memory_space<semaphore_mem>> -> memref<1x!tpu.dma_semaphore, #tpu.memory_space<semaphore_mem>>
      %dma_start3A_634 = tpu.memref_squeeze %dma_start3A_633 : memref<1x!tpu.dma_semaphore, #tpu.memory_space<semaphore_mem>> -> memref<!tpu.dma_semaphore, #tpu.memory_space<semaphore_mem>>
      %dma_start3A_635 = arith.constant 0 : i32
      %dma_start3A_636 = arith.constant 0 : i32
      %dma_start3A_637 = tpu.memref_slice %arg8[%dma_start3A_625, %dma_start3A_635, %dma_start3A_636] : memref<5x40x128xf32, #tpu.memory_space<vmem>> -> memref<1x40x128xf32, #tpu.memory_space<vmem>>
      %dma_start3A_638 = tpu.memref_squeeze %dma_start3A_637 : memref<1x40x128xf32, #tpu.memory_space<vmem>> -> memref<40x128xf32, #tpu.memory_space<vmem>>
      %dma_start3A_639 = arith.constant 0 : i32
      %dma_start3A_640 = tpu.memref_slice %arg2[%add3A_624, %dma_start3A_639] : memref<160000x128xf32, #tpu.memory_space<hbm>> -> memref<40x128xf32, #tpu.memory_space<hbm>>
      tpu.enqueue_dma source(%dma_start3A_640 : memref<40x128xf32, #tpu.memory_space<hbm>>) target(%dma_start3A_638 : memref<40x128xf32, #tpu.memory_space<vmem>>) target_semaphore(%dma_start3A_634 : memref<!tpu.dma_semaphore, #tpu.memory_space<semaphore_mem>>)
      %mul3A_641 = arith.constant 5 : i32
      %mul3A_642 = arith.muli %scan3A_351, %mul3A_641 : i32
      %add3A_643 = arith.constant 4 : i32
      %add3A_644 = arith.addi %mul3A_642, %add3A_643 : i32
      %mul3A_645 = arith.constant 40 : i32
      %mul3A_646 = arith.muli %add3A_644, %mul3A_645 : i32
      %add3A_647 = arith.addi %mul3A_2, %mul3A_646 : i32
      %dma_wait3A_648 = arith.constant 4 : i32
      %dma_wait3A_649 = arith.constant 4 : i32
      %dma_wait3A_650 = arith.constant 0 : i32
      %dma_wait3A_651 = arith.constant 0 : i32
      %dma_wait3A_652 = tpu.memref_slice %arg8[%dma_wait3A_648, %dma_wait3A_650, %dma_wait3A_651] : memref<5x40x128xf32, #tpu.memory_space<vmem>> -> memref<1x40x128xf32, #tpu.memory_space<vmem>>
      %dma_wait3A_653 = tpu.memref_squeeze %dma_wait3A_652 : memref<1x40x128xf32, #tpu.memory_space<vmem>> -> memref<40x128xf32, #tpu.memory_space<vmem>>
      %dma_wait3A_654 = arith.constant 0 : i32
      %dma_wait3A_655 = tpu.memref_slice %arg2[%add3A_647, %dma_wait3A_654] : memref<160000x128xf32, #tpu.memory_space<hbm>> -> memref<40x128xf32, #tpu.memory_space<hbm>>
      %dma_wait3A_656 = tpu.memref_slice %arg9[%dma_wait3A_649] : memref<5x!tpu.dma_semaphore, #tpu.memory_space<semaphore_mem>> -> memref<1x!tpu.dma_semaphore, #tpu.memory_space<semaphore_mem>>
      %dma_wait3A_657 = tpu.memref_squeeze %dma_wait3A_656 : memref<1x!tpu.dma_semaphore, #tpu.memory_space<semaphore_mem>> -> memref<!tpu.dma_semaphore, #tpu.memory_space<semaphore_mem>>
      %dma_wait3A_658 = arith.constant 0 : i32
      %dma_wait3A_659 = arith.constant 0 : i32
      %dma_wait3A_660 = tpu.memref_slice %arg8[%dma_wait3A_648, %dma_wait3A_658, %dma_wait3A_659] : memref<5x40x128xf32, #tpu.memory_space<vmem>> -> memref<1x40x128xf32, #tpu.memory_space<vmem>>
      %dma_wait3A_661 = tpu.memref_squeeze %dma_wait3A_660 : memref<1x40x128xf32, #tpu.memory_space<vmem>> -> memref<40x128xf32, #tpu.memory_space<vmem>>
      %dma_wait3A_662 = arith.constant 0 : i32
      %dma_wait3A_663 = tpu.memref_slice %arg2[%add3A_647, %dma_wait3A_662] : memref<160000x128xf32, #tpu.memory_space<hbm>> -> memref<40x128xf32, #tpu.memory_space<hbm>>
      tpu.wait_dma2 semaphore(%dma_wait3A_657 : memref<!tpu.dma_semaphore, #tpu.memory_space<semaphore_mem>>) src(%dma_wait3A_663 : memref<40x128xf32, #tpu.memory_space<hbm>>) dst(%dma_wait3A_661 : memref<40x128xf32, #tpu.memory_space<vmem>>)
      %dma_start3A_664 = arith.constant 4 : i32
      %dma_start3A_665 = arith.constant 4 : i32
      %dma_start3A_666 = arith.constant 0 : i32
      %dma_start3A_667 = arith.constant 0 : i32
      %dma_start3A_668 = tpu.memref_slice %arg8[%dma_start3A_664, %dma_start3A_666, %dma_start3A_667] : memref<5x40x128xf32, #tpu.memory_space<vmem>> -> memref<1x40x128xf32, #tpu.memory_space<vmem>>
      %dma_start3A_669 = tpu.memref_squeeze %dma_start3A_668 : memref<1x40x128xf32, #tpu.memory_space<vmem>> -> memref<40x128xf32, #tpu.memory_space<vmem>>
      %dma_start3A_670 = arith.constant 0 : i32
      %dma_start3A_671 = tpu.memref_slice %arg7[%add3A_644, %dma_start3A_670] : memref<125x40xi32, #tpu.memory_space<vmem>> -> memref<1x40xi32, #tpu.memory_space<vmem>>
      %dma_start3A_672 = tpu.memref_squeeze %dma_start3A_671 : memref<1x40xi32, #tpu.memory_space<vmem>> -> memref<40xi32, #tpu.memory_space<vmem>>
      %dma_start3A_673 = arith.constant 0 : i32
      %dma_start3A_674 = arith.constant 0 : i32
      %dma_start3A_675 = tpu.memref_slice %arg6[%dma_start3A_673, %dma_start3A_674] : memref<10000x128xf32, #tpu.memory_space<vmem_shared>> -> memref<10000x128xf32, #tpu.memory_space<vmem_shared>>
      %dma_start3A_676 = tpu.memref_slice %arg10[%dma_start3A_665] : memref<5x!tpu.dma_semaphore, #tpu.memory_space<semaphore_mem>> -> memref<1x!tpu.dma_semaphore, #tpu.memory_space<semaphore_mem>>
      %dma_start3A_677 = tpu.memref_squeeze %dma_start3A_676 : memref<1x!tpu.dma_semaphore, #tpu.memory_space<semaphore_mem>> -> memref<!tpu.dma_semaphore, #tpu.memory_space<semaphore_mem>>
      tpu.enqueue_indirect_dma source(%dma_start3A_669 : memref<40x128xf32, #tpu.memory_space<vmem>>) target(%dma_start3A_675 : memref<10000x128xf32, #tpu.memory_space<vmem_shared>>) offsets(%dma_start3A_672 : memref<40xi32, #tpu.memory_space<vmem>>) semaphore(%dma_start3A_677 : memref<!tpu.dma_semaphore, #tpu.memory_space<semaphore_mem>>) {add = true}
      %dma_wait3A_678 = arith.constant 4 : i32
      %dma_wait3A_679 = arith.constant 4 : i32
      %dma_wait3A_680 = arith.constant 0 : i32
      %dma_wait3A_681 = arith.constant 0 : i32
      %dma_wait3A_682 = tpu.memref_slice %arg8[%dma_wait3A_678, %dma_wait3A_680, %dma_wait3A_681] : memref<5x40x128xf32, #tpu.memory_space<vmem>> -> memref<1x40x128xf32, #tpu.memory_space<vmem>>
      %dma_wait3A_683 = tpu.memref_squeeze %dma_wait3A_682 : memref<1x40x128xf32, #tpu.memory_space<vmem>> -> memref<40x128xf32, #tpu.memory_space<vmem>>
      %dma_wait3A_684 = arith.constant 0 : i32
      %dma_wait3A_685 = tpu.memref_slice %arg7[%add3A_644, %dma_wait3A_684] : memref<125x40xi32, #tpu.memory_space<vmem>> -> memref<1x40xi32, #tpu.memory_space<vmem>>
      %dma_wait3A_686 = tpu.memref_squeeze %dma_wait3A_685 : memref<1x40xi32, #tpu.memory_space<vmem>> -> memref<40xi32, #tpu.memory_space<vmem>>
      %dma_wait3A_687 = arith.constant 0 : i32
      %dma_wait3A_688 = arith.constant 0 : i32
      %dma_wait3A_689 = tpu.memref_slice %arg6[%dma_wait3A_687, %dma_wait3A_688] : memref<10000x128xf32, #tpu.memory_space<vmem_shared>> -> memref<10000x128xf32, #tpu.memory_space<vmem_shared>>
      %dma_wait3A_690 = tpu.memref_slice %arg10[%dma_wait3A_679] : memref<5x!tpu.dma_semaphore, #tpu.memory_space<semaphore_mem>> -> memref<1x!tpu.dma_semaphore, #tpu.memory_space<semaphore_mem>>
      %dma_wait3A_691 = tpu.memref_squeeze %dma_wait3A_690 : memref<1x!tpu.dma_semaphore, #tpu.memory_space<semaphore_mem>> -> memref<!tpu.dma_semaphore, #tpu.memory_space<semaphore_mem>>
      tpu.wait_indirect_dma semaphore(%dma_wait3A_691 : memref<!tpu.dma_semaphore, #tpu.memory_space<semaphore_mem>>) src(%dma_wait3A_683 : memref<40x128xf32, #tpu.memory_space<vmem>>) dst(%dma_wait3A_689 : memref<10000x128xf32, #tpu.memory_space<vmem_shared>>)
      %add3A_692 = arith.constant 5 : i32
      %add3A_693 = arith.addi %add3A_644, %add3A_692 : i32
      %mul3A_694 = arith.constant 40 : i32
      %mul3A_695 = arith.muli %add3A_693, %mul3A_694 : i32
      %add3A_696 = arith.addi %mul3A_2, %mul3A_695 : i32
      %dma_start3A_697 = arith.constant 4 : i32
      %dma_start3A_698 = arith.constant 4 : i32
      %dma_start3A_699 = arith.constant 0 : i32
      %dma_start3A_700 = arith.constant 0 : i32
      %dma_start3A_701 = tpu.memref_slice %arg8[%dma_start3A_697, %dma_start3A_699, %dma_start3A_700] : memref<5x40x128xf32, #tpu.memory_space<vmem>> -> memref<1x40x128xf32, #tpu.memory_space<vmem>>
      %dma_start3A_702 = tpu.memref_squeeze %dma_start3A_701 : memref<1x40x128xf32, #tpu.memory_space<vmem>> -> memref<40x128xf32, #tpu.memory_space<vmem>>
      %dma_start3A_703 = arith.constant 0 : i32
      %dma_start3A_704 = tpu.memref_slice %arg2[%add3A_696, %dma_start3A_703] : memref<160000x128xf32, #tpu.memory_space<hbm>> -> memref<40x128xf32, #tpu.memory_space<hbm>>
      %dma_start3A_705 = tpu.memref_slice %arg9[%dma_start3A_698] : memref<5x!tpu.dma_semaphore, #tpu.memory_space<semaphore_mem>> -> memref<1x!tpu.dma_semaphore, #tpu.memory_space<semaphore_mem>>
      %dma_start3A_706 = tpu.memref_squeeze %dma_start3A_705 : memref<1x!tpu.dma_semaphore, #tpu.memory_space<semaphore_mem>> -> memref<!tpu.dma_semaphore, #tpu.memory_space<semaphore_mem>>
      %dma_start3A_707 = arith.constant 0 : i32
      %dma_start3A_708 = arith.constant 0 : i32
      %dma_start3A_709 = tpu.memref_slice %arg8[%dma_start3A_697, %dma_start3A_707, %dma_start3A_708] : memref<5x40x128xf32, #tpu.memory_space<vmem>> -> memref<1x40x128xf32, #tpu.memory_space<vmem>>
      %dma_start3A_710 = tpu.memref_squeeze %dma_start3A_709 : memref<1x40x128xf32, #tpu.memory_space<vmem>> -> memref<40x128xf32, #tpu.memory_space<vmem>>
      %dma_start3A_711 = arith.constant 0 : i32
      %dma_start3A_712 = tpu.memref_slice %arg2[%add3A_696, %dma_start3A_711] : memref<160000x128xf32, #tpu.memory_space<hbm>> -> memref<40x128xf32, #tpu.memory_space<hbm>>
      tpu.enqueue_dma source(%dma_start3A_712 : memref<40x128xf32, #tpu.memory_space<hbm>>) target(%dma_start3A_710 : memref<40x128xf32, #tpu.memory_space<vmem>>) target_semaphore(%dma_start3A_706 : memref<!tpu.dma_semaphore, #tpu.memory_space<semaphore_mem>>)
      %scan3A_713 = arith.constant 0 : i32
      scf.yield %scan3A_713 : i32
    }
    %scan3A_101 = arith.constant 24 : i32
    %add3A_102 = arith.constant 4800 : i32
    %add3A_103 = arith.addi %mul3A_2, %add3A_102 : i32
    %dma_wait3A = arith.constant 0 : i32
    %dma_wait3A_104 = arith.constant 0 : i32
    %dma_wait3A_105 = arith.constant 0 : i32
    %dma_wait3A_106 = arith.constant 0 : i32
    %dma_wait3A_107 = tpu.memref_slice %arg8[%dma_wait3A, %dma_wait3A_105, %dma_wait3A_106] : memref<5x40x128xf32, #tpu.memory_space<vmem>> -> memref<1x40x128xf32, #tpu.memory_space<vmem>>
    %dma_wait3A_108 = tpu.memref_squeeze %dma_wait3A_107 : memref<1x40x128xf32, #tpu.memory_space<vmem>> -> memref<40x128xf32, #tpu.memory_space<vmem>>
    %dma_wait3A_109 = arith.constant 0 : i32
    %dma_wait3A_110 = tpu.memref_slice %arg2[%add3A_103, %dma_wait3A_109] : memref<160000x128xf32, #tpu.memory_space<hbm>> -> memref<40x128xf32, #tpu.memory_space<hbm>>
    %dma_wait3A_111 = tpu.memref_slice %arg9[%dma_wait3A_104] : memref<5x!tpu.dma_semaphore, #tpu.memory_space<semaphore_mem>> -> memref<1x!tpu.dma_semaphore, #tpu.memory_space<semaphore_mem>>
    %dma_wait3A_112 = tpu.memref_squeeze %dma_wait3A_111 : memref<1x!tpu.dma_semaphore, #tpu.memory_space<semaphore_mem>> -> memref<!tpu.dma_semaphore, #tpu.memory_space<semaphore_mem>>
    %dma_wait3A_113 = arith.constant 0 : i32
    %dma_wait3A_114 = arith.constant 0 : i32
    %dma_wait3A_115 = tpu.memref_slice %arg8[%dma_wait3A, %dma_wait3A_113, %dma_wait3A_114] : memref<5x40x128xf32, #tpu.memory_space<vmem>> -> memref<1x40x128xf32, #tpu.memory_space<vmem>>
    %dma_wait3A_116 = tpu.memref_squeeze %dma_wait3A_115 : memref<1x40x128xf32, #tpu.memory_space<vmem>> -> memref<40x128xf32, #tpu.memory_space<vmem>>
    %dma_wait3A_117 = arith.constant 0 : i32
    %dma_wait3A_118 = tpu.memref_slice %arg2[%add3A_103, %dma_wait3A_117] : memref<160000x128xf32, #tpu.memory_space<hbm>> -> memref<40x128xf32, #tpu.memory_space<hbm>>
    tpu.wait_dma2 semaphore(%dma_wait3A_112 : memref<!tpu.dma_semaphore, #tpu.memory_space<semaphore_mem>>) src(%dma_wait3A_118 : memref<40x128xf32, #tpu.memory_space<hbm>>) dst(%dma_wait3A_116 : memref<40x128xf32, #tpu.memory_space<vmem>>)
    %dma_start3A_119 = arith.constant 0 : i32
    %dma_start3A_120 = arith.constant 120 : i32
    %dma_start3A_121 = arith.constant 0 : i32
    %dma_start3A_122 = arith.constant 0 : i32
    %dma_start3A_123 = arith.constant 0 : i32
    %dma_start3A_124 = tpu.memref_slice %arg8[%dma_start3A_119, %dma_start3A_122, %dma_start3A_123] : memref<5x40x128xf32, #tpu.memory_space<vmem>> -> memref<1x40x128xf32, #tpu.memory_space<vmem>>
    %dma_start3A_125 = tpu.memref_squeeze %dma_start3A_124 : memref<1x40x128xf32, #tpu.memory_space<vmem>> -> memref<40x128xf32, #tpu.memory_space<vmem>>
    %dma_start3A_126 = arith.constant 0 : i32
    %dma_start3A_127 = tpu.memref_slice %arg7[%dma_start3A_120, %dma_start3A_126] : memref<125x40xi32, #tpu.memory_space<vmem>> -> memref<1x40xi32, #tpu.memory_space<vmem>>
    %dma_start3A_128 = tpu.memref_squeeze %dma_start3A_127 : memref<1x40xi32, #tpu.memory_space<vmem>> -> memref<40xi32, #tpu.memory_space<vmem>>
    %dma_start3A_129 = arith.constant 0 : i32
    %dma_start3A_130 = arith.constant 0 : i32
    %dma_start3A_131 = tpu.memref_slice %arg6[%dma_start3A_129, %dma_start3A_130] : memref<10000x128xf32, #tpu.memory_space<vmem_shared>> -> memref<10000x128xf32, #tpu.memory_space<vmem_shared>>
    %dma_start3A_132 = tpu.memref_slice %arg10[%dma_start3A_121] : memref<5x!tpu.dma_semaphore, #tpu.memory_space<semaphore_mem>> -> memref<1x!tpu.dma_semaphore, #tpu.memory_space<semaphore_mem>>
    %dma_start3A_133 = tpu.memref_squeeze %dma_start3A_132 : memref<1x!tpu.dma_semaphore, #tpu.memory_space<semaphore_mem>> -> memref<!tpu.dma_semaphore, #tpu.memory_space<semaphore_mem>>
    tpu.enqueue_indirect_dma source(%dma_start3A_125 : memref<40x128xf32, #tpu.memory_space<vmem>>) target(%dma_start3A_131 : memref<10000x128xf32, #tpu.memory_space<vmem_shared>>) offsets(%dma_start3A_128 : memref<40xi32, #tpu.memory_space<vmem>>) semaphore(%dma_start3A_133 : memref<!tpu.dma_semaphore, #tpu.memory_space<semaphore_mem>>) {add = true}
    %dma_wait3A_134 = arith.constant 0 : i32
    %dma_wait3A_135 = arith.constant 120 : i32
    %dma_wait3A_136 = arith.constant 0 : i32
    %dma_wait3A_137 = arith.constant 0 : i32
    %dma_wait3A_138 = arith.constant 0 : i32
    %dma_wait3A_139 = tpu.memref_slice %arg8[%dma_wait3A_134, %dma_wait3A_137, %dma_wait3A_138] : memref<5x40x128xf32, #tpu.memory_space<vmem>> -> memref<1x40x128xf32, #tpu.memory_space<vmem>>
    %dma_wait3A_140 = tpu.memref_squeeze %dma_wait3A_139 : memref<1x40x128xf32, #tpu.memory_space<vmem>> -> memref<40x128xf32, #tpu.memory_space<vmem>>
    %dma_wait3A_141 = arith.constant 0 : i32
    %dma_wait3A_142 = tpu.memref_slice %arg7[%dma_wait3A_135, %dma_wait3A_141] : memref<125x40xi32, #tpu.memory_space<vmem>> -> memref<1x40xi32, #tpu.memory_space<vmem>>
    %dma_wait3A_143 = tpu.memref_squeeze %dma_wait3A_142 : memref<1x40xi32, #tpu.memory_space<vmem>> -> memref<40xi32, #tpu.memory_space<vmem>>
    %dma_wait3A_144 = arith.constant 0 : i32
    %dma_wait3A_145 = arith.constant 0 : i32
    %dma_wait3A_146 = tpu.memref_slice %arg6[%dma_wait3A_144, %dma_wait3A_145] : memref<10000x128xf32, #tpu.memory_space<vmem_shared>> -> memref<10000x128xf32, #tpu.memory_space<vmem_shared>>
    %dma_wait3A_147 = tpu.memref_slice %arg10[%dma_wait3A_136] : memref<5x!tpu.dma_semaphore, #tpu.memory_space<semaphore_mem>> -> memref<1x!tpu.dma_semaphore, #tpu.memory_space<semaphore_mem>>
    %dma_wait3A_148 = tpu.memref_squeeze %dma_wait3A_147 : memref<1x!tpu.dma_semaphore, #tpu.memory_space<semaphore_mem>> -> memref<!tpu.dma_semaphore, #tpu.memory_space<semaphore_mem>>
    tpu.wait_indirect_dma semaphore(%dma_wait3A_148 : memref<!tpu.dma_semaphore, #tpu.memory_space<semaphore_mem>>) src(%dma_wait3A_140 : memref<40x128xf32, #tpu.memory_space<vmem>>) dst(%dma_wait3A_146 : memref<10000x128xf32, #tpu.memory_space<vmem_shared>>)
    %add3A_149 = arith.constant 4840 : i32
    %add3A_150 = arith.addi %mul3A_2, %add3A_149 : i32
    %dma_wait3A_151 = arith.constant 1 : i32
    %dma_wait3A_152 = arith.constant 1 : i32
    %dma_wait3A_153 = arith.constant 0 : i32
    %dma_wait3A_154 = arith.constant 0 : i32
    %dma_wait3A_155 = tpu.memref_slice %arg8[%dma_wait3A_151, %dma_wait3A_153, %dma_wait3A_154] : memref<5x40x128xf32, #tpu.memory_space<vmem>> -> memref<1x40x128xf32, #tpu.memory_space<vmem>>
    %dma_wait3A_156 = tpu.memref_squeeze %dma_wait3A_155 : memref<1x40x128xf32, #tpu.memory_space<vmem>> -> memref<40x128xf32, #tpu.memory_space<vmem>>
    %dma_wait3A_157 = arith.constant 0 : i32
    %dma_wait3A_158 = tpu.memref_slice %arg2[%add3A_150, %dma_wait3A_157] : memref<160000x128xf32, #tpu.memory_space<hbm>> -> memref<40x128xf32, #tpu.memory_space<hbm>>
    %dma_wait3A_159 = tpu.memref_slice %arg9[%dma_wait3A_152] : memref<5x!tpu.dma_semaphore, #tpu.memory_space<semaphore_mem>> -> memref<1x!tpu.dma_semaphore, #tpu.memory_space<semaphore_mem>>
    %dma_wait3A_160 = tpu.memref_squeeze %dma_wait3A_159 : memref<1x!tpu.dma_semaphore, #tpu.memory_space<semaphore_mem>> -> memref<!tpu.dma_semaphore, #tpu.memory_space<semaphore_mem>>
    %dma_wait3A_161 = arith.constant 0 : i32
    %dma_wait3A_162 = arith.constant 0 : i32
    %dma_wait3A_163 = tpu.memref_slice %arg8[%dma_wait3A_151, %dma_wait3A_161, %dma_wait3A_162] : memref<5x40x128xf32, #tpu.memory_space<vmem>> -> memref<1x40x128xf32, #tpu.memory_space<vmem>>
    %dma_wait3A_164 = tpu.memref_squeeze %dma_wait3A_163 : memref<1x40x128xf32, #tpu.memory_space<vmem>> -> memref<40x128xf32, #tpu.memory_space<vmem>>
    %dma_wait3A_165 = arith.constant 0 : i32
    %dma_wait3A_166 = tpu.memref_slice %arg2[%add3A_150, %dma_wait3A_165] : memref<160000x128xf32, #tpu.memory_space<hbm>> -> memref<40x128xf32, #tpu.memory_space<hbm>>
    tpu.wait_dma2 semaphore(%dma_wait3A_160 : memref<!tpu.dma_semaphore, #tpu.memory_space<semaphore_mem>>) src(%dma_wait3A_166 : memref<40x128xf32, #tpu.memory_space<hbm>>) dst(%dma_wait3A_164 : memref<40x128xf32, #tpu.memory_space<vmem>>)
    %dma_start3A_167 = arith.constant 1 : i32
    %dma_start3A_168 = arith.constant 121 : i32
    %dma_start3A_169 = arith.constant 1 : i32
    %dma_start3A_170 = arith.constant 0 : i32
    %dma_start3A_171 = arith.constant 0 : i32
    %dma_start3A_172 = tpu.memref_slice %arg8[%dma_start3A_167, %dma_start3A_170, %dma_start3A_171] : memref<5x40x128xf32, #tpu.memory_space<vmem>> -> memref<1x40x128xf32, #tpu.memory_space<vmem>>
    %dma_start3A_173 = tpu.memref_squeeze %dma_start3A_172 : memref<1x40x128xf32, #tpu.memory_space<vmem>> -> memref<40x128xf32, #tpu.memory_space<vmem>>
    %dma_start3A_174 = arith.constant 0 : i32
    %dma_start3A_175 = tpu.memref_slice %arg7[%dma_start3A_168, %dma_start3A_174] : memref<125x40xi32, #tpu.memory_space<vmem>> -> memref<1x40xi32, #tpu.memory_space<vmem>>
    %dma_start3A_176 = tpu.memref_squeeze %dma_start3A_175 : memref<1x40xi32, #tpu.memory_space<vmem>> -> memref<40xi32, #tpu.memory_space<vmem>>
    %dma_start3A_177 = arith.constant 0 : i32
    %dma_start3A_178 = arith.constant 0 : i32
    %dma_start3A_179 = tpu.memref_slice %arg6[%dma_start3A_177, %dma_start3A_178] : memref<10000x128xf32, #tpu.memory_space<vmem_shared>> -> memref<10000x128xf32, #tpu.memory_space<vmem_shared>>
    %dma_start3A_180 = tpu.memref_slice %arg10[%dma_start3A_169] : memref<5x!tpu.dma_semaphore, #tpu.memory_space<semaphore_mem>> -> memref<1x!tpu.dma_semaphore, #tpu.memory_space<semaphore_mem>>
    %dma_start3A_181 = tpu.memref_squeeze %dma_start3A_180 : memref<1x!tpu.dma_semaphore, #tpu.memory_space<semaphore_mem>> -> memref<!tpu.dma_semaphore, #tpu.memory_space<semaphore_mem>>
    tpu.enqueue_indirect_dma source(%dma_start3A_173 : memref<40x128xf32, #tpu.memory_space<vmem>>) target(%dma_start3A_179 : memref<10000x128xf32, #tpu.memory_space<vmem_shared>>) offsets(%dma_start3A_176 : memref<40xi32, #tpu.memory_space<vmem>>) semaphore(%dma_start3A_181 : memref<!tpu.dma_semaphore, #tpu.memory_space<semaphore_mem>>) {add = true}
    %dma_wait3A_182 = arith.constant 1 : i32
    %dma_wait3A_183 = arith.constant 121 : i32
    %dma_wait3A_184 = arith.constant 1 : i32
    %dma_wait3A_185 = arith.constant 0 : i32
    %dma_wait3A_186 = arith.constant 0 : i32
    %dma_wait3A_187 = tpu.memref_slice %arg8[%dma_wait3A_182, %dma_wait3A_185, %dma_wait3A_186] : memref<5x40x128xf32, #tpu.memory_space<vmem>> -> memref<1x40x128xf32, #tpu.memory_space<vmem>>
    %dma_wait3A_188 = tpu.memref_squeeze %dma_wait3A_187 : memref<1x40x128xf32, #tpu.memory_space<vmem>> -> memref<40x128xf32, #tpu.memory_space<vmem>>
    %dma_wait3A_189 = arith.constant 0 : i32
    %dma_wait3A_190 = tpu.memref_slice %arg7[%dma_wait3A_183, %dma_wait3A_189] : memref<125x40xi32, #tpu.memory_space<vmem>> -> memref<1x40xi32, #tpu.memory_space<vmem>>
    %dma_wait3A_191 = tpu.memref_squeeze %dma_wait3A_190 : memref<1x40xi32, #tpu.memory_space<vmem>> -> memref<40xi32, #tpu.memory_space<vmem>>
    %dma_wait3A_192 = arith.constant 0 : i32
    %dma_wait3A_193 = arith.constant 0 : i32
    %dma_wait3A_194 = tpu.memref_slice %arg6[%dma_wait3A_192, %dma_wait3A_193] : memref<10000x128xf32, #tpu.memory_space<vmem_shared>> -> memref<10000x128xf32, #tpu.memory_space<vmem_shared>>
    %dma_wait3A_195 = tpu.memref_slice %arg10[%dma_wait3A_184] : memref<5x!tpu.dma_semaphore, #tpu.memory_space<semaphore_mem>> -> memref<1x!tpu.dma_semaphore, #tpu.memory_space<semaphore_mem>>
    %dma_wait3A_196 = tpu.memref_squeeze %dma_wait3A_195 : memref<1x!tpu.dma_semaphore, #tpu.memory_space<semaphore_mem>> -> memref<!tpu.dma_semaphore, #tpu.memory_space<semaphore_mem>>
    tpu.wait_indirect_dma semaphore(%dma_wait3A_196 : memref<!tpu.dma_semaphore, #tpu.memory_space<semaphore_mem>>) src(%dma_wait3A_188 : memref<40x128xf32, #tpu.memory_space<vmem>>) dst(%dma_wait3A_194 : memref<10000x128xf32, #tpu.memory_space<vmem_shared>>)
    %add3A_197 = arith.constant 4880 : i32
    %add3A_198 = arith.addi %mul3A_2, %add3A_197 : i32
    %dma_wait3A_199 = arith.constant 2 : i32
    %dma_wait3A_200 = arith.constant 2 : i32
    %dma_wait3A_201 = arith.constant 0 : i32
    %dma_wait3A_202 = arith.constant 0 : i32
    %dma_wait3A_203 = tpu.memref_slice %arg8[%dma_wait3A_199, %dma_wait3A_201, %dma_wait3A_202] : memref<5x40x128xf32, #tpu.memory_space<vmem>> -> memref<1x40x128xf32, #tpu.memory_space<vmem>>
    %dma_wait3A_204 = tpu.memref_squeeze %dma_wait3A_203 : memref<1x40x128xf32, #tpu.memory_space<vmem>> -> memref<40x128xf32, #tpu.memory_space<vmem>>
    %dma_wait3A_205 = arith.constant 0 : i32
    %dma_wait3A_206 = tpu.memref_slice %arg2[%add3A_198, %dma_wait3A_205] : memref<160000x128xf32, #tpu.memory_space<hbm>> -> memref<40x128xf32, #tpu.memory_space<hbm>>
    %dma_wait3A_207 = tpu.memref_slice %arg9[%dma_wait3A_200] : memref<5x!tpu.dma_semaphore, #tpu.memory_space<semaphore_mem>> -> memref<1x!tpu.dma_semaphore, #tpu.memory_space<semaphore_mem>>
    %dma_wait3A_208 = tpu.memref_squeeze %dma_wait3A_207 : memref<1x!tpu.dma_semaphore, #tpu.memory_space<semaphore_mem>> -> memref<!tpu.dma_semaphore, #tpu.memory_space<semaphore_mem>>
    %dma_wait3A_209 = arith.constant 0 : i32
    %dma_wait3A_210 = arith.constant 0 : i32
    %dma_wait3A_211 = tpu.memref_slice %arg8[%dma_wait3A_199, %dma_wait3A_209, %dma_wait3A_210] : memref<5x40x128xf32, #tpu.memory_space<vmem>> -> memref<1x40x128xf32, #tpu.memory_space<vmem>>
    %dma_wait3A_212 = tpu.memref_squeeze %dma_wait3A_211 : memref<1x40x128xf32, #tpu.memory_space<vmem>> -> memref<40x128xf32, #tpu.memory_space<vmem>>
    %dma_wait3A_213 = arith.constant 0 : i32
    %dma_wait3A_214 = tpu.memref_slice %arg2[%add3A_198, %dma_wait3A_213] : memref<160000x128xf32, #tpu.memory_space<hbm>> -> memref<40x128xf32, #tpu.memory_space<hbm>>
    tpu.wait_dma2 semaphore(%dma_wait3A_208 : memref<!tpu.dma_semaphore, #tpu.memory_space<semaphore_mem>>) src(%dma_wait3A_214 : memref<40x128xf32, #tpu.memory_space<hbm>>) dst(%dma_wait3A_212 : memref<40x128xf32, #tpu.memory_space<vmem>>)
    %dma_start3A_215 = arith.constant 2 : i32
    %dma_start3A_216 = arith.constant 122 : i32
    %dma_start3A_217 = arith.constant 2 : i32
    %dma_start3A_218 = arith.constant 0 : i32
    %dma_start3A_219 = arith.constant 0 : i32
    %dma_start3A_220 = tpu.memref_slice %arg8[%dma_start3A_215, %dma_start3A_218, %dma_start3A_219] : memref<5x40x128xf32, #tpu.memory_space<vmem>> -> memref<1x40x128xf32, #tpu.memory_space<vmem>>
    %dma_start3A_221 = tpu.memref_squeeze %dma_start3A_220 : memref<1x40x128xf32, #tpu.memory_space<vmem>> -> memref<40x128xf32, #tpu.memory_space<vmem>>
    %dma_start3A_222 = arith.constant 0 : i32
    %dma_start3A_223 = tpu.memref_slice %arg7[%dma_start3A_216, %dma_start3A_222] : memref<125x40xi32, #tpu.memory_space<vmem>> -> memref<1x40xi32, #tpu.memory_space<vmem>>
    %dma_start3A_224 = tpu.memref_squeeze %dma_start3A_223 : memref<1x40xi32, #tpu.memory_space<vmem>> -> memref<40xi32, #tpu.memory_space<vmem>>
    %dma_start3A_225 = arith.constant 0 : i32
    %dma_start3A_226 = arith.constant 0 : i32
    %dma_start3A_227 = tpu.memref_slice %arg6[%dma_start3A_225, %dma_start3A_226] : memref<10000x128xf32, #tpu.memory_space<vmem_shared>> -> memref<10000x128xf32, #tpu.memory_space<vmem_shared>>
    %dma_start3A_228 = tpu.memref_slice %arg10[%dma_start3A_217] : memref<5x!tpu.dma_semaphore, #tpu.memory_space<semaphore_mem>> -> memref<1x!tpu.dma_semaphore, #tpu.memory_space<semaphore_mem>>
    %dma_start3A_229 = tpu.memref_squeeze %dma_start3A_228 : memref<1x!tpu.dma_semaphore, #tpu.memory_space<semaphore_mem>> -> memref<!tpu.dma_semaphore, #tpu.memory_space<semaphore_mem>>
    tpu.enqueue_indirect_dma source(%dma_start3A_221 : memref<40x128xf32, #tpu.memory_space<vmem>>) target(%dma_start3A_227 : memref<10000x128xf32, #tpu.memory_space<vmem_shared>>) offsets(%dma_start3A_224 : memref<40xi32, #tpu.memory_space<vmem>>) semaphore(%dma_start3A_229 : memref<!tpu.dma_semaphore, #tpu.memory_space<semaphore_mem>>) {add = true}
    %dma_wait3A_230 = arith.constant 2 : i32
    %dma_wait3A_231 = arith.constant 122 : i32
    %dma_wait3A_232 = arith.constant 2 : i32
    %dma_wait3A_233 = arith.constant 0 : i32
    %dma_wait3A_234 = arith.constant 0 : i32
    %dma_wait3A_235 = tpu.memref_slice %arg8[%dma_wait3A_230, %dma_wait3A_233, %dma_wait3A_234] : memref<5x40x128xf32, #tpu.memory_space<vmem>> -> memref<1x40x128xf32, #tpu.memory_space<vmem>>
    %dma_wait3A_236 = tpu.memref_squeeze %dma_wait3A_235 : memref<1x40x128xf32, #tpu.memory_space<vmem>> -> memref<40x128xf32, #tpu.memory_space<vmem>>
    %dma_wait3A_237 = arith.constant 0 : i32
    %dma_wait3A_238 = tpu.memref_slice %arg7[%dma_wait3A_231, %dma_wait3A_237] : memref<125x40xi32, #tpu.memory_space<vmem>> -> memref<1x40xi32, #tpu.memory_space<vmem>>
    %dma_wait3A_239 = tpu.memref_squeeze %dma_wait3A_238 : memref<1x40xi32, #tpu.memory_space<vmem>> -> memref<40xi32, #tpu.memory_space<vmem>>
    %dma_wait3A_240 = arith.constant 0 : i32
    %dma_wait3A_241 = arith.constant 0 : i32
    %dma_wait3A_242 = tpu.memref_slice %arg6[%dma_wait3A_240, %dma_wait3A_241] : memref<10000x128xf32, #tpu.memory_space<vmem_shared>> -> memref<10000x128xf32, #tpu.memory_space<vmem_shared>>
    %dma_wait3A_243 = tpu.memref_slice %arg10[%dma_wait3A_232] : memref<5x!tpu.dma_semaphore, #tpu.memory_space<semaphore_mem>> -> memref<1x!tpu.dma_semaphore, #tpu.memory_space<semaphore_mem>>
    %dma_wait3A_244 = tpu.memref_squeeze %dma_wait3A_243 : memref<1x!tpu.dma_semaphore, #tpu.memory_space<semaphore_mem>> -> memref<!tpu.dma_semaphore, #tpu.memory_space<semaphore_mem>>
    tpu.wait_indirect_dma semaphore(%dma_wait3A_244 : memref<!tpu.dma_semaphore, #tpu.memory_space<semaphore_mem>>) src(%dma_wait3A_236 : memref<40x128xf32, #tpu.memory_space<vmem>>) dst(%dma_wait3A_242 : memref<10000x128xf32, #tpu.memory_space<vmem_shared>>)
    %add3A_245 = arith.constant 4920 : i32
    %add3A_246 = arith.addi %mul3A_2, %add3A_245 : i32
    %dma_wait3A_247 = arith.constant 3 : i32
    %dma_wait3A_248 = arith.constant 3 : i32
    %dma_wait3A_249 = arith.constant 0 : i32
    %dma_wait3A_250 = arith.constant 0 : i32
    %dma_wait3A_251 = tpu.memref_slice %arg8[%dma_wait3A_247, %dma_wait3A_249, %dma_wait3A_250] : memref<5x40x128xf32, #tpu.memory_space<vmem>> -> memref<1x40x128xf32, #tpu.memory_space<vmem>>
    %dma_wait3A_252 = tpu.memref_squeeze %dma_wait3A_251 : memref<1x40x128xf32, #tpu.memory_space<vmem>> -> memref<40x128xf32, #tpu.memory_space<vmem>>
    %dma_wait3A_253 = arith.constant 0 : i32
    %dma_wait3A_254 = tpu.memref_slice %arg2[%add3A_246, %dma_wait3A_253] : memref<160000x128xf32, #tpu.memory_space<hbm>> -> memref<40x128xf32, #tpu.memory_space<hbm>>
    %dma_wait3A_255 = tpu.memref_slice %arg9[%dma_wait3A_248] : memref<5x!tpu.dma_semaphore, #tpu.memory_space<semaphore_mem>> -> memref<1x!tpu.dma_semaphore, #tpu.memory_space<semaphore_mem>>
    %dma_wait3A_256 = tpu.memref_squeeze %dma_wait3A_255 : memref<1x!tpu.dma_semaphore, #tpu.memory_space<semaphore_mem>> -> memref<!tpu.dma_semaphore, #tpu.memory_space<semaphore_mem>>
    %dma_wait3A_257 = arith.constant 0 : i32
    %dma_wait3A_258 = arith.constant 0 : i32
    %dma_wait3A_259 = tpu.memref_slice %arg8[%dma_wait3A_247, %dma_wait3A_257, %dma_wait3A_258] : memref<5x40x128xf32, #tpu.memory_space<vmem>> -> memref<1x40x128xf32, #tpu.memory_space<vmem>>
    %dma_wait3A_260 = tpu.memref_squeeze %dma_wait3A_259 : memref<1x40x128xf32, #tpu.memory_space<vmem>> -> memref<40x128xf32, #tpu.memory_space<vmem>>
    %dma_wait3A_261 = arith.constant 0 : i32
    %dma_wait3A_262 = tpu.memref_slice %arg2[%add3A_246, %dma_wait3A_261] : memref<160000x128xf32, #tpu.memory_space<hbm>> -> memref<40x128xf32, #tpu.memory_space<hbm>>
    tpu.wait_dma2 semaphore(%dma_wait3A_256 : memref<!tpu.dma_semaphore, #tpu.memory_space<semaphore_mem>>) src(%dma_wait3A_262 : memref<40x128xf32, #tpu.memory_space<hbm>>) dst(%dma_wait3A_260 : memref<40x128xf32, #tpu.memory_space<vmem>>)
    %dma_start3A_263 = arith.constant 3 : i32
    %dma_start3A_264 = arith.constant 123 : i32
    %dma_start3A_265 = arith.constant 3 : i32
    %dma_start3A_266 = arith.constant 0 : i32
    %dma_start3A_267 = arith.constant 0 : i32
    %dma_start3A_268 = tpu.memref_slice %arg8[%dma_start3A_263, %dma_start3A_266, %dma_start3A_267] : memref<5x40x128xf32, #tpu.memory_space<vmem>> -> memref<1x40x128xf32, #tpu.memory_space<vmem>>
    %dma_start3A_269 = tpu.memref_squeeze %dma_start3A_268 : memref<1x40x128xf32, #tpu.memory_space<vmem>> -> memref<40x128xf32, #tpu.memory_space<vmem>>
    %dma_start3A_270 = arith.constant 0 : i32
    %dma_start3A_271 = tpu.memref_slice %arg7[%dma_start3A_264, %dma_start3A_270] : memref<125x40xi32, #tpu.memory_space<vmem>> -> memref<1x40xi32, #tpu.memory_space<vmem>>
    %dma_start3A_272 = tpu.memref_squeeze %dma_start3A_271 : memref<1x40xi32, #tpu.memory_space<vmem>> -> memref<40xi32, #tpu.memory_space<vmem>>
    %dma_start3A_273 = arith.constant 0 : i32
    %dma_start3A_274 = arith.constant 0 : i32
    %dma_start3A_275 = tpu.memref_slice %arg6[%dma_start3A_273, %dma_start3A_274] : memref<10000x128xf32, #tpu.memory_space<vmem_shared>> -> memref<10000x128xf32, #tpu.memory_space<vmem_shared>>
    %dma_start3A_276 = tpu.memref_slice %arg10[%dma_start3A_265] : memref<5x!tpu.dma_semaphore, #tpu.memory_space<semaphore_mem>> -> memref<1x!tpu.dma_semaphore, #tpu.memory_space<semaphore_mem>>
    %dma_start3A_277 = tpu.memref_squeeze %dma_start3A_276 : memref<1x!tpu.dma_semaphore, #tpu.memory_space<semaphore_mem>> -> memref<!tpu.dma_semaphore, #tpu.memory_space<semaphore_mem>>
    tpu.enqueue_indirect_dma source(%dma_start3A_269 : memref<40x128xf32, #tpu.memory_space<vmem>>) target(%dma_start3A_275 : memref<10000x128xf32, #tpu.memory_space<vmem_shared>>) offsets(%dma_start3A_272 : memref<40xi32, #tpu.memory_space<vmem>>) semaphore(%dma_start3A_277 : memref<!tpu.dma_semaphore, #tpu.memory_space<semaphore_mem>>) {add = true}
    %dma_wait3A_278 = arith.constant 3 : i32
    %dma_wait3A_279 = arith.constant 123 : i32
    %dma_wait3A_280 = arith.constant 3 : i32
    %dma_wait3A_281 = arith.constant 0 : i32
    %dma_wait3A_282 = arith.constant 0 : i32
    %dma_wait3A_283 = tpu.memref_slice %arg8[%dma_wait3A_278, %dma_wait3A_281, %dma_wait3A_282] : memref<5x40x128xf32, #tpu.memory_space<vmem>> -> memref<1x40x128xf32, #tpu.memory_space<vmem>>
    %dma_wait3A_284 = tpu.memref_squeeze %dma_wait3A_283 : memref<1x40x128xf32, #tpu.memory_space<vmem>> -> memref<40x128xf32, #tpu.memory_space<vmem>>
    %dma_wait3A_285 = arith.constant 0 : i32
    %dma_wait3A_286 = tpu.memref_slice %arg7[%dma_wait3A_279, %dma_wait3A_285] : memref<125x40xi32, #tpu.memory_space<vmem>> -> memref<1x40xi32, #tpu.memory_space<vmem>>
    %dma_wait3A_287 = tpu.memref_squeeze %dma_wait3A_286 : memref<1x40xi32, #tpu.memory_space<vmem>> -> memref<40xi32, #tpu.memory_space<vmem>>
    %dma_wait3A_288 = arith.constant 0 : i32
    %dma_wait3A_289 = arith.constant 0 : i32
    %dma_wait3A_290 = tpu.memref_slice %arg6[%dma_wait3A_288, %dma_wait3A_289] : memref<10000x128xf32, #tpu.memory_space<vmem_shared>> -> memref<10000x128xf32, #tpu.memory_space<vmem_shared>>
    %dma_wait3A_291 = tpu.memref_slice %arg10[%dma_wait3A_280] : memref<5x!tpu.dma_semaphore, #tpu.memory_space<semaphore_mem>> -> memref<1x!tpu.dma_semaphore, #tpu.memory_space<semaphore_mem>>
    %dma_wait3A_292 = tpu.memref_squeeze %dma_wait3A_291 : memref<1x!tpu.dma_semaphore, #tpu.memory_space<semaphore_mem>> -> memref<!tpu.dma_semaphore, #tpu.memory_space<semaphore_mem>>
    tpu.wait_indirect_dma semaphore(%dma_wait3A_292 : memref<!tpu.dma_semaphore, #tpu.memory_space<semaphore_mem>>) src(%dma_wait3A_284 : memref<40x128xf32, #tpu.memory_space<vmem>>) dst(%dma_wait3A_290 : memref<10000x128xf32, #tpu.memory_space<vmem_shared>>)
    %add3A_293 = arith.constant 4960 : i32
    %add3A_294 = arith.addi %mul3A_2, %add3A_293 : i32
    %dma_wait3A_295 = arith.constant 4 : i32
    %dma_wait3A_296 = arith.constant 4 : i32
    %dma_wait3A_297 = arith.constant 0 : i32
    %dma_wait3A_298 = arith.constant 0 : i32
    %dma_wait3A_299 = tpu.memref_slice %arg8[%dma_wait3A_295, %dma_wait3A_297, %dma_wait3A_298] : memref<5x40x128xf32, #tpu.memory_space<vmem>> -> memref<1x40x128xf32, #tpu.memory_space<vmem>>
    %dma_wait3A_300 = tpu.memref_squeeze %dma_wait3A_299 : memref<1x40x128xf32, #tpu.memory_space<vmem>> -> memref<40x128xf32, #tpu.memory_space<vmem>>
    %dma_wait3A_301 = arith.constant 0 : i32
    %dma_wait3A_302 = tpu.memref_slice %arg2[%add3A_294, %dma_wait3A_301] : memref<160000x128xf32, #tpu.memory_space<hbm>> -> memref<40x128xf32, #tpu.memory_space<hbm>>
    %dma_wait3A_303 = tpu.memref_slice %arg9[%dma_wait3A_296] : memref<5x!tpu.dma_semaphore, #tpu.memory_space<semaphore_mem>> -> memref<1x!tpu.dma_semaphore, #tpu.memory_space<semaphore_mem>>
    %dma_wait3A_304 = tpu.memref_squeeze %dma_wait3A_303 : memref<1x!tpu.dma_semaphore, #tpu.memory_space<semaphore_mem>> -> memref<!tpu.dma_semaphore, #tpu.memory_space<semaphore_mem>>
    %dma_wait3A_305 = arith.constant 0 : i32
    %dma_wait3A_306 = arith.constant 0 : i32
    %dma_wait3A_307 = tpu.memref_slice %arg8[%dma_wait3A_295, %dma_wait3A_305, %dma_wait3A_306] : memref<5x40x128xf32, #tpu.memory_space<vmem>> -> memref<1x40x128xf32, #tpu.memory_space<vmem>>
    %dma_wait3A_308 = tpu.memref_squeeze %dma_wait3A_307 : memref<1x40x128xf32, #tpu.memory_space<vmem>> -> memref<40x128xf32, #tpu.memory_space<vmem>>
    %dma_wait3A_309 = arith.constant 0 : i32
    %dma_wait3A_310 = tpu.memref_slice %arg2[%add3A_294, %dma_wait3A_309] : memref<160000x128xf32, #tpu.memory_space<hbm>> -> memref<40x128xf32, #tpu.memory_space<hbm>>
    tpu.wait_dma2 semaphore(%dma_wait3A_304 : memref<!tpu.dma_semaphore, #tpu.memory_space<semaphore_mem>>) src(%dma_wait3A_310 : memref<40x128xf32, #tpu.memory_space<hbm>>) dst(%dma_wait3A_308 : memref<40x128xf32, #tpu.memory_space<vmem>>)
    %dma_start3A_311 = arith.constant 4 : i32
    %dma_start3A_312 = arith.constant 124 : i32
    %dma_start3A_313 = arith.constant 4 : i32
    %dma_start3A_314 = arith.constant 0 : i32
    %dma_start3A_315 = arith.constant 0 : i32
    %dma_start3A_316 = tpu.memref_slice %arg8[%dma_start3A_311, %dma_start3A_314, %dma_start3A_315] : memref<5x40x128xf32, #tpu.memory_space<vmem>> -> memref<1x40x128xf32, #tpu.memory_space<vmem>>
    %dma_start3A_317 = tpu.memref_squeeze %dma_start3A_316 : memref<1x40x128xf32, #tpu.memory_space<vmem>> -> memref<40x128xf32, #tpu.memory_space<vmem>>
    %dma_start3A_318 = arith.constant 0 : i32
    %dma_start3A_319 = tpu.memref_slice %arg7[%dma_start3A_312, %dma_start3A_318] : memref<125x40xi32, #tpu.memory_space<vmem>> -> memref<1x40xi32, #tpu.memory_space<vmem>>
    %dma_start3A_320 = tpu.memref_squeeze %dma_start3A_319 : memref<1x40xi32, #tpu.memory_space<vmem>> -> memref<40xi32, #tpu.memory_space<vmem>>
    %dma_start3A_321 = arith.constant 0 : i32
    %dma_start3A_322 = arith.constant 0 : i32
    %dma_start3A_323 = tpu.memref_slice %arg6[%dma_start3A_321, %dma_start3A_322] : memref<10000x128xf32, #tpu.memory_space<vmem_shared>> -> memref<10000x128xf32, #tpu.memory_space<vmem_shared>>
    %dma_start3A_324 = tpu.memref_slice %arg10[%dma_start3A_313] : memref<5x!tpu.dma_semaphore, #tpu.memory_space<semaphore_mem>> -> memref<1x!tpu.dma_semaphore, #tpu.memory_space<semaphore_mem>>
    %dma_start3A_325 = tpu.memref_squeeze %dma_start3A_324 : memref<1x!tpu.dma_semaphore, #tpu.memory_space<semaphore_mem>> -> memref<!tpu.dma_semaphore, #tpu.memory_space<semaphore_mem>>
    tpu.enqueue_indirect_dma source(%dma_start3A_317 : memref<40x128xf32, #tpu.memory_space<vmem>>) target(%dma_start3A_323 : memref<10000x128xf32, #tpu.memory_space<vmem_shared>>) offsets(%dma_start3A_320 : memref<40xi32, #tpu.memory_space<vmem>>) semaphore(%dma_start3A_325 : memref<!tpu.dma_semaphore, #tpu.memory_space<semaphore_mem>>) {add = true}
    %dma_wait3A_326 = arith.constant 4 : i32
    %dma_wait3A_327 = arith.constant 124 : i32
    %dma_wait3A_328 = arith.constant 4 : i32
    %dma_wait3A_329 = arith.constant 0 : i32
    %dma_wait3A_330 = arith.constant 0 : i32
    %dma_wait3A_331 = tpu.memref_slice %arg8[%dma_wait3A_326, %dma_wait3A_329, %dma_wait3A_330] : memref<5x40x128xf32, #tpu.memory_space<vmem>> -> memref<1x40x128xf32, #tpu.memory_space<vmem>>
    %dma_wait3A_332 = tpu.memref_squeeze %dma_wait3A_331 : memref<1x40x128xf32, #tpu.memory_space<vmem>> -> memref<40x128xf32, #tpu.memory_space<vmem>>
    %dma_wait3A_333 = arith.constant 0 : i32
    %dma_wait3A_334 = tpu.memref_slice %arg7[%dma_wait3A_327, %dma_wait3A_333] : memref<125x40xi32, #tpu.memory_space<vmem>> -> memref<1x40xi32, #tpu.memory_space<vmem>>
    %dma_wait3A_335 = tpu.memref_squeeze %dma_wait3A_334 : memref<1x40xi32, #tpu.memory_space<vmem>> -> memref<40xi32, #tpu.memory_space<vmem>>
    %dma_wait3A_336 = arith.constant 0 : i32
    %dma_wait3A_337 = arith.constant 0 : i32
    %dma_wait3A_338 = tpu.memref_slice %arg6[%dma_wait3A_336, %dma_wait3A_337] : memref<10000x128xf32, #tpu.memory_space<vmem_shared>> -> memref<10000x128xf32, #tpu.memory_space<vmem_shared>>
    %dma_wait3A_339 = tpu.memref_slice %arg10[%dma_wait3A_328] : memref<5x!tpu.dma_semaphore, #tpu.memory_space<semaphore_mem>> -> memref<1x!tpu.dma_semaphore, #tpu.memory_space<semaphore_mem>>
    %dma_wait3A_340 = tpu.memref_squeeze %dma_wait3A_339 : memref<1x!tpu.dma_semaphore, #tpu.memory_space<semaphore_mem>> -> memref<!tpu.dma_semaphore, #tpu.memory_space<semaphore_mem>>
    tpu.wait_indirect_dma semaphore(%dma_wait3A_340 : memref<!tpu.dma_semaphore, #tpu.memory_space<semaphore_mem>>) src(%dma_wait3A_332 : memref<40x128xf32, #tpu.memory_space<vmem>>) dst(%dma_wait3A_338 : memref<10000x128xf32, #tpu.memory_space<vmem_shared>>)
    %barrier3A_341 = arith.constant 0 : index
    tpu.barrier barrier_id(%barrier3A_341)
    %mul3A_342 = arith.constant 624 : i32
    %mul3A_343 = arith.muli %arg1, %mul3A_342 : i32
    %mul3A_344 = arith.constant 624 : i32
    %mul3A_345 = arith.muli %arg1, %mul3A_344 : i32
    "tpu.region"() ({
      %run_scoped3A = tpu.sem_alloc : memref<!tpu.dma_semaphore, #tpu.memory_space<semaphore_mem>>
      %dma_start3A_351 = arith.constant 0 : i32
      %dma_start3A_352 = tpu.memref_slice %arg5[%arg0, %mul3A_345, %dma_start3A_351] : memref<2x10000x128xf32, #tpu.memory_space<hbm>> -> memref<1x624x128xf32, #tpu.memory_space<hbm>>
      %dma_start3A_353 = tpu.memref_squeeze %dma_start3A_352 : memref<1x624x128xf32, #tpu.memory_space<hbm>> -> memref<624x128xf32, #tpu.memory_space<hbm>>
      %dma_start3A_354 = arith.constant 0 : i32
      %dma_start3A_355 = tpu.memref_slice %arg6[%mul3A_343, %dma_start3A_354] : memref<10000x128xf32, #tpu.memory_space<vmem_shared>> -> memref<624x128xf32, #tpu.memory_space<vmem_shared>>
      tpu.enqueue_dma source(%dma_start3A_355 : memref<624x128xf32, #tpu.memory_space<vmem_shared>>) target(%dma_start3A_353 : memref<624x128xf32, #tpu.memory_space<hbm>>) target_semaphore(%run_scoped3A : memref<!tpu.dma_semaphore, #tpu.memory_space<semaphore_mem>>)
      %dma_wait3A_356 = arith.constant 0 : i32
      %dma_wait3A_357 = tpu.memref_slice %arg5[%arg0, %mul3A_345, %dma_wait3A_356] : memref<2x10000x128xf32, #tpu.memory_space<hbm>> -> memref<1x624x128xf32, #tpu.memory_space<hbm>>
      %dma_wait3A_358 = tpu.memref_squeeze %dma_wait3A_357 : memref<1x624x128xf32, #tpu.memory_space<hbm>> -> memref<624x128xf32, #tpu.memory_space<hbm>>
      %dma_wait3A_359 = arith.constant 0 : i32
      %dma_wait3A_360 = tpu.memref_slice %arg6[%mul3A_343, %dma_wait3A_359] : memref<10000x128xf32, #tpu.memory_space<vmem_shared>> -> memref<624x128xf32, #tpu.memory_space<vmem_shared>>
      tpu.wait_dma2 semaphore(%run_scoped3A : memref<!tpu.dma_semaphore, #tpu.memory_space<semaphore_mem>>) src(%dma_wait3A_360 : memref<624x128xf32, #tpu.memory_space<vmem_shared>>) dst(%dma_wait3A_358 : memref<624x128xf32, #tpu.memory_space<hbm>>)
      tpu.yield
    }) : () -> ()
    %eq3A_346 = arith.constant 15 : i32
    %eq3A_347 = arith.cmpi eq, %arg1, %eq3A_346 : i32
    %convert_element_type3A_348 = arith.extui %eq3A_347 : i1 to i32
    %cond3A_349 = arith.constant 0 : i32
    %cond3A_350 = arith.cmpi ne, %convert_element_type3A_348, %cond3A_349 : i32
    scf.if %cond3A_350 {
      "tpu.region"() ({
        %run_scoped3A = tpu.sem_alloc : memref<!tpu.dma_semaphore, #tpu.memory_space<semaphore_mem>>
        %dma_start3A_351 = arith.constant 9984 : i32
        %dma_start3A_352 = arith.constant 0 : i32
        %dma_start3A_353 = tpu.memref_slice %arg5[%arg0, %dma_start3A_351, %dma_start3A_352] : memref<2x10000x128xf32, #tpu.memory_space<hbm>> -> memref<1x16x128xf32, #tpu.memory_space<hbm>>
        %dma_start3A_354 = tpu.memref_squeeze %dma_start3A_353 : memref<1x16x128xf32, #tpu.memory_space<hbm>> -> memref<16x128xf32, #tpu.memory_space<hbm>>
        %dma_start3A_355 = arith.constant 9984 : i32
        %dma_start3A_356 = arith.constant 0 : i32
        %dma_start3A_357 = tpu.memref_slice %arg6[%dma_start3A_355, %dma_start3A_356] : memref<10000x128xf32, #tpu.memory_space<vmem_shared>> -> memref<16x128xf32, #tpu.memory_space<vmem_shared>>
        tpu.enqueue_dma source(%dma_start3A_357 : memref<16x128xf32, #tpu.memory_space<vmem_shared>>) target(%dma_start3A_354 : memref<16x128xf32, #tpu.memory_space<hbm>>) target_semaphore(%run_scoped3A : memref<!tpu.dma_semaphore, #tpu.memory_space<semaphore_mem>>)
        %dma_wait3A_358 = arith.constant 9984 : i32
        %dma_wait3A_359 = arith.constant 0 : i32
        %dma_wait3A_360 = tpu.memref_slice %arg5[%arg0, %dma_wait3A_358, %dma_wait3A_359] : memref<2x10000x128xf32, #tpu.memory_space<hbm>> -> memref<1x16x128xf32, #tpu.memory_space<hbm>>
        %dma_wait3A_361 = tpu.memref_squeeze %dma_wait3A_360 : memref<1x16x128xf32, #tpu.memory_space<hbm>> -> memref<16x128xf32, #tpu.memory_space<hbm>>
        %dma_wait3A_362 = arith.constant 9984 : i32
        %dma_wait3A_363 = arith.constant 0 : i32
        %dma_wait3A_364 = tpu.memref_slice %arg6[%dma_wait3A_362, %dma_wait3A_363] : memref<10000x128xf32, #tpu.memory_space<vmem_shared>> -> memref<16x128xf32, #tpu.memory_space<vmem_shared>>
        tpu.wait_dma2 semaphore(%run_scoped3A : memref<!tpu.dma_semaphore, #tpu.memory_space<semaphore_mem>>) src(%dma_wait3A_364 : memref<16x128xf32, #tpu.memory_space<vmem_shared>>) dst(%dma_wait3A_361 : memref<16x128xf32, #tpu.memory_space<hbm>>)
        tpu.yield
      }) : () -> ()
    } else {
    }
    return
  }
}

module attributes {stable_mosaic.version = 14 : i64} {
  func.func @_msg_body(%arg0: i32, %arg1: memref<2000x128xf32, #tpu.memory_space<vmem>>, %arg2: memref<2000x4xf32, #tpu.memory_space<vmem>>, %arg3: memref<512x128xbf16, #tpu.memory_space<vmem>>, %arg4: memref<2000x128xf32, #tpu.memory_space<vmem>>) attributes {dimension_semantics = [#tpu.dimension_semantics<arbitrary>], iteration_bounds = array<i64: 80>, scalar_prefetch = 0 : i64, scratch_operands = 0 : i64, tpu.core_type = #tpu.core_type<tc>, window_params = [{transform_indices = @transform_0, window_bounds = array<i64: 2000, 128>}, {transform_indices = @transform_1, window_bounds = array<i64: 2000, 4>}, {pipeline_mode = #tpu.pipeline_mode<synchronous>, transform_indices = @transform_2, window_bounds = array<i64: 512, 128>}, {transform_indices = @transform_3, window_bounds = array<i64: 2000, 128>}]} {
    %get3A = arith.constant 0 : index
    %get3A_0 = arith.constant 0 : index
    %get3A_1 = vector.load %arg1[%get3A, %get3A_0] : memref<2000x128xf32, #tpu.memory_space<vmem>>, vector<2000x128xf32>
    %convert_element_type3A = arith.truncf %get3A_1 : vector<2000x128xf32> to vector<2000x128xbf16>
    %get3A_2 = arith.constant 0 : index
    %get3A_3 = arith.constant 0 : index
    %get3A_4 = vector.load %arg2[%get3A_2, %get3A_3] : memref<2000x4xf32, #tpu.memory_space<vmem>>, vector<2000x4xf32>
    %convert_element_type3A_5 = arith.truncf %get3A_4 : vector<2000x4xf32> to vector<2000x4xbf16>
    %slice3A = vector.extract_strided_slice %convert_element_type3A_5 {offsets = [0, 0], sizes = [2000, 1], strides = [1, 1]} : vector<2000x4xbf16> to vector<2000x1xbf16>
    %broadcast_in_dim3A = vector.shape_cast %slice3A : vector<2000x1xbf16> to vector<2000x1xbf16>
    %broadcast_in_dim3A_6 = vector.broadcast %broadcast_in_dim3A : vector<2000x1xbf16> to vector<2000x128xbf16>
    %slice3A_7 = vector.extract_strided_slice %convert_element_type3A_5 {offsets = [0, 1], sizes = [2000, 1], strides = [1, 1]} : vector<2000x4xbf16> to vector<2000x1xbf16>
    %broadcast_in_dim3A_8 = vector.shape_cast %slice3A_7 : vector<2000x1xbf16> to vector<2000x1xbf16>
    %broadcast_in_dim3A_9 = vector.broadcast %broadcast_in_dim3A_8 : vector<2000x1xbf16> to vector<2000x128xbf16>
    %slice3A_10 = vector.extract_strided_slice %convert_element_type3A_5 {offsets = [0, 2], sizes = [2000, 1], strides = [1, 1]} : vector<2000x4xbf16> to vector<2000x1xbf16>
    %broadcast_in_dim3A_11 = vector.shape_cast %slice3A_10 : vector<2000x1xbf16> to vector<2000x1xbf16>
    %broadcast_in_dim3A_12 = vector.broadcast %broadcast_in_dim3A_11 : vector<2000x1xbf16> to vector<2000x128xbf16>
    %slice3A_13 = vector.extract_strided_slice %convert_element_type3A_5 {offsets = [0, 3], sizes = [2000, 1], strides = [1, 1]} : vector<2000x4xbf16> to vector<2000x1xbf16>
    %broadcast_in_dim3A_14 = vector.shape_cast %slice3A_13 : vector<2000x1xbf16> to vector<2000x1xbf16>
    %broadcast_in_dim3A_15 = vector.broadcast %broadcast_in_dim3A_14 : vector<2000x1xbf16> to vector<2000x128xbf16>
    %concatenate3A = tpu.concatenate %broadcast_in_dim3A_6, %broadcast_in_dim3A_9, %broadcast_in_dim3A_12, %broadcast_in_dim3A_15 in 1 : vector<2000x128xbf16>, vector<2000x128xbf16>, vector<2000x128xbf16>, vector<2000x128xbf16> -> vector<2000x512xbf16>
    %tile3A = tpu.concatenate %convert_element_type3A, %convert_element_type3A, %convert_element_type3A, %convert_element_type3A in 1 : vector<2000x128xbf16>, vector<2000x128xbf16>, vector<2000x128xbf16>, vector<2000x128xbf16> -> vector<2000x512xbf16>
    %mul3A = arith.mulf %concatenate3A, %tile3A : vector<2000x512xbf16>
    %get3A_16 = arith.constant 0 : index
    %get3A_17 = arith.constant 0 : index
    %get3A_18 = vector.load %arg3[%get3A_16, %get3A_17] : memref<512x128xbf16, #tpu.memory_space<vmem>>, vector<512x128xbf16>
    %dot_general3A = arith.constant dense<0.000000e+00> : vector<2000x128xf32>
    %dot_general3A_19 = tpu.matmul %mul3A, %get3A_18, %dot_general3A {dimension_numbers = #tpu.dot_dimension_numbers<[1], [0], [0], [1], [0, 0, 1, 1], [], []>, transpose_lhs_hint = false} : vector<2000x512xbf16>, vector<512x128xbf16>, vector<2000x128xf32> -> vector<2000x128xf32>
    %mul3A_20 = arith.constant 0.0441941731 : f32
    %mul3A_21 = vector.broadcast %mul3A_20 : f32 to vector<2000x128xf32>
    %mul3A_22 = arith.mulf %dot_general3A_19, %mul3A_21 : vector<2000x128xf32>
    %logistic3A = arith.negf %mul3A_22 : vector<2000x128xf32>
    %logistic3A_23 = math.exp %logistic3A : vector<2000x128xf32>
    %logistic3A_24 = arith.constant 1.000000e+00 : f32
    %logistic3A_25 = vector.broadcast %logistic3A_24 : f32 to vector<2000x128xf32>
    %logistic3A_26 = arith.addf %logistic3A_25, %logistic3A_23 : vector<2000x128xf32>
    %logistic3A_27 = arith.divf %logistic3A_25, %logistic3A_26 : vector<2000x128xf32>
    %mul3A_28 = arith.mulf %mul3A_22, %logistic3A_27 : vector<2000x128xf32>
    %swap3A = arith.constant 0 : index
    %swap3A_29 = arith.constant 0 : index
    %swap3A_30 = vector.load %arg4[%swap3A, %swap3A_29] : memref<2000x128xf32, #tpu.memory_space<vmem>>, vector<2000x128xf32>
    tpu.vector_store %arg4[%swap3A, %swap3A_29], %mul3A_28 {strides = array<i32>} : memref<2000x128xf32, #tpu.memory_space<vmem>>, vector<2000x128xf32>,
    return
  }
  func.func @transform_0(%arg0: i32) -> (i32, i32) {
    %c0_i32 = arith.constant 0 : i32
    %c0_i32_0 = arith.constant 0 : i32
    return %arg0, %c0_i32 : i32, i32
  }
  func.func @transform_1(%arg0: i32) -> (i32, i32) {
    %c0_i32 = arith.constant 0 : i32
    %c0_i32_0 = arith.constant 0 : i32
    return %arg0, %c0_i32 : i32, i32
  }
  func.func @transform_2(%arg0: i32) -> (i32, i32) {
    %c0_i32 = arith.constant 0 : i32
    %c0_i32_0 = arith.constant 0 : i32
    %c0_i32_1 = arith.constant 0 : i32
    return %c0_i32, %c0_i32_0 : i32, i32
  }
  func.func @transform_3(%arg0: i32) -> (i32, i32) {
    %c0_i32 = arith.constant 0 : i32
    %c0_i32_0 = arith.constant 0 : i32
    return %arg0, %c0_i32 : i32, i32
  }
}

module attributes {stable_mosaic.version = 14 : i64} {
  func.func @_upd_body(%arg0: i32, %arg1: memref<2x400x128xf32, #tpu.memory_space<vmem>>, %arg2: memref<400x128xf32, #tpu.memory_space<vmem>>, %arg3: memref<128x128xf32, #tpu.memory_space<vmem>>, %arg4: memref<8x2048x128xbf16, #tpu.memory_space<vmem>>, %arg5: memref<128x128xf32, #tpu.memory_space<vmem>>, %arg6: memref<400x128xf32, #tpu.memory_space<vmem>>) attributes {dimension_semantics = [#tpu.dimension_semantics<arbitrary>], iteration_bounds = array<i64: 25>, scalar_prefetch = 0 : i64, scratch_operands = 0 : i64, tpu.core_type = #tpu.core_type<tc>, window_params = [{transform_indices = @transform_0, window_bounds = array<i64: 2, 400, 128>}, {transform_indices = @transform_1, window_bounds = array<i64: 400, 128>}, {pipeline_mode = #tpu.pipeline_mode<synchronous>, transform_indices = @transform_2, window_bounds = array<i64: 128, 128>}, {pipeline_mode = #tpu.pipeline_mode<synchronous>, transform_indices = @transform_3, window_bounds = array<i64: 8, 2048, 128>}, {pipeline_mode = #tpu.pipeline_mode<synchronous>, transform_indices = @transform_4, window_bounds = array<i64: 128, 128>}, {transform_indices = @transform_5, window_bounds = array<i64: 400, 128>}]} {
    %get3A = arith.constant 0 : index
    %get3A_0 = arith.constant 0 : index
    %get3A_1 = arith.constant 0 : index
    %get3A_2 = vector.load %arg1[%get3A, %get3A_0, %get3A_1] : memref<2x400x128xf32, #tpu.memory_space<vmem>>, vector<1x400x128xf32>
    %get3A_3 = vector.shape_cast %get3A_2 : vector<1x400x128xf32> to vector<400x128xf32>
    %get3A_4 = arith.constant 1 : index
    %get3A_5 = arith.constant 0 : index
    %get3A_6 = arith.constant 0 : index
    %get3A_7 = vector.load %arg1[%get3A_4, %get3A_5, %get3A_6] : memref<2x400x128xf32, #tpu.memory_space<vmem>>, vector<1x400x128xf32>
    %get3A_8 = vector.shape_cast %get3A_7 : vector<1x400x128xf32> to vector<400x128xf32>
    %add3A = arith.addf %get3A_3, %get3A_8 : vector<400x128xf32>
    %get3A_9 = arith.constant 0 : index
    %get3A_10 = arith.constant 0 : index
    %get3A_11 = vector.load %arg3[%get3A_9, %get3A_10] : memref<128x128xf32, #tpu.memory_space<vmem>>, vector<128x128xf32>
    %dot_general3A = arith.constant dense<0.000000e+00> : vector<400x128xf32>
    %dot_general3A_12 = tpu.matmul %add3A, %get3A_11, %dot_general3A {dimension_numbers = #tpu.dot_dimension_numbers<[1], [0], [0], [1], [0, 0, 1, 1], [], []>, transpose_lhs_hint = false} : vector<400x128xf32>, vector<128x128xf32>, vector<400x128xf32> -> vector<400x128xf32>
    %mul3A = arith.constant 0.0883883461 : f32
    %mul3A_13 = vector.broadcast %mul3A : f32 to vector<400x128xf32>
    %mul3A_14 = arith.mulf %dot_general3A_12, %mul3A_13 : vector<400x128xf32>
    %get3A_15 = arith.constant 0 : index
    %get3A_16 = arith.constant 0 : index
    %get3A_17 = vector.load %arg2[%get3A_15, %get3A_16] : memref<400x128xf32, #tpu.memory_space<vmem>>, vector<400x128xf32>
    %broadcast_in_dim3A = arith.constant 0.000000e+00 : f32
    %broadcast_in_dim3A_18 = vector.broadcast %broadcast_in_dim3A : f32 to vector<400x128xf32>
    %convert_element_type3A = arith.truncf %get3A_17 : vector<400x128xf32> to vector<400x128xbf16>
    %convert_element_type3A_19 = arith.truncf %mul3A_14 : vector<400x128xf32> to vector<400x128xbf16>
    %tile3A = tpu.concatenate %convert_element_type3A_19, %convert_element_type3A_19, %convert_element_type3A_19, %convert_element_type3A_19, %convert_element_type3A_19, %convert_element_type3A_19, %convert_element_type3A_19, %convert_element_type3A_19, %convert_element_type3A_19, %convert_element_type3A_19, %convert_element_type3A_19, %convert_element_type3A_19, %convert_element_type3A_19, %convert_element_type3A_19, %convert_element_type3A_19, %convert_element_type3A_19 in 1 : vector<400x128xbf16>, vector<400x128xbf16>, vector<400x128xbf16>, vector<400x128xbf16>, vector<400x128xbf16>, vector<400x128xbf16>, vector<400x128xbf16>, vector<400x128xbf16>, vector<400x128xbf16>, vector<400x128xbf16>, vector<400x128xbf16>, vector<400x128xbf16>, vector<400x128xbf16>, vector<400x128xbf16>, vector<400x128xbf16>, vector<400x128xbf16> -> vector<400x2048xbf16>
    %slice3A = vector.extract_strided_slice %convert_element_type3A {offsets = [0, 0], sizes = [400, 1], strides = [1, 1]} : vector<400x128xbf16> to vector<400x1xbf16>
    %broadcast_in_dim3A_20 = vector.shape_cast %slice3A : vector<400x1xbf16> to vector<400x1xbf16>
    %broadcast_in_dim3A_21 = vector.broadcast %broadcast_in_dim3A_20 : vector<400x1xbf16> to vector<400x128xbf16>
    %slice3A_22 = vector.extract_strided_slice %convert_element_type3A {offsets = [0, 1], sizes = [400, 1], strides = [1, 1]} : vector<400x128xbf16> to vector<400x1xbf16>
    %broadcast_in_dim3A_23 = vector.shape_cast %slice3A_22 : vector<400x1xbf16> to vector<400x1xbf16>
    %broadcast_in_dim3A_24 = vector.broadcast %broadcast_in_dim3A_23 : vector<400x1xbf16> to vector<400x128xbf16>
    %slice3A_25 = vector.extract_strided_slice %convert_element_type3A {offsets = [0, 2], sizes = [400, 1], strides = [1, 1]} : vector<400x128xbf16> to vector<400x1xbf16>
    %broadcast_in_dim3A_26 = vector.shape_cast %slice3A_25 : vector<400x1xbf16> to vector<400x1xbf16>
    %broadcast_in_dim3A_27 = vector.broadcast %broadcast_in_dim3A_26 : vector<400x1xbf16> to vector<400x128xbf16>
    %slice3A_28 = vector.extract_strided_slice %convert_element_type3A {offsets = [0, 3], sizes = [400, 1], strides = [1, 1]} : vector<400x128xbf16> to vector<400x1xbf16>
    %broadcast_in_dim3A_29 = vector.shape_cast %slice3A_28 : vector<400x1xbf16> to vector<400x1xbf16>
    %broadcast_in_dim3A_30 = vector.broadcast %broadcast_in_dim3A_29 : vector<400x1xbf16> to vector<400x128xbf16>
    %slice3A_31 = vector.extract_strided_slice %convert_element_type3A {offsets = [0, 4], sizes = [400, 1], strides = [1, 1]} : vector<400x128xbf16> to vector<400x1xbf16>
    %broadcast_in_dim3A_32 = vector.shape_cast %slice3A_31 : vector<400x1xbf16> to vector<400x1xbf16>
    %broadcast_in_dim3A_33 = vector.broadcast %broadcast_in_dim3A_32 : vector<400x1xbf16> to vector<400x128xbf16>
    %slice3A_34 = vector.extract_strided_slice %convert_element_type3A {offsets = [0, 5], sizes = [400, 1], strides = [1, 1]} : vector<400x128xbf16> to vector<400x1xbf16>
    %broadcast_in_dim3A_35 = vector.shape_cast %slice3A_34 : vector<400x1xbf16> to vector<400x1xbf16>
    %broadcast_in_dim3A_36 = vector.broadcast %broadcast_in_dim3A_35 : vector<400x1xbf16> to vector<400x128xbf16>
    %slice3A_37 = vector.extract_strided_slice %convert_element_type3A {offsets = [0, 6], sizes = [400, 1], strides = [1, 1]} : vector<400x128xbf16> to vector<400x1xbf16>
    %broadcast_in_dim3A_38 = vector.shape_cast %slice3A_37 : vector<400x1xbf16> to vector<400x1xbf16>
    %broadcast_in_dim3A_39 = vector.broadcast %broadcast_in_dim3A_38 : vector<400x1xbf16> to vector<400x128xbf16>
    %slice3A_40 = vector.extract_strided_slice %convert_element_type3A {offsets = [0, 7], sizes = [400, 1], strides = [1, 1]} : vector<400x128xbf16> to vector<400x1xbf16>
    %broadcast_in_dim3A_41 = vector.shape_cast %slice3A_40 : vector<400x1xbf16> to vector<400x1xbf16>
    %broadcast_in_dim3A_42 = vector.broadcast %broadcast_in_dim3A_41 : vector<400x1xbf16> to vector<400x128xbf16>
    %slice3A_43 = vector.extract_strided_slice %convert_element_type3A {offsets = [0, 8], sizes = [400, 1], strides = [1, 1]} : vector<400x128xbf16> to vector<400x1xbf16>
    %broadcast_in_dim3A_44 = vector.shape_cast %slice3A_43 : vector<400x1xbf16> to vector<400x1xbf16>
    %broadcast_in_dim3A_45 = vector.broadcast %broadcast_in_dim3A_44 : vector<400x1xbf16> to vector<400x128xbf16>
    %slice3A_46 = vector.extract_strided_slice %convert_element_type3A {offsets = [0, 9], sizes = [400, 1], strides = [1, 1]} : vector<400x128xbf16> to vector<400x1xbf16>
    %broadcast_in_dim3A_47 = vector.shape_cast %slice3A_46 : vector<400x1xbf16> to vector<400x1xbf16>
    %broadcast_in_dim3A_48 = vector.broadcast %broadcast_in_dim3A_47 : vector<400x1xbf16> to vector<400x128xbf16>
    %slice3A_49 = vector.extract_strided_slice %convert_element_type3A {offsets = [0, 10], sizes = [400, 1], strides = [1, 1]} : vector<400x128xbf16> to vector<400x1xbf16>
    %broadcast_in_dim3A_50 = vector.shape_cast %slice3A_49 : vector<400x1xbf16> to vector<400x1xbf16>
    %broadcast_in_dim3A_51 = vector.broadcast %broadcast_in_dim3A_50 : vector<400x1xbf16> to vector<400x128xbf16>
    %slice3A_52 = vector.extract_strided_slice %convert_element_type3A {offsets = [0, 11], sizes = [400, 1], strides = [1, 1]} : vector<400x128xbf16> to vector<400x1xbf16>
    %broadcast_in_dim3A_53 = vector.shape_cast %slice3A_52 : vector<400x1xbf16> to vector<400x1xbf16>
    %broadcast_in_dim3A_54 = vector.broadcast %broadcast_in_dim3A_53 : vector<400x1xbf16> to vector<400x128xbf16>
    %slice3A_55 = vector.extract_strided_slice %convert_element_type3A {offsets = [0, 12], sizes = [400, 1], strides = [1, 1]} : vector<400x128xbf16> to vector<400x1xbf16>
    %broadcast_in_dim3A_56 = vector.shape_cast %slice3A_55 : vector<400x1xbf16> to vector<400x1xbf16>
    %broadcast_in_dim3A_57 = vector.broadcast %broadcast_in_dim3A_56 : vector<400x1xbf16> to vector<400x128xbf16>
    %slice3A_58 = vector.extract_strided_slice %convert_element_type3A {offsets = [0, 13], sizes = [400, 1], strides = [1, 1]} : vector<400x128xbf16> to vector<400x1xbf16>
    %broadcast_in_dim3A_59 = vector.shape_cast %slice3A_58 : vector<400x1xbf16> to vector<400x1xbf16>
    %broadcast_in_dim3A_60 = vector.broadcast %broadcast_in_dim3A_59 : vector<400x1xbf16> to vector<400x128xbf16>
    %slice3A_61 = vector.extract_strided_slice %convert_element_type3A {offsets = [0, 14], sizes = [400, 1], strides = [1, 1]} : vector<400x128xbf16> to vector<400x1xbf16>
    %broadcast_in_dim3A_62 = vector.shape_cast %slice3A_61 : vector<400x1xbf16> to vector<400x1xbf16>
    %broadcast_in_dim3A_63 = vector.broadcast %broadcast_in_dim3A_62 : vector<400x1xbf16> to vector<400x128xbf16>
    %slice3A_64 = vector.extract_strided_slice %convert_element_type3A {offsets = [0, 15], sizes = [400, 1], strides = [1, 1]} : vector<400x128xbf16> to vector<400x1xbf16>
    %broadcast_in_dim3A_65 = vector.shape_cast %slice3A_64 : vector<400x1xbf16> to vector<400x1xbf16>
    %broadcast_in_dim3A_66 = vector.broadcast %broadcast_in_dim3A_65 : vector<400x1xbf16> to vector<400x128xbf16>
    %concatenate3A = tpu.concatenate %broadcast_in_dim3A_21, %broadcast_in_dim3A_24, %broadcast_in_dim3A_27, %broadcast_in_dim3A_30, %broadcast_in_dim3A_33, %broadcast_in_dim3A_36, %broadcast_in_dim3A_39, %broadcast_in_dim3A_42, %broadcast_in_dim3A_45, %broadcast_in_dim3A_48, %broadcast_in_dim3A_51, %broadcast_in_dim3A_54, %broadcast_in_dim3A_57, %broadcast_in_dim3A_60, %broadcast_in_dim3A_63, %broadcast_in_dim3A_66 in 1 : vector<400x128xbf16>, vector<400x128xbf16>, vector<400x128xbf16>, vector<400x128xbf16>, vector<400x128xbf16>, vector<400x128xbf16>, vector<400x128xbf16>, vector<400x128xbf16>, vector<400x128xbf16>, vector<400x128xbf16>, vector<400x128xbf16>, vector<400x128xbf16>, vector<400x128xbf16>, vector<400x128xbf16>, vector<400x128xbf16>, vector<400x128xbf16> -> vector<400x2048xbf16>
    %mul3A_67 = arith.mulf %concatenate3A, %tile3A : vector<400x2048xbf16>
    %get3A_68 = arith.constant 0 : index
    %get3A_69 = arith.constant 0 : index
    %get3A_70 = arith.constant 0 : index
    %get3A_71 = vector.load %arg4[%get3A_68, %get3A_69, %get3A_70] : memref<8x2048x128xbf16, #tpu.memory_space<vmem>>, vector<1x2048x128xbf16>
    %get3A_72 = vector.shape_cast %get3A_71 : vector<1x2048x128xbf16> to vector<2048x128xbf16>
    %dot_general3A_73 = arith.constant dense<0.000000e+00> : vector<400x128xf32>
    %dot_general3A_74 = tpu.matmul %mul3A_67, %get3A_72, %dot_general3A_73 {dimension_numbers = #tpu.dot_dimension_numbers<[1], [0], [0], [1], [0, 0, 1, 1], [], []>, transpose_lhs_hint = false} : vector<400x2048xbf16>, vector<2048x128xbf16>, vector<400x128xf32> -> vector<400x128xf32>
    %add3A_75 = arith.addf %broadcast_in_dim3A_18, %dot_general3A_74 : vector<400x128xf32>
    %slice3A_76 = vector.extract_strided_slice %convert_element_type3A {offsets = [0, 16], sizes = [400, 1], strides = [1, 1]} : vector<400x128xbf16> to vector<400x1xbf16>
    %broadcast_in_dim3A_77 = vector.shape_cast %slice3A_76 : vector<400x1xbf16> to vector<400x1xbf16>
    %broadcast_in_dim3A_78 = vector.broadcast %broadcast_in_dim3A_77 : vector<400x1xbf16> to vector<400x128xbf16>
    %slice3A_79 = vector.extract_strided_slice %convert_element_type3A {offsets = [0, 17], sizes = [400, 1], strides = [1, 1]} : vector<400x128xbf16> to vector<400x1xbf16>
    %broadcast_in_dim3A_80 = vector.shape_cast %slice3A_79 : vector<400x1xbf16> to vector<400x1xbf16>
    %broadcast_in_dim3A_81 = vector.broadcast %broadcast_in_dim3A_80 : vector<400x1xbf16> to vector<400x128xbf16>
    %slice3A_82 = vector.extract_strided_slice %convert_element_type3A {offsets = [0, 18], sizes = [400, 1], strides = [1, 1]} : vector<400x128xbf16> to vector<400x1xbf16>
    %broadcast_in_dim3A_83 = vector.shape_cast %slice3A_82 : vector<400x1xbf16> to vector<400x1xbf16>
    %broadcast_in_dim3A_84 = vector.broadcast %broadcast_in_dim3A_83 : vector<400x1xbf16> to vector<400x128xbf16>
    %slice3A_85 = vector.extract_strided_slice %convert_element_type3A {offsets = [0, 19], sizes = [400, 1], strides = [1, 1]} : vector<400x128xbf16> to vector<400x1xbf16>
    %broadcast_in_dim3A_86 = vector.shape_cast %slice3A_85 : vector<400x1xbf16> to vector<400x1xbf16>
    %broadcast_in_dim3A_87 = vector.broadcast %broadcast_in_dim3A_86 : vector<400x1xbf16> to vector<400x128xbf16>
    %slice3A_88 = vector.extract_strided_slice %convert_element_type3A {offsets = [0, 20], sizes = [400, 1], strides = [1, 1]} : vector<400x128xbf16> to vector<400x1xbf16>
    %broadcast_in_dim3A_89 = vector.shape_cast %slice3A_88 : vector<400x1xbf16> to vector<400x1xbf16>
    %broadcast_in_dim3A_90 = vector.broadcast %broadcast_in_dim3A_89 : vector<400x1xbf16> to vector<400x128xbf16>
    %slice3A_91 = vector.extract_strided_slice %convert_element_type3A {offsets = [0, 21], sizes = [400, 1], strides = [1, 1]} : vector<400x128xbf16> to vector<400x1xbf16>
    %broadcast_in_dim3A_92 = vector.shape_cast %slice3A_91 : vector<400x1xbf16> to vector<400x1xbf16>
    %broadcast_in_dim3A_93 = vector.broadcast %broadcast_in_dim3A_92 : vector<400x1xbf16> to vector<400x128xbf16>
    %slice3A_94 = vector.extract_strided_slice %convert_element_type3A {offsets = [0, 22], sizes = [400, 1], strides = [1, 1]} : vector<400x128xbf16> to vector<400x1xbf16>
    %broadcast_in_dim3A_95 = vector.shape_cast %slice3A_94 : vector<400x1xbf16> to vector<400x1xbf16>
    %broadcast_in_dim3A_96 = vector.broadcast %broadcast_in_dim3A_95 : vector<400x1xbf16> to vector<400x128xbf16>
    %slice3A_97 = vector.extract_strided_slice %convert_element_type3A {offsets = [0, 23], sizes = [400, 1], strides = [1, 1]} : vector<400x128xbf16> to vector<400x1xbf16>
    %broadcast_in_dim3A_98 = vector.shape_cast %slice3A_97 : vector<400x1xbf16> to vector<400x1xbf16>
    %broadcast_in_dim3A_99 = vector.broadcast %broadcast_in_dim3A_98 : vector<400x1xbf16> to vector<400x128xbf16>
    %slice3A_100 = vector.extract_strided_slice %convert_element_type3A {offsets = [0, 24], sizes = [400, 1], strides = [1, 1]} : vector<400x128xbf16> to vector<400x1xbf16>
    %broadcast_in_dim3A_101 = vector.shape_cast %slice3A_100 : vector<400x1xbf16> to vector<400x1xbf16>
    %broadcast_in_dim3A_102 = vector.broadcast %broadcast_in_dim3A_101 : vector<400x1xbf16> to vector<400x128xbf16>
    %slice3A_103 = vector.extract_strided_slice %convert_element_type3A {offsets = [0, 25], sizes = [400, 1], strides = [1, 1]} : vector<400x128xbf16> to vector<400x1xbf16>
    %broadcast_in_dim3A_104 = vector.shape_cast %slice3A_103 : vector<400x1xbf16> to vector<400x1xbf16>
    %broadcast_in_dim3A_105 = vector.broadcast %broadcast_in_dim3A_104 : vector<400x1xbf16> to vector<400x128xbf16>
    %slice3A_106 = vector.extract_strided_slice %convert_element_type3A {offsets = [0, 26], sizes = [400, 1], strides = [1, 1]} : vector<400x128xbf16> to vector<400x1xbf16>
    %broadcast_in_dim3A_107 = vector.shape_cast %slice3A_106 : vector<400x1xbf16> to vector<400x1xbf16>
    %broadcast_in_dim3A_108 = vector.broadcast %broadcast_in_dim3A_107 : vector<400x1xbf16> to vector<400x128xbf16>
    %slice3A_109 = vector.extract_strided_slice %convert_element_type3A {offsets = [0, 27], sizes = [400, 1], strides = [1, 1]} : vector<400x128xbf16> to vector<400x1xbf16>
    %broadcast_in_dim3A_110 = vector.shape_cast %slice3A_109 : vector<400x1xbf16> to vector<400x1xbf16>
    %broadcast_in_dim3A_111 = vector.broadcast %broadcast_in_dim3A_110 : vector<400x1xbf16> to vector<400x128xbf16>
    %slice3A_112 = vector.extract_strided_slice %convert_element_type3A {offsets = [0, 28], sizes = [400, 1], strides = [1, 1]} : vector<400x128xbf16> to vector<400x1xbf16>
    %broadcast_in_dim3A_113 = vector.shape_cast %slice3A_112 : vector<400x1xbf16> to vector<400x1xbf16>
    %broadcast_in_dim3A_114 = vector.broadcast %broadcast_in_dim3A_113 : vector<400x1xbf16> to vector<400x128xbf16>
    %slice3A_115 = vector.extract_strided_slice %convert_element_type3A {offsets = [0, 29], sizes = [400, 1], strides = [1, 1]} : vector<400x128xbf16> to vector<400x1xbf16>
    %broadcast_in_dim3A_116 = vector.shape_cast %slice3A_115 : vector<400x1xbf16> to vector<400x1xbf16>
    %broadcast_in_dim3A_117 = vector.broadcast %broadcast_in_dim3A_116 : vector<400x1xbf16> to vector<400x128xbf16>
    %slice3A_118 = vector.extract_strided_slice %convert_element_type3A {offsets = [0, 30], sizes = [400, 1], strides = [1, 1]} : vector<400x128xbf16> to vector<400x1xbf16>
    %broadcast_in_dim3A_119 = vector.shape_cast %slice3A_118 : vector<400x1xbf16> to vector<400x1xbf16>
    %broadcast_in_dim3A_120 = vector.broadcast %broadcast_in_dim3A_119 : vector<400x1xbf16> to vector<400x128xbf16>
    %slice3A_121 = vector.extract_strided_slice %convert_element_type3A {offsets = [0, 31], sizes = [400, 1], strides = [1, 1]} : vector<400x128xbf16> to vector<400x1xbf16>
    %broadcast_in_dim3A_122 = vector.shape_cast %slice3A_121 : vector<400x1xbf16> to vector<400x1xbf16>
    %broadcast_in_dim3A_123 = vector.broadcast %broadcast_in_dim3A_122 : vector<400x1xbf16> to vector<400x128xbf16>
    %concatenate3A_124 = tpu.concatenate %broadcast_in_dim3A_78, %broadcast_in_dim3A_81, %broadcast_in_dim3A_84, %broadcast_in_dim3A_87, %broadcast_in_dim3A_90, %broadcast_in_dim3A_93, %broadcast_in_dim3A_96, %broadcast_in_dim3A_99, %broadcast_in_dim3A_102, %broadcast_in_dim3A_105, %broadcast_in_dim3A_108, %broadcast_in_dim3A_111, %broadcast_in_dim3A_114, %broadcast_in_dim3A_117, %broadcast_in_dim3A_120, %broadcast_in_dim3A_123 in 1 : vector<400x128xbf16>, vector<400x128xbf16>, vector<400x128xbf16>, vector<400x128xbf16>, vector<400x128xbf16>, vector<400x128xbf16>, vector<400x128xbf16>, vector<400x128xbf16>, vector<400x128xbf16>, vector<400x128xbf16>, vector<400x128xbf16>, vector<400x128xbf16>, vector<400x128xbf16>, vector<400x128xbf16>, vector<400x128xbf16>, vector<400x128xbf16> -> vector<400x2048xbf16>
    %mul3A_125 = arith.mulf %concatenate3A_124, %tile3A : vector<400x2048xbf16>
    %get3A_126 = arith.constant 1 : index
    %get3A_127 = arith.constant 0 : index
    %get3A_128 = arith.constant 0 : index
    %get3A_129 = vector.load %arg4[%get3A_126, %get3A_127, %get3A_128] : memref<8x2048x128xbf16, #tpu.memory_space<vmem>>, vector<1x2048x128xbf16>
    %get3A_130 = vector.shape_cast %get3A_129 : vector<1x2048x128xbf16> to vector<2048x128xbf16>
    %dot_general3A_131 = arith.constant dense<0.000000e+00> : vector<400x128xf32>
    %dot_general3A_132 = tpu.matmul %mul3A_125, %get3A_130, %dot_general3A_131 {dimension_numbers = #tpu.dot_dimension_numbers<[1], [0], [0], [1], [0, 0, 1, 1], [], []>, transpose_lhs_hint = false} : vector<400x2048xbf16>, vector<2048x128xbf16>, vector<400x128xf32> -> vector<400x128xf32>
    %add3A_133 = arith.addf %add3A_75, %dot_general3A_132 : vector<400x128xf32>
    %slice3A_134 = vector.extract_strided_slice %convert_element_type3A {offsets = [0, 32], sizes = [400, 1], strides = [1, 1]} : vector<400x128xbf16> to vector<400x1xbf16>
    %broadcast_in_dim3A_135 = vector.shape_cast %slice3A_134 : vector<400x1xbf16> to vector<400x1xbf16>
    %broadcast_in_dim3A_136 = vector.broadcast %broadcast_in_dim3A_135 : vector<400x1xbf16> to vector<400x128xbf16>
    %slice3A_137 = vector.extract_strided_slice %convert_element_type3A {offsets = [0, 33], sizes = [400, 1], strides = [1, 1]} : vector<400x128xbf16> to vector<400x1xbf16>
    %broadcast_in_dim3A_138 = vector.shape_cast %slice3A_137 : vector<400x1xbf16> to vector<400x1xbf16>
    %broadcast_in_dim3A_139 = vector.broadcast %broadcast_in_dim3A_138 : vector<400x1xbf16> to vector<400x128xbf16>
    %slice3A_140 = vector.extract_strided_slice %convert_element_type3A {offsets = [0, 34], sizes = [400, 1], strides = [1, 1]} : vector<400x128xbf16> to vector<400x1xbf16>
    %broadcast_in_dim3A_141 = vector.shape_cast %slice3A_140 : vector<400x1xbf16> to vector<400x1xbf16>
    %broadcast_in_dim3A_142 = vector.broadcast %broadcast_in_dim3A_141 : vector<400x1xbf16> to vector<400x128xbf16>
    %slice3A_143 = vector.extract_strided_slice %convert_element_type3A {offsets = [0, 35], sizes = [400, 1], strides = [1, 1]} : vector<400x128xbf16> to vector<400x1xbf16>
    %broadcast_in_dim3A_144 = vector.shape_cast %slice3A_143 : vector<400x1xbf16> to vector<400x1xbf16>
    %broadcast_in_dim3A_145 = vector.broadcast %broadcast_in_dim3A_144 : vector<400x1xbf16> to vector<400x128xbf16>
    %slice3A_146 = vector.extract_strided_slice %convert_element_type3A {offsets = [0, 36], sizes = [400, 1], strides = [1, 1]} : vector<400x128xbf16> to vector<400x1xbf16>
    %broadcast_in_dim3A_147 = vector.shape_cast %slice3A_146 : vector<400x1xbf16> to vector<400x1xbf16>
    %broadcast_in_dim3A_148 = vector.broadcast %broadcast_in_dim3A_147 : vector<400x1xbf16> to vector<400x128xbf16>
    %slice3A_149 = vector.extract_strided_slice %convert_element_type3A {offsets = [0, 37], sizes = [400, 1], strides = [1, 1]} : vector<400x128xbf16> to vector<400x1xbf16>
    %broadcast_in_dim3A_150 = vector.shape_cast %slice3A_149 : vector<400x1xbf16> to vector<400x1xbf16>
    %broadcast_in_dim3A_151 = vector.broadcast %broadcast_in_dim3A_150 : vector<400x1xbf16> to vector<400x128xbf16>
    %slice3A_152 = vector.extract_strided_slice %convert_element_type3A {offsets = [0, 38], sizes = [400, 1], strides = [1, 1]} : vector<400x128xbf16> to vector<400x1xbf16>
    %broadcast_in_dim3A_153 = vector.shape_cast %slice3A_152 : vector<400x1xbf16> to vector<400x1xbf16>
    %broadcast_in_dim3A_154 = vector.broadcast %broadcast_in_dim3A_153 : vector<400x1xbf16> to vector<400x128xbf16>
    %slice3A_155 = vector.extract_strided_slice %convert_element_type3A {offsets = [0, 39], sizes = [400, 1], strides = [1, 1]} : vector<400x128xbf16> to vector<400x1xbf16>
    %broadcast_in_dim3A_156 = vector.shape_cast %slice3A_155 : vector<400x1xbf16> to vector<400x1xbf16>
    %broadcast_in_dim3A_157 = vector.broadcast %broadcast_in_dim3A_156 : vector<400x1xbf16> to vector<400x128xbf16>
    %slice3A_158 = vector.extract_strided_slice %convert_element_type3A {offsets = [0, 40], sizes = [400, 1], strides = [1, 1]} : vector<400x128xbf16> to vector<400x1xbf16>
    %broadcast_in_dim3A_159 = vector.shape_cast %slice3A_158 : vector<400x1xbf16> to vector<400x1xbf16>
    %broadcast_in_dim3A_160 = vector.broadcast %broadcast_in_dim3A_159 : vector<400x1xbf16> to vector<400x128xbf16>
    %slice3A_161 = vector.extract_strided_slice %convert_element_type3A {offsets = [0, 41], sizes = [400, 1], strides = [1, 1]} : vector<400x128xbf16> to vector<400x1xbf16>
    %broadcast_in_dim3A_162 = vector.shape_cast %slice3A_161 : vector<400x1xbf16> to vector<400x1xbf16>
    %broadcast_in_dim3A_163 = vector.broadcast %broadcast_in_dim3A_162 : vector<400x1xbf16> to vector<400x128xbf16>
    %slice3A_164 = vector.extract_strided_slice %convert_element_type3A {offsets = [0, 42], sizes = [400, 1], strides = [1, 1]} : vector<400x128xbf16> to vector<400x1xbf16>
    %broadcast_in_dim3A_165 = vector.shape_cast %slice3A_164 : vector<400x1xbf16> to vector<400x1xbf16>
    %broadcast_in_dim3A_166 = vector.broadcast %broadcast_in_dim3A_165 : vector<400x1xbf16> to vector<400x128xbf16>
    %slice3A_167 = vector.extract_strided_slice %convert_element_type3A {offsets = [0, 43], sizes = [400, 1], strides = [1, 1]} : vector<400x128xbf16> to vector<400x1xbf16>
    %broadcast_in_dim3A_168 = vector.shape_cast %slice3A_167 : vector<400x1xbf16> to vector<400x1xbf16>
    %broadcast_in_dim3A_169 = vector.broadcast %broadcast_in_dim3A_168 : vector<400x1xbf16> to vector<400x128xbf16>
    %slice3A_170 = vector.extract_strided_slice %convert_element_type3A {offsets = [0, 44], sizes = [400, 1], strides = [1, 1]} : vector<400x128xbf16> to vector<400x1xbf16>
    %broadcast_in_dim3A_171 = vector.shape_cast %slice3A_170 : vector<400x1xbf16> to vector<400x1xbf16>
    %broadcast_in_dim3A_172 = vector.broadcast %broadcast_in_dim3A_171 : vector<400x1xbf16> to vector<400x128xbf16>
    %slice3A_173 = vector.extract_strided_slice %convert_element_type3A {offsets = [0, 45], sizes = [400, 1], strides = [1, 1]} : vector<400x128xbf16> to vector<400x1xbf16>
    %broadcast_in_dim3A_174 = vector.shape_cast %slice3A_173 : vector<400x1xbf16> to vector<400x1xbf16>
    %broadcast_in_dim3A_175 = vector.broadcast %broadcast_in_dim3A_174 : vector<400x1xbf16> to vector<400x128xbf16>
    %slice3A_176 = vector.extract_strided_slice %convert_element_type3A {offsets = [0, 46], sizes = [400, 1], strides = [1, 1]} : vector<400x128xbf16> to vector<400x1xbf16>
    %broadcast_in_dim3A_177 = vector.shape_cast %slice3A_176 : vector<400x1xbf16> to vector<400x1xbf16>
    %broadcast_in_dim3A_178 = vector.broadcast %broadcast_in_dim3A_177 : vector<400x1xbf16> to vector<400x128xbf16>
    %slice3A_179 = vector.extract_strided_slice %convert_element_type3A {offsets = [0, 47], sizes = [400, 1], strides = [1, 1]} : vector<400x128xbf16> to vector<400x1xbf16>
    %broadcast_in_dim3A_180 = vector.shape_cast %slice3A_179 : vector<400x1xbf16> to vector<400x1xbf16>
    %broadcast_in_dim3A_181 = vector.broadcast %broadcast_in_dim3A_180 : vector<400x1xbf16> to vector<400x128xbf16>
    %concatenate3A_182 = tpu.concatenate %broadcast_in_dim3A_136, %broadcast_in_dim3A_139, %broadcast_in_dim3A_142, %broadcast_in_dim3A_145, %broadcast_in_dim3A_148, %broadcast_in_dim3A_151, %broadcast_in_dim3A_154, %broadcast_in_dim3A_157, %broadcast_in_dim3A_160, %broadcast_in_dim3A_163, %broadcast_in_dim3A_166, %broadcast_in_dim3A_169, %broadcast_in_dim3A_172, %broadcast_in_dim3A_175, %broadcast_in_dim3A_178, %broadcast_in_dim3A_181 in 1 : vector<400x128xbf16>, vector<400x128xbf16>, vector<400x128xbf16>, vector<400x128xbf16>, vector<400x128xbf16>, vector<400x128xbf16>, vector<400x128xbf16>, vector<400x128xbf16>, vector<400x128xbf16>, vector<400x128xbf16>, vector<400x128xbf16>, vector<400x128xbf16>, vector<400x128xbf16>, vector<400x128xbf16>, vector<400x128xbf16>, vector<400x128xbf16> -> vector<400x2048xbf16>
    %mul3A_183 = arith.mulf %concatenate3A_182, %tile3A : vector<400x2048xbf16>
    %get3A_184 = arith.constant 2 : index
    %get3A_185 = arith.constant 0 : index
    %get3A_186 = arith.constant 0 : index
    %get3A_187 = vector.load %arg4[%get3A_184, %get3A_185, %get3A_186] : memref<8x2048x128xbf16, #tpu.memory_space<vmem>>, vector<1x2048x128xbf16>
    %get3A_188 = vector.shape_cast %get3A_187 : vector<1x2048x128xbf16> to vector<2048x128xbf16>
    %dot_general3A_189 = arith.constant dense<0.000000e+00> : vector<400x128xf32>
    %dot_general3A_190 = tpu.matmul %mul3A_183, %get3A_188, %dot_general3A_189 {dimension_numbers = #tpu.dot_dimension_numbers<[1], [0], [0], [1], [0, 0, 1, 1], [], []>, transpose_lhs_hint = false} : vector<400x2048xbf16>, vector<2048x128xbf16>, vector<400x128xf32> -> vector<400x128xf32>
    %add3A_191 = arith.addf %add3A_133, %dot_general3A_190 : vector<400x128xf32>
    %slice3A_192 = vector.extract_strided_slice %convert_element_type3A {offsets = [0, 48], sizes = [400, 1], strides = [1, 1]} : vector<400x128xbf16> to vector<400x1xbf16>
    %broadcast_in_dim3A_193 = vector.shape_cast %slice3A_192 : vector<400x1xbf16> to vector<400x1xbf16>
    %broadcast_in_dim3A_194 = vector.broadcast %broadcast_in_dim3A_193 : vector<400x1xbf16> to vector<400x128xbf16>
    %slice3A_195 = vector.extract_strided_slice %convert_element_type3A {offsets = [0, 49], sizes = [400, 1], strides = [1, 1]} : vector<400x128xbf16> to vector<400x1xbf16>
    %broadcast_in_dim3A_196 = vector.shape_cast %slice3A_195 : vector<400x1xbf16> to vector<400x1xbf16>
    %broadcast_in_dim3A_197 = vector.broadcast %broadcast_in_dim3A_196 : vector<400x1xbf16> to vector<400x128xbf16>
    %slice3A_198 = vector.extract_strided_slice %convert_element_type3A {offsets = [0, 50], sizes = [400, 1], strides = [1, 1]} : vector<400x128xbf16> to vector<400x1xbf16>
    %broadcast_in_dim3A_199 = vector.shape_cast %slice3A_198 : vector<400x1xbf16> to vector<400x1xbf16>
    %broadcast_in_dim3A_200 = vector.broadcast %broadcast_in_dim3A_199 : vector<400x1xbf16> to vector<400x128xbf16>
    %slice3A_201 = vector.extract_strided_slice %convert_element_type3A {offsets = [0, 51], sizes = [400, 1], strides = [1, 1]} : vector<400x128xbf16> to vector<400x1xbf16>
    %broadcast_in_dim3A_202 = vector.shape_cast %slice3A_201 : vector<400x1xbf16> to vector<400x1xbf16>
    %broadcast_in_dim3A_203 = vector.broadcast %broadcast_in_dim3A_202 : vector<400x1xbf16> to vector<400x128xbf16>
    %slice3A_204 = vector.extract_strided_slice %convert_element_type3A {offsets = [0, 52], sizes = [400, 1], strides = [1, 1]} : vector<400x128xbf16> to vector<400x1xbf16>
    %broadcast_in_dim3A_205 = vector.shape_cast %slice3A_204 : vector<400x1xbf16> to vector<400x1xbf16>
    %broadcast_in_dim3A_206 = vector.broadcast %broadcast_in_dim3A_205 : vector<400x1xbf16> to vector<400x128xbf16>
    %slice3A_207 = vector.extract_strided_slice %convert_element_type3A {offsets = [0, 53], sizes = [400, 1], strides = [1, 1]} : vector<400x128xbf16> to vector<400x1xbf16>
    %broadcast_in_dim3A_208 = vector.shape_cast %slice3A_207 : vector<400x1xbf16> to vector<400x1xbf16>
    %broadcast_in_dim3A_209 = vector.broadcast %broadcast_in_dim3A_208 : vector<400x1xbf16> to vector<400x128xbf16>
    %slice3A_210 = vector.extract_strided_slice %convert_element_type3A {offsets = [0, 54], sizes = [400, 1], strides = [1, 1]} : vector<400x128xbf16> to vector<400x1xbf16>
    %broadcast_in_dim3A_211 = vector.shape_cast %slice3A_210 : vector<400x1xbf16> to vector<400x1xbf16>
    %broadcast_in_dim3A_212 = vector.broadcast %broadcast_in_dim3A_211 : vector<400x1xbf16> to vector<400x128xbf16>
    %slice3A_213 = vector.extract_strided_slice %convert_element_type3A {offsets = [0, 55], sizes = [400, 1], strides = [1, 1]} : vector<400x128xbf16> to vector<400x1xbf16>
    %broadcast_in_dim3A_214 = vector.shape_cast %slice3A_213 : vector<400x1xbf16> to vector<400x1xbf16>
    %broadcast_in_dim3A_215 = vector.broadcast %broadcast_in_dim3A_214 : vector<400x1xbf16> to vector<400x128xbf16>
    %slice3A_216 = vector.extract_strided_slice %convert_element_type3A {offsets = [0, 56], sizes = [400, 1], strides = [1, 1]} : vector<400x128xbf16> to vector<400x1xbf16>
    %broadcast_in_dim3A_217 = vector.shape_cast %slice3A_216 : vector<400x1xbf16> to vector<400x1xbf16>
    %broadcast_in_dim3A_218 = vector.broadcast %broadcast_in_dim3A_217 : vector<400x1xbf16> to vector<400x128xbf16>
    %slice3A_219 = vector.extract_strided_slice %convert_element_type3A {offsets = [0, 57], sizes = [400, 1], strides = [1, 1]} : vector<400x128xbf16> to vector<400x1xbf16>
    %broadcast_in_dim3A_220 = vector.shape_cast %slice3A_219 : vector<400x1xbf16> to vector<400x1xbf16>
    %broadcast_in_dim3A_221 = vector.broadcast %broadcast_in_dim3A_220 : vector<400x1xbf16> to vector<400x128xbf16>
    %slice3A_222 = vector.extract_strided_slice %convert_element_type3A {offsets = [0, 58], sizes = [400, 1], strides = [1, 1]} : vector<400x128xbf16> to vector<400x1xbf16>
    %broadcast_in_dim3A_223 = vector.shape_cast %slice3A_222 : vector<400x1xbf16> to vector<400x1xbf16>
    %broadcast_in_dim3A_224 = vector.broadcast %broadcast_in_dim3A_223 : vector<400x1xbf16> to vector<400x128xbf16>
    %slice3A_225 = vector.extract_strided_slice %convert_element_type3A {offsets = [0, 59], sizes = [400, 1], strides = [1, 1]} : vector<400x128xbf16> to vector<400x1xbf16>
    %broadcast_in_dim3A_226 = vector.shape_cast %slice3A_225 : vector<400x1xbf16> to vector<400x1xbf16>
    %broadcast_in_dim3A_227 = vector.broadcast %broadcast_in_dim3A_226 : vector<400x1xbf16> to vector<400x128xbf16>
    %slice3A_228 = vector.extract_strided_slice %convert_element_type3A {offsets = [0, 60], sizes = [400, 1], strides = [1, 1]} : vector<400x128xbf16> to vector<400x1xbf16>
    %broadcast_in_dim3A_229 = vector.shape_cast %slice3A_228 : vector<400x1xbf16> to vector<400x1xbf16>
    %broadcast_in_dim3A_230 = vector.broadcast %broadcast_in_dim3A_229 : vector<400x1xbf16> to vector<400x128xbf16>
    %slice3A_231 = vector.extract_strided_slice %convert_element_type3A {offsets = [0, 61], sizes = [400, 1], strides = [1, 1]} : vector<400x128xbf16> to vector<400x1xbf16>
    %broadcast_in_dim3A_232 = vector.shape_cast %slice3A_231 : vector<400x1xbf16> to vector<400x1xbf16>
    %broadcast_in_dim3A_233 = vector.broadcast %broadcast_in_dim3A_232 : vector<400x1xbf16> to vector<400x128xbf16>
    %slice3A_234 = vector.extract_strided_slice %convert_element_type3A {offsets = [0, 62], sizes = [400, 1], strides = [1, 1]} : vector<400x128xbf16> to vector<400x1xbf16>
    %broadcast_in_dim3A_235 = vector.shape_cast %slice3A_234 : vector<400x1xbf16> to vector<400x1xbf16>
    %broadcast_in_dim3A_236 = vector.broadcast %broadcast_in_dim3A_235 : vector<400x1xbf16> to vector<400x128xbf16>
    %slice3A_237 = vector.extract_strided_slice %convert_element_type3A {offsets = [0, 63], sizes = [400, 1], strides = [1, 1]} : vector<400x128xbf16> to vector<400x1xbf16>
    %broadcast_in_dim3A_238 = vector.shape_cast %slice3A_237 : vector<400x1xbf16> to vector<400x1xbf16>
    %broadcast_in_dim3A_239 = vector.broadcast %broadcast_in_dim3A_238 : vector<400x1xbf16> to vector<400x128xbf16>
    %concatenate3A_240 = tpu.concatenate %broadcast_in_dim3A_194, %broadcast_in_dim3A_197, %broadcast_in_dim3A_200, %broadcast_in_dim3A_203, %broadcast_in_dim3A_206, %broadcast_in_dim3A_209, %broadcast_in_dim3A_212, %broadcast_in_dim3A_215, %broadcast_in_dim3A_218, %broadcast_in_dim3A_221, %broadcast_in_dim3A_224, %broadcast_in_dim3A_227, %broadcast_in_dim3A_230, %broadcast_in_dim3A_233, %broadcast_in_dim3A_236, %broadcast_in_dim3A_239 in 1 : vector<400x128xbf16>, vector<400x128xbf16>, vector<400x128xbf16>, vector<400x128xbf16>, vector<400x128xbf16>, vector<400x128xbf16>, vector<400x128xbf16>, vector<400x128xbf16>, vector<400x128xbf16>, vector<400x128xbf16>, vector<400x128xbf16>, vector<400x128xbf16>, vector<400x128xbf16>, vector<400x128xbf16>, vector<400x128xbf16>, vector<400x128xbf16> -> vector<400x2048xbf16>
    %mul3A_241 = arith.mulf %concatenate3A_240, %tile3A : vector<400x2048xbf16>
    %get3A_242 = arith.constant 3 : index
    %get3A_243 = arith.constant 0 : index
    %get3A_244 = arith.constant 0 : index
    %get3A_245 = vector.load %arg4[%get3A_242, %get3A_243, %get3A_244] : memref<8x2048x128xbf16, #tpu.memory_space<vmem>>, vector<1x2048x128xbf16>
    %get3A_246 = vector.shape_cast %get3A_245 : vector<1x2048x128xbf16> to vector<2048x128xbf16>
    %dot_general3A_247 = arith.constant dense<0.000000e+00> : vector<400x128xf32>
    %dot_general3A_248 = tpu.matmul %mul3A_241, %get3A_246, %dot_general3A_247 {dimension_numbers = #tpu.dot_dimension_numbers<[1], [0], [0], [1], [0, 0, 1, 1], [], []>, transpose_lhs_hint = false} : vector<400x2048xbf16>, vector<2048x128xbf16>, vector<400x128xf32> -> vector<400x128xf32>
    %add3A_249 = arith.addf %add3A_191, %dot_general3A_248 : vector<400x128xf32>
    %slice3A_250 = vector.extract_strided_slice %convert_element_type3A {offsets = [0, 64], sizes = [400, 1], strides = [1, 1]} : vector<400x128xbf16> to vector<400x1xbf16>
    %broadcast_in_dim3A_251 = vector.shape_cast %slice3A_250 : vector<400x1xbf16> to vector<400x1xbf16>
    %broadcast_in_dim3A_252 = vector.broadcast %broadcast_in_dim3A_251 : vector<400x1xbf16> to vector<400x128xbf16>
    %slice3A_253 = vector.extract_strided_slice %convert_element_type3A {offsets = [0, 65], sizes = [400, 1], strides = [1, 1]} : vector<400x128xbf16> to vector<400x1xbf16>
    %broadcast_in_dim3A_254 = vector.shape_cast %slice3A_253 : vector<400x1xbf16> to vector<400x1xbf16>
    %broadcast_in_dim3A_255 = vector.broadcast %broadcast_in_dim3A_254 : vector<400x1xbf16> to vector<400x128xbf16>
    %slice3A_256 = vector.extract_strided_slice %convert_element_type3A {offsets = [0, 66], sizes = [400, 1], strides = [1, 1]} : vector<400x128xbf16> to vector<400x1xbf16>
    %broadcast_in_dim3A_257 = vector.shape_cast %slice3A_256 : vector<400x1xbf16> to vector<400x1xbf16>
    %broadcast_in_dim3A_258 = vector.broadcast %broadcast_in_dim3A_257 : vector<400x1xbf16> to vector<400x128xbf16>
    %slice3A_259 = vector.extract_strided_slice %convert_element_type3A {offsets = [0, 67], sizes = [400, 1], strides = [1, 1]} : vector<400x128xbf16> to vector<400x1xbf16>
    %broadcast_in_dim3A_260 = vector.shape_cast %slice3A_259 : vector<400x1xbf16> to vector<400x1xbf16>
    %broadcast_in_dim3A_261 = vector.broadcast %broadcast_in_dim3A_260 : vector<400x1xbf16> to vector<400x128xbf16>
    %slice3A_262 = vector.extract_strided_slice %convert_element_type3A {offsets = [0, 68], sizes = [400, 1], strides = [1, 1]} : vector<400x128xbf16> to vector<400x1xbf16>
    %broadcast_in_dim3A_263 = vector.shape_cast %slice3A_262 : vector<400x1xbf16> to vector<400x1xbf16>
    %broadcast_in_dim3A_264 = vector.broadcast %broadcast_in_dim3A_263 : vector<400x1xbf16> to vector<400x128xbf16>
    %slice3A_265 = vector.extract_strided_slice %convert_element_type3A {offsets = [0, 69], sizes = [400, 1], strides = [1, 1]} : vector<400x128xbf16> to vector<400x1xbf16>
    %broadcast_in_dim3A_266 = vector.shape_cast %slice3A_265 : vector<400x1xbf16> to vector<400x1xbf16>
    %broadcast_in_dim3A_267 = vector.broadcast %broadcast_in_dim3A_266 : vector<400x1xbf16> to vector<400x128xbf16>
    %slice3A_268 = vector.extract_strided_slice %convert_element_type3A {offsets = [0, 70], sizes = [400, 1], strides = [1, 1]} : vector<400x128xbf16> to vector<400x1xbf16>
    %broadcast_in_dim3A_269 = vector.shape_cast %slice3A_268 : vector<400x1xbf16> to vector<400x1xbf16>
    %broadcast_in_dim3A_270 = vector.broadcast %broadcast_in_dim3A_269 : vector<400x1xbf16> to vector<400x128xbf16>
    %slice3A_271 = vector.extract_strided_slice %convert_element_type3A {offsets = [0, 71], sizes = [400, 1], strides = [1, 1]} : vector<400x128xbf16> to vector<400x1xbf16>
    %broadcast_in_dim3A_272 = vector.shape_cast %slice3A_271 : vector<400x1xbf16> to vector<400x1xbf16>
    %broadcast_in_dim3A_273 = vector.broadcast %broadcast_in_dim3A_272 : vector<400x1xbf16> to vector<400x128xbf16>
    %slice3A_274 = vector.extract_strided_slice %convert_element_type3A {offsets = [0, 72], sizes = [400, 1], strides = [1, 1]} : vector<400x128xbf16> to vector<400x1xbf16>
    %broadcast_in_dim3A_275 = vector.shape_cast %slice3A_274 : vector<400x1xbf16> to vector<400x1xbf16>
    %broadcast_in_dim3A_276 = vector.broadcast %broadcast_in_dim3A_275 : vector<400x1xbf16> to vector<400x128xbf16>
    %slice3A_277 = vector.extract_strided_slice %convert_element_type3A {offsets = [0, 73], sizes = [400, 1], strides = [1, 1]} : vector<400x128xbf16> to vector<400x1xbf16>
    %broadcast_in_dim3A_278 = vector.shape_cast %slice3A_277 : vector<400x1xbf16> to vector<400x1xbf16>
    %broadcast_in_dim3A_279 = vector.broadcast %broadcast_in_dim3A_278 : vector<400x1xbf16> to vector<400x128xbf16>
    %slice3A_280 = vector.extract_strided_slice %convert_element_type3A {offsets = [0, 74], sizes = [400, 1], strides = [1, 1]} : vector<400x128xbf16> to vector<400x1xbf16>
    %broadcast_in_dim3A_281 = vector.shape_cast %slice3A_280 : vector<400x1xbf16> to vector<400x1xbf16>
    %broadcast_in_dim3A_282 = vector.broadcast %broadcast_in_dim3A_281 : vector<400x1xbf16> to vector<400x128xbf16>
    %slice3A_283 = vector.extract_strided_slice %convert_element_type3A {offsets = [0, 75], sizes = [400, 1], strides = [1, 1]} : vector<400x128xbf16> to vector<400x1xbf16>
    %broadcast_in_dim3A_284 = vector.shape_cast %slice3A_283 : vector<400x1xbf16> to vector<400x1xbf16>
    %broadcast_in_dim3A_285 = vector.broadcast %broadcast_in_dim3A_284 : vector<400x1xbf16> to vector<400x128xbf16>
    %slice3A_286 = vector.extract_strided_slice %convert_element_type3A {offsets = [0, 76], sizes = [400, 1], strides = [1, 1]} : vector<400x128xbf16> to vector<400x1xbf16>
    %broadcast_in_dim3A_287 = vector.shape_cast %slice3A_286 : vector<400x1xbf16> to vector<400x1xbf16>
    %broadcast_in_dim3A_288 = vector.broadcast %broadcast_in_dim3A_287 : vector<400x1xbf16> to vector<400x128xbf16>
    %slice3A_289 = vector.extract_strided_slice %convert_element_type3A {offsets = [0, 77], sizes = [400, 1], strides = [1, 1]} : vector<400x128xbf16> to vector<400x1xbf16>
    %broadcast_in_dim3A_290 = vector.shape_cast %slice3A_289 : vector<400x1xbf16> to vector<400x1xbf16>
    %broadcast_in_dim3A_291 = vector.broadcast %broadcast_in_dim3A_290 : vector<400x1xbf16> to vector<400x128xbf16>
    %slice3A_292 = vector.extract_strided_slice %convert_element_type3A {offsets = [0, 78], sizes = [400, 1], strides = [1, 1]} : vector<400x128xbf16> to vector<400x1xbf16>
    %broadcast_in_dim3A_293 = vector.shape_cast %slice3A_292 : vector<400x1xbf16> to vector<400x1xbf16>
    %broadcast_in_dim3A_294 = vector.broadcast %broadcast_in_dim3A_293 : vector<400x1xbf16> to vector<400x128xbf16>
    %slice3A_295 = vector.extract_strided_slice %convert_element_type3A {offsets = [0, 79], sizes = [400, 1], strides = [1, 1]} : vector<400x128xbf16> to vector<400x1xbf16>
    %broadcast_in_dim3A_296 = vector.shape_cast %slice3A_295 : vector<400x1xbf16> to vector<400x1xbf16>
    %broadcast_in_dim3A_297 = vector.broadcast %broadcast_in_dim3A_296 : vector<400x1xbf16> to vector<400x128xbf16>
    %concatenate3A_298 = tpu.concatenate %broadcast_in_dim3A_252, %broadcast_in_dim3A_255, %broadcast_in_dim3A_258, %broadcast_in_dim3A_261, %broadcast_in_dim3A_264, %broadcast_in_dim3A_267, %broadcast_in_dim3A_270, %broadcast_in_dim3A_273, %broadcast_in_dim3A_276, %broadcast_in_dim3A_279, %broadcast_in_dim3A_282, %broadcast_in_dim3A_285, %broadcast_in_dim3A_288, %broadcast_in_dim3A_291, %broadcast_in_dim3A_294, %broadcast_in_dim3A_297 in 1 : vector<400x128xbf16>, vector<400x128xbf16>, vector<400x128xbf16>, vector<400x128xbf16>, vector<400x128xbf16>, vector<400x128xbf16>, vector<400x128xbf16>, vector<400x128xbf16>, vector<400x128xbf16>, vector<400x128xbf16>, vector<400x128xbf16>, vector<400x128xbf16>, vector<400x128xbf16>, vector<400x128xbf16>, vector<400x128xbf16>, vector<400x128xbf16> -> vector<400x2048xbf16>
    %mul3A_299 = arith.mulf %concatenate3A_298, %tile3A : vector<400x2048xbf16>
    %get3A_300 = arith.constant 4 : index
    %get3A_301 = arith.constant 0 : index
    %get3A_302 = arith.constant 0 : index
    %get3A_303 = vector.load %arg4[%get3A_300, %get3A_301, %get3A_302] : memref<8x2048x128xbf16, #tpu.memory_space<vmem>>, vector<1x2048x128xbf16>
    %get3A_304 = vector.shape_cast %get3A_303 : vector<1x2048x128xbf16> to vector<2048x128xbf16>
    %dot_general3A_305 = arith.constant dense<0.000000e+00> : vector<400x128xf32>
    %dot_general3A_306 = tpu.matmul %mul3A_299, %get3A_304, %dot_general3A_305 {dimension_numbers = #tpu.dot_dimension_numbers<[1], [0], [0], [1], [0, 0, 1, 1], [], []>, transpose_lhs_hint = false} : vector<400x2048xbf16>, vector<2048x128xbf16>, vector<400x128xf32> -> vector<400x128xf32>
    %add3A_307 = arith.addf %add3A_249, %dot_general3A_306 : vector<400x128xf32>
    %slice3A_308 = vector.extract_strided_slice %convert_element_type3A {offsets = [0, 80], sizes = [400, 1], strides = [1, 1]} : vector<400x128xbf16> to vector<400x1xbf16>
    %broadcast_in_dim3A_309 = vector.shape_cast %slice3A_308 : vector<400x1xbf16> to vector<400x1xbf16>
    %broadcast_in_dim3A_310 = vector.broadcast %broadcast_in_dim3A_309 : vector<400x1xbf16> to vector<400x128xbf16>
    %slice3A_311 = vector.extract_strided_slice %convert_element_type3A {offsets = [0, 81], sizes = [400, 1], strides = [1, 1]} : vector<400x128xbf16> to vector<400x1xbf16>
    %broadcast_in_dim3A_312 = vector.shape_cast %slice3A_311 : vector<400x1xbf16> to vector<400x1xbf16>
    %broadcast_in_dim3A_313 = vector.broadcast %broadcast_in_dim3A_312 : vector<400x1xbf16> to vector<400x128xbf16>
    %slice3A_314 = vector.extract_strided_slice %convert_element_type3A {offsets = [0, 82], sizes = [400, 1], strides = [1, 1]} : vector<400x128xbf16> to vector<400x1xbf16>
    %broadcast_in_dim3A_315 = vector.shape_cast %slice3A_314 : vector<400x1xbf16> to vector<400x1xbf16>
    %broadcast_in_dim3A_316 = vector.broadcast %broadcast_in_dim3A_315 : vector<400x1xbf16> to vector<400x128xbf16>
    %slice3A_317 = vector.extract_strided_slice %convert_element_type3A {offsets = [0, 83], sizes = [400, 1], strides = [1, 1]} : vector<400x128xbf16> to vector<400x1xbf16>
    %broadcast_in_dim3A_318 = vector.shape_cast %slice3A_317 : vector<400x1xbf16> to vector<400x1xbf16>
    %broadcast_in_dim3A_319 = vector.broadcast %broadcast_in_dim3A_318 : vector<400x1xbf16> to vector<400x128xbf16>
    %slice3A_320 = vector.extract_strided_slice %convert_element_type3A {offsets = [0, 84], sizes = [400, 1], strides = [1, 1]} : vector<400x128xbf16> to vector<400x1xbf16>
    %broadcast_in_dim3A_321 = vector.shape_cast %slice3A_320 : vector<400x1xbf16> to vector<400x1xbf16>
    %broadcast_in_dim3A_322 = vector.broadcast %broadcast_in_dim3A_321 : vector<400x1xbf16> to vector<400x128xbf16>
    %slice3A_323 = vector.extract_strided_slice %convert_element_type3A {offsets = [0, 85], sizes = [400, 1], strides = [1, 1]} : vector<400x128xbf16> to vector<400x1xbf16>
    %broadcast_in_dim3A_324 = vector.shape_cast %slice3A_323 : vector<400x1xbf16> to vector<400x1xbf16>
    %broadcast_in_dim3A_325 = vector.broadcast %broadcast_in_dim3A_324 : vector<400x1xbf16> to vector<400x128xbf16>
    %slice3A_326 = vector.extract_strided_slice %convert_element_type3A {offsets = [0, 86], sizes = [400, 1], strides = [1, 1]} : vector<400x128xbf16> to vector<400x1xbf16>
    %broadcast_in_dim3A_327 = vector.shape_cast %slice3A_326 : vector<400x1xbf16> to vector<400x1xbf16>
    %broadcast_in_dim3A_328 = vector.broadcast %broadcast_in_dim3A_327 : vector<400x1xbf16> to vector<400x128xbf16>
    %slice3A_329 = vector.extract_strided_slice %convert_element_type3A {offsets = [0, 87], sizes = [400, 1], strides = [1, 1]} : vector<400x128xbf16> to vector<400x1xbf16>
    %broadcast_in_dim3A_330 = vector.shape_cast %slice3A_329 : vector<400x1xbf16> to vector<400x1xbf16>
    %broadcast_in_dim3A_331 = vector.broadcast %broadcast_in_dim3A_330 : vector<400x1xbf16> to vector<400x128xbf16>
    %slice3A_332 = vector.extract_strided_slice %convert_element_type3A {offsets = [0, 88], sizes = [400, 1], strides = [1, 1]} : vector<400x128xbf16> to vector<400x1xbf16>
    %broadcast_in_dim3A_333 = vector.shape_cast %slice3A_332 : vector<400x1xbf16> to vector<400x1xbf16>
    %broadcast_in_dim3A_334 = vector.broadcast %broadcast_in_dim3A_333 : vector<400x1xbf16> to vector<400x128xbf16>
    %slice3A_335 = vector.extract_strided_slice %convert_element_type3A {offsets = [0, 89], sizes = [400, 1], strides = [1, 1]} : vector<400x128xbf16> to vector<400x1xbf16>
    %broadcast_in_dim3A_336 = vector.shape_cast %slice3A_335 : vector<400x1xbf16> to vector<400x1xbf16>
    %broadcast_in_dim3A_337 = vector.broadcast %broadcast_in_dim3A_336 : vector<400x1xbf16> to vector<400x128xbf16>
    %slice3A_338 = vector.extract_strided_slice %convert_element_type3A {offsets = [0, 90], sizes = [400, 1], strides = [1, 1]} : vector<400x128xbf16> to vector<400x1xbf16>
    %broadcast_in_dim3A_339 = vector.shape_cast %slice3A_338 : vector<400x1xbf16> to vector<400x1xbf16>
    %broadcast_in_dim3A_340 = vector.broadcast %broadcast_in_dim3A_339 : vector<400x1xbf16> to vector<400x128xbf16>
    %slice3A_341 = vector.extract_strided_slice %convert_element_type3A {offsets = [0, 91], sizes = [400, 1], strides = [1, 1]} : vector<400x128xbf16> to vector<400x1xbf16>
    %broadcast_in_dim3A_342 = vector.shape_cast %slice3A_341 : vector<400x1xbf16> to vector<400x1xbf16>
    %broadcast_in_dim3A_343 = vector.broadcast %broadcast_in_dim3A_342 : vector<400x1xbf16> to vector<400x128xbf16>
    %slice3A_344 = vector.extract_strided_slice %convert_element_type3A {offsets = [0, 92], sizes = [400, 1], strides = [1, 1]} : vector<400x128xbf16> to vector<400x1xbf16>
    %broadcast_in_dim3A_345 = vector.shape_cast %slice3A_344 : vector<400x1xbf16> to vector<400x1xbf16>
    %broadcast_in_dim3A_346 = vector.broadcast %broadcast_in_dim3A_345 : vector<400x1xbf16> to vector<400x128xbf16>
    %slice3A_347 = vector.extract_strided_slice %convert_element_type3A {offsets = [0, 93], sizes = [400, 1], strides = [1, 1]} : vector<400x128xbf16> to vector<400x1xbf16>
    %broadcast_in_dim3A_348 = vector.shape_cast %slice3A_347 : vector<400x1xbf16> to vector<400x1xbf16>
    %broadcast_in_dim3A_349 = vector.broadcast %broadcast_in_dim3A_348 : vector<400x1xbf16> to vector<400x128xbf16>
    %slice3A_350 = vector.extract_strided_slice %convert_element_type3A {offsets = [0, 94], sizes = [400, 1], strides = [1, 1]} : vector<400x128xbf16> to vector<400x1xbf16>
    %broadcast_in_dim3A_351 = vector.shape_cast %slice3A_350 : vector<400x1xbf16> to vector<400x1xbf16>
    %broadcast_in_dim3A_352 = vector.broadcast %broadcast_in_dim3A_351 : vector<400x1xbf16> to vector<400x128xbf16>
    %slice3A_353 = vector.extract_strided_slice %convert_element_type3A {offsets = [0, 95], sizes = [400, 1], strides = [1, 1]} : vector<400x128xbf16> to vector<400x1xbf16>
    %broadcast_in_dim3A_354 = vector.shape_cast %slice3A_353 : vector<400x1xbf16> to vector<400x1xbf16>
    %broadcast_in_dim3A_355 = vector.broadcast %broadcast_in_dim3A_354 : vector<400x1xbf16> to vector<400x128xbf16>
    %concatenate3A_356 = tpu.concatenate %broadcast_in_dim3A_310, %broadcast_in_dim3A_313, %broadcast_in_dim3A_316, %broadcast_in_dim3A_319, %broadcast_in_dim3A_322, %broadcast_in_dim3A_325, %broadcast_in_dim3A_328, %broadcast_in_dim3A_331, %broadcast_in_dim3A_334, %broadcast_in_dim3A_337, %broadcast_in_dim3A_340, %broadcast_in_dim3A_343, %broadcast_in_dim3A_346, %broadcast_in_dim3A_349, %broadcast_in_dim3A_352, %broadcast_in_dim3A_355 in 1 : vector<400x128xbf16>, vector<400x128xbf16>, vector<400x128xbf16>, vector<400x128xbf16>, vector<400x128xbf16>, vector<400x128xbf16>, vector<400x128xbf16>, vector<400x128xbf16>, vector<400x128xbf16>, vector<400x128xbf16>, vector<400x128xbf16>, vector<400x128xbf16>, vector<400x128xbf16>, vector<400x128xbf16>, vector<400x128xbf16>, vector<400x128xbf16> -> vector<400x2048xbf16>
    %mul3A_357 = arith.mulf %concatenate3A_356, %tile3A : vector<400x2048xbf16>
    %get3A_358 = arith.constant 5 : index
    %get3A_359 = arith.constant 0 : index
    %get3A_360 = arith.constant 0 : index
    %get3A_361 = vector.load %arg4[%get3A_358, %get3A_359, %get3A_360] : memref<8x2048x128xbf16, #tpu.memory_space<vmem>>, vector<1x2048x128xbf16>
    %get3A_362 = vector.shape_cast %get3A_361 : vector<1x2048x128xbf16> to vector<2048x128xbf16>
    %dot_general3A_363 = arith.constant dense<0.000000e+00> : vector<400x128xf32>
    %dot_general3A_364 = tpu.matmul %mul3A_357, %get3A_362, %dot_general3A_363 {dimension_numbers = #tpu.dot_dimension_numbers<[1], [0], [0], [1], [0, 0, 1, 1], [], []>, transpose_lhs_hint = false} : vector<400x2048xbf16>, vector<2048x128xbf16>, vector<400x128xf32> -> vector<400x128xf32>
    %add3A_365 = arith.addf %add3A_307, %dot_general3A_364 : vector<400x128xf32>
    %slice3A_366 = vector.extract_strided_slice %convert_element_type3A {offsets = [0, 96], sizes = [400, 1], strides = [1, 1]} : vector<400x128xbf16> to vector<400x1xbf16>
    %broadcast_in_dim3A_367 = vector.shape_cast %slice3A_366 : vector<400x1xbf16> to vector<400x1xbf16>
    %broadcast_in_dim3A_368 = vector.broadcast %broadcast_in_dim3A_367 : vector<400x1xbf16> to vector<400x128xbf16>
    %slice3A_369 = vector.extract_strided_slice %convert_element_type3A {offsets = [0, 97], sizes = [400, 1], strides = [1, 1]} : vector<400x128xbf16> to vector<400x1xbf16>
    %broadcast_in_dim3A_370 = vector.shape_cast %slice3A_369 : vector<400x1xbf16> to vector<400x1xbf16>
    %broadcast_in_dim3A_371 = vector.broadcast %broadcast_in_dim3A_370 : vector<400x1xbf16> to vector<400x128xbf16>
    %slice3A_372 = vector.extract_strided_slice %convert_element_type3A {offsets = [0, 98], sizes = [400, 1], strides = [1, 1]} : vector<400x128xbf16> to vector<400x1xbf16>
    %broadcast_in_dim3A_373 = vector.shape_cast %slice3A_372 : vector<400x1xbf16> to vector<400x1xbf16>
    %broadcast_in_dim3A_374 = vector.broadcast %broadcast_in_dim3A_373 : vector<400x1xbf16> to vector<400x128xbf16>
    %slice3A_375 = vector.extract_strided_slice %convert_element_type3A {offsets = [0, 99], sizes = [400, 1], strides = [1, 1]} : vector<400x128xbf16> to vector<400x1xbf16>
    %broadcast_in_dim3A_376 = vector.shape_cast %slice3A_375 : vector<400x1xbf16> to vector<400x1xbf16>
    %broadcast_in_dim3A_377 = vector.broadcast %broadcast_in_dim3A_376 : vector<400x1xbf16> to vector<400x128xbf16>
    %slice3A_378 = vector.extract_strided_slice %convert_element_type3A {offsets = [0, 100], sizes = [400, 1], strides = [1, 1]} : vector<400x128xbf16> to vector<400x1xbf16>
    %broadcast_in_dim3A_379 = vector.shape_cast %slice3A_378 : vector<400x1xbf16> to vector<400x1xbf16>
    %broadcast_in_dim3A_380 = vector.broadcast %broadcast_in_dim3A_379 : vector<400x1xbf16> to vector<400x128xbf16>
    %slice3A_381 = vector.extract_strided_slice %convert_element_type3A {offsets = [0, 101], sizes = [400, 1], strides = [1, 1]} : vector<400x128xbf16> to vector<400x1xbf16>
    %broadcast_in_dim3A_382 = vector.shape_cast %slice3A_381 : vector<400x1xbf16> to vector<400x1xbf16>
    %broadcast_in_dim3A_383 = vector.broadcast %broadcast_in_dim3A_382 : vector<400x1xbf16> to vector<400x128xbf16>
    %slice3A_384 = vector.extract_strided_slice %convert_element_type3A {offsets = [0, 102], sizes = [400, 1], strides = [1, 1]} : vector<400x128xbf16> to vector<400x1xbf16>
    %broadcast_in_dim3A_385 = vector.shape_cast %slice3A_384 : vector<400x1xbf16> to vector<400x1xbf16>
    %broadcast_in_dim3A_386 = vector.broadcast %broadcast_in_dim3A_385 : vector<400x1xbf16> to vector<400x128xbf16>
    %slice3A_387 = vector.extract_strided_slice %convert_element_type3A {offsets = [0, 103], sizes = [400, 1], strides = [1, 1]} : vector<400x128xbf16> to vector<400x1xbf16>
    %broadcast_in_dim3A_388 = vector.shape_cast %slice3A_387 : vector<400x1xbf16> to vector<400x1xbf16>
    %broadcast_in_dim3A_389 = vector.broadcast %broadcast_in_dim3A_388 : vector<400x1xbf16> to vector<400x128xbf16>
    %slice3A_390 = vector.extract_strided_slice %convert_element_type3A {offsets = [0, 104], sizes = [400, 1], strides = [1, 1]} : vector<400x128xbf16> to vector<400x1xbf16>
    %broadcast_in_dim3A_391 = vector.shape_cast %slice3A_390 : vector<400x1xbf16> to vector<400x1xbf16>
    %broadcast_in_dim3A_392 = vector.broadcast %broadcast_in_dim3A_391 : vector<400x1xbf16> to vector<400x128xbf16>
    %slice3A_393 = vector.extract_strided_slice %convert_element_type3A {offsets = [0, 105], sizes = [400, 1], strides = [1, 1]} : vector<400x128xbf16> to vector<400x1xbf16>
    %broadcast_in_dim3A_394 = vector.shape_cast %slice3A_393 : vector<400x1xbf16> to vector<400x1xbf16>
    %broadcast_in_dim3A_395 = vector.broadcast %broadcast_in_dim3A_394 : vector<400x1xbf16> to vector<400x128xbf16>
    %slice3A_396 = vector.extract_strided_slice %convert_element_type3A {offsets = [0, 106], sizes = [400, 1], strides = [1, 1]} : vector<400x128xbf16> to vector<400x1xbf16>
    %broadcast_in_dim3A_397 = vector.shape_cast %slice3A_396 : vector<400x1xbf16> to vector<400x1xbf16>
    %broadcast_in_dim3A_398 = vector.broadcast %broadcast_in_dim3A_397 : vector<400x1xbf16> to vector<400x128xbf16>
    %slice3A_399 = vector.extract_strided_slice %convert_element_type3A {offsets = [0, 107], sizes = [400, 1], strides = [1, 1]} : vector<400x128xbf16> to vector<400x1xbf16>
    %broadcast_in_dim3A_400 = vector.shape_cast %slice3A_399 : vector<400x1xbf16> to vector<400x1xbf16>
    %broadcast_in_dim3A_401 = vector.broadcast %broadcast_in_dim3A_400 : vector<400x1xbf16> to vector<400x128xbf16>
    %slice3A_402 = vector.extract_strided_slice %convert_element_type3A {offsets = [0, 108], sizes = [400, 1], strides = [1, 1]} : vector<400x128xbf16> to vector<400x1xbf16>
    %broadcast_in_dim3A_403 = vector.shape_cast %slice3A_402 : vector<400x1xbf16> to vector<400x1xbf16>
    %broadcast_in_dim3A_404 = vector.broadcast %broadcast_in_dim3A_403 : vector<400x1xbf16> to vector<400x128xbf16>
    %slice3A_405 = vector.extract_strided_slice %convert_element_type3A {offsets = [0, 109], sizes = [400, 1], strides = [1, 1]} : vector<400x128xbf16> to vector<400x1xbf16>
    %broadcast_in_dim3A_406 = vector.shape_cast %slice3A_405 : vector<400x1xbf16> to vector<400x1xbf16>
    %broadcast_in_dim3A_407 = vector.broadcast %broadcast_in_dim3A_406 : vector<400x1xbf16> to vector<400x128xbf16>
    %slice3A_408 = vector.extract_strided_slice %convert_element_type3A {offsets = [0, 110], sizes = [400, 1], strides = [1, 1]} : vector<400x128xbf16> to vector<400x1xbf16>
    %broadcast_in_dim3A_409 = vector.shape_cast %slice3A_408 : vector<400x1xbf16> to vector<400x1xbf16>
    %broadcast_in_dim3A_410 = vector.broadcast %broadcast_in_dim3A_409 : vector<400x1xbf16> to vector<400x128xbf16>
    %slice3A_411 = vector.extract_strided_slice %convert_element_type3A {offsets = [0, 111], sizes = [400, 1], strides = [1, 1]} : vector<400x128xbf16> to vector<400x1xbf16>
    %broadcast_in_dim3A_412 = vector.shape_cast %slice3A_411 : vector<400x1xbf16> to vector<400x1xbf16>
    %broadcast_in_dim3A_413 = vector.broadcast %broadcast_in_dim3A_412 : vector<400x1xbf16> to vector<400x128xbf16>
    %concatenate3A_414 = tpu.concatenate %broadcast_in_dim3A_368, %broadcast_in_dim3A_371, %broadcast_in_dim3A_374, %broadcast_in_dim3A_377, %broadcast_in_dim3A_380, %broadcast_in_dim3A_383, %broadcast_in_dim3A_386, %broadcast_in_dim3A_389, %broadcast_in_dim3A_392, %broadcast_in_dim3A_395, %broadcast_in_dim3A_398, %broadcast_in_dim3A_401, %broadcast_in_dim3A_404, %broadcast_in_dim3A_407, %broadcast_in_dim3A_410, %broadcast_in_dim3A_413 in 1 : vector<400x128xbf16>, vector<400x128xbf16>, vector<400x128xbf16>, vector<400x128xbf16>, vector<400x128xbf16>, vector<400x128xbf16>, vector<400x128xbf16>, vector<400x128xbf16>, vector<400x128xbf16>, vector<400x128xbf16>, vector<400x128xbf16>, vector<400x128xbf16>, vector<400x128xbf16>, vector<400x128xbf16>, vector<400x128xbf16>, vector<400x128xbf16> -> vector<400x2048xbf16>
    %mul3A_415 = arith.mulf %concatenate3A_414, %tile3A : vector<400x2048xbf16>
    %get3A_416 = arith.constant 6 : index
    %get3A_417 = arith.constant 0 : index
    %get3A_418 = arith.constant 0 : index
    %get3A_419 = vector.load %arg4[%get3A_416, %get3A_417, %get3A_418] : memref<8x2048x128xbf16, #tpu.memory_space<vmem>>, vector<1x2048x128xbf16>
    %get3A_420 = vector.shape_cast %get3A_419 : vector<1x2048x128xbf16> to vector<2048x128xbf16>
    %dot_general3A_421 = arith.constant dense<0.000000e+00> : vector<400x128xf32>
    %dot_general3A_422 = tpu.matmul %mul3A_415, %get3A_420, %dot_general3A_421 {dimension_numbers = #tpu.dot_dimension_numbers<[1], [0], [0], [1], [0, 0, 1, 1], [], []>, transpose_lhs_hint = false} : vector<400x2048xbf16>, vector<2048x128xbf16>, vector<400x128xf32> -> vector<400x128xf32>
    %add3A_423 = arith.addf %add3A_365, %dot_general3A_422 : vector<400x128xf32>
    %slice3A_424 = vector.extract_strided_slice %convert_element_type3A {offsets = [0, 112], sizes = [400, 1], strides = [1, 1]} : vector<400x128xbf16> to vector<400x1xbf16>
    %broadcast_in_dim3A_425 = vector.shape_cast %slice3A_424 : vector<400x1xbf16> to vector<400x1xbf16>
    %broadcast_in_dim3A_426 = vector.broadcast %broadcast_in_dim3A_425 : vector<400x1xbf16> to vector<400x128xbf16>
    %slice3A_427 = vector.extract_strided_slice %convert_element_type3A {offsets = [0, 113], sizes = [400, 1], strides = [1, 1]} : vector<400x128xbf16> to vector<400x1xbf16>
    %broadcast_in_dim3A_428 = vector.shape_cast %slice3A_427 : vector<400x1xbf16> to vector<400x1xbf16>
    %broadcast_in_dim3A_429 = vector.broadcast %broadcast_in_dim3A_428 : vector<400x1xbf16> to vector<400x128xbf16>
    %slice3A_430 = vector.extract_strided_slice %convert_element_type3A {offsets = [0, 114], sizes = [400, 1], strides = [1, 1]} : vector<400x128xbf16> to vector<400x1xbf16>
    %broadcast_in_dim3A_431 = vector.shape_cast %slice3A_430 : vector<400x1xbf16> to vector<400x1xbf16>
    %broadcast_in_dim3A_432 = vector.broadcast %broadcast_in_dim3A_431 : vector<400x1xbf16> to vector<400x128xbf16>
    %slice3A_433 = vector.extract_strided_slice %convert_element_type3A {offsets = [0, 115], sizes = [400, 1], strides = [1, 1]} : vector<400x128xbf16> to vector<400x1xbf16>
    %broadcast_in_dim3A_434 = vector.shape_cast %slice3A_433 : vector<400x1xbf16> to vector<400x1xbf16>
    %broadcast_in_dim3A_435 = vector.broadcast %broadcast_in_dim3A_434 : vector<400x1xbf16> to vector<400x128xbf16>
    %slice3A_436 = vector.extract_strided_slice %convert_element_type3A {offsets = [0, 116], sizes = [400, 1], strides = [1, 1]} : vector<400x128xbf16> to vector<400x1xbf16>
    %broadcast_in_dim3A_437 = vector.shape_cast %slice3A_436 : vector<400x1xbf16> to vector<400x1xbf16>
    %broadcast_in_dim3A_438 = vector.broadcast %broadcast_in_dim3A_437 : vector<400x1xbf16> to vector<400x128xbf16>
    %slice3A_439 = vector.extract_strided_slice %convert_element_type3A {offsets = [0, 117], sizes = [400, 1], strides = [1, 1]} : vector<400x128xbf16> to vector<400x1xbf16>
    %broadcast_in_dim3A_440 = vector.shape_cast %slice3A_439 : vector<400x1xbf16> to vector<400x1xbf16>
    %broadcast_in_dim3A_441 = vector.broadcast %broadcast_in_dim3A_440 : vector<400x1xbf16> to vector<400x128xbf16>
    %slice3A_442 = vector.extract_strided_slice %convert_element_type3A {offsets = [0, 118], sizes = [400, 1], strides = [1, 1]} : vector<400x128xbf16> to vector<400x1xbf16>
    %broadcast_in_dim3A_443 = vector.shape_cast %slice3A_442 : vector<400x1xbf16> to vector<400x1xbf16>
    %broadcast_in_dim3A_444 = vector.broadcast %broadcast_in_dim3A_443 : vector<400x1xbf16> to vector<400x128xbf16>
    %slice3A_445 = vector.extract_strided_slice %convert_element_type3A {offsets = [0, 119], sizes = [400, 1], strides = [1, 1]} : vector<400x128xbf16> to vector<400x1xbf16>
    %broadcast_in_dim3A_446 = vector.shape_cast %slice3A_445 : vector<400x1xbf16> to vector<400x1xbf16>
    %broadcast_in_dim3A_447 = vector.broadcast %broadcast_in_dim3A_446 : vector<400x1xbf16> to vector<400x128xbf16>
    %slice3A_448 = vector.extract_strided_slice %convert_element_type3A {offsets = [0, 120], sizes = [400, 1], strides = [1, 1]} : vector<400x128xbf16> to vector<400x1xbf16>
    %broadcast_in_dim3A_449 = vector.shape_cast %slice3A_448 : vector<400x1xbf16> to vector<400x1xbf16>
    %broadcast_in_dim3A_450 = vector.broadcast %broadcast_in_dim3A_449 : vector<400x1xbf16> to vector<400x128xbf16>
    %slice3A_451 = vector.extract_strided_slice %convert_element_type3A {offsets = [0, 121], sizes = [400, 1], strides = [1, 1]} : vector<400x128xbf16> to vector<400x1xbf16>
    %broadcast_in_dim3A_452 = vector.shape_cast %slice3A_451 : vector<400x1xbf16> to vector<400x1xbf16>
    %broadcast_in_dim3A_453 = vector.broadcast %broadcast_in_dim3A_452 : vector<400x1xbf16> to vector<400x128xbf16>
    %slice3A_454 = vector.extract_strided_slice %convert_element_type3A {offsets = [0, 122], sizes = [400, 1], strides = [1, 1]} : vector<400x128xbf16> to vector<400x1xbf16>
    %broadcast_in_dim3A_455 = vector.shape_cast %slice3A_454 : vector<400x1xbf16> to vector<400x1xbf16>
    %broadcast_in_dim3A_456 = vector.broadcast %broadcast_in_dim3A_455 : vector<400x1xbf16> to vector<400x128xbf16>
    %slice3A_457 = vector.extract_strided_slice %convert_element_type3A {offsets = [0, 123], sizes = [400, 1], strides = [1, 1]} : vector<400x128xbf16> to vector<400x1xbf16>
    %broadcast_in_dim3A_458 = vector.shape_cast %slice3A_457 : vector<400x1xbf16> to vector<400x1xbf16>
    %broadcast_in_dim3A_459 = vector.broadcast %broadcast_in_dim3A_458 : vector<400x1xbf16> to vector<400x128xbf16>
    %slice3A_460 = vector.extract_strided_slice %convert_element_type3A {offsets = [0, 124], sizes = [400, 1], strides = [1, 1]} : vector<400x128xbf16> to vector<400x1xbf16>
    %broadcast_in_dim3A_461 = vector.shape_cast %slice3A_460 : vector<400x1xbf16> to vector<400x1xbf16>
    %broadcast_in_dim3A_462 = vector.broadcast %broadcast_in_dim3A_461 : vector<400x1xbf16> to vector<400x128xbf16>
    %slice3A_463 = vector.extract_strided_slice %convert_element_type3A {offsets = [0, 125], sizes = [400, 1], strides = [1, 1]} : vector<400x128xbf16> to vector<400x1xbf16>
    %broadcast_in_dim3A_464 = vector.shape_cast %slice3A_463 : vector<400x1xbf16> to vector<400x1xbf16>
    %broadcast_in_dim3A_465 = vector.broadcast %broadcast_in_dim3A_464 : vector<400x1xbf16> to vector<400x128xbf16>
    %slice3A_466 = vector.extract_strided_slice %convert_element_type3A {offsets = [0, 126], sizes = [400, 1], strides = [1, 1]} : vector<400x128xbf16> to vector<400x1xbf16>
    %broadcast_in_dim3A_467 = vector.shape_cast %slice3A_466 : vector<400x1xbf16> to vector<400x1xbf16>
    %broadcast_in_dim3A_468 = vector.broadcast %broadcast_in_dim3A_467 : vector<400x1xbf16> to vector<400x128xbf16>
    %slice3A_469 = vector.extract_strided_slice %convert_element_type3A {offsets = [0, 127], sizes = [400, 1], strides = [1, 1]} : vector<400x128xbf16> to vector<400x1xbf16>
    %broadcast_in_dim3A_470 = vector.shape_cast %slice3A_469 : vector<400x1xbf16> to vector<400x1xbf16>
    %broadcast_in_dim3A_471 = vector.broadcast %broadcast_in_dim3A_470 : vector<400x1xbf16> to vector<400x128xbf16>
    %concatenate3A_472 = tpu.concatenate %broadcast_in_dim3A_426, %broadcast_in_dim3A_429, %broadcast_in_dim3A_432, %broadcast_in_dim3A_435, %broadcast_in_dim3A_438, %broadcast_in_dim3A_441, %broadcast_in_dim3A_444, %broadcast_in_dim3A_447, %broadcast_in_dim3A_450, %broadcast_in_dim3A_453, %broadcast_in_dim3A_456, %broadcast_in_dim3A_459, %broadcast_in_dim3A_462, %broadcast_in_dim3A_465, %broadcast_in_dim3A_468, %broadcast_in_dim3A_471 in 1 : vector<400x128xbf16>, vector<400x128xbf16>, vector<400x128xbf16>, vector<400x128xbf16>, vector<400x128xbf16>, vector<400x128xbf16>, vector<400x128xbf16>, vector<400x128xbf16>, vector<400x128xbf16>, vector<400x128xbf16>, vector<400x128xbf16>, vector<400x128xbf16>, vector<400x128xbf16>, vector<400x128xbf16>, vector<400x128xbf16>, vector<400x128xbf16> -> vector<400x2048xbf16>
    %mul3A_473 = arith.mulf %concatenate3A_472, %tile3A : vector<400x2048xbf16>
    %get3A_474 = arith.constant 7 : index
    %get3A_475 = arith.constant 0 : index
    %get3A_476 = arith.constant 0 : index
    %get3A_477 = vector.load %arg4[%get3A_474, %get3A_475, %get3A_476] : memref<8x2048x128xbf16, #tpu.memory_space<vmem>>, vector<1x2048x128xbf16>
    %get3A_478 = vector.shape_cast %get3A_477 : vector<1x2048x128xbf16> to vector<2048x128xbf16>
    %dot_general3A_479 = arith.constant dense<0.000000e+00> : vector<400x128xf32>
    %dot_general3A_480 = tpu.matmul %mul3A_473, %get3A_478, %dot_general3A_479 {dimension_numbers = #tpu.dot_dimension_numbers<[1], [0], [0], [1], [0, 0, 1, 1], [], []>, transpose_lhs_hint = false} : vector<400x2048xbf16>, vector<2048x128xbf16>, vector<400x128xf32> -> vector<400x128xf32>
    %add3A_481 = arith.addf %add3A_423, %dot_general3A_480 : vector<400x128xf32>
    %mul3A_482 = arith.constant 7.812500e-03 : f32
    %mul3A_483 = vector.broadcast %mul3A_482 : f32 to vector<400x128xf32>
    %mul3A_484 = arith.mulf %add3A_481, %mul3A_483 : vector<400x128xf32>
    %logistic3A = arith.negf %mul3A_484 : vector<400x128xf32>
    %logistic3A_485 = math.exp %logistic3A : vector<400x128xf32>
    %logistic3A_486 = arith.constant 1.000000e+00 : f32
    %logistic3A_487 = vector.broadcast %logistic3A_486 : f32 to vector<400x128xf32>
    %logistic3A_488 = arith.addf %logistic3A_487, %logistic3A_485 : vector<400x128xf32>
    %logistic3A_489 = arith.divf %logistic3A_487, %logistic3A_488 : vector<400x128xf32>
    %mul3A_490 = arith.mulf %mul3A_484, %logistic3A_489 : vector<400x128xf32>
    %get3A_491 = arith.constant 0 : index
    %get3A_492 = arith.constant 0 : index
    %get3A_493 = vector.load %arg5[%get3A_491, %get3A_492] : memref<128x128xf32, #tpu.memory_space<vmem>>, vector<128x128xf32>
    %dot_general3A_494 = arith.constant dense<0.000000e+00> : vector<400x128xf32>
    %dot_general3A_495 = tpu.matmul %mul3A_490, %get3A_493, %dot_general3A_494 {dimension_numbers = #tpu.dot_dimension_numbers<[1], [0], [0], [1], [0, 0, 1, 1], [], []>, transpose_lhs_hint = false} : vector<400x128xf32>, vector<128x128xf32>, vector<400x128xf32> -> vector<400x128xf32>
    %mul3A_496 = arith.constant 0.0883883461 : f32
    %mul3A_497 = vector.broadcast %mul3A_496 : f32 to vector<400x128xf32>
    %mul3A_498 = arith.mulf %dot_general3A_495, %mul3A_497 : vector<400x128xf32>
    %add3A_499 = arith.addf %get3A_17, %mul3A_498 : vector<400x128xf32>
    %swap3A = arith.constant 0 : index
    %swap3A_500 = arith.constant 0 : index
    %swap3A_501 = vector.load %arg6[%swap3A, %swap3A_500] : memref<400x128xf32, #tpu.memory_space<vmem>>, vector<400x128xf32>
    tpu.vector_store %arg6[%swap3A, %swap3A_500], %add3A_499 {strides = array<i32>} : memref<400x128xf32, #tpu.memory_space<vmem>>, vector<400x128xf32>,
    return
  }
  func.func @transform_0(%arg0: i32) -> (i32, i32, i32) {
    %c0_i32 = arith.constant 0 : i32
    %c0_i32_0 = arith.constant 0 : i32
    %c0_i32_1 = arith.constant 0 : i32
    return %c0_i32, %arg0, %c0_i32_0 : i32, i32, i32
  }
  func.func @transform_1(%arg0: i32) -> (i32, i32) {
    %c0_i32 = arith.constant 0 : i32
    %c0_i32_0 = arith.constant 0 : i32
    return %arg0, %c0_i32 : i32, i32
  }
  func.func @transform_2(%arg0: i32) -> (i32, i32) {
    %c0_i32 = arith.constant 0 : i32
    %c0_i32_0 = arith.constant 0 : i32
    %c0_i32_1 = arith.constant 0 : i32
    return %c0_i32, %c0_i32_0 : i32, i32
  }
  func.func @transform_3(%arg0: i32) -> (i32, i32, i32) {
    %c0_i32 = arith.constant 0 : i32
    %c0_i32_0 = arith.constant 0 : i32
    %c0_i32_1 = arith.constant 0 : i32
    %c0_i32_2 = arith.constant 0 : i32
    return %c0_i32, %c0_i32_0, %c0_i32_1 : i32, i32, i32
  }
  func.func @transform_4(%arg0: i32) -> (i32, i32) {
    %c0_i32 = arith.constant 0 : i32
    %c0_i32_0 = arith.constant 0 : i32
    %c0_i32_1 = arith.constant 0 : i32
    return %c0_i32, %c0_i32_0 : i32, i32
  }
  func.func @transform_5(%arg0: i32) -> (i32, i32) {
    %c0_i32 = arith.constant 0 : i32
    %c0_i32_0 = arith.constant 0 : i32
    return %arg0, %c0_i32 : i32, i32
  }
}

</mosaic_0001>

<sc_bundles>
// kernel: kernel.6.cloned.1.call-start
scs
__scs_entry_jumppad:
0x0: {  	(pc) =	sbr.rel $0x88, $3  }
0x1: {  	(tag) =	ssettag $0x0;
	lr =	simm.s32 $0x1  }
0x2: {  	[smem:$0x3F9A] =	sst lr;
	_ =	strace $0xD0000000  }
0x3: {  	_ = 	snop  }
0x4: {  	_ = 	snop  }
0x5: {  	_ = 	snop  }
0x6: {  	_ = 	snop  }
0x7: {  	_ = 	snop  }
__scs_overlays_trampoline_lowered:
0x8: {  	[smem:$0x3FA9] =	sst s0  }
0x9: {  	[smem:$0x3FAA] =	sst s1  }
0xa: {  	[smem:$0x3FAB] =	sst s2  }
0xb: {  	[smem:$0x3FAC] =	sst s3  }
0xc: {  	[smem:$0x3FAD] =	sst s4  }
0xd: {  	[smem:$0x3FAE] =	sst s5  }
0xe: {  	[smem:$0x3FAF] =	sst s6  }
0xf: {  	[smem:$0x3FB0] =	sst s7  }
0x10: {  	[smem:$0x3FB1] =	sst s8  }
0x11: {  	[smem:$0x3FB2] =	sst s9;
	s0 =	simm.s32 @!p0 $0x0  }
0x12: {  	s1 =	sld [smem:$0x3F98];
	s0 =	simm.s32 @p0 $0x1  }
0x13: {  	[smem:$0x3FB3] =	sst s0;
	s0 =	simm.s32 @!p1 $0x0  }
0x14: {  	s2 =	sld [smem:$0x3F97];
	s0 =	simm.s32 @p1 $0x1  }
0x15: {  	[smem:$0x3FB4] =	sst s0;
	s0 =	simm.s32 @!p2 $0x0  }
0x16: {  	s3 =	sld [smem:$0x3FDB];
	s0 =	simm.s32 @p2 $0x1  }
0x17: {  	s4 =	simm.s32 $0x1BF5;
	[smem:$0x3FB6] =	sst s0  }
0x18: {  	s0 =	sld [smem:$0x3F99];
	_ =	swait.ge [sflag:s4], $0x0  }
0x19: {  	s7 =	sld [smem:$0x3F9A]  }
0x1a: {  	s8 =	sadd.s32 $0xFFFFE003, lr  }
0x1b: {  	s9 =	sadd.s32 $0xFFFFFEF7, lr;
	s5 =	simm.s32 $0xFFFFFFFF;
	p2 =	slt.u32 s8, $0xFFFFF086  }
0x1c: {  	p1 =	slt.u32 s9, $0xF7A;
	s5 =	simm.s32 @!p2 $0x0  }
0x1d: {  	s5 =	simm.s32 @p1 $0x1;
	p0 =	seq.s32 s7, s2  }
0x1e: {  	s7 =	smul.u32 @!p0 $0xF7A, s2;
	p2 =	seq.s32 @!p0 s5, $0x0  }
0x1f: {  	s9 =	smul.u32 $0xF7A, s1;
	s8 =	simm.s32 @!p0 $0x1BF5;
	p2 =	por !p2, p0  }
0x20: {  	[sflag:s8] =	ssyncset.s32 @!p0 $0xFFFFF086;
	s6 =	sadd.s32 @!p0 s3, s7;
	s7 =	simm.s32 @!p0 $0x108  }
0x21: {  	s3 =	sadd.s32 s3, s9;
	s6 =	sadd.s32 @!p0 $0x88, s6;
	s7 =	simm.s32 @p2 $0x1082  }
0x22: {  	[simem:s7], [sflag:s8] =	dma.local @!p0 [hbm:s6], $0xF7A  }
0x23: {  	s9 =	sor.u32 $0xD0000000, s2;
	s6 =	simm.s32 $0x108;
	_ =	swait.ge @!p0 [sflag:s8], $0x0  }
0x24: {  	s3 =	sadd.s32 $0x88, s3;
	s6 =	simm.s32 @!p1 $0x1082;
	[sflag:s4] =	ssyncset.s32 $0xFFFFF086  }
0x25: {  	[simem:s6], [sflag:s4] =	dma.local [hbm:s3], $0xF7A  }
0x26: {  	[smem:$0x3F9A] =	sst s1;
	(tag) =	ssettag s2;
	_ =	strace s9  }
0x27: {  	s1 =	sld [smem:$0x3FAA]  }
0x28: {  	s2 =	sld [smem:$0x3FAB]  }
0x29: {  	s4 =	sld [smem:$0x3FAD]  }
0x2a: {  	p0 =	seq.s32 s5, $0x0;
	s5 =	sld [smem:$0x3FAE]  }
0x2b: {  	s6 =	sld [smem:$0x3FAF]  }
0x2c: {  	s7 =	sld [smem:$0x3FB0]  }
0x2d: {  	s3 =	simm.s32 $0x108;
	s8 =	sld [smem:$0x3FB1]  }
0x2e: {  	s3 =	simm.s32 @!p0 $0x1082;
	s9 =	sld [smem:$0x3FB2]  }
0x2f: {  	lr =	sadd.s32 s0, s3;
	s0 =	sld [smem:$0x3FA9]  }
0x30: {  	s3 =	sld [smem:$0x3FAC]  }
0x31: {  	[smem:$0x3FB5] =	sst s10  }
0x32: {  	s10 =	sld [smem:$0x3FB3];
	_ =	sdelay $0x3  }
0x33: {  	p0 =	seq.s32 s10, $0x1;
	s10 =	sld [smem:$0x3FB5];
	_ =	sdelay $0x3  }
0x34: {  	[smem:$0x3FB5] =	sst s10  }
0x35: {  	s10 =	sld [smem:$0x3FB4];
	_ =	sdelay $0x3  }
0x36: {  	p1 =	seq.s32 s10, $0x1;
	s10 =	sld [smem:$0x3FB5];
	_ =	sdelay $0x3  }
0x37: {  	[smem:$0x3FB5] =	sst s10  }
0x38: {  	s10 =	sld [smem:$0x3FB6]  }
0x39: {  	_ = 	snop;
	(pc) =	sbr.ind lr, $3  }
0x3a: {  	_ = 	snop  }
0x3b: {  	_ = 	snop  }
0x3c: {  	p2 =	seq.s32 s10, $0x1;
	s10 =	sld [smem:$0x3FB5]  }
0x3d: {  	_ =	shalt  }
0x3e: {  	_ =	shalt  }
0x3f: {  	_ =	shalt  }
0x40: {  	_ =	shalt  }
0x41: {  	_ =	shalt  }
0x42: {  	_ =	shalt  }
0x43: {  	_ =	shalt  }
0x44: {  	_ =	shalt  }
0x45: {  	_ =	shalt  }
0x46: {  	_ =	shalt  }
0x47: {  	_ =	shalt  }
0x48: {  	_ =	shalt  }
0x49: {  	_ =	shalt  }
0x4a: {  	_ =	shalt  }
0x4b: {  	_ =	shalt  }
0x4c: {  	_ =	shalt  }
0x4d: {  	_ =	shalt  }
0x4e: {  	_ =	shalt  }
0x4f: {  	_ =	shalt  }
0x50: {  	_ =	shalt  }
0x51: {  	_ =	shalt  }
0x52: {  	_ =	shalt  }
0x53: {  	_ =	shalt  }
0x54: {  	_ =	shalt  }
0x55: {  	_ =	shalt  }
0x56: {  	_ =	shalt  }
0x57: {  	_ =	shalt  }
0x58: {  	_ =	shalt  }
0x59: {  	_ =	shalt  }
0x5a: {  	_ =	shalt  }
0x5b: {  	_ =	shalt  }
0x5c: {  	_ =	shalt  }
0x5d: {  	_ =	shalt  }
0x5e: {  	_ =	shalt  }
0x5f: {  	_ =	shalt  }
0x60: {  	_ =	shalt  }
0x61: {  	_ =	shalt  }
0x62: {  	_ =	shalt  }
0x63: {  	_ =	shalt  }
0x64: {  	_ =	shalt  }
0x65: {  	_ =	shalt  }
0x66: {  	_ =	shalt  }
0x67: {  	_ =	shalt  }
0x68: {  	_ =	shalt  }
0x69: {  	_ =	shalt  }
0x6a: {  	_ =	shalt  }
0x6b: {  	_ =	shalt  }
0x6c: {  	_ =	shalt  }
0x6d: {  	_ =	shalt  }
0x6e: {  	_ =	shalt  }
0x6f: {  	_ =	shalt  }
0x70: {  	_ =	shalt  }
0x71: {  	_ =	shalt  }
0x72: {  	_ =	shalt  }
0x73: {  	_ =	shalt  }
0x74: {  	_ =	shalt  }
0x75: {  	_ =	shalt  }
0x76: {  	_ =	shalt  }
0x77: {  	_ =	shalt  }
0x78: {  	_ =	shalt  }
0x79: {  	_ =	shalt  }
0x7a: {  	_ =	shalt  }
0x7b: {  	_ =	shalt  }
0x7c: {  	_ =	shalt  }
0x7d: {  	_ =	shalt  }
0x7e: {  	_ =	shalt  }
0x7f: {  	_ =	shalt  }
0x80: {  	_ =	shalt  }
0x81: {  	_ =	shalt  }
0x82: {  	_ =	shalt  }
0x83: {  	_ =	shalt  }
0x84: {  	_ =	shalt  }
0x85: {  	_ =	shalt  }
0x86: {  	_ =	shalt  }
0x87: {  	_ =	shalt  }
.Lfunc_end0:
.L_simem_size_0:
called_computation_lowered:
.L_overlay_start_0:
0x88: {  	s2 =	sld [smem:$0x3FD9]  }
0x89: {  	s3 =	sld [smem:$0x3FFE];
	_ =	sdelay $0x1  }
0x8a: {  	s1 =	srdreg.scid  }
0x8b: {  	s0 =	sand.u32 $0x1, s1  }
0x8c: {  	s17 =	sshll.u32 s0, $0xA;
	s2 =	sadd.s32 s3, s2  }
0x8d: {  	s2 =	sadd.s32 s2, s17  }
0x8e: {  	[smem:$0x3FC1] =	sst s2  }
0x8f: {  	_ = 	snop  }
0x90: {  	s2 =	sld [smem:$0x3FC9]  }
0x91: {  	s18 =	sld [smem:$0x3FD0];
	(tm) =	ssettm $0x1  }
0x92: {  	s4 =	sld [smem:$0x3FFB];
	_ =	sdelay $0x3  }
0x93: {  	_ =	strace s4  }
0x94: {  	s4 =	sld [smem:$0x3FFC];
	_ =	sdelay $0x3  }
0x95: {  	_ =	strace s4  }
0x96: {  	s4 =	sld [smem:$0x3FFD];
	_ =	sdelay $0x3  }
0x97: {  	_ =	strace s4  }
0x98: {  	_ =	strace $0x8FFFFFFF  }
0x99: {  	s19 =	sld [smem:$0x3FDB];
	_ =	sdelay $0x1  }
0x9a: {  	s5 =	simm.s32 $_scs_section_size  }
0x9b: {  	s6 =	simm.s32 $_size__tile_overlayer_lowered;
	s7 =	simm.s32 $_tile_overlayer_lowered  }
0x9c: {  	s22 =	simm.s32 $0x1BFF;
	s21 =	sshll.u32 s7, $0x1;
	s4 =	sadd.s32 s5, s19  }
0x9d: {  	s8 =	simm.s32 $0x0;
	s20 =	sshll.u32 s6, $0x1;
	s6 =	sadd.s32 s21, s4  }
0x9e: {  	[timem:s8], [sflag:s22] =	dma.local [hbm:s6], s20  }
0x9f: {  	_ =	swait.ge [sflag:s22], s20  }
0xa0: {  	s5 =	ssub.s32 $0x0, s20;
	[sflag:s22] =	ssyncset.done $0x0  }
0xa1: {  	[sflag:s22] =	ssyncadd.s32 s5;
	_ =	sdelay $0x1  }
0xa2: {  	s23 =	simm.s32 $0x1B8B  }
0xa3: {  	_ =	swait.ge [sflag:s23], $0x1  }
0xa4: {  	[sflag:s23] =	ssyncset.done $0x0  }
0xa5: {  	s25 =	simm.s32 $0x1B8E;
	s24 =	sld [smem:$0x3FFE];
	[sflag:s23] =	ssyncadd.s32 $0xFFFFFFFF  }
0xa6: {  	s26 =	simm.s32 $execute0_lowered;
	[smem:$0x3FD2] =	sst s25  }
0xa7: {  	s6 =	sshll.u32 s26, $0x1;
	_ =	strace $0x80000046;
	[dreg:$0x1] =	wrdreg $0xFFFFFFFF  }
0xa8: {  	s28 =	simm.s32 $_size_execute0_lowered;
	s4 =	sadd.s32 s4, s6;
	[dreg:$0x0] =	wrdreg $0x0  }
0xa9: {  	s6 =	sshll.u32 s28, $0x1;
	[dreg:$0x2] =	wrdreg s4  }
0xaa: {  	[dreg:$0x3] =	wrdreg s6  }
0xab: {  	[dreg:$0x4] =	wrdreg $0xC0  }
0xac: {  	_ =	task [dreg:s8], $0x5FFFF  }
0xad: {  	[dreg:$0x1] =	wrdreg $0xFFFFFFFF  }
0xae: {  	[dreg:$0x0] =	wrdreg $0x60  }
0xaf: {  	[dreg:$0x2] =	wrdreg s2  }
0xb0: {  	[dreg:$0x3] =	wrdreg s18  }
0xb1: {  	[dreg:$0x4] =	wrdreg s24  }
0xb2: {  	[dreg:$0x5] =	wrdreg $0x9  }
0xb3: {  	_ =	task.clear_ibuf [dreg:s8], $0x6FFFF;
	_ =	strace $0x90000046  }
0xb4: {  	s29 =	simm.s32 $0x9;
	_ =	strace $0x80000048  }
0xb5: {  	_ =	swait.ge [sflag:s29], $0x1  }
0xb6: {  	[sflag:s29] =	ssyncadd.s32 $0xFFFFFFFF  }
0xb7: {  	_ =	strace $0x90000048  }
0xb8: {  	_ =	sfence  }
0xb9: {  	s30 =	sld [smem:$0x0];
	_ =	sdelay $0x2  }
0xba: {  	s31 =	sshll.u32 s1, $0xD;
	s1 =	sshrl.u32 s1, $0x2  }
0xbb: {  	s3 =	sand.u32 $0x4000, s31;
	s1 =	sadd.s32 s1, s30  }
0xbc: {  	s0 =	sor.u32 s3, s0;
	s1 =	sshll.u32 s1, $0x11  }
0xbd: {  	s0 =	sor.u32 s1, s0  }
0xbe: {  	s0 =	sadd.s32 $0x8F2B, s0  }
0xbf: {  	[sflag:s0] =	ssyncadd.remote.s32 $0x1  }
0xc0: {  	_ =	sfence.sel $0xFFFF  }
0xc1: {  	[dreg:$0x0] =	wrdreg $0xFFFFFFFF;
	(pc) =	sbr.abs _section_cstart, $3  }
0xc2: {  	[dreg:$0x1] =	wrdreg $0xFFFFFFFF  }
0xc3: {  	_ =	task.clear_ibuf [dreg:s8], $0x2FFFF;
	_ =	strace $0x9FFFFFFF  }
0xc4: {  	(tm) =	ssettm $0x7FFFFFFF  }
0xc5: {  	_ =	shalt  }
tec
execute0_lowered:
.L_overlay_start_1:
0x0: {  	(tag) =	ssettag $0x1  }
0x1: {  	s1 =	rddreg [dreg:$0x0]  }
0x2: {  	s0 =	rddreg [dreg:$0x1];
	s2 =	srdreg.scid  }
0x3: {  	s9 =	stileid.u32;
	s4 =	rddreg [dreg:$0x2];
	s3 =	simm.s32 $0x0  }
0x4: {  	s13 =	simm.s32 $0x28;
	s29 =	simm.s32 $0xB800;
	s28 =	simm.s32 $0x3  }
0x5: {  	s30 =	simm.s32 $0x4;
	s31 =	simm.s32 $0xE000;
	s15 =	simm.s32 $0x6  }
0x6: {  	s17 =	simm.s32 $0xB;
	s19 =	simm.s32 $0x7;
	s12 =	simm.s32 $0x0  }
0x7: {  	s2 =	sand.u32 $0x1, s2;
	s5 =	sshll.u32 s9, $0x1;
	[smem:$0x7FF] =	sst s3  }
0x8: {  	s4 =	sadd.s32 $0xE00, s4;
	s21 =	smul.u32 $0x27100, s9;
	s9 =	simm.s32 $0xF  }
0x9: {  	s5 =	sor.u32 s2, s5;
	_ =	strace $0x80000047;
	s7 =	ssub.s32 $0x2, s2  }
0xa: {  	s6 =	smul.u32 $0x9C400, s5;
	s8 =	sshrl.u32 s7, $0x1;
	s5 =	sshll.u32 s5, $0xB  }
0xb: {  	s2 =	smul.u32 $0x13880, s2;
	s7 =	ssub.s32 s7, s8;
	s0 =	sadd.s32 s0, s5  }
0xc: {  	s5 =	simm.s32 $0xD;
	s8 =	simm.s32 $0xA;
	s6 =	sshrl.u32 s6, $0x3  }
0xd: {  	[dreg:$0x4] =	wrdreg s0;
	s0 =	sadd.s32 s21, s4;
	s26 =	smax.u32 s7, $0x1  }
0xe: {  	s6 =	sadd.s32 s4, s6;
	[dreg:$0xa] =	wrdreg s26;
	s0 =	sadd.s32 s2, s0  }
0xf: {  	s21 =	simm.s32 $0xC;
	s20 =	sadd.s32 $0x12C00, s6;
	[dreg:$0xb] =	wrdreg s0  }
0x10: {  	s7 =	simm.s32 $0xE;
	s22 =	sadd.s32 $0x12E80, s6;
	[dreg:$0x5] =	wrdreg s20  }
0x11: {  	s26 =	simm.s32 $0xCC00;
	s23 =	sadd.s32 $0x13100, s6;
	[dreg:$0x6] =	wrdreg s22  }
0x12: {  	s2 =	simm.s32 $0x5;
	s24 =	sadd.s32 $0x13380, s6;
	[dreg:$0x7] =	wrdreg s23  }
0x13: {  	s4 =	simm.s32 $0x8;
	s25 =	sadd.s32 $0x13600, s6;
	[dreg:$0x8] =	wrdreg s24  }
0x14: {  	s0 =	simm.s32 $0xF400;
	s6 =	simm.s32 $0x9;
	[dreg:$0x9] =	wrdreg s25  }
0x15: {  	s23 =	simm.s32 $0x1;
	s24 =	simm.s32 $0xA400;
	s25 =	simm.s32 $0x2  }
.LBB2_1:
0x16: {  	[dreg:$0xc] =	wrdreg s12  }
0x17: {  	s10 =	rddreg [dreg:$0x4];
	s18 =	simm.s32 $0x15  }
0x18: {  	[tilespmem:s3], [sflag:$0x15] =	stream.linear.gather [hbm4b:s10+s3], $0x3E80, $0x38;
	[tilespmem:$0x10800] =	vst v63  }
0x19: {  	_ =	swait.ge [sflag:s18], $0x3E80  }
0x1a: {  	[sflag:s18] =	ssyncset.done $0x0  }
0x1b: {  	s12 =	simm.s32 $0x4000;
	[sflag:s18] =	ssyncadd.s32 $0xFFFFC180  }
0x1c: {  	[tilespmem:s12], [sflag:$0x1] =	stream.indirect.gather [hbm4b:s1+s13], $0x80, s3, s13, $0xb8;
	[tilespmem:$0x10800] =	vst v63  }
0x1d: {  	s20 =	simm.s32 $0x80;
	s16 =	simm.s32 $0x5400  }
0x1e: {  	[tilespmem:s16], [sflag:$0x2] =	stream.indirect.gather [hbm4b:s1+s13], $0x80, s20, s13, $0xb8;
	[tilespmem:$0x10800] =	vst v63  }
0x1f: {  	s22 =	simm.s32 $0x100;
	s18 =	simm.s32 $0x6800  }
0x20: {  	[tilespmem:s18], [sflag:$0x3] =	stream.indirect.gather [hbm4b:s1+s13], $0x80, s22, s13, $0xb8;
	[tilespmem:$0x10800] =	vst v63  }
0x21: {  	s11 =	simm.s32 $0x180;
	s20 =	simm.s32 $0x7C00  }
0x22: {  	[tilespmem:s20], [sflag:$0x4] =	stream.indirect.gather [hbm4b:s1+s13], $0x80, s11, s13, $0xb8;
	[tilespmem:$0x10800] =	vst v63  }
0x23: {  	s14 =	simm.s32 $0x200;
	s22 =	simm.s32 $0x9000  }
0x24: {  	[tilespmem:s22], [sflag:$0x5] =	stream.indirect.gather [hbm4b:s1+s13], $0x80, s14, s13, $0xb8;
	[tilespmem:$0x10800] =	vst v63  }
0x25: {  	_ =	swait.ge [sflag:s23], $0x1400  }
0x26: {  	p0 =	por $0x1, $0x1;
	[sflag:s23] =	ssyncset.done $0x0  }
0x27: {  	s10 =	simm.s32 @!p0 $0x10;
	s14 =	rddreg [dreg:$0xb];
	[sflag:s23] =	ssyncadd.s32 $0xFFFFEC00  }
0x28: {  	[hbm4b:s14+s3] =	stream.linear.scatter [tilespmem:s12], [sflag:$0xB], $0x1400, $0x38;
	[tilespmem:$0x10800] =	vst v63  }
0x29: {  	_ =	swait.ge @!p0 [sflag:s10], $0x1400  }
0x2a: {  	[sflag:s10] =	ssyncset.done @!p0 $0x0  }
0x2b: {  	s11 =	simm.s32 $0x280;
	[sflag:s10] =	ssyncadd.s32 @!p0 $0xFFFFEC00  }
0x2c: {  	[tilespmem:s24], [sflag:$0x6] =	stream.indirect.gather [hbm4b:s1+s13], $0x80, s11, s13, $0xb8;
	[tilespmem:$0x10800] =	vst v63  }
0x2d: {  	_ =	swait.ge [sflag:s25], $0x1400  }
0x2e: {  	[sflag:s25] =	ssyncset.done $0x0  }
0x2f: {  	s10 =	sadd.s32 $0x280, s14;
	s11 =	simm.s32 @!p0 $0x11;
	[sflag:s25] =	ssyncadd.s32 $0xFFFFEC00  }
0x30: {  	[hbm4b:s10+s3] =	stream.linear.scatter [tilespmem:s16], [sflag:$0xC], $0x1400, $0x38;
	[tilespmem:$0x10800] =	vst v63  }
0x31: {  	_ =	swait.ge @!p0 [sflag:s11], $0x1400  }
0x32: {  	[sflag:s11] =	ssyncset.done @!p0 $0x0  }
0x33: {  	s10 =	simm.s32 $0x300;
	[sflag:s11] =	ssyncadd.s32 @!p0 $0xFFFFEC00  }
0x34: {  	[tilespmem:s29], [sflag:$0x7] =	stream.indirect.gather [hbm4b:s1+s13], $0x80, s10, s13, $0xb8;
	[tilespmem:$0x10800] =	vst v63  }
0x35: {  	_ =	swait.ge [sflag:s28], $0x1400  }
0x36: {  	[sflag:s28] =	ssyncset.done $0x0  }
0x37: {  	s11 =	simm.s32 @!p0 $0x12;
	s10 =	sadd.s32 $0x500, s14;
	[sflag:s28] =	ssyncadd.s32 $0xFFFFEC00  }
0x38: {  	[hbm4b:s10+s3] =	stream.linear.scatter [tilespmem:s18], [sflag:$0xD], $0x1400, $0x38;
	[tilespmem:$0x10800] =	vst v63  }
0x39: {  	_ =	swait.ge @!p0 [sflag:s11], $0x1400  }
0x3a: {  	[sflag:s11] =	ssyncset.done @!p0 $0x0  }
0x3b: {  	s10 =	simm.s32 $0x380;
	[sflag:s11] =	ssyncadd.s32 @!p0 $0xFFFFEC00  }
0x3c: {  	[tilespmem:s26], [sflag:$0x8] =	stream.indirect.gather [hbm4b:s1+s13], $0x80, s10, s13, $0xb8;
	[tilespmem:$0x10800] =	vst v63  }
0x3d: {  	_ =	swait.ge [sflag:s30], $0x1400  }
0x3e: {  	[sflag:s30] =	ssyncset.done $0x0  }
0x3f: {  	s11 =	simm.s32 @!p0 $0x13;
	s10 =	sadd.s32 $0x780, s14;
	[sflag:s30] =	ssyncadd.s32 $0xFFFFEC00  }
0x40: {  	[hbm4b:s10+s3] =	stream.linear.scatter [tilespmem:s20], [sflag:$0xE], $0x1400, $0x38;
	[tilespmem:$0x10800] =	vst v63  }
0x41: {  	_ =	swait.ge @!p0 [sflag:s11], $0x1400  }
0x42: {  	[sflag:s11] =	ssyncset.done @!p0 $0x0  }
0x43: {  	s10 =	simm.s32 $0x400;
	[sflag:s11] =	ssyncadd.s32 @!p0 $0xFFFFEC00  }
0x44: {  	[tilespmem:s31], [sflag:$0x9] =	stream.indirect.gather [hbm4b:s1+s13], $0x80, s10, s13, $0xb8;
	[tilespmem:$0x10800] =	vst v63  }
0x45: {  	_ =	swait.ge [sflag:s2], $0x1400  }
0x46: {  	[sflag:s2] =	ssyncset.done $0x0  }
0x47: {  	s11 =	simm.s32 @!p0 $0x14;
	s10 =	sadd.s32 $0xA00, s14;
	[sflag:s2] =	ssyncadd.s32 $0xFFFFEC00  }
0x48: {  	[hbm4b:s10+s3] =	stream.linear.scatter [tilespmem:s22], [sflag:$0xF], $0x1400, $0x38;
	[tilespmem:$0x10800] =	vst v63  }
0x49: {  	_ =	swait.ge @!p0 [sflag:s11], $0x1400  }
0x4a: {  	[sflag:s11] =	ssyncset.done @!p0 $0x0  }
0x4b: {  	s22 =	simm.s32 $0x480;
	[sflag:s11] =	ssyncadd.s32 @!p0 $0xFFFFEC00  }
0x4c: {  	[tilespmem:s0], [sflag:$0xA] =	stream.indirect.gather [hbm4b:s1+s13], $0x80, s22, s13, $0xb8;
	[tilespmem:$0x10800] =	vst v63  }
0x4d: {  	_ =	swait.ge [sflag:s15], $0x1400  }
0x4e: {  	[sflag:s15] =	ssyncset.done $0x0  }
0x4f: {  	s22 =	sadd.s32 $0xC80, s14;
	[sflag:s15] =	ssyncadd.s32 $0xFFFFEC00  }
0x50: {  	[hbm4b:s22+s3] =	stream.linear.scatter [tilespmem:s24], [sflag:$0x10], $0x1400, $0x38;
	[tilespmem:$0x10800] =	vst v63  }
0x51: {  	_ =	swait.ge [sflag:s17], $0x1400  }
0x52: {  	[sflag:s17] =	ssyncset.done $0x0  }
0x53: {  	s11 =	simm.s32 $0x500;
	[sflag:s17] =	ssyncadd.s32 $0xFFFFEC00  }
0x54: {  	[tilespmem:s12], [sflag:$0x1] =	stream.indirect.gather [hbm4b:s1+s13], $0x80, s11, s13, $0xb8;
	[tilespmem:$0x10800] =	vst v63  }
0x55: {  	_ =	swait.ge [sflag:s19], $0x1400  }
0x56: {  	[sflag:s19] =	ssyncset.done $0x0  }
0x57: {  	s22 =	sadd.s32 $0xF00, s14;
	[sflag:s19] =	ssyncadd.s32 $0xFFFFEC00  }
0x58: {  	[hbm4b:s22+s3] =	stream.linear.scatter [tilespmem:s29], [sflag:$0x11], $0x1400, $0x38;
	[tilespmem:$0x10800] =	vst v63  }
0x59: {  	_ =	swait.ge [sflag:s21], $0x1400  }
0x5a: {  	[sflag:s21] =	ssyncset.done $0x0  }
0x5b: {  	s11 =	simm.s32 $0x580;
	[sflag:s21] =	ssyncadd.s32 $0xFFFFEC00  }
0x5c: {  	[tilespmem:s16], [sflag:$0x2] =	stream.indirect.gather [hbm4b:s1+s13], $0x80, s11, s13, $0xb8;
	[tilespmem:$0x10800] =	vst v63  }
0x5d: {  	_ =	swait.ge [sflag:s4], $0x1400  }
0x5e: {  	[sflag:s4] =	ssyncset.done $0x0  }
0x5f: {  	s12 =	sadd.s32 $0x1180, s14;
	[sflag:s4] =	ssyncadd.s32 $0xFFFFEC00  }
0x60: {  	[hbm4b:s12+s3] =	stream.linear.scatter [tilespmem:s26], [sflag:$0x12], $0x1400, $0x38;
	[tilespmem:$0x10800] =	vst v63  }
0x61: {  	_ =	swait.ge [sflag:s5], $0x1400  }
0x62: {  	[sflag:s5] =	ssyncset.done $0x0  }
0x63: {  	s16 =	simm.s32 $0x600;
	[sflag:s5] =	ssyncadd.s32 $0xFFFFEC00  }
0x64: {  	[tilespmem:s18], [sflag:$0x3] =	stream.indirect.gather [hbm4b:s1+s13], $0x80, s16, s13, $0xb8;
	[tilespmem:$0x10800] =	vst v63  }
0x65: {  	_ =	swait.ge [sflag:s6], $0x1400  }
0x66: {  	[sflag:s6] =	ssyncset.done $0x0  }
0x67: {  	s22 =	sadd.s32 $0x1400, s14;
	[sflag:s6] =	ssyncadd.s32 $0xFFFFEC00  }
0x68: {  	[hbm4b:s22+s3] =	stream.linear.scatter [tilespmem:s31], [sflag:$0x13], $0x1400, $0x38;
	[tilespmem:$0x10800] =	vst v63  }
0x69: {  	_ =	swait.ge [sflag:s7], $0x1400  }
0x6a: {  	[sflag:s7] =	ssyncset.done $0x0  }
0x6b: {  	s26 =	simm.s32 $0x680;
	[sflag:s7] =	ssyncadd.s32 $0xFFFFEC00  }
0x6c: {  	[tilespmem:s20], [sflag:$0x4] =	stream.indirect.gather [hbm4b:s1+s13], $0x80, s26, s13, $0xb8;
	[tilespmem:$0x10800] =	vst v63  }
0x6d: {  	_ =	swait.ge [sflag:s8], $0x1400  }
0x6e: {  	[sflag:s8] =	ssyncset.done $0x0  }
0x6f: {  	s31 =	sadd.s32 $0x1680, s14;
	[sflag:s8] =	ssyncadd.s32 $0xFFFFEC00  }
0x70: {  	[hbm4b:s31+s3] =	stream.linear.scatter [tilespmem:s0], [sflag:$0x14], $0x1400, $0x38;
	[tilespmem:$0x10800] =	vst v63  }
0x71: {  	s10 =	simm.s32 $0x1400;
	_ =	swait.ge [sflag:s9], $0x1400  }
0x72: {  	s11 =	smov.u32 s14;
	s12 =	simm.s32 $0x700;
	[sflag:s9] =	ssyncset.done $0x0  }
.LBB2_2:
0x73: {  	[sflag:s9] =	ssyncadd.s32 $0xFFFFEC00;
	s11 =	sadd.s32 $0x1900, s11;
	s14 =	smov.u32 s10  }
0x74: {  	s10 =	sadd.s32 $0x1400, s10;
	s31 =	simm.s32 $0xCC00;
	s26 =	simm.s32 $0x9000  }
0x75: {  	[tilespmem:s26], [sflag:$0x5] =	stream.indirect.gather [hbm4b:s1+s13], $0x80, s12, s13, $0xb8;
	[tilespmem:$0x10800] =	vst v63  }
0x76: {  	p0 =	sne.s32 s10, $0xF000;
	_ =	swait.ge [sflag:s23], $0x1400  }
0x77: {  	p1 =	seq.s32 s14, $0x0;
	[sflag:s23] =	ssyncset.done $0x0  }
0x78: {  	s18 =	simm.s32 $0x4000;
	s16 =	simm.s32 @!p1 $0x10;
	[sflag:s23] =	ssyncadd.s32 $0xFFFFEC00  }
0x79: {  	[hbm4b:s11+s3] =	stream.linear.scatter [tilespmem:s18], [sflag:$0xB], $0x1400, $0x38;
	[tilespmem:$0x10800] =	vst v63  }
0x7a: {  	s12 =	sshra.s32 s14, $0x2;
	_ =	swait.ge @!p1 [sflag:s16], $0x1400  }
0x7b: {  	s14 =	sadd.s32 $0x280, s12;
	[sflag:s16] =	ssyncset.done @!p1 $0x0  }
0x7c: {  	[sflag:s16] =	ssyncadd.s32 @!p1 $0xFFFFEC00  }
0x7d: {  	[tilespmem:s24], [sflag:$0x6] =	stream.indirect.gather [hbm4b:s1+s13], $0x80, s14, s13, $0xb8;
	[tilespmem:$0x10800] =	vst v63  }
0x7e: {  	_ =	swait.ge [sflag:s25], $0x1400  }
0x7f: {  	s14 =	sadd.s32 $0x280, s11;
	[sflag:s25] =	ssyncset.done $0x0  }
0x80: {  	s20 =	simm.s32 $0x5400;
	s16 =	simm.s32 @!p1 $0x11;
	[sflag:s25] =	ssyncadd.s32 $0xFFFFEC00  }
0x81: {  	[hbm4b:s14+s3] =	stream.linear.scatter [tilespmem:s20], [sflag:$0xC], $0x1400, $0x38;
	[tilespmem:$0x10800] =	vst v63  }
0x82: {  	_ =	swait.ge @!p1 [sflag:s16], $0x1400  }
0x83: {  	s14 =	sadd.s32 $0x300, s12;
	[sflag:s16] =	ssyncset.done @!p1 $0x0  }
0x84: {  	[sflag:s16] =	ssyncadd.s32 @!p1 $0xFFFFEC00  }
0x85: {  	[tilespmem:s29], [sflag:$0x7] =	stream.indirect.gather [hbm4b:s1+s13], $0x80, s14, s13, $0xb8;
	[tilespmem:$0x10800] =	vst v63  }
0x86: {  	_ =	swait.ge [sflag:s28], $0x1400  }
0x87: {  	s14 =	sadd.s32 $0x500, s11;
	[sflag:s28] =	ssyncset.done $0x0  }
0x88: {  	s22 =	simm.s32 $0x6800;
	s16 =	simm.s32 @!p1 $0x12;
	[sflag:s28] =	ssyncadd.s32 $0xFFFFEC00  }
0x89: {  	[hbm4b:s14+s3] =	stream.linear.scatter [tilespmem:s22], [sflag:$0xD], $0x1400, $0x38;
	[tilespmem:$0x10800] =	vst v63  }
0x8a: {  	_ =	swait.ge @!p1 [sflag:s16], $0x1400  }
0x8b: {  	s14 =	sadd.s32 $0x380, s12;
	[sflag:s16] =	ssyncset.done @!p1 $0x0  }
0x8c: {  	[sflag:s16] =	ssyncadd.s32 @!p1 $0xFFFFEC00  }
0x8d: {  	[tilespmem:s31], [sflag:$0x8] =	stream.indirect.gather [hbm4b:s1+s13], $0x80, s14, s13, $0xb8;
	[tilespmem:$0x10800] =	vst v63  }
0x8e: {  	s31 =	simm.s32 $0xE000  }
0x8f: {  	_ =	swait.ge [sflag:s30], $0x1400  }
0x90: {  	s24 =	simm.s32 $0x7C00;
	s14 =	sadd.s32 $0x780, s11;
	[sflag:s30] =	ssyncset.done $0x0  }
0x91: {  	s29 =	simm.s32 $0xA400;
	s16 =	simm.s32 @!p1 $0x13;
	[sflag:s30] =	ssyncadd.s32 $0xFFFFEC00  }
0x92: {  	[hbm4b:s14+s3] =	stream.linear.scatter [tilespmem:s24], [sflag:$0xE], $0x1400, $0x38;
	[tilespmem:$0x10800] =	vst v63  }
0x93: {  	_ =	swait.ge @!p1 [sflag:s16], $0x1400  }
0x94: {  	s14 =	sadd.s32 $0x400, s12;
	[sflag:s16] =	ssyncset.done @!p1 $0x0  }
0x95: {  	[sflag:s16] =	ssyncadd.s32 @!p1 $0xFFFFEC00  }
0x96: {  	[tilespmem:s31], [sflag:$0x9] =	stream.indirect.gather [hbm4b:s1+s13], $0x80, s14, s13, $0xb8;
	[tilespmem:$0x10800] =	vst v63  }
0x97: {  	_ =	swait.ge [sflag:s2], $0x1400  }
0x98: {  	s14 =	sadd.s32 $0xA00, s11;
	[sflag:s2] =	ssyncset.done $0x0  }
0x99: {  	s16 =	simm.s32 @!p1 $0x14;
	[sflag:s2] =	ssyncadd.s32 $0xFFFFEC00  }
0x9a: {  	[hbm4b:s14+s3] =	stream.linear.scatter [tilespmem:s26], [sflag:$0xF], $0x1400, $0x38;
	[tilespmem:$0x10800] =	vst v63  }
0x9b: {  	s26 =	simm.s32 $0xCC00  }
0x9c: {  	_ =	swait.ge @!p1 [sflag:s16], $0x1400  }
0x9d: {  	s14 =	sadd.s32 $0x480, s12;
	[sflag:s16] =	ssyncset.done @!p1 $0x0  }
0x9e: {  	[sflag:s16] =	ssyncadd.s32 @!p1 $0xFFFFEC00  }
0x9f: {  	[tilespmem:s0], [sflag:$0xA] =	stream.indirect.gather [hbm4b:s1+s13], $0x80, s14, s13, $0xb8;
	[tilespmem:$0x10800] =	vst v63  }
0xa0: {  	_ =	swait.ge [sflag:s15], $0x1400  }
0xa1: {  	s14 =	sadd.s32 $0xC80, s11;
	[sflag:s15] =	ssyncset.done $0x0  }
0xa2: {  	[sflag:s15] =	ssyncadd.s32 $0xFFFFEC00  }
0xa3: {  	[hbm4b:s14+s3] =	stream.linear.scatter [tilespmem:s29], [sflag:$0x10], $0x1400, $0x38;
	[tilespmem:$0x10800] =	vst v63  }
0xa4: {  	s29 =	simm.s32 $0xB800  }
0xa5: {  	_ =	swait.ge [sflag:s17], $0x1400  }
0xa6: {  	s14 =	sadd.s32 $0x500, s12;
	[sflag:s17] =	ssyncset.done $0x0  }
0xa7: {  	s16 =	simm.s32 $0x4000;
	[sflag:s17] =	ssyncadd.s32 $0xFFFFEC00  }
0xa8: {  	[tilespmem:s18], [sflag:$0x1] =	stream.indirect.gather [hbm4b:s1+s13], $0x80, s14, s13, $0xb8;
	[tilespmem:$0x10800] =	vst v63  }
0xa9: {  	_ =	swait.ge [sflag:s19], $0x1400  }
0xaa: {  	s14 =	sadd.s32 $0xF00, s11;
	[sflag:s19] =	ssyncset.done $0x0  }
0xab: {  	[sflag:s19] =	ssyncadd.s32 $0xFFFFEC00  }
0xac: {  	[hbm4b:s14+s3] =	stream.linear.scatter [tilespmem:s29], [sflag:$0x11], $0x1400, $0x38;
	[tilespmem:$0x10800] =	vst v63  }
0xad: {  	_ =	swait.ge [sflag:s21], $0x1400  }
0xae: {  	s14 =	sadd.s32 $0x580, s12;
	[sflag:s21] =	ssyncset.done $0x0  }
0xaf: {  	s18 =	simm.s32 $0x5400;
	[sflag:s21] =	ssyncadd.s32 $0xFFFFEC00  }
0xb0: {  	[tilespmem:s20], [sflag:$0x2] =	stream.indirect.gather [hbm4b:s1+s13], $0x80, s14, s13, $0xb8;
	[tilespmem:$0x10800] =	vst v63  }
0xb1: {  	_ =	swait.ge [sflag:s4], $0x1400  }
0xb2: {  	s14 =	sadd.s32 $0x1180, s11;
	[sflag:s4] =	ssyncset.done $0x0  }
0xb3: {  	[sflag:s4] =	ssyncadd.s32 $0xFFFFEC00  }
0xb4: {  	[hbm4b:s14+s3] =	stream.linear.scatter [tilespmem:s26], [sflag:$0x12], $0x1400, $0x38;
	[tilespmem:$0x10800] =	vst v63  }
0xb5: {  	_ =	swait.ge [sflag:s5], $0x1400  }
0xb6: {  	s14 =	sadd.s32 $0x600, s12;
	[sflag:s5] =	ssyncset.done $0x0  }
0xb7: {  	s20 =	simm.s32 $0x6800;
	[sflag:s5] =	ssyncadd.s32 $0xFFFFEC00  }
0xb8: {  	[tilespmem:s22], [sflag:$0x3] =	stream.indirect.gather [hbm4b:s1+s13], $0x80, s14, s13, $0xb8;
	[tilespmem:$0x10800] =	vst v63  }
0xb9: {  	_ =	swait.ge [sflag:s6], $0x1400  }
0xba: {  	s14 =	sadd.s32 $0x1400, s11;
	[sflag:s6] =	ssyncset.done $0x0  }
0xbb: {  	[sflag:s6] =	ssyncadd.s32 $0xFFFFEC00  }
0xbc: {  	[hbm4b:s14+s3] =	stream.linear.scatter [tilespmem:s31], [sflag:$0x13], $0x1400, $0x38;
	[tilespmem:$0x10800] =	vst v63  }
0xbd: {  	_ =	swait.ge [sflag:s7], $0x1400  }
0xbe: {  	s14 =	sadd.s32 $0x680, s12;
	[sflag:s7] =	ssyncset.done $0x0  }
0xbf: {  	[sflag:s7] =	ssyncadd.s32 $0xFFFFEC00  }
0xc0: {  	[tilespmem:s24], [sflag:$0x4] =	stream.indirect.gather [hbm4b:s1+s13], $0x80, s14, s13, $0xb8;
	[tilespmem:$0x10800] =	vst v63  }
0xc1: {  	s22 =	simm.s32 $0x7C00;
	s24 =	simm.s32 $0xA400  }
0xc2: {  	_ =	swait.ge [sflag:s8], $0x1400  }
.Ltmp0:
0xc3: {  	s14 =	sadd.s32 $0x1680, s11;
	[sflag:s8] =	ssyncset.done $0x0;
	(pc) =	sbr.rel @p0 .LBB2_2-.Ltmp0, $4  }
0xc4: {  	[sflag:s8] =	ssyncadd.s32 $0xFFFFEC00  }
0xc5: {  	[hbm4b:s14+s3] =	stream.linear.scatter [tilespmem:s0], [sflag:$0x14], $0x1400, $0x38;
	[tilespmem:$0x10800] =	vst v63  }
0xc6: {  	_ =	swait.ge [sflag:s9], $0x1400  }
0xc7: {  	s12 =	sadd.s32 $0x700, s12;
	[sflag:s9] =	ssyncset.done $0x0  }
0xc8: {  	[sflag:s9] =	ssyncadd.s32 $0xFFFFEC00;
	s11 =	simm.s32 $0x9000  }
0xc9: {  	[tilespmem:s11], [sflag:$0x5] =	stream.indirect.gather [hbm4b:s1+s13], $0x80, s12, s13, $0xb8;
	[tilespmem:$0x10800] =	vst v63  }
0xca: {  	_ =	swait.ge [sflag:s23], $0x1400  }
0xcb: {  	[sflag:s23] =	ssyncset.done $0x0  }
0xcc: {  	s10 =	rddreg [dreg:$0x5];
	[sflag:s23] =	ssyncadd.s32 $0xFFFFEC00  }
0xcd: {  	[hbm4b:s10+s3] =	stream.linear.scatter [tilespmem:s16], [sflag:$0xB], $0x1400, $0x38;
	[tilespmem:$0x10800] =	vst v63  }
0xce: {  	_ =	swait.ge [sflag:s17], $0x1400  }
0xcf: {  	[sflag:s17] =	ssyncset.done $0x0  }
0xd0: {  	s12 =	simm.s32 $0x10;
	[sflag:s17] =	ssyncadd.s32 $0xFFFFEC00  }
0xd1: {  	_ =	swait.ge [sflag:s12], $0x1400  }
0xd2: {  	[sflag:s12] =	ssyncset.done $0x0  }
0xd3: {  	[sflag:s12] =	ssyncadd.s32 $0xFFFFEC00  }
0xd4: {  	_ =	swait.ge [sflag:s25], $0x1400  }
0xd5: {  	[sflag:s25] =	ssyncset.done $0x0  }
0xd6: {  	s14 =	rddreg [dreg:$0x6];
	[sflag:s25] =	ssyncadd.s32 $0xFFFFEC00  }
0xd7: {  	[hbm4b:s14+s3] =	stream.linear.scatter [tilespmem:s18], [sflag:$0xC], $0x1400, $0x38;
	[tilespmem:$0x10800] =	vst v63  }
0xd8: {  	_ =	swait.ge [sflag:s21], $0x1400  }
0xd9: {  	[sflag:s21] =	ssyncset.done $0x0  }
0xda: {  	s16 =	simm.s32 $0x11;
	[sflag:s21] =	ssyncadd.s32 $0xFFFFEC00  }
0xdb: {  	_ =	swait.ge [sflag:s16], $0x1400  }
0xdc: {  	[sflag:s16] =	ssyncset.done $0x0  }
0xdd: {  	[sflag:s16] =	ssyncadd.s32 $0xFFFFEC00  }
0xde: {  	_ =	swait.ge [sflag:s28], $0x1400  }
0xdf: {  	[sflag:s28] =	ssyncset.done $0x0  }
0xe0: {  	s18 =	rddreg [dreg:$0x7];
	[sflag:s28] =	ssyncadd.s32 $0xFFFFEC00  }
0xe1: {  	[hbm4b:s18+s3] =	stream.linear.scatter [tilespmem:s20], [sflag:$0xD], $0x1400, $0x38;
	[tilespmem:$0x10800] =	vst v63  }
0xe2: {  	_ =	swait.ge [sflag:s5], $0x1400  }
0xe3: {  	[sflag:s5] =	ssyncset.done $0x0  }
0xe4: {  	s20 =	simm.s32 $0x12;
	[sflag:s5] =	ssyncadd.s32 $0xFFFFEC00  }
0xe5: {  	_ =	swait.ge [sflag:s20], $0x1400  }
0xe6: {  	[sflag:s20] =	ssyncset.done $0x0  }
0xe7: {  	[sflag:s20] =	ssyncadd.s32 $0xFFFFEC00  }
0xe8: {  	_ =	swait.ge [sflag:s30], $0x1400  }
0xe9: {  	[sflag:s30] =	ssyncset.done $0x0  }
0xea: {  	s12 =	rddreg [dreg:$0x8];
	[sflag:s30] =	ssyncadd.s32 $0xFFFFEC00  }
0xeb: {  	[hbm4b:s12+s3] =	stream.linear.scatter [tilespmem:s22], [sflag:$0xE], $0x1400, $0x38;
	[tilespmem:$0x10800] =	vst v63  }
0xec: {  	_ =	swait.ge [sflag:s7], $0x1400  }
0xed: {  	[sflag:s7] =	ssyncset.done $0x0  }
0xee: {  	s14 =	simm.s32 $0x13;
	[sflag:s7] =	ssyncadd.s32 $0xFFFFEC00  }
0xef: {  	_ =	swait.ge [sflag:s14], $0x1400  }
0xf0: {  	[sflag:s14] =	ssyncset.done $0x0  }
0xf1: {  	[sflag:s14] =	ssyncadd.s32 $0xFFFFEC00  }
0xf2: {  	_ =	swait.ge [sflag:s2], $0x1400  }
0xf3: {  	[sflag:s2] =	ssyncset.done $0x0  }
0xf4: {  	s16 =	rddreg [dreg:$0x9];
	[sflag:s2] =	ssyncadd.s32 $0xFFFFEC00  }
0xf5: {  	[hbm4b:s16+s3] =	stream.linear.scatter [tilespmem:s11], [sflag:$0xF], $0x1400, $0x38;
	[tilespmem:$0x10800] =	vst v63  }
0xf6: {  	_ =	swait.ge [sflag:s9], $0x1400  }
0xf7: {  	[sflag:s9] =	ssyncset.done $0x0  }
0xf8: {  	s18 =	simm.s32 $0x14;
	[sflag:s9] =	ssyncadd.s32 $0xFFFFEC00  }
0xf9: {  	_ =	swait.ge [sflag:s18], $0x1400  }
0xfa: {  	s20 =	rddreg [dreg:$0xc]  }
0xfb: {  	s22 =	rddreg [dreg:$0xa];
	s12 =	sadd.s32 $0x1, s20  }
0xfc: {  	p0 =	sne.s32 s12, s22  }
.Ltmp1:
0xfd: {  	_ = 	snop;
	(pc) =	sbr.rel @p0 .LBB2_1-.Ltmp1, $3  }
0xfe: {  	_ =	sdelay $0x1  }
0xff: {  	[sflag:s18] =	ssyncset.done $0x0  }
0x100: {  	[sflag:s18] =	ssyncadd.s32 $0xFFFFEC00  }
0x101: {  	_ =	sfence.sel $0x180000  }
0x102: {  	[bflag:$0x0] =	sbarrier.arrive $0xFFFF  }
0x103: {  	_ =	strace $0x90000047  }
0x104: {  	s0 =	stileid.u32;
	[bflag:$0x2] =	sbarrier.arrive $0xFFFF  }
0x105: {  	p0 =	sne.s32 s0, $0x0;
	s0 =	rddreg [dreg:$0x3]  }
0x106: {  	s0 =	sadd.s32 @!p0 $0x100000, s0  }
0x107: {  	[sflag:s0] =	ssyncadd.tile.s32 @!p0 $0x1;
	_ =	shalt  }
.Lfunc_end2:
_tile_overlayer_lowered:
.L_overlay_start_2:
0x108: {  	(tag) =	ssettag $0x2  }
0x109: {  	s0 =	rddreg [dreg:$0x0];
	s2 =	stileid.u32  }
0x10a: {  	s1 =	rddreg [dreg:$0x1];
	p0 =	sne.s32 s2, $0x0  }
0x10b: {  	s3 =	rddreg [dreg:$0x2];
	[bflag:$0x3] =	sbarrier.arrive $0xFFFF;
	s2 =	simm.s32 @!p0 $0x1C15  }
0x10c: {  	[timem:s3], [sflag:s2] =	dma.local @!p0 [hbm:s0], s1  }
0x10d: {  	s0 =	simm.s32 @!p0 $0x15  }
0x10e: {  	_ =	swait.ge @!p0 [sflag:s0], s1  }
0x10f: {  	s1 =	ssub.s32 @!p0 $0x0, s1;
	[sflag:s0] =	ssyncset.done @!p0 $0x0  }
0x110: {  	[sflag:s0] =	ssyncadd.s32 @!p0 s1  }
0x111: {  	[bflag:$0x3] =	sbarrier.arrive $0xFFFF  }
0x112: {  	_ =	shalt  }

// kernel: kernel.9.cloned.1.call-start
scs
__scs_entry_jumppad:
0x0: {  	(pc) =	sbr.rel $0x88, $3  }
0x1: {  	(tag) =	ssettag $0x0;
	lr =	simm.s32 $0x1  }
0x2: {  	[smem:$0x3F9A] =	sst lr;
	_ =	strace $0xD0000000  }
0x3: {  	_ = 	snop  }
0x4: {  	_ = 	snop  }
0x5: {  	_ = 	snop  }
0x6: {  	_ = 	snop  }
0x7: {  	_ = 	snop  }
__scs_overlays_trampoline_lowered:
0x8: {  	[smem:$0x3FA9] =	sst s0  }
0x9: {  	[smem:$0x3FAA] =	sst s1  }
0xa: {  	[smem:$0x3FAB] =	sst s2  }
0xb: {  	[smem:$0x3FAC] =	sst s3  }
0xc: {  	[smem:$0x3FAD] =	sst s4  }
0xd: {  	[smem:$0x3FAE] =	sst s5  }
0xe: {  	[smem:$0x3FAF] =	sst s6  }
0xf: {  	[smem:$0x3FB0] =	sst s7  }
0x10: {  	[smem:$0x3FB1] =	sst s8  }
0x11: {  	[smem:$0x3FB2] =	sst s9;
	s0 =	simm.s32 @!p0 $0x0  }
0x12: {  	s1 =	sld [smem:$0x3F98];
	s0 =	simm.s32 @p0 $0x1  }
0x13: {  	[smem:$0x3FB3] =	sst s0;
	s0 =	simm.s32 @!p1 $0x0  }
0x14: {  	s2 =	sld [smem:$0x3F97];
	s0 =	simm.s32 @p1 $0x1  }
0x15: {  	[smem:$0x3FB4] =	sst s0;
	s0 =	simm.s32 @!p2 $0x0  }
0x16: {  	s3 =	sld [smem:$0x3FDB];
	s0 =	simm.s32 @p2 $0x1  }
0x17: {  	s4 =	simm.s32 $0x1BF5;
	[smem:$0x3FB6] =	sst s0  }
0x18: {  	s0 =	sld [smem:$0x3F99];
	_ =	swait.ge [sflag:s4], $0x0  }
0x19: {  	s7 =	sld [smem:$0x3F9A]  }
0x1a: {  	s8 =	sadd.s32 $0xFFFFE003, lr  }
0x1b: {  	s9 =	sadd.s32 $0xFFFFFEF7, lr;
	s5 =	simm.s32 $0xFFFFFFFF;
	p2 =	slt.u32 s8, $0xFFFFF086  }
0x1c: {  	p1 =	slt.u32 s9, $0xF7A;
	s5 =	simm.s32 @!p2 $0x0  }
0x1d: {  	s5 =	simm.s32 @p1 $0x1;
	p0 =	seq.s32 s7, s2  }
0x1e: {  	s7 =	smul.u32 @!p0 $0xF7A, s2;
	p2 =	seq.s32 @!p0 s5, $0x0  }
0x1f: {  	s9 =	smul.u32 $0xF7A, s1;
	s8 =	simm.s32 @!p0 $0x1BF5;
	p2 =	por !p2, p0  }
0x20: {  	[sflag:s8] =	ssyncset.s32 @!p0 $0xFFFFF086;
	s6 =	sadd.s32 @!p0 s3, s7;
	s7 =	simm.s32 @!p0 $0x108  }
0x21: {  	s3 =	sadd.s32 s3, s9;
	s6 =	sadd.s32 @!p0 $0x88, s6;
	s7 =	simm.s32 @p2 $0x1082  }
0x22: {  	[simem:s7], [sflag:s8] =	dma.local @!p0 [hbm:s6], $0xF7A  }
0x23: {  	s9 =	sor.u32 $0xD0000000, s2;
	s6 =	simm.s32 $0x108;
	_ =	swait.ge @!p0 [sflag:s8], $0x0  }
0x24: {  	s3 =	sadd.s32 $0x88, s3;
	s6 =	simm.s32 @!p1 $0x1082;
	[sflag:s4] =	ssyncset.s32 $0xFFFFF086  }
0x25: {  	[simem:s6], [sflag:s4] =	dma.local [hbm:s3], $0xF7A  }
0x26: {  	[smem:$0x3F9A] =	sst s1;
	(tag) =	ssettag s2;
	_ =	strace s9  }
0x27: {  	s1 =	sld [smem:$0x3FAA]  }
0x28: {  	s2 =	sld [smem:$0x3FAB]  }
0x29: {  	s4 =	sld [smem:$0x3FAD]  }
0x2a: {  	p0 =	seq.s32 s5, $0x0;
	s5 =	sld [smem:$0x3FAE]  }
0x2b: {  	s6 =	sld [smem:$0x3FAF]  }
0x2c: {  	s7 =	sld [smem:$0x3FB0]  }
0x2d: {  	s3 =	simm.s32 $0x108;
	s8 =	sld [smem:$0x3FB1]  }
0x2e: {  	s3 =	simm.s32 @!p0 $0x1082;
	s9 =	sld [smem:$0x3FB2]  }
0x2f: {  	lr =	sadd.s32 s0, s3;
	s0 =	sld [smem:$0x3FA9]  }
0x30: {  	s3 =	sld [smem:$0x3FAC]  }
0x31: {  	[smem:$0x3FB5] =	sst s10  }
0x32: {  	s10 =	sld [smem:$0x3FB3];
	_ =	sdelay $0x3  }
0x33: {  	p0 =	seq.s32 s10, $0x1;
	s10 =	sld [smem:$0x3FB5];
	_ =	sdelay $0x3  }
0x34: {  	[smem:$0x3FB5] =	sst s10  }
0x35: {  	s10 =	sld [smem:$0x3FB4];
	_ =	sdelay $0x3  }
0x36: {  	p1 =	seq.s32 s10, $0x1;
	s10 =	sld [smem:$0x3FB5];
	_ =	sdelay $0x3  }
0x37: {  	[smem:$0x3FB5] =	sst s10  }
0x38: {  	s10 =	sld [smem:$0x3FB6]  }
0x39: {  	_ = 	snop;
	(pc) =	sbr.ind lr, $3  }
0x3a: {  	_ = 	snop  }
0x3b: {  	_ = 	snop  }
0x3c: {  	p2 =	seq.s32 s10, $0x1;
	s10 =	sld [smem:$0x3FB5]  }
0x3d: {  	_ =	shalt  }
0x3e: {  	_ =	shalt  }
0x3f: {  	_ =	shalt  }
0x40: {  	_ =	shalt  }
0x41: {  	_ =	shalt  }
0x42: {  	_ =	shalt  }
0x43: {  	_ =	shalt  }
0x44: {  	_ =	shalt  }
0x45: {  	_ =	shalt  }
0x46: {  	_ =	shalt  }
0x47: {  	_ =	shalt  }
0x48: {  	_ =	shalt  }
0x49: {  	_ =	shalt  }
0x4a: {  	_ =	shalt  }
0x4b: {  	_ =	shalt  }
0x4c: {  	_ =	shalt  }
0x4d: {  	_ =	shalt  }
0x4e: {  	_ =	shalt  }
0x4f: {  	_ =	shalt  }
0x50: {  	_ =	shalt  }
0x51: {  	_ =	shalt  }
0x52: {  	_ =	shalt  }
0x53: {  	_ =	shalt  }
0x54: {  	_ =	shalt  }
0x55: {  	_ =	shalt  }
0x56: {  	_ =	shalt  }
0x57: {  	_ =	shalt  }
0x58: {  	_ =	shalt  }
0x59: {  	_ =	shalt  }
0x5a: {  	_ =	shalt  }
0x5b: {  	_ =	shalt  }
0x5c: {  	_ =	shalt  }
0x5d: {  	_ =	shalt  }
0x5e: {  	_ =	shalt  }
0x5f: {  	_ =	shalt  }
0x60: {  	_ =	shalt  }
0x61: {  	_ =	shalt  }
0x62: {  	_ =	shalt  }
0x63: {  	_ =	shalt  }
0x64: {  	_ =	shalt  }
0x65: {  	_ =	shalt  }
0x66: {  	_ =	shalt  }
0x67: {  	_ =	shalt  }
0x68: {  	_ =	shalt  }
0x69: {  	_ =	shalt  }
0x6a: {  	_ =	shalt  }
0x6b: {  	_ =	shalt  }
0x6c: {  	_ =	shalt  }
0x6d: {  	_ =	shalt  }
0x6e: {  	_ =	shalt  }
0x6f: {  	_ =	shalt  }
0x70: {  	_ =	shalt  }
0x71: {  	_ =	shalt  }
0x72: {  	_ =	shalt  }
0x73: {  	_ =	shalt  }
0x74: {  	_ =	shalt  }
0x75: {  	_ =	shalt  }
0x76: {  	_ =	shalt  }
0x77: {  	_ =	shalt  }
0x78: {  	_ =	shalt  }
0x79: {  	_ =	shalt  }
0x7a: {  	_ =	shalt  }
0x7b: {  	_ =	shalt  }
0x7c: {  	_ =	shalt  }
0x7d: {  	_ =	shalt  }
0x7e: {  	_ =	shalt  }
0x7f: {  	_ =	shalt  }
0x80: {  	_ =	shalt  }
0x81: {  	_ =	shalt  }
0x82: {  	_ =	shalt  }
0x83: {  	_ =	shalt  }
0x84: {  	_ =	shalt  }
0x85: {  	_ =	shalt  }
0x86: {  	_ =	shalt  }
0x87: {  	_ =	shalt  }
.Lfunc_end0:
.L_simem_size_0:
called_computation.1_lowered:
.L_overlay_start_0:
0x88: {  	s2 =	sld [smem:$0x3FD9]  }
0x89: {  	s3 =	sld [smem:$0x3FFE];
	_ =	sdelay $0x1  }
0x8a: {  	s1 =	srdreg.scid  }
0x8b: {  	s0 =	sand.u32 $0x1, s1  }
0x8c: {  	s17 =	sshll.u32 s0, $0xA;
	s2 =	sadd.s32 s3, s2  }
0x8d: {  	s2 =	sadd.s32 s2, s17  }
0x8e: {  	[smem:$0x3FC1] =	sst s2  }
0x8f: {  	_ = 	snop  }
0x90: {  	s2 =	sld [smem:$0x3FD0];
	(tm) =	ssettm $0x1  }
0x91: {  	s18 =	sld [smem:$0x3FFB];
	_ =	sdelay $0x3  }
0x92: {  	_ =	strace s18  }
0x93: {  	s3 =	sld [smem:$0x3FFC];
	_ =	sdelay $0x3  }
0x94: {  	_ =	strace s3  }
0x95: {  	s3 =	sld [smem:$0x3FFD];
	_ =	sdelay $0x3  }
0x96: {  	_ =	strace s3  }
0x97: {  	_ =	strace $0x8FFFFFFF  }
0x98: {  	s19 =	sld [smem:$0x3FDB];
	_ =	sdelay $0x1  }
0x99: {  	s4 =	simm.s32 $_scs_section_size  }
0x9a: {  	s5 =	simm.s32 $_size__tile_overlayer_lowered;
	s6 =	simm.s32 $_tile_overlayer_lowered  }
0x9b: {  	s22 =	simm.s32 $0x1BFF;
	s21 =	sshll.u32 s6, $0x1;
	s3 =	sadd.s32 s4, s19  }
0x9c: {  	s7 =	simm.s32 $0x0;
	s20 =	sshll.u32 s5, $0x1;
	s5 =	sadd.s32 s21, s3  }
0x9d: {  	[timem:s7], [sflag:s22] =	dma.local [hbm:s5], s20  }
0x9e: {  	_ =	swait.ge [sflag:s22], s20  }
0x9f: {  	s4 =	ssub.s32 $0x0, s20;
	[sflag:s22] =	ssyncset.done $0x0  }
0xa0: {  	[sflag:s22] =	ssyncadd.s32 s4;
	_ =	sdelay $0x1  }
0xa1: {  	s23 =	simm.s32 $0x1B8B  }
0xa2: {  	_ =	swait.ge [sflag:s23], $0x1  }
0xa3: {  	[sflag:s23] =	ssyncset.done $0x0  }
0xa4: {  	s25 =	simm.s32 $0x1B8E;
	s24 =	sld [smem:$0x3FFE];
	[sflag:s23] =	ssyncadd.s32 $0xFFFFFFFF  }
0xa5: {  	s26 =	simm.s32 $execute0_lowered;
	[smem:$0x3FD2] =	sst s25  }
0xa6: {  	s5 =	sshll.u32 s26, $0x1;
	_ =	strace $0x80000049;
	[dreg:$0x1] =	wrdreg $0xFFFFFFFF  }
0xa7: {  	s28 =	simm.s32 $_size_execute0_lowered;
	s3 =	sadd.s32 s3, s5;
	[dreg:$0x0] =	wrdreg $0x0  }
0xa8: {  	s5 =	sshll.u32 s28, $0x1;
	[dreg:$0x2] =	wrdreg s3  }
0xa9: {  	[dreg:$0x3] =	wrdreg s5  }
0xaa: {  	[dreg:$0x4] =	wrdreg $0xC0  }
0xab: {  	_ =	task [dreg:s7], $0x5FFFF  }
0xac: {  	[dreg:$0x1] =	wrdreg $0xFFFFFFFF  }
0xad: {  	[dreg:$0x0] =	wrdreg $0x60  }
0xae: {  	[dreg:$0x2] =	wrdreg s24  }
0xaf: {  	[dreg:$0x3] =	wrdreg s2  }
0xb0: {  	[dreg:$0x4] =	wrdreg $0x0  }
0xb1: {  	[dreg:$0x5] =	wrdreg $0x9  }
0xb2: {  	_ =	task.clear_ibuf [dreg:s7], $0x6FFFF;
	_ =	strace $0x90000049  }
0xb3: {  	s29 =	simm.s32 $0x9;
	_ =	strace $0x8000004B  }
0xb4: {  	_ =	swait.ge [sflag:s29], $0x1  }
0xb5: {  	[sflag:s29] =	ssyncadd.s32 $0xFFFFFFFF  }
0xb6: {  	_ =	strace $0x9000004B  }
0xb7: {  	_ =	sfence  }
0xb8: {  	s30 =	sld [smem:$0x0];
	_ =	sdelay $0x2  }
0xb9: {  	s31 =	sshll.u32 s1, $0xD;
	s1 =	sshrl.u32 s1, $0x2  }
0xba: {  	s3 =	sand.u32 $0x4000, s31;
	s1 =	sadd.s32 s1, s30  }
0xbb: {  	s0 =	sor.u32 s3, s0;
	s1 =	sshll.u32 s1, $0x11  }
0xbc: {  	s0 =	sor.u32 s1, s0  }
0xbd: {  	s0 =	sadd.s32 $0x8F2B, s0  }
0xbe: {  	[sflag:s0] =	ssyncadd.remote.s32 $0x1  }
0xbf: {  	_ =	sfence.sel $0xFFFF  }
0xc0: {  	[dreg:$0x0] =	wrdreg $0xFFFFFFFF;
	(pc) =	sbr.abs _section_cstart, $3  }
0xc1: {  	[dreg:$0x1] =	wrdreg $0xFFFFFFFF  }
0xc2: {  	_ =	task.clear_ibuf [dreg:s7], $0x2FFFF;
	_ =	strace $0x9FFFFFFF  }
0xc3: {  	(tm) =	ssettm $0x7FFFFFFF  }
tec
execute0_lowered:
.L_overlay_start_1:
0x0: {  	(tag) =	ssettag $0x1  }
0x1: {  	s0 =	rddreg [dreg:$0x0]  }
0x2: {  	s3 =	rddreg [dreg:$0x2];
	s4 =	simm.s32 $0x0;
	s1 =	srdreg.scid  }
0x3: {  	s15 =	stileid.u32;
	s16 =	simm.s32 $0xB;
	s19 =	simm.s32 $0x17880  }
0x4: {  	s28 =	simm.s32 $0x2;
	s29 =	simm.s32 $0x7;
	s30 =	simm.s32 $0x3  }
0x5: {  	s31 =	simm.s32 $0x8;
	s18 =	simm.s32 $0x5;
	[smem:$0x7FF] =	sst s4  }
0x6: {  	s1 =	sand.u32 $0x1, s1;
	s2 =	sshll.u32 s15, $0x1;
	s8 =	smul.u32 $0x4E000, s15  }
0x7: {  	s6 =	sadd.s32 $0x4F2E00, s0;
	s10 =	sshll.u32 s15, $0x6;
	s24 =	smul.u32 $0x13800, s15  }
0x8: {  	s17 =	sadd.s32 $0x138000, s3;
	s13 =	smul.u32 $0x27100, s15;
	p0 =	sne.s32 s15, $0xF  }
0x9: {  	_ =	strace $0x8000004A;
	s2 =	sor.u32 s1, s2;
	s12 =	smul.u32 $0x138800, s1  }
0xa: {  	s7 =	ssub.s32 $0x2, s1;
	s1 =	smul.u32 $0x13880, s1;
	s17 =	sshrl.u32 @!p0 s17, $0x3  }
0xb: {  	s5 =	sshll.u32 s2, $0xB;
	s20 =	sshrl.u32 s7, $0x1;
	s11 =	smul.u32 $0x9C400, s2  }
0xc: {  	s8 =	sshrl.u32 s8, $0x2;
	s2 =	smul.u32 $0x13880, s2;
	s9 =	sadd.s32 s5, s0  }
0xd: {  	s0 =	sadd.s32 $0xE00, s0;
	s7 =	ssub.s32 s7, s20;
	s8 =	sadd.s32 s8, s3  }
0xe: {  	s5 =	sor.u32 $0x1C0B, s10;
	s26 =	sshrl.u32 s12, $0x3;
	s20 =	simm.s32 $0x18C80  }
0xf: {  	s21 =	sshrl.u32 s11, $0x3;
	s9 =	sadd.s32 $0x4E2E00, s9;
	s2 =	sadd.s32 s6, s2  }
0x10: {  	s14 =	smax.u32 s7, $0x1;
	s15 =	sshrl.u32 s8, $0x3;
	[dreg:$0x5] =	wrdreg s9  }
0x11: {  	s22 =	sadd.s32 s6, s21;
	[dreg:$0x6] =	wrdreg s2;
	s2 =	sadd.s32 s24, s12  }
0x12: {  	s6 =	sadd.s32 s13, s6;
	s21 =	simm.s32 $0x1A080;
	s24 =	simm.s32 $0x1  }
0x13: {  	s23 =	sadd.s32 $0x280, s22;
	s10 =	sadd.s32 $0x500, s22;
	s25 =	sadd.s32 $0x780, s22  }
0x14: {  	s11 =	sadd.s32 $0xA00, s22;
	s2 =	sshrl.u32 s2, $0x3;
	[dreg:$0x7] =	wrdreg s23  }
0x15: {  	s1 =	sadd.s32 s1, s6;
	s22 =	simm.s32 $0x1B480;
	[dreg:$0x8] =	wrdreg s10  }
0x16: {  	s6 =	simm.s32 $0x0;
	[dreg:$0x9] =	wrdreg s25;
	s12 =	sadd.s32 s0, s2  }
0x17: {  	s0 =	sadd.s32 s0, s26;
	[dreg:$0x4] =	wrdreg s1;
	s23 =	simm.s32 $0x1C880  }
0x18: {  	s25 =	simm.s32 $0x28;
	s26 =	simm.s32 $0x6;
	s2 =	simm.s32 $0x9  }
0x19: {  	s1 =	simm.s32 $0xA;
	s13 =	sadd.s32 $0x27000, s0;
	s0 =	simm.s32 $0x4  }
.LBB2_1:
0x1a: {  	s7 =	rddreg [dreg:$0x1]  }
0x1b: {  	[spmem:s15], [sflag:s5] =	dma.local [hbm:s7], $0x2700  }
0x1c: {  	_ =	swait.ge [sflag:s16], $0x2700  }
0x1d: {  	[sflag:s16] =	ssyncset.done $0x0  }
0x1e: {  	[sflag:s16] =	ssyncadd.s32 $0xFFFFD900  }
0x1f: {  	[spmem:s17], [sflag:s5] =	dma.local @!p0 [hbm:s7], $0x100  }
0x20: {  	s7 =	simm.s32 @!p0 $0xB  }
0x21: {  	_ =	swait.ge @!p0 [sflag:s7], $0x100  }
0x22: {  	[sflag:s7] =	ssyncset.done @!p0 $0x0  }
0x23: {  	s8 =	simm.s32 $0x13880;
	s9 =	rddreg [dreg:$0x5];
	[sflag:s7] =	ssyncadd.s32 @!p0 $0xFFFFFF00  }
0x24: {  	[tilespmem:s8], [sflag:$0xB] =	stream.linear.gather [hbm4b:s9+s4], $0x3E80, $0x38;
	[tilespmem:$0x1DC80] =	vst v63  }
0x25: {  	_ =	swait.ge [sflag:s16], $0x3E80  }
0x26: {  	[sflag:s16] =	ssyncset.done $0x0  }
0x27: {  	[sflag:s16] =	ssyncadd.s32 $0xFFFFC180  }
0x28: {  	[bflag:$0x0] =	sbarrier.arrive $0xFFFF  }
0x29: {  	s10 =	rddreg [dreg:$0x6]  }
0x2a: {  	[tilespmem:s19], [sflag:$0x1] =	stream.linear.gather [hbm4b:s10+s4], $0x1400, $0x38;
	[tilespmem:$0x1DC80] =	vst v63  }
0x2b: {  	s8 =	rddreg [dreg:$0x7]  }
0x2c: {  	[tilespmem:s20], [sflag:$0x2] =	stream.linear.gather [hbm4b:s8+s4], $0x1400, $0x38;
	[tilespmem:$0x1DC80] =	vst v63  }
0x2d: {  	s9 =	rddreg [dreg:$0x8]  }
0x2e: {  	[tilespmem:s21], [sflag:$0x3] =	stream.linear.gather [hbm4b:s9+s4], $0x1400, $0x38;
	[tilespmem:$0x1DC80] =	vst v63  }
0x2f: {  	s10 =	rddreg [dreg:$0x9]  }
0x30: {  	[tilespmem:s22], [sflag:$0x4] =	stream.linear.gather [hbm4b:s10+s4], $0x1400, $0x38;
	[tilespmem:$0x1DC80] =	vst v63  }
0x31: {  	_ = 	snop  }
0x32: {  	[tilespmem:s23], [sflag:$0x5] =	stream.linear.gather [hbm4b:s11+s4], $0x1400, $0x38;
	[tilespmem:$0x1DC80] =	vst v63  }
0x33: {  	_ =	swait.ge [sflag:s24], $0x1400  }
0x34: {  	[sflag:s24] =	ssyncset.done $0x0  }
0x35: {  	s8 =	simm.s32 $0x13880;
	[sflag:s24] =	ssyncadd.s32 $0xFFFFEC00  }
0x36: {  	[spmem:s3] =	stream.indirect.scatter.add.f32 [tilespmem:s19], [sflag:$0x6], $0x80, s8, s25, $0xb8;
	[tilespmem:$0x1DC80] =	vst v63  }
0x37: {  	_ =	swait.ge [sflag:s26], $0x1400  }
0x38: {  	s9 =	rddreg [dreg:$0x4]  }
0x39: {  	[sflag:s26] =	ssyncset.done $0x0;
	s8 =	sadd.s32 $0x0, s9  }
0x3a: {  	[sflag:s26] =	ssyncadd.s32 $0xFFFFEC00;
	s7 =	sadd.s32 $0xC80, s8  }
0x3b: {  	[tilespmem:s19], [sflag:$0x1] =	stream.linear.gather [hbm4b:s7+s4], $0x1400, $0x38;
	[tilespmem:$0x1DC80] =	vst v63  }
0x3c: {  	_ =	swait.ge [sflag:s28], $0x1400  }
0x3d: {  	[sflag:s28] =	ssyncset.done $0x0  }
0x3e: {  	s10 =	simm.s32 $0x13900;
	[sflag:s28] =	ssyncadd.s32 $0xFFFFEC00  }
0x3f: {  	[spmem:s3] =	stream.indirect.scatter.add.f32 [tilespmem:s20], [sflag:$0x7], $0x80, s10, s25, $0xb8;
	[tilespmem:$0x1DC80] =	vst v63  }
0x40: {  	_ =	swait.ge [sflag:s29], $0x1400  }
0x41: {  	[sflag:s29] =	ssyncset.done $0x0  }
0x42: {  	s9 =	sadd.s32 $0xF00, s8;
	[sflag:s29] =	ssyncadd.s32 $0xFFFFEC00  }
0x43: {  	[tilespmem:s20], [sflag:$0x2] =	stream.linear.gather [hbm4b:s9+s4], $0x1400, $0x38;
	[tilespmem:$0x1DC80] =	vst v63  }
0x44: {  	_ =	swait.ge [sflag:s30], $0x1400  }
0x45: {  	[sflag:s30] =	ssyncset.done $0x0  }
0x46: {  	s10 =	simm.s32 $0x13980;
	[sflag:s30] =	ssyncadd.s32 $0xFFFFEC00  }
0x47: {  	[spmem:s3] =	stream.indirect.scatter.add.f32 [tilespmem:s21], [sflag:$0x8], $0x80, s10, s25, $0xb8;
	[tilespmem:$0x1DC80] =	vst v63  }
0x48: {  	_ =	swait.ge [sflag:s31], $0x1400  }
0x49: {  	[sflag:s31] =	ssyncset.done $0x0  }
0x4a: {  	s9 =	sadd.s32 $0x1180, s8;
	[sflag:s31] =	ssyncadd.s32 $0xFFFFEC00  }
0x4b: {  	[tilespmem:s21], [sflag:$0x3] =	stream.linear.gather [hbm4b:s9+s4], $0x1400, $0x38;
	[tilespmem:$0x1DC80] =	vst v63  }
0x4c: {  	_ =	swait.ge [sflag:s0], $0x1400  }
0x4d: {  	[sflag:s0] =	ssyncset.done $0x0  }
0x4e: {  	s10 =	simm.s32 $0x13A00;
	[sflag:s0] =	ssyncadd.s32 $0xFFFFEC00  }
0x4f: {  	[spmem:s3] =	stream.indirect.scatter.add.f32 [tilespmem:s22], [sflag:$0x9], $0x80, s10, s25, $0xb8;
	[tilespmem:$0x1DC80] =	vst v63  }
0x50: {  	_ =	swait.ge [sflag:s2], $0x1400  }
0x51: {  	[sflag:s2] =	ssyncset.done $0x0  }
0x52: {  	s9 =	sadd.s32 $0x1400, s8;
	[sflag:s2] =	ssyncadd.s32 $0xFFFFEC00  }
0x53: {  	[tilespmem:s22], [sflag:$0x4] =	stream.linear.gather [hbm4b:s9+s4], $0x1400, $0x38;
	[tilespmem:$0x1DC80] =	vst v63  }
0x54: {  	_ =	swait.ge [sflag:s18], $0x1400  }
0x55: {  	[sflag:s18] =	ssyncset.done $0x0  }
0x56: {  	s10 =	simm.s32 $0x13A80;
	[sflag:s18] =	ssyncadd.s32 $0xFFFFEC00  }
0x57: {  	[spmem:s3] =	stream.indirect.scatter.add.f32 [tilespmem:s23], [sflag:$0xA], $0x80, s10, s25, $0xb8;
	[tilespmem:$0x1DC80] =	vst v63  }
0x58: {  	_ =	swait.ge [sflag:s1], $0x1400  }
0x59: {  	s7 =	simm.s32 $0xC80;
	[sflag:s1] =	ssyncset.done $0x0  }
0x5a: {  	s9 =	sadd.s32 $0x1680, s8;
	s8 =	simm.s32 $0x13D00;
	[sflag:s1] =	ssyncadd.s32 $0xFFFFEC00  }
.LBB2_2:
0x5b: {  	[tilespmem:s23], [sflag:$0x5] =	stream.linear.gather [hbm4b:s9+s4], $0x1400, $0x38;
	[tilespmem:$0x1DC80] =	vst v63  }
0x5c: {  	_ =	swait.ge [sflag:s24], $0x1400  }
0x5d: {  	[sflag:s24] =	ssyncset.done $0x0  }
0x5e: {  	s10 =	sadd.s32 $0xFFFFFE00, s8;
	[sflag:s24] =	ssyncadd.s32 $0xFFFFEC00  }
0x5f: {  	[spmem:s3] =	stream.indirect.scatter.add.f32 [tilespmem:s19], [sflag:$0x6], $0x80, s10, s25, $0xb8;
	[tilespmem:$0x1DC80] =	vst v63  }
0x60: {  	_ =	swait.ge [sflag:s26], $0x1400  }
0x61: {  	s9 =	smov.u32 s7;
	s10 =	rddreg [dreg:$0x4]  }
0x62: {  	[sflag:s26] =	ssyncset.done $0x0;
	s9 =	sadd.s32 s9, s10  }
0x63: {  	[sflag:s26] =	ssyncadd.s32 $0xFFFFEC00;
	s10 =	sadd.s32 $0xC80, s9  }
0x64: {  	[tilespmem:s19], [sflag:$0x1] =	stream.linear.gather [hbm4b:s10+s4], $0x1400, $0x38;
	[tilespmem:$0x1DC80] =	vst v63  }
0x65: {  	_ =	swait.ge [sflag:s28], $0x1400  }
0x66: {  	[sflag:s28] =	ssyncset.done $0x0  }
0x67: {  	s10 =	sadd.s32 $0xFFFFFE80, s8;
	[sflag:s28] =	ssyncadd.s32 $0xFFFFEC00  }
0x68: {  	[spmem:s3] =	stream.indirect.scatter.add.f32 [tilespmem:s20], [sflag:$0x7], $0x80, s10, s25, $0xb8;
	[tilespmem:$0x1DC80] =	vst v63  }
0x69: {  	_ =	swait.ge [sflag:s29], $0x1400  }
0x6a: {  	[sflag:s29] =	ssyncset.done $0x0  }
0x6b: {  	s10 =	sadd.s32 $0xF00, s9;
	[sflag:s29] =	ssyncadd.s32 $0xFFFFEC00  }
0x6c: {  	[tilespmem:s20], [sflag:$0x2] =	stream.linear.gather [hbm4b:s10+s4], $0x1400, $0x38;
	[tilespmem:$0x1DC80] =	vst v63  }
0x6d: {  	_ =	swait.ge [sflag:s30], $0x1400  }
0x6e: {  	[sflag:s30] =	ssyncset.done $0x0  }
0x6f: {  	s10 =	sadd.s32 $0xFFFFFF00, s8;
	[sflag:s30] =	ssyncadd.s32 $0xFFFFEC00  }
0x70: {  	[spmem:s3] =	stream.indirect.scatter.add.f32 [tilespmem:s21], [sflag:$0x8], $0x80, s10, s25, $0xb8;
	[tilespmem:$0x1DC80] =	vst v63  }
0x71: {  	_ =	swait.ge [sflag:s31], $0x1400  }
0x72: {  	[sflag:s31] =	ssyncset.done $0x0  }
0x73: {  	s10 =	sadd.s32 $0x1180, s9;
	[sflag:s31] =	ssyncadd.s32 $0xFFFFEC00  }
0x74: {  	[tilespmem:s21], [sflag:$0x3] =	stream.linear.gather [hbm4b:s10+s4], $0x1400, $0x38;
	[tilespmem:$0x1DC80] =	vst v63  }
0x75: {  	_ =	swait.ge [sflag:s0], $0x1400  }
0x76: {  	[sflag:s0] =	ssyncset.done $0x0  }
0x77: {  	s10 =	sadd.s32 $0xFFFFFF80, s8;
	[sflag:s0] =	ssyncadd.s32 $0xFFFFEC00  }
0x78: {  	[spmem:s3] =	stream.indirect.scatter.add.f32 [tilespmem:s22], [sflag:$0x9], $0x80, s10, s25, $0xb8;
	[tilespmem:$0x1DC80] =	vst v63  }
0x79: {  	_ =	swait.ge [sflag:s2], $0x1400  }
0x7a: {  	[sflag:s2] =	ssyncset.done $0x0  }
0x7b: {  	s10 =	sadd.s32 $0x1400, s9;
	[sflag:s2] =	ssyncadd.s32 $0xFFFFEC00  }
0x7c: {  	[tilespmem:s22], [sflag:$0x4] =	stream.linear.gather [hbm4b:s10+s4], $0x1400, $0x38;
	[tilespmem:$0x1DC80] =	vst v63  }
0x7d: {  	_ =	swait.ge [sflag:s18], $0x1400  }
0x7e: {  	p1 =	sne.s32 s7, $0x11F80;
	[sflag:s18] =	ssyncset.done $0x0  }
.Ltmp0:
0x7f: {  	[sflag:s18] =	ssyncadd.s32 $0xFFFFEC00;
	(pc) =	sbr.rel @p1 .LBB2_2-.Ltmp0, $4  }
0x80: {  	[spmem:s3] =	stream.indirect.scatter.add.f32 [tilespmem:s23], [sflag:$0xA], $0x80, s8, s25, $0xb8;
	[tilespmem:$0x1DC80] =	vst v63  }
0x81: {  	_ =	swait.ge [sflag:s1], $0x1400  }
0x82: {  	s7 =	sadd.s32 $0xC80, s7;
	[sflag:s1] =	ssyncset.done $0x0  }
0x83: {  	s9 =	sadd.s32 $0x1680, s9;
	s8 =	sadd.s32 $0x280, s8;
	[sflag:s1] =	ssyncadd.s32 $0xFFFFEC00  }
0x84: {  	[tilespmem:s23], [sflag:$0x5] =	stream.linear.gather [hbm4b:s9+s4], $0x1400, $0x38;
	[tilespmem:$0x1DC80] =	vst v63  }
0x85: {  	_ =	swait.ge [sflag:s24], $0x1400  }
0x86: {  	[sflag:s24] =	ssyncset.done $0x0  }
0x87: {  	s7 =	simm.s32 $0x17480;
	[sflag:s24] =	ssyncadd.s32 $0xFFFFEC00  }
0x88: {  	[spmem:s3] =	stream.indirect.scatter.add.f32 [tilespmem:s19], [sflag:$0x6], $0x80, s7, s25, $0xb8;
	[tilespmem:$0x1DC80] =	vst v63  }
0x89: {  	_ =	swait.ge [sflag:s26], $0x1400  }
0x8a: {  	[sflag:s26] =	ssyncset.done $0x0  }
0x8b: {  	[sflag:s26] =	ssyncadd.s32 $0xFFFFEC00  }
0x8c: {  	_ =	swait.ge [sflag:s28], $0x1400  }
0x8d: {  	[sflag:s28] =	ssyncset.done $0x0  }
0x8e: {  	s10 =	simm.s32 $0x17500;
	[sflag:s28] =	ssyncadd.s32 $0xFFFFEC00  }
0x8f: {  	[spmem:s3] =	stream.indirect.scatter.add.f32 [tilespmem:s20], [sflag:$0x7], $0x80, s10, s25, $0xb8;
	[tilespmem:$0x1DC80] =	vst v63  }
0x90: {  	_ =	swait.ge [sflag:s29], $0x1400  }
0x91: {  	[sflag:s29] =	ssyncset.done $0x0  }
0x92: {  	[sflag:s29] =	ssyncadd.s32 $0xFFFFEC00  }
0x93: {  	_ =	swait.ge [sflag:s30], $0x1400  }
0x94: {  	[sflag:s30] =	ssyncset.done $0x0  }
0x95: {  	s8 =	simm.s32 $0x17580;
	[sflag:s30] =	ssyncadd.s32 $0xFFFFEC00  }
0x96: {  	[spmem:s3] =	stream.indirect.scatter.add.f32 [tilespmem:s21], [sflag:$0x8], $0x80, s8, s25, $0xb8;
	[tilespmem:$0x1DC80] =	vst v63  }
0x97: {  	_ =	swait.ge [sflag:s31], $0x1400  }
0x98: {  	[sflag:s31] =	ssyncset.done $0x0  }
0x99: {  	[sflag:s31] =	ssyncadd.s32 $0xFFFFEC00  }
0x9a: {  	_ =	swait.ge [sflag:s0], $0x1400  }
0x9b: {  	[sflag:s0] =	ssyncset.done $0x0  }
0x9c: {  	s9 =	simm.s32 $0x17600;
	[sflag:s0] =	ssyncadd.s32 $0xFFFFEC00  }
0x9d: {  	[spmem:s3] =	stream.indirect.scatter.add.f32 [tilespmem:s22], [sflag:$0x9], $0x80, s9, s25, $0xb8;
	[tilespmem:$0x1DC80] =	vst v63  }
0x9e: {  	_ =	swait.ge [sflag:s2], $0x1400  }
0x9f: {  	[sflag:s2] =	ssyncset.done $0x0  }
0xa0: {  	[sflag:s2] =	ssyncadd.s32 $0xFFFFEC00  }
0xa1: {  	_ =	swait.ge [sflag:s18], $0x1400  }
0xa2: {  	[sflag:s18] =	ssyncset.done $0x0  }
0xa3: {  	s10 =	simm.s32 $0x17680;
	[sflag:s18] =	ssyncadd.s32 $0xFFFFEC00  }
0xa4: {  	[spmem:s3] =	stream.indirect.scatter.add.f32 [tilespmem:s23], [sflag:$0xA], $0x80, s10, s25, $0xb8;
	[tilespmem:$0x1DC80] =	vst v63  }
0xa5: {  	_ =	swait.ge [sflag:s1], $0x1400  }
0xa6: {  	[sflag:s1] =	ssyncset.done $0x0  }
0xa7: {  	[sflag:s1] =	ssyncadd.s32 $0xFFFFEC00  }
0xa8: {  	[bflag:$0x0] =	sbarrier.arrive $0xFFFF  }
0xa9: {  	[hbm:s12], [sflag:s5] =	dma.local [spmem:s15], $0x2700  }
0xaa: {  	s6 =	sadd.s32 $0x1, s6;
	_ =	swait.ge [sflag:s16], $0x2700  }
0xab: {  	p1 =	sne.s32 s6, s14;
	[sflag:s16] =	ssyncset.done $0x0  }
.Ltmp1:
0xac: {  	s7 =	simm.s32 @!p0 $0xB;
	[sflag:s16] =	ssyncadd.s32 $0xFFFFD900;
	(pc) =	sbr.rel @p1 .LBB2_1-.Ltmp1, $4  }
0xad: {  	[hbm:s13], [sflag:s5] =	dma.local @!p0 [spmem:s17], $0x100  }
0xae: {  	_ =	swait.ge @!p0 [sflag:s7], $0x100  }
0xaf: {  	[sflag:s7] =	ssyncset.done @!p0 $0x0  }
0xb0: {  	[sflag:s7] =	ssyncadd.s32 @!p0 $0xFFFFFF00  }
0xb1: {  	_ =	sfence.sel $0x180000  }
0xb2: {  	[bflag:$0x0] =	sbarrier.arrive $0xFFFF  }
0xb3: {  	_ =	strace $0x9000004A  }
0xb4: {  	s0 =	stileid.u32;
	[bflag:$0x2] =	sbarrier.arrive $0xFFFF  }
0xb5: {  	p0 =	sne.s32 s0, $0x0;
	s0 =	rddreg [dreg:$0x3]  }
0xb6: {  	s0 =	sadd.s32 @!p0 $0x100000, s0  }
0xb7: {  	[sflag:s0] =	ssyncadd.tile.s32 @!p0 $0x1;
	_ =	shalt  }
.Lfunc_end2:
_tile_overlayer_lowered:
.L_overlay_start_2:
0xb8: {  	(tag) =	ssettag $0x2  }
0xb9: {  	s0 =	rddreg [dreg:$0x0];
	s2 =	stileid.u32  }
0xba: {  	s1 =	rddreg [dreg:$0x1];
	p0 =	sne.s32 s2, $0x0  }
0xbb: {  	s3 =	rddreg [dreg:$0x2];
	[bflag:$0x3] =	sbarrier.arrive $0xFFFF;
	s2 =	simm.s32 @!p0 $0x1C0B  }
0xbc: {  	[timem:s3], [sflag:s2] =	dma.local @!p0 [hbm:s0], s1  }
0xbd: {  	s0 =	simm.s32 @!p0 $0xB  }
0xbe: {  	_ =	swait.ge @!p0 [sflag:s0], s1  }
0xbf: {  	s1 =	ssub.s32 @!p0 $0x0, s1;
	[sflag:s0] =	ssyncset.done @!p0 $0x0  }
0xc0: {  	[sflag:s0] =	ssyncadd.s32 @!p0 s1  }
0xc1: {  	[bflag:$0x3] =	sbarrier.arrive $0xFFFF  }
0xc2: {  	_ =	shalt  }

</sc_bundles>
